<compile_context>
chip_gen: v7x
topology: tpu7x:2x2x1
jax: 0.10.2.dev20260603
libtpu: 0.0.44.dev20260713+nightly
codegen_flags: <defaults>
</compile_context>

<pallas_src>
import jax
import jax.numpy as jnp
from jax import lax
from jax.experimental import pallas as pl
from jax.experimental.pallas import tpu as pltpu
from jax.experimental.pallas import tpu_sc as plsc

N_TOKENS = 32768
D_MODEL = 1024
LANES = 16
NUM_WORKERS = 32
TOK_PER_WORKER = N_TOKENS // NUM_WORKERS
T_CHUNK = 16
N_CHUNKS = TOK_PER_WORKER // T_CHUNK
N_SLICES = D_MODEL // LANES
UNROLL = 8
TC_BLOCK = 512


def _bf16_round(v):
    u = lax.bitcast_convert_type(v, jnp.uint32)
    odd = (u >> jnp.uint32(16)) & jnp.uint32(1)
    u = u + (jnp.uint32(0x7FFF) + odd)
    u = u & jnp.uint32(0xFFFF0000)
    return lax.bitcast_convert_type(u, jnp.float32)


def _sc_body(x_hbm, w0_hbm, bg0_hbm, o0_hbm,
             w0v, bg0v, xv0, xv1, o0a, o0b, si0, si1, so0, so1):
    wid = lax.axis_index("s") * 2 + lax.axis_index("c")
    base = wid * TOK_PER_WORKER

    pltpu.sync_copy(w0_hbm, w0v)
    pltpu.sync_copy(bg0_hbm, bg0v)

    zeros = jnp.zeros((LANES,), jnp.float32)

    def compute_chunk(xv, o0v):
        def token_step(t, carry):
            accs = [zeros, zeros, zeros, zeros]
            for i in range(N_SLICES):
                off = i * LANES
                r = _bf16_round(xv[t, pl.ds(off, LANES)])
                accs[i % 4] = accs[i % 4] + r * w0v[pl.ds(off, LANES)]
            b = (accs[0] + accs[1]) + (accs[2] + accs[3])
            z0 = jnp.full((LANES,), jnp.sum(b), jnp.float32) + bg0v[...]
            s0 = 1.0 / (1.0 + jnp.exp(-z0))
            c0 = jnp.where(z0 > 0.0, s0, 0.0)

            for i in range(N_SLICES):
                off = i * LANES
                o0v[t, pl.ds(off, LANES)] = xv[t, pl.ds(off, LANES)] * c0
            return carry

        lax.fori_loop(0, T_CHUNK, token_step, 0)

    def half_step(c, xv, o0v, si, so):
        pltpu.make_async_copy(
            x_hbm.at[pl.ds(base + c * T_CHUNK, T_CHUNK)], xv, si).wait()

        @pl.when(c >= 2)
        def _():
            off = base + (c - 2) * T_CHUNK
            pltpu.make_async_copy(o0v, o0_hbm.at[pl.ds(off, T_CHUNK)], so).wait()

        compute_chunk(xv, o0v)

        @pl.when(c + 2 < N_CHUNKS)
        def _():
            pltpu.async_copy(
                x_hbm.at[pl.ds(base + (c + 2) * T_CHUNK, T_CHUNK)], xv, si)

        pltpu.async_copy(o0v, o0_hbm.at[pl.ds(base + c * T_CHUNK, T_CHUNK)], so)

    pltpu.async_copy(x_hbm.at[pl.ds(base, T_CHUNK)], xv0, si0)
    pltpu.async_copy(x_hbm.at[pl.ds(base + T_CHUNK, T_CHUNK)], xv1, si1)

    @pl.loop(0, N_CHUNKS, step=2)
    def _(c):
        half_step(c, xv0, o0a, si0, so0)
        half_step(c + 1, xv1, o0b, si1, so1)

    offa = base + (N_CHUNKS - 2) * T_CHUNK
    pltpu.make_async_copy(o0a, o0_hbm.at[pl.ds(offa, T_CHUNK)], so0).wait()
    offb = base + (N_CHUNKS - 1) * T_CHUNK
    pltpu.make_async_copy(o0b, o0_hbm.at[pl.ds(offb, T_CHUNK)], so1).wait()


def _tc_body(x_ref, w_ref, bg_ref, o1_ref, oc_ref):
    xb = x_ref[...]
    xr = _bf16_round(xb)
    wg = w_ref[...]
    z = jnp.dot(xr, wg, preferred_element_type=jnp.float32) + bg_ref[...]
    s = jax.nn.sigmoid(z)
    w0 = jnp.where(s[:, 0:1] > 0.5, s[:, 0:1], 0.0)
    w1 = jnp.where(s[:, 1:2] > 0.5, s[:, 1:2], 0.0)
    o1_ref[...] = xb * w1
    oc_ref[...] = xb * (w0 + w1)


@jax.jit
def _branch_route(x, w0, bg0, wgr, bg2):
    out_sd = jax.ShapeDtypeStruct((N_TOKENS, D_MODEL), jnp.float32)
    mesh = plsc.VectorSubcoreMesh(core_axis_name="c", subcore_axis_name="s")
    buf = pltpu.VMEM((T_CHUNK, D_MODEL), jnp.float32)
    x0 = pl.kernel(
        _sc_body,
        mesh=mesh,
        out_type=out_sd,
        compiler_params=pltpu.CompilerParams(needs_layout_passes=False),
        scratch_types=[
            pltpu.VMEM((D_MODEL,), jnp.float32),
            pltpu.VMEM((LANES,), jnp.float32),
            buf, buf,
            buf, buf,
            pltpu.SemaphoreType.DMA,
            pltpu.SemaphoreType.DMA,
            pltpu.SemaphoreType.DMA,
            pltpu.SemaphoreType.DMA,
        ],
    )(x, w0, bg0)

    grid = (N_TOKENS // TC_BLOCK,)
    x1, comb = pl.pallas_call(
        _tc_body,
        grid=grid,
        in_specs=[
            pl.BlockSpec((TC_BLOCK, D_MODEL), lambda i: (i, 0)),
            pl.BlockSpec((D_MODEL, 2), lambda i: (0, 0)),
            pl.BlockSpec((1, 2), lambda i: (0, 0)),
        ],
        out_specs=[
            pl.BlockSpec((TC_BLOCK, D_MODEL), lambda i: (i, 0)),
            pl.BlockSpec((TC_BLOCK, D_MODEL), lambda i: (i, 0)),
        ],
        out_shape=(out_sd, out_sd),
        compiler_params=pltpu.CompilerParams(
            dimension_semantics=("arbitrary",)),
    )(x, wgr, bg2)
    return x0, x1, comb


def kernel(x, Wg, bg):
    wgr = _bf16_round(Wg)
    w0 = wgr[:, 0]
    bg0 = jnp.full((LANES,), bg[0], jnp.float32)
    bg2 = bg.astype(jnp.float32).reshape(1, 2)
    x0, x1, combined = _branch_route(x, w0, bg0, wgr, bg2)
    return (x0, x1, combined)

# --- scband reference (transcript-rebuilt; emitter-appended) ---
"""Pipeline reference for scband-branch-route-55241869361851 (READ-ONLY COPY).

The authoritative reference and input builder live on the scoring server;
editing this copy changes nothing except your own understanding.
"""

import jax, jax.numpy as jnp
import numpy as np

N_TOKENS = 32768
D_MODEL = 1024
N_BRANCH = 2
THRESHOLD = 0.5


def setup_inputs(seed: int = 0) -> dict:
    key = jax.random.key(seed)
    k1, k2, k3 = jax.random.split(key, 3)
    x = jax.random.normal(k1, (N_TOKENS, D_MODEL), dtype=jnp.float32)
    # gate = Linear(d_model, 2) + Sigmoid, materialized as explicit params
    Wg = jax.random.normal(k2, (D_MODEL, N_BRANCH), dtype=jnp.float32) * 0.02
    bg = jnp.zeros((N_BRANCH,), dtype=jnp.float32)
    return {"x": x, "Wg": Wg, "bg": bg}


def reference(x, Wg, bg):
    # gate
    score = jax.nn.sigmoid(x @ Wg + bg)  # [N, 2]
    # ScatterRouter with threshold protocol (threshold=0.5): token is dispatched
    # to branch i iff score[:, i] > 0.5. Dense (padded) formulation: non-routed
    # tokens are zeroed, preserving static shapes. Dispatch applies the branch
    # score as the combine weight (combine fabric sums weighted branch outputs).
    m0 = (score[:, 0] > THRESHOLD).astype(x.dtype)[:, None]
    m1 = (score[:, 1] > THRESHOLD).astype(x.dtype)[:, None]
    x_0 = x * score[:, 0:1] * m0  # expert1 = Identity
    x_1 = x * score[:, 1:2] * m1  # expert2 = Identity
    # GatherRouter(fabric_type='combine'): sum routed results back per-token
    combined = x_0 + x_1
    return (x_0, x_1, combined)

if __name__ == "__main__":
    import jax
    _d = setup_inputs()
    print(jax.jit(kernel)(*tuple(_d.values())))

</pallas_src>

<mosaic_0001>
#map = affine_map<(d0, d1) -> (0, 0)>
#map1 = affine_map<(d0, d1) -> (0)>
module attributes {stable_mosaic.version = 14 : i64} {
  func.func @_sc_body(%arg0: i32, %arg1: i32, %arg2: memref<32768x1024xf32, #tpu.memory_space<hbm>>, %arg3: memref<1024xf32, #tpu.memory_space<hbm>>, %arg4: memref<16xf32, #tpu.memory_space<hbm>>, %arg5: memref<32768x1024xf32, #tpu.memory_space<hbm>>, %arg6: memref<1024xf32, #tpu.memory_space<vmem>>, %arg7: memref<16xf32, #tpu.memory_space<vmem>>, %arg8: memref<16x1024xf32, #tpu.memory_space<vmem>>, %arg9: memref<16x1024xf32, #tpu.memory_space<vmem>>, %arg10: memref<16x1024xf32, #tpu.memory_space<vmem>>, %arg11: memref<16x1024xf32, #tpu.memory_space<vmem>>, %arg12: memref<!tpu.dma_semaphore, #tpu.memory_space<semaphore_mem>>, %arg13: memref<!tpu.dma_semaphore, #tpu.memory_space<semaphore_mem>>, %arg14: memref<!tpu.dma_semaphore, #tpu.memory_space<semaphore_mem>>, %arg15: memref<!tpu.dma_semaphore, #tpu.memory_space<semaphore_mem>>) attributes {dimension_semantics = [#tpu.dimension_semantics<core_parallel>, #tpu.dimension_semantics<subcore_parallel>], iteration_bounds = array<i64: 2, 16>, scalar_prefetch = 0 : i64, scratch_operands = 10 : i64, tpu.core_type = #tpu.core_type<sc_vector_subcore>, window_params = [{transform_indices = #map}, {transform_indices = #map1}, {transform_indices = #map1}, {transform_indices = #map}]} {
    %mul3A = arith.constant 2 : i32
    %mul3A_0 = arith.muli %arg1, %mul3A : i32
    %add3A = arith.addi %mul3A_0, %arg0 : i32
    %mul3A_1 = arith.constant 1024 : i32
    %mul3A_2 = arith.muli %add3A, %mul3A_1 : i32
    "tpu.region"() ({
      %run_scoped3A = tpu.sem_alloc : memref<!tpu.dma_semaphore, #tpu.memory_space<semaphore_mem>>
      tpu.enqueue_dma source(%arg3 : memref<1024xf32, #tpu.memory_space<hbm>>) target(%arg6 : memref<1024xf32, #tpu.memory_space<vmem>>) target_semaphore(%run_scoped3A : memref<!tpu.dma_semaphore, #tpu.memory_space<semaphore_mem>>)
      tpu.wait_dma2 semaphore(%run_scoped3A : memref<!tpu.dma_semaphore, #tpu.memory_space<semaphore_mem>>) src(%arg3 : memref<1024xf32, #tpu.memory_space<hbm>>) dst(%arg6 : memref<1024xf32, #tpu.memory_space<vmem>>)
      tpu.yield
    }) : () -> ()
    "tpu.region"() ({
      %run_scoped3A = tpu.sem_alloc : memref<!tpu.dma_semaphore, #tpu.memory_space<semaphore_mem>>
      tpu.enqueue_dma source(%arg4 : memref<16xf32, #tpu.memory_space<hbm>>) target(%arg7 : memref<16xf32, #tpu.memory_space<vmem>>) target_semaphore(%run_scoped3A : memref<!tpu.dma_semaphore, #tpu.memory_space<semaphore_mem>>)
      tpu.wait_dma2 semaphore(%run_scoped3A : memref<!tpu.dma_semaphore, #tpu.memory_space<semaphore_mem>>) src(%arg4 : memref<16xf32, #tpu.memory_space<hbm>>) dst(%arg7 : memref<16xf32, #tpu.memory_space<vmem>>)
      tpu.yield
    }) : () -> ()
    %broadcast_in_dim3A = arith.constant 0.000000e+00 : f32
    %broadcast_in_dim3A_3 = vector.broadcast %broadcast_in_dim3A : f32 to vector<16xf32>
    %dma_start3A = arith.constant 0 : i32
    %dma_start3A_4 = tpu.memref_slice %arg2[%mul3A_2, %dma_start3A] : memref<32768x1024xf32, #tpu.memory_space<hbm>> -> memref<16x1024xf32, #tpu.memory_space<hbm>>
    %dma_start3A_5 = arith.constant 0 : i32
    %dma_start3A_6 = tpu.memref_slice %arg2[%mul3A_2, %dma_start3A_5] : memref<32768x1024xf32, #tpu.memory_space<hbm>> -> memref<16x1024xf32, #tpu.memory_space<hbm>>
    tpu.enqueue_dma source(%dma_start3A_6 : memref<16x1024xf32, #tpu.memory_space<hbm>>) target(%arg8 : memref<16x1024xf32, #tpu.memory_space<vmem>>) target_semaphore(%arg12 : memref<!tpu.dma_semaphore, #tpu.memory_space<semaphore_mem>>)
    %add3A_7 = arith.constant 16 : i32
    %add3A_8 = arith.addi %mul3A_2, %add3A_7 : i32
    %dma_start3A_9 = arith.constant 0 : i32
    %dma_start3A_10 = tpu.memref_slice %arg2[%add3A_8, %dma_start3A_9] : memref<32768x1024xf32, #tpu.memory_space<hbm>> -> memref<16x1024xf32, #tpu.memory_space<hbm>>
    %dma_start3A_11 = arith.constant 0 : i32
    %dma_start3A_12 = tpu.memref_slice %arg2[%add3A_8, %dma_start3A_11] : memref<32768x1024xf32, #tpu.memory_space<hbm>> -> memref<16x1024xf32, #tpu.memory_space<hbm>>
    tpu.enqueue_dma source(%dma_start3A_12 : memref<16x1024xf32, #tpu.memory_space<hbm>>) target(%arg9 : memref<16x1024xf32, #tpu.memory_space<vmem>>) target_semaphore(%arg13 : memref<!tpu.dma_semaphore, #tpu.memory_space<semaphore_mem>>)
    %scan3A = arith.constant 0 : i32
    %scan3A_13 = arith.constant 32 : i32
    %scan3A_14 = arith.addi %scan3A, %scan3A_13 : i32
    %scan3A_15 = arith.constant 1 : i32
    scf.for %scan3A_28 = %scan3A to %scan3A_14 step %scan3A_15  : i32 {
      %mul3A_29 = arith.constant 2 : i32
      %mul3A_30 = arith.muli %scan3A_28, %mul3A_29 : i32
      %add3A_31 = arith.constant 0 : i32
      %add3A_32 = arith.addi %add3A_31, %mul3A_30 : i32
      %mul3A_33 = arith.constant 16 : i32
      %mul3A_34 = arith.muli %add3A_32, %mul3A_33 : i32
      %add3A_35 = arith.addi %mul3A_2, %mul3A_34 : i32
      %dma_wait3A_36 = arith.constant 0 : i32
      %dma_wait3A_37 = tpu.memref_slice %arg2[%add3A_35, %dma_wait3A_36] : memref<32768x1024xf32, #tpu.memory_space<hbm>> -> memref<16x1024xf32, #tpu.memory_space<hbm>>
      %dma_wait3A_38 = arith.constant 0 : i32
      %dma_wait3A_39 = tpu.memref_slice %arg2[%add3A_35, %dma_wait3A_38] : memref<32768x1024xf32, #tpu.memory_space<hbm>> -> memref<16x1024xf32, #tpu.memory_space<hbm>>
      tpu.wait_dma2 semaphore(%arg12 : memref<!tpu.dma_semaphore, #tpu.memory_space<semaphore_mem>>) src(%dma_wait3A_39 : memref<16x1024xf32, #tpu.memory_space<hbm>>) dst(%arg8 : memref<16x1024xf32, #tpu.memory_space<vmem>>)
      %ge3A = arith.constant 2 : i32
      %ge3A_40 = arith.cmpi sge, %add3A_32, %ge3A : i32
      %convert_element_type3A = arith.extui %ge3A_40 : i1 to i32
      %cond3A = arith.constant 0 : i32
      %cond3A_41 = arith.cmpi ne, %convert_element_type3A, %cond3A : i32
      scf.if %cond3A_41 {
        %sub3A = arith.constant 2 : i32
        %sub3A_95 = arith.subi %add3A_32, %sub3A : i32
        %mul3A_96 = arith.constant 16 : i32
        %mul3A_97 = arith.muli %sub3A_95, %mul3A_96 : i32
        %add3A_98 = arith.addi %mul3A_2, %mul3A_97 : i32
        %dma_wait3A_99 = arith.constant 0 : i32
        %dma_wait3A_100 = tpu.memref_slice %arg5[%add3A_98, %dma_wait3A_99] : memref<32768x1024xf32, #tpu.memory_space<hbm>> -> memref<16x1024xf32, #tpu.memory_space<hbm>>
        %dma_wait3A_101 = arith.constant 0 : i32
        %dma_wait3A_102 = tpu.memref_slice %arg5[%add3A_98, %dma_wait3A_101] : memref<32768x1024xf32, #tpu.memory_space<hbm>> -> memref<16x1024xf32, #tpu.memory_space<hbm>>
        tpu.wait_dma2 semaphore(%arg14 : memref<!tpu.dma_semaphore, #tpu.memory_space<semaphore_mem>>) src(%arg10 : memref<16x1024xf32, #tpu.memory_space<vmem>>) dst(%dma_wait3A_102 : memref<16x1024xf32, #tpu.memory_space<hbm>>)
      } else {
      }
      %scan3A_42 = arith.constant 0 : i32
      %scan3A_43 = arith.constant 0 : i32
      %scan3A_44 = arith.constant 16 : i32
      %scan3A_45 = arith.addi %scan3A_43, %scan3A_44 : i32
      %scan3A_46 = arith.constant 1 : i32
      scf.for %scan3A_95 = %scan3A_43 to %scan3A_45 step %scan3A_46  : i32 {
        %get3A = arith.index_cast %scan3A_95 : i32 to index
        %get3A_96 = arith.constant 0 : index
        %get3A_97 = tpu.vector_load %arg8[%get3A, %get3A_96] {strides = array<i32>} : memref<16x1024xf32, #tpu.memory_space<vmem>>, vector<16xf32>,
        %bitcast_convert_type3A = tpu.bitcast %get3A_97 : vector<16xf32> -> vector<16xi32>
        %shift_right_logical3A = arith.constant 16 : i32
        %shift_right_logical3A_98 = vector.broadcast %shift_right_logical3A : i32 to vector<16xi32>
        %shift_right_logical3A_99 = arith.shrui %bitcast_convert_type3A, %shift_right_logical3A_98 : vector<16xi32>
        %and3A = arith.constant 1 : i32
        %and3A_100 = vector.broadcast %and3A : i32 to vector<16xi32>
        %and3A_101 = arith.andi %shift_right_logical3A_99, %and3A_100 : vector<16xi32>
        %add3A_102 = arith.constant 32767 : i32
        %add3A_103 = vector.broadcast %add3A_102 : i32 to vector<16xi32>
        %add3A_104 = arith.addi %add3A_103, %and3A_101 : vector<16xi32>
        %add3A_105 = arith.addi %bitcast_convert_type3A, %add3A_104 : vector<16xi32>
        %and3A_106 = arith.constant -65536 : i32
        %and3A_107 = vector.broadcast %and3A_106 : i32 to vector<16xi32>
        %and3A_108 = arith.andi %add3A_105, %and3A_107 : vector<16xi32>
        %bitcast_convert_type3A_109 = tpu.bitcast %and3A_108 : vector<16xi32> -> vector<16xf32>
        %get3A_110 = arith.constant 0 : index
        %get3A_111 = tpu.vector_load %arg6[%get3A_110] {strides = array<i32>} : memref<1024xf32, #tpu.memory_space<vmem>>, vector<16xf32>,
        %mul3A_112 = arith.mulf %bitcast_convert_type3A_109, %get3A_111 : vector<16xf32>
        %add3A_113 = arith.addf %broadcast_in_dim3A_3, %mul3A_112 : vector<16xf32>
        %get3A_114 = arith.index_cast %scan3A_95 : i32 to index
        %get3A_115 = arith.constant 16 : index
        %get3A_116 = tpu.vector_load %arg8[%get3A_114, %get3A_115] {strides = array<i32>} : memref<16x1024xf32, #tpu.memory_space<vmem>>, vector<16xf32>,
        %bitcast_convert_type3A_117 = tpu.bitcast %get3A_116 : vector<16xf32> -> vector<16xi32>
        %shift_right_logical3A_118 = arith.constant 16 : i32
        %shift_right_logical3A_119 = vector.broadcast %shift_right_logical3A_118 : i32 to vector<16xi32>
        %shift_right_logical3A_120 = arith.shrui %bitcast_convert_type3A_117, %shift_right_logical3A_119 : vector<16xi32>
        %and3A_121 = arith.constant 1 : i32
        %and3A_122 = vector.broadcast %and3A_121 : i32 to vector<16xi32>
        %and3A_123 = arith.andi %shift_right_logical3A_120, %and3A_122 : vector<16xi32>
        %add3A_124 = arith.constant 32767 : i32
        %add3A_125 = vector.broadcast %add3A_124 : i32 to vector<16xi32>
        %add3A_126 = arith.addi %add3A_125, %and3A_123 : vector<16xi32>
        %add3A_127 = arith.addi %bitcast_convert_type3A_117, %add3A_126 : vector<16xi32>
        %and3A_128 = arith.constant -65536 : i32
        %and3A_129 = vector.broadcast %and3A_128 : i32 to vector<16xi32>
        %and3A_130 = arith.andi %add3A_127, %and3A_129 : vector<16xi32>
        %bitcast_convert_type3A_131 = tpu.bitcast %and3A_130 : vector<16xi32> -> vector<16xf32>
        %get3A_132 = arith.constant 16 : index
        %get3A_133 = tpu.vector_load %arg6[%get3A_132] {strides = array<i32>} : memref<1024xf32, #tpu.memory_space<vmem>>, vector<16xf32>,
        %mul3A_134 = arith.mulf %bitcast_convert_type3A_131, %get3A_133 : vector<16xf32>
        %add3A_135 = arith.addf %broadcast_in_dim3A_3, %mul3A_134 : vector<16xf32>
        %get3A_136 = arith.index_cast %scan3A_95 : i32 to index
        %get3A_137 = arith.constant 32 : index
        %get3A_138 = tpu.vector_load %arg8[%get3A_136, %get3A_137] {strides = array<i32>} : memref<16x1024xf32, #tpu.memory_space<vmem>>, vector<16xf32>,
        %bitcast_convert_type3A_139 = tpu.bitcast %get3A_138 : vector<16xf32> -> vector<16xi32>
        %shift_right_logical3A_140 = arith.constant 16 : i32
        %shift_right_logical3A_141 = vector.broadcast %shift_right_logical3A_140 : i32 to vector<16xi32>
        %shift_right_logical3A_142 = arith.shrui %bitcast_convert_type3A_139, %shift_right_logical3A_141 : vector<16xi32>
        %and3A_143 = arith.constant 1 : i32
        %and3A_144 = vector.broadcast %and3A_143 : i32 to vector<16xi32>
        %and3A_145 = arith.andi %shift_right_logical3A_142, %and3A_144 : vector<16xi32>
        %add3A_146 = arith.constant 32767 : i32
        %add3A_147 = vector.broadcast %add3A_146 : i32 to vector<16xi32>
        %add3A_148 = arith.addi %add3A_147, %and3A_145 : vector<16xi32>
        %add3A_149 = arith.addi %bitcast_convert_type3A_139, %add3A_148 : vector<16xi32>
        %and3A_150 = arith.constant -65536 : i32
        %and3A_151 = vector.broadcast %and3A_150 : i32 to vector<16xi32>
        %and3A_152 = arith.andi %add3A_149, %and3A_151 : vector<16xi32>
        %bitcast_convert_type3A_153 = tpu.bitcast %and3A_152 : vector<16xi32> -> vector<16xf32>
        %get3A_154 = arith.constant 32 : index
        %get3A_155 = tpu.vector_load %arg6[%get3A_154] {strides = array<i32>} : memref<1024xf32, #tpu.memory_space<vmem>>, vector<16xf32>,
        %mul3A_156 = arith.mulf %bitcast_convert_type3A_153, %get3A_155 : vector<16xf32>
        %add3A_157 = arith.addf %broadcast_in_dim3A_3, %mul3A_156 : vector<16xf32>
        %get3A_158 = arith.index_cast %scan3A_95 : i32 to index
        %get3A_159 = arith.constant 48 : index
        %get3A_160 = tpu.vector_load %arg8[%get3A_158, %get3A_159] {strides = array<i32>} : memref<16x1024xf32, #tpu.memory_space<vmem>>, vector<16xf32>,
        %bitcast_convert_type3A_161 = tpu.bitcast %get3A_160 : vector<16xf32> -> vector<16xi32>
        %shift_right_logical3A_162 = arith.constant 16 : i32
        %shift_right_logical3A_163 = vector.broadcast %shift_right_logical3A_162 : i32 to vector<16xi32>
        %shift_right_logical3A_164 = arith.shrui %bitcast_convert_type3A_161, %shift_right_logical3A_163 : vector<16xi32>
        %and3A_165 = arith.constant 1 : i32
        %and3A_166 = vector.broadcast %and3A_165 : i32 to vector<16xi32>
        %and3A_167 = arith.andi %shift_right_logical3A_164, %and3A_166 : vector<16xi32>
        %add3A_168 = arith.constant 32767 : i32
        %add3A_169 = vector.broadcast %add3A_168 : i32 to vector<16xi32>
        %add3A_170 = arith.addi %add3A_169, %and3A_167 : vector<16xi32>
        %add3A_171 = arith.addi %bitcast_convert_type3A_161, %add3A_170 : vector<16xi32>
        %and3A_172 = arith.constant -65536 : i32
        %and3A_173 = vector.broadcast %and3A_172 : i32 to vector<16xi32>
        %and3A_174 = arith.andi %add3A_171, %and3A_173 : vector<16xi32>
        %bitcast_convert_type3A_175 = tpu.bitcast %and3A_174 : vector<16xi32> -> vector<16xf32>
        %get3A_176 = arith.constant 48 : index
        %get3A_177 = tpu.vector_load %arg6[%get3A_176] {strides = array<i32>} : memref<1024xf32, #tpu.memory_space<vmem>>, vector<16xf32>,
        %mul3A_178 = arith.mulf %bitcast_convert_type3A_175, %get3A_177 : vector<16xf32>
        %add3A_179 = arith.addf %broadcast_in_dim3A_3, %mul3A_178 : vector<16xf32>
        %get3A_180 = arith.index_cast %scan3A_95 : i32 to index
        %get3A_181 = arith.constant 64 : index
        %get3A_182 = tpu.vector_load %arg8[%get3A_180, %get3A_181] {strides = array<i32>} : memref<16x1024xf32, #tpu.memory_space<vmem>>, vector<16xf32>,
        %bitcast_convert_type3A_183 = tpu.bitcast %get3A_182 : vector<16xf32> -> vector<16xi32>
        %shift_right_logical3A_184 = arith.constant 16 : i32
        %shift_right_logical3A_185 = vector.broadcast %shift_right_logical3A_184 : i32 to vector<16xi32>
        %shift_right_logical3A_186 = arith.shrui %bitcast_convert_type3A_183, %shift_right_logical3A_185 : vector<16xi32>
        %and3A_187 = arith.constant 1 : i32
        %and3A_188 = vector.broadcast %and3A_187 : i32 to vector<16xi32>
        %and3A_189 = arith.andi %shift_right_logical3A_186, %and3A_188 : vector<16xi32>
        %add3A_190 = arith.constant 32767 : i32
        %add3A_191 = vector.broadcast %add3A_190 : i32 to vector<16xi32>
        %add3A_192 = arith.addi %add3A_191, %and3A_189 : vector<16xi32>
        %add3A_193 = arith.addi %bitcast_convert_type3A_183, %add3A_192 : vector<16xi32>
        %and3A_194 = arith.constant -65536 : i32
        %and3A_195 = vector.broadcast %and3A_194 : i32 to vector<16xi32>
        %and3A_196 = arith.andi %add3A_193, %and3A_195 : vector<16xi32>
        %bitcast_convert_type3A_197 = tpu.bitcast %and3A_196 : vector<16xi32> -> vector<16xf32>
        %get3A_198 = arith.constant 64 : index
        %get3A_199 = tpu.vector_load %arg6[%get3A_198] {strides = array<i32>} : memref<1024xf32, #tpu.memory_space<vmem>>, vector<16xf32>,
        %mul3A_200 = arith.mulf %bitcast_convert_type3A_197, %get3A_199 : vector<16xf32>
        %add3A_201 = arith.addf %add3A_113, %mul3A_200 : vector<16xf32>
        %get3A_202 = arith.index_cast %scan3A_95 : i32 to index
        %get3A_203 = arith.constant 80 : index
        %get3A_204 = tpu.vector_load %arg8[%get3A_202, %get3A_203] {strides = array<i32>} : memref<16x1024xf32, #tpu.memory_space<vmem>>, vector<16xf32>,
        %bitcast_convert_type3A_205 = tpu.bitcast %get3A_204 : vector<16xf32> -> vector<16xi32>
        %shift_right_logical3A_206 = arith.constant 16 : i32
        %shift_right_logical3A_207 = vector.broadcast %shift_right_logical3A_206 : i32 to vector<16xi32>
        %shift_right_logical3A_208 = arith.shrui %bitcast_convert_type3A_205, %shift_right_logical3A_207 : vector<16xi32>
        %and3A_209 = arith.constant 1 : i32
        %and3A_210 = vector.broadcast %and3A_209 : i32 to vector<16xi32>
        %and3A_211 = arith.andi %shift_right_logical3A_208, %and3A_210 : vector<16xi32>
        %add3A_212 = arith.constant 32767 : i32
        %add3A_213 = vector.broadcast %add3A_212 : i32 to vector<16xi32>
        %add3A_214 = arith.addi %add3A_213, %and3A_211 : vector<16xi32>
        %add3A_215 = arith.addi %bitcast_convert_type3A_205, %add3A_214 : vector<16xi32>
        %and3A_216 = arith.constant -65536 : i32
        %and3A_217 = vector.broadcast %and3A_216 : i32 to vector<16xi32>
        %and3A_218 = arith.andi %add3A_215, %and3A_217 : vector<16xi32>
        %bitcast_convert_type3A_219 = tpu.bitcast %and3A_218 : vector<16xi32> -> vector<16xf32>
        %get3A_220 = arith.constant 80 : index
        %get3A_221 = tpu.vector_load %arg6[%get3A_220] {strides = array<i32>} : memref<1024xf32, #tpu.memory_space<vmem>>, vector<16xf32>,
        %mul3A_222 = arith.mulf %bitcast_convert_type3A_219, %get3A_221 : vector<16xf32>
        %add3A_223 = arith.addf %add3A_135, %mul3A_222 : vector<16xf32>
        %get3A_224 = arith.index_cast %scan3A_95 : i32 to index
        %get3A_225 = arith.constant 96 : index
        %get3A_226 = tpu.vector_load %arg8[%get3A_224, %get3A_225] {strides = array<i32>} : memref<16x1024xf32, #tpu.memory_space<vmem>>, vector<16xf32>,
        %bitcast_convert_type3A_227 = tpu.bitcast %get3A_226 : vector<16xf32> -> vector<16xi32>
        %shift_right_logical3A_228 = arith.constant 16 : i32
        %shift_right_logical3A_229 = vector.broadcast %shift_right_logical3A_228 : i32 to vector<16xi32>
        %shift_right_logical3A_230 = arith.shrui %bitcast_convert_type3A_227, %shift_right_logical3A_229 : vector<16xi32>
        %and3A_231 = arith.constant 1 : i32
        %and3A_232 = vector.broadcast %and3A_231 : i32 to vector<16xi32>
        %and3A_233 = arith.andi %shift_right_logical3A_230, %and3A_232 : vector<16xi32>
        %add3A_234 = arith.constant 32767 : i32
        %add3A_235 = vector.broadcast %add3A_234 : i32 to vector<16xi32>
        %add3A_236 = arith.addi %add3A_235, %and3A_233 : vector<16xi32>
        %add3A_237 = arith.addi %bitcast_convert_type3A_227, %add3A_236 : vector<16xi32>
        %and3A_238 = arith.constant -65536 : i32
        %and3A_239 = vector.broadcast %and3A_238 : i32 to vector<16xi32>
        %and3A_240 = arith.andi %add3A_237, %and3A_239 : vector<16xi32>
        %bitcast_convert_type3A_241 = tpu.bitcast %and3A_240 : vector<16xi32> -> vector<16xf32>
        %get3A_242 = arith.constant 96 : index
        %get3A_243 = tpu.vector_load %arg6[%get3A_242] {strides = array<i32>} : memref<1024xf32, #tpu.memory_space<vmem>>, vector<16xf32>,
        %mul3A_244 = arith.mulf %bitcast_convert_type3A_241, %get3A_243 : vector<16xf32>
        %add3A_245 = arith.addf %add3A_157, %mul3A_244 : vector<16xf32>
        %get3A_246 = arith.index_cast %scan3A_95 : i32 to index
        %get3A_247 = arith.constant 112 : index
        %get3A_248 = tpu.vector_load %arg8[%get3A_246, %get3A_247] {strides = array<i32>} : memref<16x1024xf32, #tpu.memory_space<vmem>>, vector<16xf32>,
        %bitcast_convert_type3A_249 = tpu.bitcast %get3A_248 : vector<16xf32> -> vector<16xi32>
        %shift_right_logical3A_250 = arith.constant 16 : i32
        %shift_right_logical3A_251 = vector.broadcast %shift_right_logical3A_250 : i32 to vector<16xi32>
        %shift_right_logical3A_252 = arith.shrui %bitcast_convert_type3A_249, %shift_right_logical3A_251 : vector<16xi32>
        %and3A_253 = arith.constant 1 : i32
        %and3A_254 = vector.broadcast %and3A_253 : i32 to vector<16xi32>
        %and3A_255 = arith.andi %shift_right_logical3A_252, %and3A_254 : vector<16xi32>
        %add3A_256 = arith.constant 32767 : i32
        %add3A_257 = vector.broadcast %add3A_256 : i32 to vector<16xi32>
        %add3A_258 = arith.addi %add3A_257, %and3A_255 : vector<16xi32>
        %add3A_259 = arith.addi %bitcast_convert_type3A_249, %add3A_258 : vector<16xi32>
        %and3A_260 = arith.constant -65536 : i32
        %and3A_261 = vector.broadcast %and3A_260 : i32 to vector<16xi32>
        %and3A_262 = arith.andi %add3A_259, %and3A_261 : vector<16xi32>
        %bitcast_convert_type3A_263 = tpu.bitcast %and3A_262 : vector<16xi32> -> vector<16xf32>
        %get3A_264 = arith.constant 112 : index
        %get3A_265 = tpu.vector_load %arg6[%get3A_264] {strides = array<i32>} : memref<1024xf32, #tpu.memory_space<vmem>>, vector<16xf32>,
        %mul3A_266 = arith.mulf %bitcast_convert_type3A_263, %get3A_265 : vector<16xf32>
        %add3A_267 = arith.addf %add3A_179, %mul3A_266 : vector<16xf32>
        %get3A_268 = arith.index_cast %scan3A_95 : i32 to index
        %get3A_269 = arith.constant 128 : index
        %get3A_270 = tpu.vector_load %arg8[%get3A_268, %get3A_269] {strides = array<i32>} : memref<16x1024xf32, #tpu.memory_space<vmem>>, vector<16xf32>,
        %bitcast_convert_type3A_271 = tpu.bitcast %get3A_270 : vector<16xf32> -> vector<16xi32>
        %shift_right_logical3A_272 = arith.constant 16 : i32
        %shift_right_logical3A_273 = vector.broadcast %shift_right_logical3A_272 : i32 to vector<16xi32>
        %shift_right_logical3A_274 = arith.shrui %bitcast_convert_type3A_271, %shift_right_logical3A_273 : vector<16xi32>
        %and3A_275 = arith.constant 1 : i32
        %and3A_276 = vector.broadcast %and3A_275 : i32 to vector<16xi32>
        %and3A_277 = arith.andi %shift_right_logical3A_274, %and3A_276 : vector<16xi32>
        %add3A_278 = arith.constant 32767 : i32
        %add3A_279 = vector.broadcast %add3A_278 : i32 to vector<16xi32>
        %add3A_280 = arith.addi %add3A_279, %and3A_277 : vector<16xi32>
        %add3A_281 = arith.addi %bitcast_convert_type3A_271, %add3A_280 : vector<16xi32>
        %and3A_282 = arith.constant -65536 : i32
        %and3A_283 = vector.broadcast %and3A_282 : i32 to vector<16xi32>
        %and3A_284 = arith.andi %add3A_281, %and3A_283 : vector<16xi32>
        %bitcast_convert_type3A_285 = tpu.bitcast %and3A_284 : vector<16xi32> -> vector<16xf32>
        %get3A_286 = arith.constant 128 : index
        %get3A_287 = tpu.vector_load %arg6[%get3A_286] {strides = array<i32>} : memref<1024xf32, #tpu.memory_space<vmem>>, vector<16xf32>,
        %mul3A_288 = arith.mulf %bitcast_convert_type3A_285, %get3A_287 : vector<16xf32>
        %add3A_289 = arith.addf %add3A_201, %mul3A_288 : vector<16xf32>
        %get3A_290 = arith.index_cast %scan3A_95 : i32 to index
        %get3A_291 = arith.constant 144 : index
        %get3A_292 = tpu.vector_load %arg8[%get3A_290, %get3A_291] {strides = array<i32>} : memref<16x1024xf32, #tpu.memory_space<vmem>>, vector<16xf32>,
        %bitcast_convert_type3A_293 = tpu.bitcast %get3A_292 : vector<16xf32> -> vector<16xi32>
        %shift_right_logical3A_294 = arith.constant 16 : i32
        %shift_right_logical3A_295 = vector.broadcast %shift_right_logical3A_294 : i32 to vector<16xi32>
        %shift_right_logical3A_296 = arith.shrui %bitcast_convert_type3A_293, %shift_right_logical3A_295 : vector<16xi32>
        %and3A_297 = arith.constant 1 : i32
        %and3A_298 = vector.broadcast %and3A_297 : i32 to vector<16xi32>
        %and3A_299 = arith.andi %shift_right_logical3A_296, %and3A_298 : vector<16xi32>
        %add3A_300 = arith.constant 32767 : i32
        %add3A_301 = vector.broadcast %add3A_300 : i32 to vector<16xi32>
        %add3A_302 = arith.addi %add3A_301, %and3A_299 : vector<16xi32>
        %add3A_303 = arith.addi %bitcast_convert_type3A_293, %add3A_302 : vector<16xi32>
        %and3A_304 = arith.constant -65536 : i32
        %and3A_305 = vector.broadcast %and3A_304 : i32 to vector<16xi32>
        %and3A_306 = arith.andi %add3A_303, %and3A_305 : vector<16xi32>
        %bitcast_convert_type3A_307 = tpu.bitcast %and3A_306 : vector<16xi32> -> vector<16xf32>
        %get3A_308 = arith.constant 144 : index
        %get3A_309 = tpu.vector_load %arg6[%get3A_308] {strides = array<i32>} : memref<1024xf32, #tpu.memory_space<vmem>>, vector<16xf32>,
        %mul3A_310 = arith.mulf %bitcast_convert_type3A_307, %get3A_309 : vector<16xf32>
        %add3A_311 = arith.addf %add3A_223, %mul3A_310 : vector<16xf32>
        %get3A_312 = arith.index_cast %scan3A_95 : i32 to index
        %get3A_313 = arith.constant 160 : index
        %get3A_314 = tpu.vector_load %arg8[%get3A_312, %get3A_313] {strides = array<i32>} : memref<16x1024xf32, #tpu.memory_space<vmem>>, vector<16xf32>,
        %bitcast_convert_type3A_315 = tpu.bitcast %get3A_314 : vector<16xf32> -> vector<16xi32>
        %shift_right_logical3A_316 = arith.constant 16 : i32
        %shift_right_logical3A_317 = vector.broadcast %shift_right_logical3A_316 : i32 to vector<16xi32>
        %shift_right_logical3A_318 = arith.shrui %bitcast_convert_type3A_315, %shift_right_logical3A_317 : vector<16xi32>
        %and3A_319 = arith.constant 1 : i32
        %and3A_320 = vector.broadcast %and3A_319 : i32 to vector<16xi32>
        %and3A_321 = arith.andi %shift_right_logical3A_318, %and3A_320 : vector<16xi32>
        %add3A_322 = arith.constant 32767 : i32
        %add3A_323 = vector.broadcast %add3A_322 : i32 to vector<16xi32>
        %add3A_324 = arith.addi %add3A_323, %and3A_321 : vector<16xi32>
        %add3A_325 = arith.addi %bitcast_convert_type3A_315, %add3A_324 : vector<16xi32>
        %and3A_326 = arith.constant -65536 : i32
        %and3A_327 = vector.broadcast %and3A_326 : i32 to vector<16xi32>
        %and3A_328 = arith.andi %add3A_325, %and3A_327 : vector<16xi32>
        %bitcast_convert_type3A_329 = tpu.bitcast %and3A_328 : vector<16xi32> -> vector<16xf32>
        %get3A_330 = arith.constant 160 : index
        %get3A_331 = tpu.vector_load %arg6[%get3A_330] {strides = array<i32>} : memref<1024xf32, #tpu.memory_space<vmem>>, vector<16xf32>,
        %mul3A_332 = arith.mulf %bitcast_convert_type3A_329, %get3A_331 : vector<16xf32>
        %add3A_333 = arith.addf %add3A_245, %mul3A_332 : vector<16xf32>
        %get3A_334 = arith.index_cast %scan3A_95 : i32 to index
        %get3A_335 = arith.constant 176 : index
        %get3A_336 = tpu.vector_load %arg8[%get3A_334, %get3A_335] {strides = array<i32>} : memref<16x1024xf32, #tpu.memory_space<vmem>>, vector<16xf32>,
        %bitcast_convert_type3A_337 = tpu.bitcast %get3A_336 : vector<16xf32> -> vector<16xi32>
        %shift_right_logical3A_338 = arith.constant 16 : i32
        %shift_right_logical3A_339 = vector.broadcast %shift_right_logical3A_338 : i32 to vector<16xi32>
        %shift_right_logical3A_340 = arith.shrui %bitcast_convert_type3A_337, %shift_right_logical3A_339 : vector<16xi32>
        %and3A_341 = arith.constant 1 : i32
        %and3A_342 = vector.broadcast %and3A_341 : i32 to vector<16xi32>
        %and3A_343 = arith.andi %shift_right_logical3A_340, %and3A_342 : vector<16xi32>
        %add3A_344 = arith.constant 32767 : i32
        %add3A_345 = vector.broadcast %add3A_344 : i32 to vector<16xi32>
        %add3A_346 = arith.addi %add3A_345, %and3A_343 : vector<16xi32>
        %add3A_347 = arith.addi %bitcast_convert_type3A_337, %add3A_346 : vector<16xi32>
        %and3A_348 = arith.constant -65536 : i32
        %and3A_349 = vector.broadcast %and3A_348 : i32 to vector<16xi32>
        %and3A_350 = arith.andi %add3A_347, %and3A_349 : vector<16xi32>
        %bitcast_convert_type3A_351 = tpu.bitcast %and3A_350 : vector<16xi32> -> vector<16xf32>
        %get3A_352 = arith.constant 176 : index
        %get3A_353 = tpu.vector_load %arg6[%get3A_352] {strides = array<i32>} : memref<1024xf32, #tpu.memory_space<vmem>>, vector<16xf32>,
        %mul3A_354 = arith.mulf %bitcast_convert_type3A_351, %get3A_353 : vector<16xf32>
        %add3A_355 = arith.addf %add3A_267, %mul3A_354 : vector<16xf32>
        %get3A_356 = arith.index_cast %scan3A_95 : i32 to index
        %get3A_357 = arith.constant 192 : index
        %get3A_358 = tpu.vector_load %arg8[%get3A_356, %get3A_357] {strides = array<i32>} : memref<16x1024xf32, #tpu.memory_space<vmem>>, vector<16xf32>,
        %bitcast_convert_type3A_359 = tpu.bitcast %get3A_358 : vector<16xf32> -> vector<16xi32>
        %shift_right_logical3A_360 = arith.constant 16 : i32
        %shift_right_logical3A_361 = vector.broadcast %shift_right_logical3A_360 : i32 to vector<16xi32>
        %shift_right_logical3A_362 = arith.shrui %bitcast_convert_type3A_359, %shift_right_logical3A_361 : vector<16xi32>
        %and3A_363 = arith.constant 1 : i32
        %and3A_364 = vector.broadcast %and3A_363 : i32 to vector<16xi32>
        %and3A_365 = arith.andi %shift_right_logical3A_362, %and3A_364 : vector<16xi32>
        %add3A_366 = arith.constant 32767 : i32
        %add3A_367 = vector.broadcast %add3A_366 : i32 to vector<16xi32>
        %add3A_368 = arith.addi %add3A_367, %and3A_365 : vector<16xi32>
        %add3A_369 = arith.addi %bitcast_convert_type3A_359, %add3A_368 : vector<16xi32>
        %and3A_370 = arith.constant -65536 : i32
        %and3A_371 = vector.broadcast %and3A_370 : i32 to vector<16xi32>
        %and3A_372 = arith.andi %add3A_369, %and3A_371 : vector<16xi32>
        %bitcast_convert_type3A_373 = tpu.bitcast %and3A_372 : vector<16xi32> -> vector<16xf32>
        %get3A_374 = arith.constant 192 : index
        %get3A_375 = tpu.vector_load %arg6[%get3A_374] {strides = array<i32>} : memref<1024xf32, #tpu.memory_space<vmem>>, vector<16xf32>,
        %mul3A_376 = arith.mulf %bitcast_convert_type3A_373, %get3A_375 : vector<16xf32>
        %add3A_377 = arith.addf %add3A_289, %mul3A_376 : vector<16xf32>
        %get3A_378 = arith.index_cast %scan3A_95 : i32 to index
        %get3A_379 = arith.constant 208 : index
        %get3A_380 = tpu.vector_load %arg8[%get3A_378, %get3A_379] {strides = array<i32>} : memref<16x1024xf32, #tpu.memory_space<vmem>>, vector<16xf32>,
        %bitcast_convert_type3A_381 = tpu.bitcast %get3A_380 : vector<16xf32> -> vector<16xi32>
        %shift_right_logical3A_382 = arith.constant 16 : i32
        %shift_right_logical3A_383 = vector.broadcast %shift_right_logical3A_382 : i32 to vector<16xi32>
        %shift_right_logical3A_384 = arith.shrui %bitcast_convert_type3A_381, %shift_right_logical3A_383 : vector<16xi32>
        %and3A_385 = arith.constant 1 : i32
        %and3A_386 = vector.broadcast %and3A_385 : i32 to vector<16xi32>
        %and3A_387 = arith.andi %shift_right_logical3A_384, %and3A_386 : vector<16xi32>
        %add3A_388 = arith.constant 32767 : i32
        %add3A_389 = vector.broadcast %add3A_388 : i32 to vector<16xi32>
        %add3A_390 = arith.addi %add3A_389, %and3A_387 : vector<16xi32>
        %add3A_391 = arith.addi %bitcast_convert_type3A_381, %add3A_390 : vector<16xi32>
        %and3A_392 = arith.constant -65536 : i32
        %and3A_393 = vector.broadcast %and3A_392 : i32 to vector<16xi32>
        %and3A_394 = arith.andi %add3A_391, %and3A_393 : vector<16xi32>
        %bitcast_convert_type3A_395 = tpu.bitcast %and3A_394 : vector<16xi32> -> vector<16xf32>
        %get3A_396 = arith.constant 208 : index
        %get3A_397 = tpu.vector_load %arg6[%get3A_396] {strides = array<i32>} : memref<1024xf32, #tpu.memory_space<vmem>>, vector<16xf32>,
        %mul3A_398 = arith.mulf %bitcast_convert_type3A_395, %get3A_397 : vector<16xf32>
        %add3A_399 = arith.addf %add3A_311, %mul3A_398 : vector<16xf32>
        %get3A_400 = arith.index_cast %scan3A_95 : i32 to index
        %get3A_401 = arith.constant 224 : index
        %get3A_402 = tpu.vector_load %arg8[%get3A_400, %get3A_401] {strides = array<i32>} : memref<16x1024xf32, #tpu.memory_space<vmem>>, vector<16xf32>,
        %bitcast_convert_type3A_403 = tpu.bitcast %get3A_402 : vector<16xf32> -> vector<16xi32>
        %shift_right_logical3A_404 = arith.constant 16 : i32
        %shift_right_logical3A_405 = vector.broadcast %shift_right_logical3A_404 : i32 to vector<16xi32>
        %shift_right_logical3A_406 = arith.shrui %bitcast_convert_type3A_403, %shift_right_logical3A_405 : vector<16xi32>
        %and3A_407 = arith.constant 1 : i32
        %and3A_408 = vector.broadcast %and3A_407 : i32 to vector<16xi32>
        %and3A_409 = arith.andi %shift_right_logical3A_406, %and3A_408 : vector<16xi32>
        %add3A_410 = arith.constant 32767 : i32
        %add3A_411 = vector.broadcast %add3A_410 : i32 to vector<16xi32>
        %add3A_412 = arith.addi %add3A_411, %and3A_409 : vector<16xi32>
        %add3A_413 = arith.addi %bitcast_convert_type3A_403, %add3A_412 : vector<16xi32>
        %and3A_414 = arith.constant -65536 : i32
        %and3A_415 = vector.broadcast %and3A_414 : i32 to vector<16xi32>
        %and3A_416 = arith.andi %add3A_413, %and3A_415 : vector<16xi32>
        %bitcast_convert_type3A_417 = tpu.bitcast %and3A_416 : vector<16xi32> -> vector<16xf32>
        %get3A_418 = arith.constant 224 : index
        %get3A_419 = tpu.vector_load %arg6[%get3A_418] {strides = array<i32>} : memref<1024xf32, #tpu.memory_space<vmem>>, vector<16xf32>,
        %mul3A_420 = arith.mulf %bitcast_convert_type3A_417, %get3A_419 : vector<16xf32>
        %add3A_421 = arith.addf %add3A_333, %mul3A_420 : vector<16xf32>
        %get3A_422 = arith.index_cast %scan3A_95 : i32 to index
        %get3A_423 = arith.constant 240 : index
        %get3A_424 = tpu.vector_load %arg8[%get3A_422, %get3A_423] {strides = array<i32>} : memref<16x1024xf32, #tpu.memory_space<vmem>>, vector<16xf32>,
        %bitcast_convert_type3A_425 = tpu.bitcast %get3A_424 : vector<16xf32> -> vector<16xi32>
        %shift_right_logical3A_426 = arith.constant 16 : i32
        %shift_right_logical3A_427 = vector.broadcast %shift_right_logical3A_426 : i32 to vector<16xi32>
        %shift_right_logical3A_428 = arith.shrui %bitcast_convert_type3A_425, %shift_right_logical3A_427 : vector<16xi32>
        %and3A_429 = arith.constant 1 : i32
        %and3A_430 = vector.broadcast %and3A_429 : i32 to vector<16xi32>
        %and3A_431 = arith.andi %shift_right_logical3A_428, %and3A_430 : vector<16xi32>
        %add3A_432 = arith.constant 32767 : i32
        %add3A_433 = vector.broadcast %add3A_432 : i32 to vector<16xi32>
        %add3A_434 = arith.addi %add3A_433, %and3A_431 : vector<16xi32>
        %add3A_435 = arith.addi %bitcast_convert_type3A_425, %add3A_434 : vector<16xi32>
        %and3A_436 = arith.constant -65536 : i32
        %and3A_437 = vector.broadcast %and3A_436 : i32 to vector<16xi32>
        %and3A_438 = arith.andi %add3A_435, %and3A_437 : vector<16xi32>
        %bitcast_convert_type3A_439 = tpu.bitcast %and3A_438 : vector<16xi32> -> vector<16xf32>
        %get3A_440 = arith.constant 240 : index
        %get3A_441 = tpu.vector_load %arg6[%get3A_440] {strides = array<i32>} : memref<1024xf32, #tpu.memory_space<vmem>>, vector<16xf32>,
        %mul3A_442 = arith.mulf %bitcast_convert_type3A_439, %get3A_441 : vector<16xf32>
        %add3A_443 = arith.addf %add3A_355, %mul3A_442 : vector<16xf32>
        %get3A_444 = arith.index_cast %scan3A_95 : i32 to index
        %get3A_445 = arith.constant 256 : index
        %get3A_446 = tpu.vector_load %arg8[%get3A_444, %get3A_445] {strides = array<i32>} : memref<16x1024xf32, #tpu.memory_space<vmem>>, vector<16xf32>,
        %bitcast_convert_type3A_447 = tpu.bitcast %get3A_446 : vector<16xf32> -> vector<16xi32>
        %shift_right_logical3A_448 = arith.constant 16 : i32
        %shift_right_logical3A_449 = vector.broadcast %shift_right_logical3A_448 : i32 to vector<16xi32>
        %shift_right_logical3A_450 = arith.shrui %bitcast_convert_type3A_447, %shift_right_logical3A_449 : vector<16xi32>
        %and3A_451 = arith.constant 1 : i32
        %and3A_452 = vector.broadcast %and3A_451 : i32 to vector<16xi32>
        %and3A_453 = arith.andi %shift_right_logical3A_450, %and3A_452 : vector<16xi32>
        %add3A_454 = arith.constant 32767 : i32
        %add3A_455 = vector.broadcast %add3A_454 : i32 to vector<16xi32>
        %add3A_456 = arith.addi %add3A_455, %and3A_453 : vector<16xi32>
        %add3A_457 = arith.addi %bitcast_convert_type3A_447, %add3A_456 : vector<16xi32>
        %and3A_458 = arith.constant -65536 : i32
        %and3A_459 = vector.broadcast %and3A_458 : i32 to vector<16xi32>
        %and3A_460 = arith.andi %add3A_457, %and3A_459 : vector<16xi32>
        %bitcast_convert_type3A_461 = tpu.bitcast %and3A_460 : vector<16xi32> -> vector<16xf32>
        %get3A_462 = arith.constant 256 : index
        %get3A_463 = tpu.vector_load %arg6[%get3A_462] {strides = array<i32>} : memref<1024xf32, #tpu.memory_space<vmem>>, vector<16xf32>,
        %mul3A_464 = arith.mulf %bitcast_convert_type3A_461, %get3A_463 : vector<16xf32>
        %add3A_465 = arith.addf %add3A_377, %mul3A_464 : vector<16xf32>
        %get3A_466 = arith.index_cast %scan3A_95 : i32 to index
        %get3A_467 = arith.constant 272 : index
        %get3A_468 = tpu.vector_load %arg8[%get3A_466, %get3A_467] {strides = array<i32>} : memref<16x1024xf32, #tpu.memory_space<vmem>>, vector<16xf32>,
        %bitcast_convert_type3A_469 = tpu.bitcast %get3A_468 : vector<16xf32> -> vector<16xi32>
        %shift_right_logical3A_470 = arith.constant 16 : i32
        %shift_right_logical3A_471 = vector.broadcast %shift_right_logical3A_470 : i32 to vector<16xi32>
        %shift_right_logical3A_472 = arith.shrui %bitcast_convert_type3A_469, %shift_right_logical3A_471 : vector<16xi32>
        %and3A_473 = arith.constant 1 : i32
        %and3A_474 = vector.broadcast %and3A_473 : i32 to vector<16xi32>
        %and3A_475 = arith.andi %shift_right_logical3A_472, %and3A_474 : vector<16xi32>
        %add3A_476 = arith.constant 32767 : i32
        %add3A_477 = vector.broadcast %add3A_476 : i32 to vector<16xi32>
        %add3A_478 = arith.addi %add3A_477, %and3A_475 : vector<16xi32>
        %add3A_479 = arith.addi %bitcast_convert_type3A_469, %add3A_478 : vector<16xi32>
        %and3A_480 = arith.constant -65536 : i32
        %and3A_481 = vector.broadcast %and3A_480 : i32 to vector<16xi32>
        %and3A_482 = arith.andi %add3A_479, %and3A_481 : vector<16xi32>
        %bitcast_convert_type3A_483 = tpu.bitcast %and3A_482 : vector<16xi32> -> vector<16xf32>
        %get3A_484 = arith.constant 272 : index
        %get3A_485 = tpu.vector_load %arg6[%get3A_484] {strides = array<i32>} : memref<1024xf32, #tpu.memory_space<vmem>>, vector<16xf32>,
        %mul3A_486 = arith.mulf %bitcast_convert_type3A_483, %get3A_485 : vector<16xf32>
        %add3A_487 = arith.addf %add3A_399, %mul3A_486 : vector<16xf32>
        %get3A_488 = arith.index_cast %scan3A_95 : i32 to index
        %get3A_489 = arith.constant 288 : index
        %get3A_490 = tpu.vector_load %arg8[%get3A_488, %get3A_489] {strides = array<i32>} : memref<16x1024xf32, #tpu.memory_space<vmem>>, vector<16xf32>,
        %bitcast_convert_type3A_491 = tpu.bitcast %get3A_490 : vector<16xf32> -> vector<16xi32>
        %shift_right_logical3A_492 = arith.constant 16 : i32
        %shift_right_logical3A_493 = vector.broadcast %shift_right_logical3A_492 : i32 to vector<16xi32>
        %shift_right_logical3A_494 = arith.shrui %bitcast_convert_type3A_491, %shift_right_logical3A_493 : vector<16xi32>
        %and3A_495 = arith.constant 1 : i32
        %and3A_496 = vector.broadcast %and3A_495 : i32 to vector<16xi32>
        %and3A_497 = arith.andi %shift_right_logical3A_494, %and3A_496 : vector<16xi32>
        %add3A_498 = arith.constant 32767 : i32
        %add3A_499 = vector.broadcast %add3A_498 : i32 to vector<16xi32>
        %add3A_500 = arith.addi %add3A_499, %and3A_497 : vector<16xi32>
        %add3A_501 = arith.addi %bitcast_convert_type3A_491, %add3A_500 : vector<16xi32>
        %and3A_502 = arith.constant -65536 : i32
        %and3A_503 = vector.broadcast %and3A_502 : i32 to vector<16xi32>
        %and3A_504 = arith.andi %add3A_501, %and3A_503 : vector<16xi32>
        %bitcast_convert_type3A_505 = tpu.bitcast %and3A_504 : vector<16xi32> -> vector<16xf32>
        %get3A_506 = arith.constant 288 : index
        %get3A_507 = tpu.vector_load %arg6[%get3A_506] {strides = array<i32>} : memref<1024xf32, #tpu.memory_space<vmem>>, vector<16xf32>,
        %mul3A_508 = arith.mulf %bitcast_convert_type3A_505, %get3A_507 : vector<16xf32>
        %add3A_509 = arith.addf %add3A_421, %mul3A_508 : vector<16xf32>
        %get3A_510 = arith.index_cast %scan3A_95 : i32 to index
        %get3A_511 = arith.constant 304 : index
        %get3A_512 = tpu.vector_load %arg8[%get3A_510, %get3A_511] {strides = array<i32>} : memref<16x1024xf32, #tpu.memory_space<vmem>>, vector<16xf32>,
        %bitcast_convert_type3A_513 = tpu.bitcast %get3A_512 : vector<16xf32> -> vector<16xi32>
        %shift_right_logical3A_514 = arith.constant 16 : i32
        %shift_right_logical3A_515 = vector.broadcast %shift_right_logical3A_514 : i32 to vector<16xi32>
        %shift_right_logical3A_516 = arith.shrui %bitcast_convert_type3A_513, %shift_right_logical3A_515 : vector<16xi32>
        %and3A_517 = arith.constant 1 : i32
        %and3A_518 = vector.broadcast %and3A_517 : i32 to vector<16xi32>
        %and3A_519 = arith.andi %shift_right_logical3A_516, %and3A_518 : vector<16xi32>
        %add3A_520 = arith.constant 32767 : i32
        %add3A_521 = vector.broadcast %add3A_520 : i32 to vector<16xi32>
        %add3A_522 = arith.addi %add3A_521, %and3A_519 : vector<16xi32>
        %add3A_523 = arith.addi %bitcast_convert_type3A_513, %add3A_522 : vector<16xi32>
        %and3A_524 = arith.constant -65536 : i32
        %and3A_525 = vector.broadcast %and3A_524 : i32 to vector<16xi32>
        %and3A_526 = arith.andi %add3A_523, %and3A_525 : vector<16xi32>
        %bitcast_convert_type3A_527 = tpu.bitcast %and3A_526 : vector<16xi32> -> vector<16xf32>
        %get3A_528 = arith.constant 304 : index
        %get3A_529 = tpu.vector_load %arg6[%get3A_528] {strides = array<i32>} : memref<1024xf32, #tpu.memory_space<vmem>>, vector<16xf32>,
        %mul3A_530 = arith.mulf %bitcast_convert_type3A_527, %get3A_529 : vector<16xf32>
        %add3A_531 = arith.addf %add3A_443, %mul3A_530 : vector<16xf32>
        %get3A_532 = arith.index_cast %scan3A_95 : i32 to index
        %get3A_533 = arith.constant 320 : index
        %get3A_534 = tpu.vector_load %arg8[%get3A_532, %get3A_533] {strides = array<i32>} : memref<16x1024xf32, #tpu.memory_space<vmem>>, vector<16xf32>,
        %bitcast_convert_type3A_535 = tpu.bitcast %get3A_534 : vector<16xf32> -> vector<16xi32>
        %shift_right_logical3A_536 = arith.constant 16 : i32
        %shift_right_logical3A_537 = vector.broadcast %shift_right_logical3A_536 : i32 to vector<16xi32>
        %shift_right_logical3A_538 = arith.shrui %bitcast_convert_type3A_535, %shift_right_logical3A_537 : vector<16xi32>
        %and3A_539 = arith.constant 1 : i32
        %and3A_540 = vector.broadcast %and3A_539 : i32 to vector<16xi32>
        %and3A_541 = arith.andi %shift_right_logical3A_538, %and3A_540 : vector<16xi32>
        %add3A_542 = arith.constant 32767 : i32
        %add3A_543 = vector.broadcast %add3A_542 : i32 to vector<16xi32>
        %add3A_544 = arith.addi %add3A_543, %and3A_541 : vector<16xi32>
        %add3A_545 = arith.addi %bitcast_convert_type3A_535, %add3A_544 : vector<16xi32>
        %and3A_546 = arith.constant -65536 : i32
        %and3A_547 = vector.broadcast %and3A_546 : i32 to vector<16xi32>
        %and3A_548 = arith.andi %add3A_545, %and3A_547 : vector<16xi32>
        %bitcast_convert_type3A_549 = tpu.bitcast %and3A_548 : vector<16xi32> -> vector<16xf32>
        %get3A_550 = arith.constant 320 : index
        %get3A_551 = tpu.vector_load %arg6[%get3A_550] {strides = array<i32>} : memref<1024xf32, #tpu.memory_space<vmem>>, vector<16xf32>,
        %mul3A_552 = arith.mulf %bitcast_convert_type3A_549, %get3A_551 : vector<16xf32>
        %add3A_553 = arith.addf %add3A_465, %mul3A_552 : vector<16xf32>
        %get3A_554 = arith.index_cast %scan3A_95 : i32 to index
        %get3A_555 = arith.constant 336 : index
        %get3A_556 = tpu.vector_load %arg8[%get3A_554, %get3A_555] {strides = array<i32>} : memref<16x1024xf32, #tpu.memory_space<vmem>>, vector<16xf32>,
        %bitcast_convert_type3A_557 = tpu.bitcast %get3A_556 : vector<16xf32> -> vector<16xi32>
        %shift_right_logical3A_558 = arith.constant 16 : i32
        %shift_right_logical3A_559 = vector.broadcast %shift_right_logical3A_558 : i32 to vector<16xi32>
        %shift_right_logical3A_560 = arith.shrui %bitcast_convert_type3A_557, %shift_right_logical3A_559 : vector<16xi32>
        %and3A_561 = arith.constant 1 : i32
        %and3A_562 = vector.broadcast %and3A_561 : i32 to vector<16xi32>
        %and3A_563 = arith.andi %shift_right_logical3A_560, %and3A_562 : vector<16xi32>
        %add3A_564 = arith.constant 32767 : i32
        %add3A_565 = vector.broadcast %add3A_564 : i32 to vector<16xi32>
        %add3A_566 = arith.addi %add3A_565, %and3A_563 : vector<16xi32>
        %add3A_567 = arith.addi %bitcast_convert_type3A_557, %add3A_566 : vector<16xi32>
        %and3A_568 = arith.constant -65536 : i32
        %and3A_569 = vector.broadcast %and3A_568 : i32 to vector<16xi32>
        %and3A_570 = arith.andi %add3A_567, %and3A_569 : vector<16xi32>
        %bitcast_convert_type3A_571 = tpu.bitcast %and3A_570 : vector<16xi32> -> vector<16xf32>
        %get3A_572 = arith.constant 336 : index
        %get3A_573 = tpu.vector_load %arg6[%get3A_572] {strides = array<i32>} : memref<1024xf32, #tpu.memory_space<vmem>>, vector<16xf32>,
        %mul3A_574 = arith.mulf %bitcast_convert_type3A_571, %get3A_573 : vector<16xf32>
        %add3A_575 = arith.addf %add3A_487, %mul3A_574 : vector<16xf32>
        %get3A_576 = arith.index_cast %scan3A_95 : i32 to index
        %get3A_577 = arith.constant 352 : index
        %get3A_578 = tpu.vector_load %arg8[%get3A_576, %get3A_577] {strides = array<i32>} : memref<16x1024xf32, #tpu.memory_space<vmem>>, vector<16xf32>,
        %bitcast_convert_type3A_579 = tpu.bitcast %get3A_578 : vector<16xf32> -> vector<16xi32>
        %shift_right_logical3A_580 = arith.constant 16 : i32
        %shift_right_logical3A_581 = vector.broadcast %shift_right_logical3A_580 : i32 to vector<16xi32>
        %shift_right_logical3A_582 = arith.shrui %bitcast_convert_type3A_579, %shift_right_logical3A_581 : vector<16xi32>
        %and3A_583 = arith.constant 1 : i32
        %and3A_584 = vector.broadcast %and3A_583 : i32 to vector<16xi32>
        %and3A_585 = arith.andi %shift_right_logical3A_582, %and3A_584 : vector<16xi32>
        %add3A_586 = arith.constant 32767 : i32
        %add3A_587 = vector.broadcast %add3A_586 : i32 to vector<16xi32>
        %add3A_588 = arith.addi %add3A_587, %and3A_585 : vector<16xi32>
        %add3A_589 = arith.addi %bitcast_convert_type3A_579, %add3A_588 : vector<16xi32>
        %and3A_590 = arith.constant -65536 : i32
        %and3A_591 = vector.broadcast %and3A_590 : i32 to vector<16xi32>
        %and3A_592 = arith.andi %add3A_589, %and3A_591 : vector<16xi32>
        %bitcast_convert_type3A_593 = tpu.bitcast %and3A_592 : vector<16xi32> -> vector<16xf32>
        %get3A_594 = arith.constant 352 : index
        %get3A_595 = tpu.vector_load %arg6[%get3A_594] {strides = array<i32>} : memref<1024xf32, #tpu.memory_space<vmem>>, vector<16xf32>,
        %mul3A_596 = arith.mulf %bitcast_convert_type3A_593, %get3A_595 : vector<16xf32>
        %add3A_597 = arith.addf %add3A_509, %mul3A_596 : vector<16xf32>
        %get3A_598 = arith.index_cast %scan3A_95 : i32 to index
        %get3A_599 = arith.constant 368 : index
        %get3A_600 = tpu.vector_load %arg8[%get3A_598, %get3A_599] {strides = array<i32>} : memref<16x1024xf32, #tpu.memory_space<vmem>>, vector<16xf32>,
        %bitcast_convert_type3A_601 = tpu.bitcast %get3A_600 : vector<16xf32> -> vector<16xi32>
        %shift_right_logical3A_602 = arith.constant 16 : i32
        %shift_right_logical3A_603 = vector.broadcast %shift_right_logical3A_602 : i32 to vector<16xi32>
        %shift_right_logical3A_604 = arith.shrui %bitcast_convert_type3A_601, %shift_right_logical3A_603 : vector<16xi32>
        %and3A_605 = arith.constant 1 : i32
        %and3A_606 = vector.broadcast %and3A_605 : i32 to vector<16xi32>
        %and3A_607 = arith.andi %shift_right_logical3A_604, %and3A_606 : vector<16xi32>
        %add3A_608 = arith.constant 32767 : i32
        %add3A_609 = vector.broadcast %add3A_608 : i32 to vector<16xi32>
        %add3A_610 = arith.addi %add3A_609, %and3A_607 : vector<16xi32>
        %add3A_611 = arith.addi %bitcast_convert_type3A_601, %add3A_610 : vector<16xi32>
        %and3A_612 = arith.constant -65536 : i32
        %and3A_613 = vector.broadcast %and3A_612 : i32 to vector<16xi32>
        %and3A_614 = arith.andi %add3A_611, %and3A_613 : vector<16xi32>
        %bitcast_convert_type3A_615 = tpu.bitcast %and3A_614 : vector<16xi32> -> vector<16xf32>
        %get3A_616 = arith.constant 368 : index
        %get3A_617 = tpu.vector_load %arg6[%get3A_616] {strides = array<i32>} : memref<1024xf32, #tpu.memory_space<vmem>>, vector<16xf32>,
        %mul3A_618 = arith.mulf %bitcast_convert_type3A_615, %get3A_617 : vector<16xf32>
        %add3A_619 = arith.addf %add3A_531, %mul3A_618 : vector<16xf32>
        %get3A_620 = arith.index_cast %scan3A_95 : i32 to index
        %get3A_621 = arith.constant 384 : index
        %get3A_622 = tpu.vector_load %arg8[%get3A_620, %get3A_621] {strides = array<i32>} : memref<16x1024xf32, #tpu.memory_space<vmem>>, vector<16xf32>,
        %bitcast_convert_type3A_623 = tpu.bitcast %get3A_622 : vector<16xf32> -> vector<16xi32>
        %shift_right_logical3A_624 = arith.constant 16 : i32
        %shift_right_logical3A_625 = vector.broadcast %shift_right_logical3A_624 : i32 to vector<16xi32>
        %shift_right_logical3A_626 = arith.shrui %bitcast_convert_type3A_623, %shift_right_logical3A_625 : vector<16xi32>
        %and3A_627 = arith.constant 1 : i32
        %and3A_628 = vector.broadcast %and3A_627 : i32 to vector<16xi32>
        %and3A_629 = arith.andi %shift_right_logical3A_626, %and3A_628 : vector<16xi32>
        %add3A_630 = arith.constant 32767 : i32
        %add3A_631 = vector.broadcast %add3A_630 : i32 to vector<16xi32>
        %add3A_632 = arith.addi %add3A_631, %and3A_629 : vector<16xi32>
        %add3A_633 = arith.addi %bitcast_convert_type3A_623, %add3A_632 : vector<16xi32>
        %and3A_634 = arith.constant -65536 : i32
        %and3A_635 = vector.broadcast %and3A_634 : i32 to vector<16xi32>
        %and3A_636 = arith.andi %add3A_633, %and3A_635 : vector<16xi32>
        %bitcast_convert_type3A_637 = tpu.bitcast %and3A_636 : vector<16xi32> -> vector<16xf32>
        %get3A_638 = arith.constant 384 : index
        %get3A_639 = tpu.vector_load %arg6[%get3A_638] {strides = array<i32>} : memref<1024xf32, #tpu.memory_space<vmem>>, vector<16xf32>,
        %mul3A_640 = arith.mulf %bitcast_convert_type3A_637, %get3A_639 : vector<16xf32>
        %add3A_641 = arith.addf %add3A_553, %mul3A_640 : vector<16xf32>
        %get3A_642 = arith.index_cast %scan3A_95 : i32 to index
        %get3A_643 = arith.constant 400 : index
        %get3A_644 = tpu.vector_load %arg8[%get3A_642, %get3A_643] {strides = array<i32>} : memref<16x1024xf32, #tpu.memory_space<vmem>>, vector<16xf32>,
        %bitcast_convert_type3A_645 = tpu.bitcast %get3A_644 : vector<16xf32> -> vector<16xi32>
        %shift_right_logical3A_646 = arith.constant 16 : i32
        %shift_right_logical3A_647 = vector.broadcast %shift_right_logical3A_646 : i32 to vector<16xi32>
        %shift_right_logical3A_648 = arith.shrui %bitcast_convert_type3A_645, %shift_right_logical3A_647 : vector<16xi32>
        %and3A_649 = arith.constant 1 : i32
        %and3A_650 = vector.broadcast %and3A_649 : i32 to vector<16xi32>
        %and3A_651 = arith.andi %shift_right_logical3A_648, %and3A_650 : vector<16xi32>
        %add3A_652 = arith.constant 32767 : i32
        %add3A_653 = vector.broadcast %add3A_652 : i32 to vector<16xi32>
        %add3A_654 = arith.addi %add3A_653, %and3A_651 : vector<16xi32>
        %add3A_655 = arith.addi %bitcast_convert_type3A_645, %add3A_654 : vector<16xi32>
        %and3A_656 = arith.constant -65536 : i32
        %and3A_657 = vector.broadcast %and3A_656 : i32 to vector<16xi32>
        %and3A_658 = arith.andi %add3A_655, %and3A_657 : vector<16xi32>
        %bitcast_convert_type3A_659 = tpu.bitcast %and3A_658 : vector<16xi32> -> vector<16xf32>
        %get3A_660 = arith.constant 400 : index
        %get3A_661 = tpu.vector_load %arg6[%get3A_660] {strides = array<i32>} : memref<1024xf32, #tpu.memory_space<vmem>>, vector<16xf32>,
        %mul3A_662 = arith.mulf %bitcast_convert_type3A_659, %get3A_661 : vector<16xf32>
        %add3A_663 = arith.addf %add3A_575, %mul3A_662 : vector<16xf32>
        %get3A_664 = arith.index_cast %scan3A_95 : i32 to index
        %get3A_665 = arith.constant 416 : index
        %get3A_666 = tpu.vector_load %arg8[%get3A_664, %get3A_665] {strides = array<i32>} : memref<16x1024xf32, #tpu.memory_space<vmem>>, vector<16xf32>,
        %bitcast_convert_type3A_667 = tpu.bitcast %get3A_666 : vector<16xf32> -> vector<16xi32>
        %shift_right_logical3A_668 = arith.constant 16 : i32
        %shift_right_logical3A_669 = vector.broadcast %shift_right_logical3A_668 : i32 to vector<16xi32>
        %shift_right_logical3A_670 = arith.shrui %bitcast_convert_type3A_667, %shift_right_logical3A_669 : vector<16xi32>
        %and3A_671 = arith.constant 1 : i32
        %and3A_672 = vector.broadcast %and3A_671 : i32 to vector<16xi32>
        %and3A_673 = arith.andi %shift_right_logical3A_670, %and3A_672 : vector<16xi32>
        %add3A_674 = arith.constant 32767 : i32
        %add3A_675 = vector.broadcast %add3A_674 : i32 to vector<16xi32>
        %add3A_676 = arith.addi %add3A_675, %and3A_673 : vector<16xi32>
        %add3A_677 = arith.addi %bitcast_convert_type3A_667, %add3A_676 : vector<16xi32>
        %and3A_678 = arith.constant -65536 : i32
        %and3A_679 = vector.broadcast %and3A_678 : i32 to vector<16xi32>
        %and3A_680 = arith.andi %add3A_677, %and3A_679 : vector<16xi32>
        %bitcast_convert_type3A_681 = tpu.bitcast %and3A_680 : vector<16xi32> -> vector<16xf32>
        %get3A_682 = arith.constant 416 : index
        %get3A_683 = tpu.vector_load %arg6[%get3A_682] {strides = array<i32>} : memref<1024xf32, #tpu.memory_space<vmem>>, vector<16xf32>,
        %mul3A_684 = arith.mulf %bitcast_convert_type3A_681, %get3A_683 : vector<16xf32>
        %add3A_685 = arith.addf %add3A_597, %mul3A_684 : vector<16xf32>
        %get3A_686 = arith.index_cast %scan3A_95 : i32 to index
        %get3A_687 = arith.constant 432 : index
        %get3A_688 = tpu.vector_load %arg8[%get3A_686, %get3A_687] {strides = array<i32>} : memref<16x1024xf32, #tpu.memory_space<vmem>>, vector<16xf32>,
        %bitcast_convert_type3A_689 = tpu.bitcast %get3A_688 : vector<16xf32> -> vector<16xi32>
        %shift_right_logical3A_690 = arith.constant 16 : i32
        %shift_right_logical3A_691 = vector.broadcast %shift_right_logical3A_690 : i32 to vector<16xi32>
        %shift_right_logical3A_692 = arith.shrui %bitcast_convert_type3A_689, %shift_right_logical3A_691 : vector<16xi32>
        %and3A_693 = arith.constant 1 : i32
        %and3A_694 = vector.broadcast %and3A_693 : i32 to vector<16xi32>
        %and3A_695 = arith.andi %shift_right_logical3A_692, %and3A_694 : vector<16xi32>
        %add3A_696 = arith.constant 32767 : i32
        %add3A_697 = vector.broadcast %add3A_696 : i32 to vector<16xi32>
        %add3A_698 = arith.addi %add3A_697, %and3A_695 : vector<16xi32>
        %add3A_699 = arith.addi %bitcast_convert_type3A_689, %add3A_698 : vector<16xi32>
        %and3A_700 = arith.constant -65536 : i32
        %and3A_701 = vector.broadcast %and3A_700 : i32 to vector<16xi32>
        %and3A_702 = arith.andi %add3A_699, %and3A_701 : vector<16xi32>
        %bitcast_convert_type3A_703 = tpu.bitcast %and3A_702 : vector<16xi32> -> vector<16xf32>
        %get3A_704 = arith.constant 432 : index
        %get3A_705 = tpu.vector_load %arg6[%get3A_704] {strides = array<i32>} : memref<1024xf32, #tpu.memory_space<vmem>>, vector<16xf32>,
        %mul3A_706 = arith.mulf %bitcast_convert_type3A_703, %get3A_705 : vector<16xf32>
        %add3A_707 = arith.addf %add3A_619, %mul3A_706 : vector<16xf32>
        %get3A_708 = arith.index_cast %scan3A_95 : i32 to index
        %get3A_709 = arith.constant 448 : index
        %get3A_710 = tpu.vector_load %arg8[%get3A_708, %get3A_709] {strides = array<i32>} : memref<16x1024xf32, #tpu.memory_space<vmem>>, vector<16xf32>,
        %bitcast_convert_type3A_711 = tpu.bitcast %get3A_710 : vector<16xf32> -> vector<16xi32>
        %shift_right_logical3A_712 = arith.constant 16 : i32
        %shift_right_logical3A_713 = vector.broadcast %shift_right_logical3A_712 : i32 to vector<16xi32>
        %shift_right_logical3A_714 = arith.shrui %bitcast_convert_type3A_711, %shift_right_logical3A_713 : vector<16xi32>
        %and3A_715 = arith.constant 1 : i32
        %and3A_716 = vector.broadcast %and3A_715 : i32 to vector<16xi32>
        %and3A_717 = arith.andi %shift_right_logical3A_714, %and3A_716 : vector<16xi32>
        %add3A_718 = arith.constant 32767 : i32
        %add3A_719 = vector.broadcast %add3A_718 : i32 to vector<16xi32>
        %add3A_720 = arith.addi %add3A_719, %and3A_717 : vector<16xi32>
        %add3A_721 = arith.addi %bitcast_convert_type3A_711, %add3A_720 : vector<16xi32>
        %and3A_722 = arith.constant -65536 : i32
        %and3A_723 = vector.broadcast %and3A_722 : i32 to vector<16xi32>
        %and3A_724 = arith.andi %add3A_721, %and3A_723 : vector<16xi32>
        %bitcast_convert_type3A_725 = tpu.bitcast %and3A_724 : vector<16xi32> -> vector<16xf32>
        %get3A_726 = arith.constant 448 : index
        %get3A_727 = tpu.vector_load %arg6[%get3A_726] {strides = array<i32>} : memref<1024xf32, #tpu.memory_space<vmem>>, vector<16xf32>,
        %mul3A_728 = arith.mulf %bitcast_convert_type3A_725, %get3A_727 : vector<16xf32>
        %add3A_729 = arith.addf %add3A_641, %mul3A_728 : vector<16xf32>
        %get3A_730 = arith.index_cast %scan3A_95 : i32 to index
        %get3A_731 = arith.constant 464 : index
        %get3A_732 = tpu.vector_load %arg8[%get3A_730, %get3A_731] {strides = array<i32>} : memref<16x1024xf32, #tpu.memory_space<vmem>>, vector<16xf32>,
        %bitcast_convert_type3A_733 = tpu.bitcast %get3A_732 : vector<16xf32> -> vector<16xi32>
        %shift_right_logical3A_734 = arith.constant 16 : i32
        %shift_right_logical3A_735 = vector.broadcast %shift_right_logical3A_734 : i32 to vector<16xi32>
        %shift_right_logical3A_736 = arith.shrui %bitcast_convert_type3A_733, %shift_right_logical3A_735 : vector<16xi32>
        %and3A_737 = arith.constant 1 : i32
        %and3A_738 = vector.broadcast %and3A_737 : i32 to vector<16xi32>
        %and3A_739 = arith.andi %shift_right_logical3A_736, %and3A_738 : vector<16xi32>
        %add3A_740 = arith.constant 32767 : i32
        %add3A_741 = vector.broadcast %add3A_740 : i32 to vector<16xi32>
        %add3A_742 = arith.addi %add3A_741, %and3A_739 : vector<16xi32>
        %add3A_743 = arith.addi %bitcast_convert_type3A_733, %add3A_742 : vector<16xi32>
        %and3A_744 = arith.constant -65536 : i32
        %and3A_745 = vector.broadcast %and3A_744 : i32 to vector<16xi32>
        %and3A_746 = arith.andi %add3A_743, %and3A_745 : vector<16xi32>
        %bitcast_convert_type3A_747 = tpu.bitcast %and3A_746 : vector<16xi32> -> vector<16xf32>
        %get3A_748 = arith.constant 464 : index
        %get3A_749 = tpu.vector_load %arg6[%get3A_748] {strides = array<i32>} : memref<1024xf32, #tpu.memory_space<vmem>>, vector<16xf32>,
        %mul3A_750 = arith.mulf %bitcast_convert_type3A_747, %get3A_749 : vector<16xf32>
        %add3A_751 = arith.addf %add3A_663, %mul3A_750 : vector<16xf32>
        %get3A_752 = arith.index_cast %scan3A_95 : i32 to index
        %get3A_753 = arith.constant 480 : index
        %get3A_754 = tpu.vector_load %arg8[%get3A_752, %get3A_753] {strides = array<i32>} : memref<16x1024xf32, #tpu.memory_space<vmem>>, vector<16xf32>,
        %bitcast_convert_type3A_755 = tpu.bitcast %get3A_754 : vector<16xf32> -> vector<16xi32>
        %shift_right_logical3A_756 = arith.constant 16 : i32
        %shift_right_logical3A_757 = vector.broadcast %shift_right_logical3A_756 : i32 to vector<16xi32>
        %shift_right_logical3A_758 = arith.shrui %bitcast_convert_type3A_755, %shift_right_logical3A_757 : vector<16xi32>
        %and3A_759 = arith.constant 1 : i32
        %and3A_760 = vector.broadcast %and3A_759 : i32 to vector<16xi32>
        %and3A_761 = arith.andi %shift_right_logical3A_758, %and3A_760 : vector<16xi32>
        %add3A_762 = arith.constant 32767 : i32
        %add3A_763 = vector.broadcast %add3A_762 : i32 to vector<16xi32>
        %add3A_764 = arith.addi %add3A_763, %and3A_761 : vector<16xi32>
        %add3A_765 = arith.addi %bitcast_convert_type3A_755, %add3A_764 : vector<16xi32>
        %and3A_766 = arith.constant -65536 : i32
        %and3A_767 = vector.broadcast %and3A_766 : i32 to vector<16xi32>
        %and3A_768 = arith.andi %add3A_765, %and3A_767 : vector<16xi32>
        %bitcast_convert_type3A_769 = tpu.bitcast %and3A_768 : vector<16xi32> -> vector<16xf32>
        %get3A_770 = arith.constant 480 : index
        %get3A_771 = tpu.vector_load %arg6[%get3A_770] {strides = array<i32>} : memref<1024xf32, #tpu.memory_space<vmem>>, vector<16xf32>,
        %mul3A_772 = arith.mulf %bitcast_convert_type3A_769, %get3A_771 : vector<16xf32>
        %add3A_773 = arith.addf %add3A_685, %mul3A_772 : vector<16xf32>
        %get3A_774 = arith.index_cast %scan3A_95 : i32 to index
        %get3A_775 = arith.constant 496 : index
        %get3A_776 = tpu.vector_load %arg8[%get3A_774, %get3A_775] {strides = array<i32>} : memref<16x1024xf32, #tpu.memory_space<vmem>>, vector<16xf32>,
        %bitcast_convert_type3A_777 = tpu.bitcast %get3A_776 : vector<16xf32> -> vector<16xi32>
        %shift_right_logical3A_778 = arith.constant 16 : i32
        %shift_right_logical3A_779 = vector.broadcast %shift_right_logical3A_778 : i32 to vector<16xi32>
        %shift_right_logical3A_780 = arith.shrui %bitcast_convert_type3A_777, %shift_right_logical3A_779 : vector<16xi32>
        %and3A_781 = arith.constant 1 : i32
        %and3A_782 = vector.broadcast %and3A_781 : i32 to vector<16xi32>
        %and3A_783 = arith.andi %shift_right_logical3A_780, %and3A_782 : vector<16xi32>
        %add3A_784 = arith.constant 32767 : i32
        %add3A_785 = vector.broadcast %add3A_784 : i32 to vector<16xi32>
        %add3A_786 = arith.addi %add3A_785, %and3A_783 : vector<16xi32>
        %add3A_787 = arith.addi %bitcast_convert_type3A_777, %add3A_786 : vector<16xi32>
        %and3A_788 = arith.constant -65536 : i32
        %and3A_789 = vector.broadcast %and3A_788 : i32 to vector<16xi32>
        %and3A_790 = arith.andi %add3A_787, %and3A_789 : vector<16xi32>
        %bitcast_convert_type3A_791 = tpu.bitcast %and3A_790 : vector<16xi32> -> vector<16xf32>
        %get3A_792 = arith.constant 496 : index
        %get3A_793 = tpu.vector_load %arg6[%get3A_792] {strides = array<i32>} : memref<1024xf32, #tpu.memory_space<vmem>>, vector<16xf32>,
        %mul3A_794 = arith.mulf %bitcast_convert_type3A_791, %get3A_793 : vector<16xf32>
        %add3A_795 = arith.addf %add3A_707, %mul3A_794 : vector<16xf32>
        %get3A_796 = arith.index_cast %scan3A_95 : i32 to index
        %get3A_797 = arith.constant 512 : index
        %get3A_798 = tpu.vector_load %arg8[%get3A_796, %get3A_797] {strides = array<i32>} : memref<16x1024xf32, #tpu.memory_space<vmem>>, vector<16xf32>,
        %bitcast_convert_type3A_799 = tpu.bitcast %get3A_798 : vector<16xf32> -> vector<16xi32>
        %shift_right_logical3A_800 = arith.constant 16 : i32
        %shift_right_logical3A_801 = vector.broadcast %shift_right_logical3A_800 : i32 to vector<16xi32>
        %shift_right_logical3A_802 = arith.shrui %bitcast_convert_type3A_799, %shift_right_logical3A_801 : vector<16xi32>
        %and3A_803 = arith.constant 1 : i32
        %and3A_804 = vector.broadcast %and3A_803 : i32 to vector<16xi32>
        %and3A_805 = arith.andi %shift_right_logical3A_802, %and3A_804 : vector<16xi32>
        %add3A_806 = arith.constant 32767 : i32
        %add3A_807 = vector.broadcast %add3A_806 : i32 to vector<16xi32>
        %add3A_808 = arith.addi %add3A_807, %and3A_805 : vector<16xi32>
        %add3A_809 = arith.addi %bitcast_convert_type3A_799, %add3A_808 : vector<16xi32>
        %and3A_810 = arith.constant -65536 : i32
        %and3A_811 = vector.broadcast %and3A_810 : i32 to vector<16xi32>
        %and3A_812 = arith.andi %add3A_809, %and3A_811 : vector<16xi32>
        %bitcast_convert_type3A_813 = tpu.bitcast %and3A_812 : vector<16xi32> -> vector<16xf32>
        %get3A_814 = arith.constant 512 : index
        %get3A_815 = tpu.vector_load %arg6[%get3A_814] {strides = array<i32>} : memref<1024xf32, #tpu.memory_space<vmem>>, vector<16xf32>,
        %mul3A_816 = arith.mulf %bitcast_convert_type3A_813, %get3A_815 : vector<16xf32>
        %add3A_817 = arith.addf %add3A_729, %mul3A_816 : vector<16xf32>
        %get3A_818 = arith.index_cast %scan3A_95 : i32 to index
        %get3A_819 = arith.constant 528 : index
        %get3A_820 = tpu.vector_load %arg8[%get3A_818, %get3A_819] {strides = array<i32>} : memref<16x1024xf32, #tpu.memory_space<vmem>>, vector<16xf32>,
        %bitcast_convert_type3A_821 = tpu.bitcast %get3A_820 : vector<16xf32> -> vector<16xi32>
        %shift_right_logical3A_822 = arith.constant 16 : i32
        %shift_right_logical3A_823 = vector.broadcast %shift_right_logical3A_822 : i32 to vector<16xi32>
        %shift_right_logical3A_824 = arith.shrui %bitcast_convert_type3A_821, %shift_right_logical3A_823 : vector<16xi32>
        %and3A_825 = arith.constant 1 : i32
        %and3A_826 = vector.broadcast %and3A_825 : i32 to vector<16xi32>
        %and3A_827 = arith.andi %shift_right_logical3A_824, %and3A_826 : vector<16xi32>
        %add3A_828 = arith.constant 32767 : i32
        %add3A_829 = vector.broadcast %add3A_828 : i32 to vector<16xi32>
        %add3A_830 = arith.addi %add3A_829, %and3A_827 : vector<16xi32>
        %add3A_831 = arith.addi %bitcast_convert_type3A_821, %add3A_830 : vector<16xi32>
        %and3A_832 = arith.constant -65536 : i32
        %and3A_833 = vector.broadcast %and3A_832 : i32 to vector<16xi32>
        %and3A_834 = arith.andi %add3A_831, %and3A_833 : vector<16xi32>
        %bitcast_convert_type3A_835 = tpu.bitcast %and3A_834 : vector<16xi32> -> vector<16xf32>
        %get3A_836 = arith.constant 528 : index
        %get3A_837 = tpu.vector_load %arg6[%get3A_836] {strides = array<i32>} : memref<1024xf32, #tpu.memory_space<vmem>>, vector<16xf32>,
        %mul3A_838 = arith.mulf %bitcast_convert_type3A_835, %get3A_837 : vector<16xf32>
        %add3A_839 = arith.addf %add3A_751, %mul3A_838 : vector<16xf32>
        %get3A_840 = arith.index_cast %scan3A_95 : i32 to index
        %get3A_841 = arith.constant 544 : index
        %get3A_842 = tpu.vector_load %arg8[%get3A_840, %get3A_841] {strides = array<i32>} : memref<16x1024xf32, #tpu.memory_space<vmem>>, vector<16xf32>,
        %bitcast_convert_type3A_843 = tpu.bitcast %get3A_842 : vector<16xf32> -> vector<16xi32>
        %shift_right_logical3A_844 = arith.constant 16 : i32
        %shift_right_logical3A_845 = vector.broadcast %shift_right_logical3A_844 : i32 to vector<16xi32>
        %shift_right_logical3A_846 = arith.shrui %bitcast_convert_type3A_843, %shift_right_logical3A_845 : vector<16xi32>
        %and3A_847 = arith.constant 1 : i32
        %and3A_848 = vector.broadcast %and3A_847 : i32 to vector<16xi32>
        %and3A_849 = arith.andi %shift_right_logical3A_846, %and3A_848 : vector<16xi32>
        %add3A_850 = arith.constant 32767 : i32
        %add3A_851 = vector.broadcast %add3A_850 : i32 to vector<16xi32>
        %add3A_852 = arith.addi %add3A_851, %and3A_849 : vector<16xi32>
        %add3A_853 = arith.addi %bitcast_convert_type3A_843, %add3A_852 : vector<16xi32>
        %and3A_854 = arith.constant -65536 : i32
        %and3A_855 = vector.broadcast %and3A_854 : i32 to vector<16xi32>
        %and3A_856 = arith.andi %add3A_853, %and3A_855 : vector<16xi32>
        %bitcast_convert_type3A_857 = tpu.bitcast %and3A_856 : vector<16xi32> -> vector<16xf32>
        %get3A_858 = arith.constant 544 : index
        %get3A_859 = tpu.vector_load %arg6[%get3A_858] {strides = array<i32>} : memref<1024xf32, #tpu.memory_space<vmem>>, vector<16xf32>,
        %mul3A_860 = arith.mulf %bitcast_convert_type3A_857, %get3A_859 : vector<16xf32>
        %add3A_861 = arith.addf %add3A_773, %mul3A_860 : vector<16xf32>
        %get3A_862 = arith.index_cast %scan3A_95 : i32 to index
        %get3A_863 = arith.constant 560 : index
        %get3A_864 = tpu.vector_load %arg8[%get3A_862, %get3A_863] {strides = array<i32>} : memref<16x1024xf32, #tpu.memory_space<vmem>>, vector<16xf32>,
        %bitcast_convert_type3A_865 = tpu.bitcast %get3A_864 : vector<16xf32> -> vector<16xi32>
        %shift_right_logical3A_866 = arith.constant 16 : i32
        %shift_right_logical3A_867 = vector.broadcast %shift_right_logical3A_866 : i32 to vector<16xi32>
        %shift_right_logical3A_868 = arith.shrui %bitcast_convert_type3A_865, %shift_right_logical3A_867 : vector<16xi32>
        %and3A_869 = arith.constant 1 : i32
        %and3A_870 = vector.broadcast %and3A_869 : i32 to vector<16xi32>
        %and3A_871 = arith.andi %shift_right_logical3A_868, %and3A_870 : vector<16xi32>
        %add3A_872 = arith.constant 32767 : i32
        %add3A_873 = vector.broadcast %add3A_872 : i32 to vector<16xi32>
        %add3A_874 = arith.addi %add3A_873, %and3A_871 : vector<16xi32>
        %add3A_875 = arith.addi %bitcast_convert_type3A_865, %add3A_874 : vector<16xi32>
        %and3A_876 = arith.constant -65536 : i32
        %and3A_877 = vector.broadcast %and3A_876 : i32 to vector<16xi32>
        %and3A_878 = arith.andi %add3A_875, %and3A_877 : vector<16xi32>
        %bitcast_convert_type3A_879 = tpu.bitcast %and3A_878 : vector<16xi32> -> vector<16xf32>
        %get3A_880 = arith.constant 560 : index
        %get3A_881 = tpu.vector_load %arg6[%get3A_880] {strides = array<i32>} : memref<1024xf32, #tpu.memory_space<vmem>>, vector<16xf32>,
        %mul3A_882 = arith.mulf %bitcast_convert_type3A_879, %get3A_881 : vector<16xf32>
        %add3A_883 = arith.addf %add3A_795, %mul3A_882 : vector<16xf32>
        %get3A_884 = arith.index_cast %scan3A_95 : i32 to index
        %get3A_885 = arith.constant 576 : index
        %get3A_886 = tpu.vector_load %arg8[%get3A_884, %get3A_885] {strides = array<i32>} : memref<16x1024xf32, #tpu.memory_space<vmem>>, vector<16xf32>,
        %bitcast_convert_type3A_887 = tpu.bitcast %get3A_886 : vector<16xf32> -> vector<16xi32>
        %shift_right_logical3A_888 = arith.constant 16 : i32
        %shift_right_logical3A_889 = vector.broadcast %shift_right_logical3A_888 : i32 to vector<16xi32>
        %shift_right_logical3A_890 = arith.shrui %bitcast_convert_type3A_887, %shift_right_logical3A_889 : vector<16xi32>
        %and3A_891 = arith.constant 1 : i32
        %and3A_892 = vector.broadcast %and3A_891 : i32 to vector<16xi32>
        %and3A_893 = arith.andi %shift_right_logical3A_890, %and3A_892 : vector<16xi32>
        %add3A_894 = arith.constant 32767 : i32
        %add3A_895 = vector.broadcast %add3A_894 : i32 to vector<16xi32>
        %add3A_896 = arith.addi %add3A_895, %and3A_893 : vector<16xi32>
        %add3A_897 = arith.addi %bitcast_convert_type3A_887, %add3A_896 : vector<16xi32>
        %and3A_898 = arith.constant -65536 : i32
        %and3A_899 = vector.broadcast %and3A_898 : i32 to vector<16xi32>
        %and3A_900 = arith.andi %add3A_897, %and3A_899 : vector<16xi32>
        %bitcast_convert_type3A_901 = tpu.bitcast %and3A_900 : vector<16xi32> -> vector<16xf32>
        %get3A_902 = arith.constant 576 : index
        %get3A_903 = tpu.vector_load %arg6[%get3A_902] {strides = array<i32>} : memref<1024xf32, #tpu.memory_space<vmem>>, vector<16xf32>,
        %mul3A_904 = arith.mulf %bitcast_convert_type3A_901, %get3A_903 : vector<16xf32>
        %add3A_905 = arith.addf %add3A_817, %mul3A_904 : vector<16xf32>
        %get3A_906 = arith.index_cast %scan3A_95 : i32 to index
        %get3A_907 = arith.constant 592 : index
        %get3A_908 = tpu.vector_load %arg8[%get3A_906, %get3A_907] {strides = array<i32>} : memref<16x1024xf32, #tpu.memory_space<vmem>>, vector<16xf32>,
        %bitcast_convert_type3A_909 = tpu.bitcast %get3A_908 : vector<16xf32> -> vector<16xi32>
        %shift_right_logical3A_910 = arith.constant 16 : i32
        %shift_right_logical3A_911 = vector.broadcast %shift_right_logical3A_910 : i32 to vector<16xi32>
        %shift_right_logical3A_912 = arith.shrui %bitcast_convert_type3A_909, %shift_right_logical3A_911 : vector<16xi32>
        %and3A_913 = arith.constant 1 : i32
        %and3A_914 = vector.broadcast %and3A_913 : i32 to vector<16xi32>
        %and3A_915 = arith.andi %shift_right_logical3A_912, %and3A_914 : vector<16xi32>
        %add3A_916 = arith.constant 32767 : i32
        %add3A_917 = vector.broadcast %add3A_916 : i32 to vector<16xi32>
        %add3A_918 = arith.addi %add3A_917, %and3A_915 : vector<16xi32>
        %add3A_919 = arith.addi %bitcast_convert_type3A_909, %add3A_918 : vector<16xi32>
        %and3A_920 = arith.constant -65536 : i32
        %and3A_921 = vector.broadcast %and3A_920 : i32 to vector<16xi32>
        %and3A_922 = arith.andi %add3A_919, %and3A_921 : vector<16xi32>
        %bitcast_convert_type3A_923 = tpu.bitcast %and3A_922 : vector<16xi32> -> vector<16xf32>
        %get3A_924 = arith.constant 592 : index
        %get3A_925 = tpu.vector_load %arg6[%get3A_924] {strides = array<i32>} : memref<1024xf32, #tpu.memory_space<vmem>>, vector<16xf32>,
        %mul3A_926 = arith.mulf %bitcast_convert_type3A_923, %get3A_925 : vector<16xf32>
        %add3A_927 = arith.addf %add3A_839, %mul3A_926 : vector<16xf32>
        %get3A_928 = arith.index_cast %scan3A_95 : i32 to index
        %get3A_929 = arith.constant 608 : index
        %get3A_930 = tpu.vector_load %arg8[%get3A_928, %get3A_929] {strides = array<i32>} : memref<16x1024xf32, #tpu.memory_space<vmem>>, vector<16xf32>,
        %bitcast_convert_type3A_931 = tpu.bitcast %get3A_930 : vector<16xf32> -> vector<16xi32>
        %shift_right_logical3A_932 = arith.constant 16 : i32
        %shift_right_logical3A_933 = vector.broadcast %shift_right_logical3A_932 : i32 to vector<16xi32>
        %shift_right_logical3A_934 = arith.shrui %bitcast_convert_type3A_931, %shift_right_logical3A_933 : vector<16xi32>
        %and3A_935 = arith.constant 1 : i32
        %and3A_936 = vector.broadcast %and3A_935 : i32 to vector<16xi32>
        %and3A_937 = arith.andi %shift_right_logical3A_934, %and3A_936 : vector<16xi32>
        %add3A_938 = arith.constant 32767 : i32
        %add3A_939 = vector.broadcast %add3A_938 : i32 to vector<16xi32>
        %add3A_940 = arith.addi %add3A_939, %and3A_937 : vector<16xi32>
        %add3A_941 = arith.addi %bitcast_convert_type3A_931, %add3A_940 : vector<16xi32>
        %and3A_942 = arith.constant -65536 : i32
        %and3A_943 = vector.broadcast %and3A_942 : i32 to vector<16xi32>
        %and3A_944 = arith.andi %add3A_941, %and3A_943 : vector<16xi32>
        %bitcast_convert_type3A_945 = tpu.bitcast %and3A_944 : vector<16xi32> -> vector<16xf32>
        %get3A_946 = arith.constant 608 : index
        %get3A_947 = tpu.vector_load %arg6[%get3A_946] {strides = array<i32>} : memref<1024xf32, #tpu.memory_space<vmem>>, vector<16xf32>,
        %mul3A_948 = arith.mulf %bitcast_convert_type3A_945, %get3A_947 : vector<16xf32>
        %add3A_949 = arith.addf %add3A_861, %mul3A_948 : vector<16xf32>
        %get3A_950 = arith.index_cast %scan3A_95 : i32 to index
        %get3A_951 = arith.constant 624 : index
        %get3A_952 = tpu.vector_load %arg8[%get3A_950, %get3A_951] {strides = array<i32>} : memref<16x1024xf32, #tpu.memory_space<vmem>>, vector<16xf32>,
        %bitcast_convert_type3A_953 = tpu.bitcast %get3A_952 : vector<16xf32> -> vector<16xi32>
        %shift_right_logical3A_954 = arith.constant 16 : i32
        %shift_right_logical3A_955 = vector.broadcast %shift_right_logical3A_954 : i32 to vector<16xi32>
        %shift_right_logical3A_956 = arith.shrui %bitcast_convert_type3A_953, %shift_right_logical3A_955 : vector<16xi32>
        %and3A_957 = arith.constant 1 : i32
        %and3A_958 = vector.broadcast %and3A_957 : i32 to vector<16xi32>
        %and3A_959 = arith.andi %shift_right_logical3A_956, %and3A_958 : vector<16xi32>
        %add3A_960 = arith.constant 32767 : i32
        %add3A_961 = vector.broadcast %add3A_960 : i32 to vector<16xi32>
        %add3A_962 = arith.addi %add3A_961, %and3A_959 : vector<16xi32>
        %add3A_963 = arith.addi %bitcast_convert_type3A_953, %add3A_962 : vector<16xi32>
        %and3A_964 = arith.constant -65536 : i32
        %and3A_965 = vector.broadcast %and3A_964 : i32 to vector<16xi32>
        %and3A_966 = arith.andi %add3A_963, %and3A_965 : vector<16xi32>
        %bitcast_convert_type3A_967 = tpu.bitcast %and3A_966 : vector<16xi32> -> vector<16xf32>
        %get3A_968 = arith.constant 624 : index
        %get3A_969 = tpu.vector_load %arg6[%get3A_968] {strides = array<i32>} : memref<1024xf32, #tpu.memory_space<vmem>>, vector<16xf32>,
        %mul3A_970 = arith.mulf %bitcast_convert_type3A_967, %get3A_969 : vector<16xf32>
        %add3A_971 = arith.addf %add3A_883, %mul3A_970 : vector<16xf32>
        %get3A_972 = arith.index_cast %scan3A_95 : i32 to index
        %get3A_973 = arith.constant 640 : index
        %get3A_974 = tpu.vector_load %arg8[%get3A_972, %get3A_973] {strides = array<i32>} : memref<16x1024xf32, #tpu.memory_space<vmem>>, vector<16xf32>,
        %bitcast_convert_type3A_975 = tpu.bitcast %get3A_974 : vector<16xf32> -> vector<16xi32>
        %shift_right_logical3A_976 = arith.constant 16 : i32
        %shift_right_logical3A_977 = vector.broadcast %shift_right_logical3A_976 : i32 to vector<16xi32>
        %shift_right_logical3A_978 = arith.shrui %bitcast_convert_type3A_975, %shift_right_logical3A_977 : vector<16xi32>
        %and3A_979 = arith.constant 1 : i32
        %and3A_980 = vector.broadcast %and3A_979 : i32 to vector<16xi32>
        %and3A_981 = arith.andi %shift_right_logical3A_978, %and3A_980 : vector<16xi32>
        %add3A_982 = arith.constant 32767 : i32
        %add3A_983 = vector.broadcast %add3A_982 : i32 to vector<16xi32>
        %add3A_984 = arith.addi %add3A_983, %and3A_981 : vector<16xi32>
        %add3A_985 = arith.addi %bitcast_convert_type3A_975, %add3A_984 : vector<16xi32>
        %and3A_986 = arith.constant -65536 : i32
        %and3A_987 = vector.broadcast %and3A_986 : i32 to vector<16xi32>
        %and3A_988 = arith.andi %add3A_985, %and3A_987 : vector<16xi32>
        %bitcast_convert_type3A_989 = tpu.bitcast %and3A_988 : vector<16xi32> -> vector<16xf32>
        %get3A_990 = arith.constant 640 : index
        %get3A_991 = tpu.vector_load %arg6[%get3A_990] {strides = array<i32>} : memref<1024xf32, #tpu.memory_space<vmem>>, vector<16xf32>,
        %mul3A_992 = arith.mulf %bitcast_convert_type3A_989, %get3A_991 : vector<16xf32>
        %add3A_993 = arith.addf %add3A_905, %mul3A_992 : vector<16xf32>
        %get3A_994 = arith.index_cast %scan3A_95 : i32 to index
        %get3A_995 = arith.constant 656 : index
        %get3A_996 = tpu.vector_load %arg8[%get3A_994, %get3A_995] {strides = array<i32>} : memref<16x1024xf32, #tpu.memory_space<vmem>>, vector<16xf32>,
        %bitcast_convert_type3A_997 = tpu.bitcast %get3A_996 : vector<16xf32> -> vector<16xi32>
        %shift_right_logical3A_998 = arith.constant 16 : i32
        %shift_right_logical3A_999 = vector.broadcast %shift_right_logical3A_998 : i32 to vector<16xi32>
        %shift_right_logical3A_1000 = arith.shrui %bitcast_convert_type3A_997, %shift_right_logical3A_999 : vector<16xi32>
        %and3A_1001 = arith.constant 1 : i32
        %and3A_1002 = vector.broadcast %and3A_1001 : i32 to vector<16xi32>
        %and3A_1003 = arith.andi %shift_right_logical3A_1000, %and3A_1002 : vector<16xi32>
        %add3A_1004 = arith.constant 32767 : i32
        %add3A_1005 = vector.broadcast %add3A_1004 : i32 to vector<16xi32>
        %add3A_1006 = arith.addi %add3A_1005, %and3A_1003 : vector<16xi32>
        %add3A_1007 = arith.addi %bitcast_convert_type3A_997, %add3A_1006 : vector<16xi32>
        %and3A_1008 = arith.constant -65536 : i32
        %and3A_1009 = vector.broadcast %and3A_1008 : i32 to vector<16xi32>
        %and3A_1010 = arith.andi %add3A_1007, %and3A_1009 : vector<16xi32>
        %bitcast_convert_type3A_1011 = tpu.bitcast %and3A_1010 : vector<16xi32> -> vector<16xf32>
        %get3A_1012 = arith.constant 656 : index
        %get3A_1013 = tpu.vector_load %arg6[%get3A_1012] {strides = array<i32>} : memref<1024xf32, #tpu.memory_space<vmem>>, vector<16xf32>,
        %mul3A_1014 = arith.mulf %bitcast_convert_type3A_1011, %get3A_1013 : vector<16xf32>
        %add3A_1015 = arith.addf %add3A_927, %mul3A_1014 : vector<16xf32>
        %get3A_1016 = arith.index_cast %scan3A_95 : i32 to index
        %get3A_1017 = arith.constant 672 : index
        %get3A_1018 = tpu.vector_load %arg8[%get3A_1016, %get3A_1017] {strides = array<i32>} : memref<16x1024xf32, #tpu.memory_space<vmem>>, vector<16xf32>,
        %bitcast_convert_type3A_1019 = tpu.bitcast %get3A_1018 : vector<16xf32> -> vector<16xi32>
        %shift_right_logical3A_1020 = arith.constant 16 : i32
        %shift_right_logical3A_1021 = vector.broadcast %shift_right_logical3A_1020 : i32 to vector<16xi32>
        %shift_right_logical3A_1022 = arith.shrui %bitcast_convert_type3A_1019, %shift_right_logical3A_1021 : vector<16xi32>
        %and3A_1023 = arith.constant 1 : i32
        %and3A_1024 = vector.broadcast %and3A_1023 : i32 to vector<16xi32>
        %and3A_1025 = arith.andi %shift_right_logical3A_1022, %and3A_1024 : vector<16xi32>
        %add3A_1026 = arith.constant 32767 : i32
        %add3A_1027 = vector.broadcast %add3A_1026 : i32 to vector<16xi32>
        %add3A_1028 = arith.addi %add3A_1027, %and3A_1025 : vector<16xi32>
        %add3A_1029 = arith.addi %bitcast_convert_type3A_1019, %add3A_1028 : vector<16xi32>
        %and3A_1030 = arith.constant -65536 : i32
        %and3A_1031 = vector.broadcast %and3A_1030 : i32 to vector<16xi32>
        %and3A_1032 = arith.andi %add3A_1029, %and3A_1031 : vector<16xi32>
        %bitcast_convert_type3A_1033 = tpu.bitcast %and3A_1032 : vector<16xi32> -> vector<16xf32>
        %get3A_1034 = arith.constant 672 : index
        %get3A_1035 = tpu.vector_load %arg6[%get3A_1034] {strides = array<i32>} : memref<1024xf32, #tpu.memory_space<vmem>>, vector<16xf32>,
        %mul3A_1036 = arith.mulf %bitcast_convert_type3A_1033, %get3A_1035 : vector<16xf32>
        %add3A_1037 = arith.addf %add3A_949, %mul3A_1036 : vector<16xf32>
        %get3A_1038 = arith.index_cast %scan3A_95 : i32 to index
        %get3A_1039 = arith.constant 688 : index
        %get3A_1040 = tpu.vector_load %arg8[%get3A_1038, %get3A_1039] {strides = array<i32>} : memref<16x1024xf32, #tpu.memory_space<vmem>>, vector<16xf32>,
        %bitcast_convert_type3A_1041 = tpu.bitcast %get3A_1040 : vector<16xf32> -> vector<16xi32>
        %shift_right_logical3A_1042 = arith.constant 16 : i32
        %shift_right_logical3A_1043 = vector.broadcast %shift_right_logical3A_1042 : i32 to vector<16xi32>
        %shift_right_logical3A_1044 = arith.shrui %bitcast_convert_type3A_1041, %shift_right_logical3A_1043 : vector<16xi32>
        %and3A_1045 = arith.constant 1 : i32
        %and3A_1046 = vector.broadcast %and3A_1045 : i32 to vector<16xi32>
        %and3A_1047 = arith.andi %shift_right_logical3A_1044, %and3A_1046 : vector<16xi32>
        %add3A_1048 = arith.constant 32767 : i32
        %add3A_1049 = vector.broadcast %add3A_1048 : i32 to vector<16xi32>
        %add3A_1050 = arith.addi %add3A_1049, %and3A_1047 : vector<16xi32>
        %add3A_1051 = arith.addi %bitcast_convert_type3A_1041, %add3A_1050 : vector<16xi32>
        %and3A_1052 = arith.constant -65536 : i32
        %and3A_1053 = vector.broadcast %and3A_1052 : i32 to vector<16xi32>
        %and3A_1054 = arith.andi %add3A_1051, %and3A_1053 : vector<16xi32>
        %bitcast_convert_type3A_1055 = tpu.bitcast %and3A_1054 : vector<16xi32> -> vector<16xf32>
        %get3A_1056 = arith.constant 688 : index
        %get3A_1057 = tpu.vector_load %arg6[%get3A_1056] {strides = array<i32>} : memref<1024xf32, #tpu.memory_space<vmem>>, vector<16xf32>,
        %mul3A_1058 = arith.mulf %bitcast_convert_type3A_1055, %get3A_1057 : vector<16xf32>
        %add3A_1059 = arith.addf %add3A_971, %mul3A_1058 : vector<16xf32>
        %get3A_1060 = arith.index_cast %scan3A_95 : i32 to index
        %get3A_1061 = arith.constant 704 : index
        %get3A_1062 = tpu.vector_load %arg8[%get3A_1060, %get3A_1061] {strides = array<i32>} : memref<16x1024xf32, #tpu.memory_space<vmem>>, vector<16xf32>,
        %bitcast_convert_type3A_1063 = tpu.bitcast %get3A_1062 : vector<16xf32> -> vector<16xi32>
        %shift_right_logical3A_1064 = arith.constant 16 : i32
        %shift_right_logical3A_1065 = vector.broadcast %shift_right_logical3A_1064 : i32 to vector<16xi32>
        %shift_right_logical3A_1066 = arith.shrui %bitcast_convert_type3A_1063, %shift_right_logical3A_1065 : vector<16xi32>
        %and3A_1067 = arith.constant 1 : i32
        %and3A_1068 = vector.broadcast %and3A_1067 : i32 to vector<16xi32>
        %and3A_1069 = arith.andi %shift_right_logical3A_1066, %and3A_1068 : vector<16xi32>
        %add3A_1070 = arith.constant 32767 : i32
        %add3A_1071 = vector.broadcast %add3A_1070 : i32 to vector<16xi32>
        %add3A_1072 = arith.addi %add3A_1071, %and3A_1069 : vector<16xi32>
        %add3A_1073 = arith.addi %bitcast_convert_type3A_1063, %add3A_1072 : vector<16xi32>
        %and3A_1074 = arith.constant -65536 : i32
        %and3A_1075 = vector.broadcast %and3A_1074 : i32 to vector<16xi32>
        %and3A_1076 = arith.andi %add3A_1073, %and3A_1075 : vector<16xi32>
        %bitcast_convert_type3A_1077 = tpu.bitcast %and3A_1076 : vector<16xi32> -> vector<16xf32>
        %get3A_1078 = arith.constant 704 : index
        %get3A_1079 = tpu.vector_load %arg6[%get3A_1078] {strides = array<i32>} : memref<1024xf32, #tpu.memory_space<vmem>>, vector<16xf32>,
        %mul3A_1080 = arith.mulf %bitcast_convert_type3A_1077, %get3A_1079 : vector<16xf32>
        %add3A_1081 = arith.addf %add3A_993, %mul3A_1080 : vector<16xf32>
        %get3A_1082 = arith.index_cast %scan3A_95 : i32 to index
        %get3A_1083 = arith.constant 720 : index
        %get3A_1084 = tpu.vector_load %arg8[%get3A_1082, %get3A_1083] {strides = array<i32>} : memref<16x1024xf32, #tpu.memory_space<vmem>>, vector<16xf32>,
        %bitcast_convert_type3A_1085 = tpu.bitcast %get3A_1084 : vector<16xf32> -> vector<16xi32>
        %shift_right_logical3A_1086 = arith.constant 16 : i32
        %shift_right_logical3A_1087 = vector.broadcast %shift_right_logical3A_1086 : i32 to vector<16xi32>
        %shift_right_logical3A_1088 = arith.shrui %bitcast_convert_type3A_1085, %shift_right_logical3A_1087 : vector<16xi32>
        %and3A_1089 = arith.constant 1 : i32
        %and3A_1090 = vector.broadcast %and3A_1089 : i32 to vector<16xi32>
        %and3A_1091 = arith.andi %shift_right_logical3A_1088, %and3A_1090 : vector<16xi32>
        %add3A_1092 = arith.constant 32767 : i32
        %add3A_1093 = vector.broadcast %add3A_1092 : i32 to vector<16xi32>
        %add3A_1094 = arith.addi %add3A_1093, %and3A_1091 : vector<16xi32>
        %add3A_1095 = arith.addi %bitcast_convert_type3A_1085, %add3A_1094 : vector<16xi32>
        %and3A_1096 = arith.constant -65536 : i32
        %and3A_1097 = vector.broadcast %and3A_1096 : i32 to vector<16xi32>
        %and3A_1098 = arith.andi %add3A_1095, %and3A_1097 : vector<16xi32>
        %bitcast_convert_type3A_1099 = tpu.bitcast %and3A_1098 : vector<16xi32> -> vector<16xf32>
        %get3A_1100 = arith.constant 720 : index
        %get3A_1101 = tpu.vector_load %arg6[%get3A_1100] {strides = array<i32>} : memref<1024xf32, #tpu.memory_space<vmem>>, vector<16xf32>,
        %mul3A_1102 = arith.mulf %bitcast_convert_type3A_1099, %get3A_1101 : vector<16xf32>
        %add3A_1103 = arith.addf %add3A_1015, %mul3A_1102 : vector<16xf32>
        %get3A_1104 = arith.index_cast %scan3A_95 : i32 to index
        %get3A_1105 = arith.constant 736 : index
        %get3A_1106 = tpu.vector_load %arg8[%get3A_1104, %get3A_1105] {strides = array<i32>} : memref<16x1024xf32, #tpu.memory_space<vmem>>, vector<16xf32>,
        %bitcast_convert_type3A_1107 = tpu.bitcast %get3A_1106 : vector<16xf32> -> vector<16xi32>
        %shift_right_logical3A_1108 = arith.constant 16 : i32
        %shift_right_logical3A_1109 = vector.broadcast %shift_right_logical3A_1108 : i32 to vector<16xi32>
        %shift_right_logical3A_1110 = arith.shrui %bitcast_convert_type3A_1107, %shift_right_logical3A_1109 : vector<16xi32>
        %and3A_1111 = arith.constant 1 : i32
        %and3A_1112 = vector.broadcast %and3A_1111 : i32 to vector<16xi32>
        %and3A_1113 = arith.andi %shift_right_logical3A_1110, %and3A_1112 : vector<16xi32>
        %add3A_1114 = arith.constant 32767 : i32
        %add3A_1115 = vector.broadcast %add3A_1114 : i32 to vector<16xi32>
        %add3A_1116 = arith.addi %add3A_1115, %and3A_1113 : vector<16xi32>
        %add3A_1117 = arith.addi %bitcast_convert_type3A_1107, %add3A_1116 : vector<16xi32>
        %and3A_1118 = arith.constant -65536 : i32
        %and3A_1119 = vector.broadcast %and3A_1118 : i32 to vector<16xi32>
        %and3A_1120 = arith.andi %add3A_1117, %and3A_1119 : vector<16xi32>
        %bitcast_convert_type3A_1121 = tpu.bitcast %and3A_1120 : vector<16xi32> -> vector<16xf32>
        %get3A_1122 = arith.constant 736 : index
        %get3A_1123 = tpu.vector_load %arg6[%get3A_1122] {strides = array<i32>} : memref<1024xf32, #tpu.memory_space<vmem>>, vector<16xf32>,
        %mul3A_1124 = arith.mulf %bitcast_convert_type3A_1121, %get3A_1123 : vector<16xf32>
        %add3A_1125 = arith.addf %add3A_1037, %mul3A_1124 : vector<16xf32>
        %get3A_1126 = arith.index_cast %scan3A_95 : i32 to index
        %get3A_1127 = arith.constant 752 : index
        %get3A_1128 = tpu.vector_load %arg8[%get3A_1126, %get3A_1127] {strides = array<i32>} : memref<16x1024xf32, #tpu.memory_space<vmem>>, vector<16xf32>,
        %bitcast_convert_type3A_1129 = tpu.bitcast %get3A_1128 : vector<16xf32> -> vector<16xi32>
        %shift_right_logical3A_1130 = arith.constant 16 : i32
        %shift_right_logical3A_1131 = vector.broadcast %shift_right_logical3A_1130 : i32 to vector<16xi32>
        %shift_right_logical3A_1132 = arith.shrui %bitcast_convert_type3A_1129, %shift_right_logical3A_1131 : vector<16xi32>
        %and3A_1133 = arith.constant 1 : i32
        %and3A_1134 = vector.broadcast %and3A_1133 : i32 to vector<16xi32>
        %and3A_1135 = arith.andi %shift_right_logical3A_1132, %and3A_1134 : vector<16xi32>
        %add3A_1136 = arith.constant 32767 : i32
        %add3A_1137 = vector.broadcast %add3A_1136 : i32 to vector<16xi32>
        %add3A_1138 = arith.addi %add3A_1137, %and3A_1135 : vector<16xi32>
        %add3A_1139 = arith.addi %bitcast_convert_type3A_1129, %add3A_1138 : vector<16xi32>
        %and3A_1140 = arith.constant -65536 : i32
        %and3A_1141 = vector.broadcast %and3A_1140 : i32 to vector<16xi32>
        %and3A_1142 = arith.andi %add3A_1139, %and3A_1141 : vector<16xi32>
        %bitcast_convert_type3A_1143 = tpu.bitcast %and3A_1142 : vector<16xi32> -> vector<16xf32>
        %get3A_1144 = arith.constant 752 : index
        %get3A_1145 = tpu.vector_load %arg6[%get3A_1144] {strides = array<i32>} : memref<1024xf32, #tpu.memory_space<vmem>>, vector<16xf32>,
        %mul3A_1146 = arith.mulf %bitcast_convert_type3A_1143, %get3A_1145 : vector<16xf32>
        %add3A_1147 = arith.addf %add3A_1059, %mul3A_1146 : vector<16xf32>
        %get3A_1148 = arith.index_cast %scan3A_95 : i32 to index
        %get3A_1149 = arith.constant 768 : index
        %get3A_1150 = tpu.vector_load %arg8[%get3A_1148, %get3A_1149] {strides = array<i32>} : memref<16x1024xf32, #tpu.memory_space<vmem>>, vector<16xf32>,
        %bitcast_convert_type3A_1151 = tpu.bitcast %get3A_1150 : vector<16xf32> -> vector<16xi32>
        %shift_right_logical3A_1152 = arith.constant 16 : i32
        %shift_right_logical3A_1153 = vector.broadcast %shift_right_logical3A_1152 : i32 to vector<16xi32>
        %shift_right_logical3A_1154 = arith.shrui %bitcast_convert_type3A_1151, %shift_right_logical3A_1153 : vector<16xi32>
        %and3A_1155 = arith.constant 1 : i32
        %and3A_1156 = vector.broadcast %and3A_1155 : i32 to vector<16xi32>
        %and3A_1157 = arith.andi %shift_right_logical3A_1154, %and3A_1156 : vector<16xi32>
        %add3A_1158 = arith.constant 32767 : i32
        %add3A_1159 = vector.broadcast %add3A_1158 : i32 to vector<16xi32>
        %add3A_1160 = arith.addi %add3A_1159, %and3A_1157 : vector<16xi32>
        %add3A_1161 = arith.addi %bitcast_convert_type3A_1151, %add3A_1160 : vector<16xi32>
        %and3A_1162 = arith.constant -65536 : i32
        %and3A_1163 = vector.broadcast %and3A_1162 : i32 to vector<16xi32>
        %and3A_1164 = arith.andi %add3A_1161, %and3A_1163 : vector<16xi32>
        %bitcast_convert_type3A_1165 = tpu.bitcast %and3A_1164 : vector<16xi32> -> vector<16xf32>
        %get3A_1166 = arith.constant 768 : index
        %get3A_1167 = tpu.vector_load %arg6[%get3A_1166] {strides = array<i32>} : memref<1024xf32, #tpu.memory_space<vmem>>, vector<16xf32>,
        %mul3A_1168 = arith.mulf %bitcast_convert_type3A_1165, %get3A_1167 : vector<16xf32>
        %add3A_1169 = arith.addf %add3A_1081, %mul3A_1168 : vector<16xf32>
        %get3A_1170 = arith.index_cast %scan3A_95 : i32 to index
        %get3A_1171 = arith.constant 784 : index
        %get3A_1172 = tpu.vector_load %arg8[%get3A_1170, %get3A_1171] {strides = array<i32>} : memref<16x1024xf32, #tpu.memory_space<vmem>>, vector<16xf32>,
        %bitcast_convert_type3A_1173 = tpu.bitcast %get3A_1172 : vector<16xf32> -> vector<16xi32>
        %shift_right_logical3A_1174 = arith.constant 16 : i32
        %shift_right_logical3A_1175 = vector.broadcast %shift_right_logical3A_1174 : i32 to vector<16xi32>
        %shift_right_logical3A_1176 = arith.shrui %bitcast_convert_type3A_1173, %shift_right_logical3A_1175 : vector<16xi32>
        %and3A_1177 = arith.constant 1 : i32
        %and3A_1178 = vector.broadcast %and3A_1177 : i32 to vector<16xi32>
        %and3A_1179 = arith.andi %shift_right_logical3A_1176, %and3A_1178 : vector<16xi32>
        %add3A_1180 = arith.constant 32767 : i32
        %add3A_1181 = vector.broadcast %add3A_1180 : i32 to vector<16xi32>
        %add3A_1182 = arith.addi %add3A_1181, %and3A_1179 : vector<16xi32>
        %add3A_1183 = arith.addi %bitcast_convert_type3A_1173, %add3A_1182 : vector<16xi32>
        %and3A_1184 = arith.constant -65536 : i32
        %and3A_1185 = vector.broadcast %and3A_1184 : i32 to vector<16xi32>
        %and3A_1186 = arith.andi %add3A_1183, %and3A_1185 : vector<16xi32>
        %bitcast_convert_type3A_1187 = tpu.bitcast %and3A_1186 : vector<16xi32> -> vector<16xf32>
        %get3A_1188 = arith.constant 784 : index
        %get3A_1189 = tpu.vector_load %arg6[%get3A_1188] {strides = array<i32>} : memref<1024xf32, #tpu.memory_space<vmem>>, vector<16xf32>,
        %mul3A_1190 = arith.mulf %bitcast_convert_type3A_1187, %get3A_1189 : vector<16xf32>
        %add3A_1191 = arith.addf %add3A_1103, %mul3A_1190 : vector<16xf32>
        %get3A_1192 = arith.index_cast %scan3A_95 : i32 to index
        %get3A_1193 = arith.constant 800 : index
        %get3A_1194 = tpu.vector_load %arg8[%get3A_1192, %get3A_1193] {strides = array<i32>} : memref<16x1024xf32, #tpu.memory_space<vmem>>, vector<16xf32>,
        %bitcast_convert_type3A_1195 = tpu.bitcast %get3A_1194 : vector<16xf32> -> vector<16xi32>
        %shift_right_logical3A_1196 = arith.constant 16 : i32
        %shift_right_logical3A_1197 = vector.broadcast %shift_right_logical3A_1196 : i32 to vector<16xi32>
        %shift_right_logical3A_1198 = arith.shrui %bitcast_convert_type3A_1195, %shift_right_logical3A_1197 : vector<16xi32>
        %and3A_1199 = arith.constant 1 : i32
        %and3A_1200 = vector.broadcast %and3A_1199 : i32 to vector<16xi32>
        %and3A_1201 = arith.andi %shift_right_logical3A_1198, %and3A_1200 : vector<16xi32>
        %add3A_1202 = arith.constant 32767 : i32
        %add3A_1203 = vector.broadcast %add3A_1202 : i32 to vector<16xi32>
        %add3A_1204 = arith.addi %add3A_1203, %and3A_1201 : vector<16xi32>
        %add3A_1205 = arith.addi %bitcast_convert_type3A_1195, %add3A_1204 : vector<16xi32>
        %and3A_1206 = arith.constant -65536 : i32
        %and3A_1207 = vector.broadcast %and3A_1206 : i32 to vector<16xi32>
        %and3A_1208 = arith.andi %add3A_1205, %and3A_1207 : vector<16xi32>
        %bitcast_convert_type3A_1209 = tpu.bitcast %and3A_1208 : vector<16xi32> -> vector<16xf32>
        %get3A_1210 = arith.constant 800 : index
        %get3A_1211 = tpu.vector_load %arg6[%get3A_1210] {strides = array<i32>} : memref<1024xf32, #tpu.memory_space<vmem>>, vector<16xf32>,
        %mul3A_1212 = arith.mulf %bitcast_convert_type3A_1209, %get3A_1211 : vector<16xf32>
        %add3A_1213 = arith.addf %add3A_1125, %mul3A_1212 : vector<16xf32>
        %get3A_1214 = arith.index_cast %scan3A_95 : i32 to index
        %get3A_1215 = arith.constant 816 : index
        %get3A_1216 = tpu.vector_load %arg8[%get3A_1214, %get3A_1215] {strides = array<i32>} : memref<16x1024xf32, #tpu.memory_space<vmem>>, vector<16xf32>,
        %bitcast_convert_type3A_1217 = tpu.bitcast %get3A_1216 : vector<16xf32> -> vector<16xi32>
        %shift_right_logical3A_1218 = arith.constant 16 : i32
        %shift_right_logical3A_1219 = vector.broadcast %shift_right_logical3A_1218 : i32 to vector<16xi32>
        %shift_right_logical3A_1220 = arith.shrui %bitcast_convert_type3A_1217, %shift_right_logical3A_1219 : vector<16xi32>
        %and3A_1221 = arith.constant 1 : i32
        %and3A_1222 = vector.broadcast %and3A_1221 : i32 to vector<16xi32>
        %and3A_1223 = arith.andi %shift_right_logical3A_1220, %and3A_1222 : vector<16xi32>
        %add3A_1224 = arith.constant 32767 : i32
        %add3A_1225 = vector.broadcast %add3A_1224 : i32 to vector<16xi32>
        %add3A_1226 = arith.addi %add3A_1225, %and3A_1223 : vector<16xi32>
        %add3A_1227 = arith.addi %bitcast_convert_type3A_1217, %add3A_1226 : vector<16xi32>
        %and3A_1228 = arith.constant -65536 : i32
        %and3A_1229 = vector.broadcast %and3A_1228 : i32 to vector<16xi32>
        %and3A_1230 = arith.andi %add3A_1227, %and3A_1229 : vector<16xi32>
        %bitcast_convert_type3A_1231 = tpu.bitcast %and3A_1230 : vector<16xi32> -> vector<16xf32>
        %get3A_1232 = arith.constant 816 : index
        %get3A_1233 = tpu.vector_load %arg6[%get3A_1232] {strides = array<i32>} : memref<1024xf32, #tpu.memory_space<vmem>>, vector<16xf32>,
        %mul3A_1234 = arith.mulf %bitcast_convert_type3A_1231, %get3A_1233 : vector<16xf32>
        %add3A_1235 = arith.addf %add3A_1147, %mul3A_1234 : vector<16xf32>
        %get3A_1236 = arith.index_cast %scan3A_95 : i32 to index
        %get3A_1237 = arith.constant 832 : index
        %get3A_1238 = tpu.vector_load %arg8[%get3A_1236, %get3A_1237] {strides = array<i32>} : memref<16x1024xf32, #tpu.memory_space<vmem>>, vector<16xf32>,
        %bitcast_convert_type3A_1239 = tpu.bitcast %get3A_1238 : vector<16xf32> -> vector<16xi32>
        %shift_right_logical3A_1240 = arith.constant 16 : i32
        %shift_right_logical3A_1241 = vector.broadcast %shift_right_logical3A_1240 : i32 to vector<16xi32>
        %shift_right_logical3A_1242 = arith.shrui %bitcast_convert_type3A_1239, %shift_right_logical3A_1241 : vector<16xi32>
        %and3A_1243 = arith.constant 1 : i32
        %and3A_1244 = vector.broadcast %and3A_1243 : i32 to vector<16xi32>
        %and3A_1245 = arith.andi %shift_right_logical3A_1242, %and3A_1244 : vector<16xi32>
        %add3A_1246 = arith.constant 32767 : i32
        %add3A_1247 = vector.broadcast %add3A_1246 : i32 to vector<16xi32>
        %add3A_1248 = arith.addi %add3A_1247, %and3A_1245 : vector<16xi32>
        %add3A_1249 = arith.addi %bitcast_convert_type3A_1239, %add3A_1248 : vector<16xi32>
        %and3A_1250 = arith.constant -65536 : i32
        %and3A_1251 = vector.broadcast %and3A_1250 : i32 to vector<16xi32>
        %and3A_1252 = arith.andi %add3A_1249, %and3A_1251 : vector<16xi32>
        %bitcast_convert_type3A_1253 = tpu.bitcast %and3A_1252 : vector<16xi32> -> vector<16xf32>
        %get3A_1254 = arith.constant 832 : index
        %get3A_1255 = tpu.vector_load %arg6[%get3A_1254] {strides = array<i32>} : memref<1024xf32, #tpu.memory_space<vmem>>, vector<16xf32>,
        %mul3A_1256 = arith.mulf %bitcast_convert_type3A_1253, %get3A_1255 : vector<16xf32>
        %add3A_1257 = arith.addf %add3A_1169, %mul3A_1256 : vector<16xf32>
        %get3A_1258 = arith.index_cast %scan3A_95 : i32 to index
        %get3A_1259 = arith.constant 848 : index
        %get3A_1260 = tpu.vector_load %arg8[%get3A_1258, %get3A_1259] {strides = array<i32>} : memref<16x1024xf32, #tpu.memory_space<vmem>>, vector<16xf32>,
        %bitcast_convert_type3A_1261 = tpu.bitcast %get3A_1260 : vector<16xf32> -> vector<16xi32>
        %shift_right_logical3A_1262 = arith.constant 16 : i32
        %shift_right_logical3A_1263 = vector.broadcast %shift_right_logical3A_1262 : i32 to vector<16xi32>
        %shift_right_logical3A_1264 = arith.shrui %bitcast_convert_type3A_1261, %shift_right_logical3A_1263 : vector<16xi32>
        %and3A_1265 = arith.constant 1 : i32
        %and3A_1266 = vector.broadcast %and3A_1265 : i32 to vector<16xi32>
        %and3A_1267 = arith.andi %shift_right_logical3A_1264, %and3A_1266 : vector<16xi32>
        %add3A_1268 = arith.constant 32767 : i32
        %add3A_1269 = vector.broadcast %add3A_1268 : i32 to vector<16xi32>
        %add3A_1270 = arith.addi %add3A_1269, %and3A_1267 : vector<16xi32>
        %add3A_1271 = arith.addi %bitcast_convert_type3A_1261, %add3A_1270 : vector<16xi32>
        %and3A_1272 = arith.constant -65536 : i32
        %and3A_1273 = vector.broadcast %and3A_1272 : i32 to vector<16xi32>
        %and3A_1274 = arith.andi %add3A_1271, %and3A_1273 : vector<16xi32>
        %bitcast_convert_type3A_1275 = tpu.bitcast %and3A_1274 : vector<16xi32> -> vector<16xf32>
        %get3A_1276 = arith.constant 848 : index
        %get3A_1277 = tpu.vector_load %arg6[%get3A_1276] {strides = array<i32>} : memref<1024xf32, #tpu.memory_space<vmem>>, vector<16xf32>,
        %mul3A_1278 = arith.mulf %bitcast_convert_type3A_1275, %get3A_1277 : vector<16xf32>
        %add3A_1279 = arith.addf %add3A_1191, %mul3A_1278 : vector<16xf32>
        %get3A_1280 = arith.index_cast %scan3A_95 : i32 to index
        %get3A_1281 = arith.constant 864 : index
        %get3A_1282 = tpu.vector_load %arg8[%get3A_1280, %get3A_1281] {strides = array<i32>} : memref<16x1024xf32, #tpu.memory_space<vmem>>, vector<16xf32>,
        %bitcast_convert_type3A_1283 = tpu.bitcast %get3A_1282 : vector<16xf32> -> vector<16xi32>
        %shift_right_logical3A_1284 = arith.constant 16 : i32
        %shift_right_logical3A_1285 = vector.broadcast %shift_right_logical3A_1284 : i32 to vector<16xi32>
        %shift_right_logical3A_1286 = arith.shrui %bitcast_convert_type3A_1283, %shift_right_logical3A_1285 : vector<16xi32>
        %and3A_1287 = arith.constant 1 : i32
        %and3A_1288 = vector.broadcast %and3A_1287 : i32 to vector<16xi32>
        %and3A_1289 = arith.andi %shift_right_logical3A_1286, %and3A_1288 : vector<16xi32>
        %add3A_1290 = arith.constant 32767 : i32
        %add3A_1291 = vector.broadcast %add3A_1290 : i32 to vector<16xi32>
        %add3A_1292 = arith.addi %add3A_1291, %and3A_1289 : vector<16xi32>
        %add3A_1293 = arith.addi %bitcast_convert_type3A_1283, %add3A_1292 : vector<16xi32>
        %and3A_1294 = arith.constant -65536 : i32
        %and3A_1295 = vector.broadcast %and3A_1294 : i32 to vector<16xi32>
        %and3A_1296 = arith.andi %add3A_1293, %and3A_1295 : vector<16xi32>
        %bitcast_convert_type3A_1297 = tpu.bitcast %and3A_1296 : vector<16xi32> -> vector<16xf32>
        %get3A_1298 = arith.constant 864 : index
        %get3A_1299 = tpu.vector_load %arg6[%get3A_1298] {strides = array<i32>} : memref<1024xf32, #tpu.memory_space<vmem>>, vector<16xf32>,
        %mul3A_1300 = arith.mulf %bitcast_convert_type3A_1297, %get3A_1299 : vector<16xf32>
        %add3A_1301 = arith.addf %add3A_1213, %mul3A_1300 : vector<16xf32>
        %get3A_1302 = arith.index_cast %scan3A_95 : i32 to index
        %get3A_1303 = arith.constant 880 : index
        %get3A_1304 = tpu.vector_load %arg8[%get3A_1302, %get3A_1303] {strides = array<i32>} : memref<16x1024xf32, #tpu.memory_space<vmem>>, vector<16xf32>,
        %bitcast_convert_type3A_1305 = tpu.bitcast %get3A_1304 : vector<16xf32> -> vector<16xi32>
        %shift_right_logical3A_1306 = arith.constant 16 : i32
        %shift_right_logical3A_1307 = vector.broadcast %shift_right_logical3A_1306 : i32 to vector<16xi32>
        %shift_right_logical3A_1308 = arith.shrui %bitcast_convert_type3A_1305, %shift_right_logical3A_1307 : vector<16xi32>
        %and3A_1309 = arith.constant 1 : i32
        %and3A_1310 = vector.broadcast %and3A_1309 : i32 to vector<16xi32>
        %and3A_1311 = arith.andi %shift_right_logical3A_1308, %and3A_1310 : vector<16xi32>
        %add3A_1312 = arith.constant 32767 : i32
        %add3A_1313 = vector.broadcast %add3A_1312 : i32 to vector<16xi32>
        %add3A_1314 = arith.addi %add3A_1313, %and3A_1311 : vector<16xi32>
        %add3A_1315 = arith.addi %bitcast_convert_type3A_1305, %add3A_1314 : vector<16xi32>
        %and3A_1316 = arith.constant -65536 : i32
        %and3A_1317 = vector.broadcast %and3A_1316 : i32 to vector<16xi32>
        %and3A_1318 = arith.andi %add3A_1315, %and3A_1317 : vector<16xi32>
        %bitcast_convert_type3A_1319 = tpu.bitcast %and3A_1318 : vector<16xi32> -> vector<16xf32>
        %get3A_1320 = arith.constant 880 : index
        %get3A_1321 = tpu.vector_load %arg6[%get3A_1320] {strides = array<i32>} : memref<1024xf32, #tpu.memory_space<vmem>>, vector<16xf32>,
        %mul3A_1322 = arith.mulf %bitcast_convert_type3A_1319, %get3A_1321 : vector<16xf32>
        %add3A_1323 = arith.addf %add3A_1235, %mul3A_1322 : vector<16xf32>
        %get3A_1324 = arith.index_cast %scan3A_95 : i32 to index
        %get3A_1325 = arith.constant 896 : index
        %get3A_1326 = tpu.vector_load %arg8[%get3A_1324, %get3A_1325] {strides = array<i32>} : memref<16x1024xf32, #tpu.memory_space<vmem>>, vector<16xf32>,
        %bitcast_convert_type3A_1327 = tpu.bitcast %get3A_1326 : vector<16xf32> -> vector<16xi32>
        %shift_right_logical3A_1328 = arith.constant 16 : i32
        %shift_right_logical3A_1329 = vector.broadcast %shift_right_logical3A_1328 : i32 to vector<16xi32>
        %shift_right_logical3A_1330 = arith.shrui %bitcast_convert_type3A_1327, %shift_right_logical3A_1329 : vector<16xi32>
        %and3A_1331 = arith.constant 1 : i32
        %and3A_1332 = vector.broadcast %and3A_1331 : i32 to vector<16xi32>
        %and3A_1333 = arith.andi %shift_right_logical3A_1330, %and3A_1332 : vector<16xi32>
        %add3A_1334 = arith.constant 32767 : i32
        %add3A_1335 = vector.broadcast %add3A_1334 : i32 to vector<16xi32>
        %add3A_1336 = arith.addi %add3A_1335, %and3A_1333 : vector<16xi32>
        %add3A_1337 = arith.addi %bitcast_convert_type3A_1327, %add3A_1336 : vector<16xi32>
        %and3A_1338 = arith.constant -65536 : i32
        %and3A_1339 = vector.broadcast %and3A_1338 : i32 to vector<16xi32>
        %and3A_1340 = arith.andi %add3A_1337, %and3A_1339 : vector<16xi32>
        %bitcast_convert_type3A_1341 = tpu.bitcast %and3A_1340 : vector<16xi32> -> vector<16xf32>
        %get3A_1342 = arith.constant 896 : index
        %get3A_1343 = tpu.vector_load %arg6[%get3A_1342] {strides = array<i32>} : memref<1024xf32, #tpu.memory_space<vmem>>, vector<16xf32>,
        %mul3A_1344 = arith.mulf %bitcast_convert_type3A_1341, %get3A_1343 : vector<16xf32>
        %add3A_1345 = arith.addf %add3A_1257, %mul3A_1344 : vector<16xf32>
        %get3A_1346 = arith.index_cast %scan3A_95 : i32 to index
        %get3A_1347 = arith.constant 912 : index
        %get3A_1348 = tpu.vector_load %arg8[%get3A_1346, %get3A_1347] {strides = array<i32>} : memref<16x1024xf32, #tpu.memory_space<vmem>>, vector<16xf32>,
        %bitcast_convert_type3A_1349 = tpu.bitcast %get3A_1348 : vector<16xf32> -> vector<16xi32>
        %shift_right_logical3A_1350 = arith.constant 16 : i32
        %shift_right_logical3A_1351 = vector.broadcast %shift_right_logical3A_1350 : i32 to vector<16xi32>
        %shift_right_logical3A_1352 = arith.shrui %bitcast_convert_type3A_1349, %shift_right_logical3A_1351 : vector<16xi32>
        %and3A_1353 = arith.constant 1 : i32
        %and3A_1354 = vector.broadcast %and3A_1353 : i32 to vector<16xi32>
        %and3A_1355 = arith.andi %shift_right_logical3A_1352, %and3A_1354 : vector<16xi32>
        %add3A_1356 = arith.constant 32767 : i32
        %add3A_1357 = vector.broadcast %add3A_1356 : i32 to vector<16xi32>
        %add3A_1358 = arith.addi %add3A_1357, %and3A_1355 : vector<16xi32>
        %add3A_1359 = arith.addi %bitcast_convert_type3A_1349, %add3A_1358 : vector<16xi32>
        %and3A_1360 = arith.constant -65536 : i32
        %and3A_1361 = vector.broadcast %and3A_1360 : i32 to vector<16xi32>
        %and3A_1362 = arith.andi %add3A_1359, %and3A_1361 : vector<16xi32>
        %bitcast_convert_type3A_1363 = tpu.bitcast %and3A_1362 : vector<16xi32> -> vector<16xf32>
        %get3A_1364 = arith.constant 912 : index
        %get3A_1365 = tpu.vector_load %arg6[%get3A_1364] {strides = array<i32>} : memref<1024xf32, #tpu.memory_space<vmem>>, vector<16xf32>,
        %mul3A_1366 = arith.mulf %bitcast_convert_type3A_1363, %get3A_1365 : vector<16xf32>
        %add3A_1367 = arith.addf %add3A_1279, %mul3A_1366 : vector<16xf32>
        %get3A_1368 = arith.index_cast %scan3A_95 : i32 to index
        %get3A_1369 = arith.constant 928 : index
        %get3A_1370 = tpu.vector_load %arg8[%get3A_1368, %get3A_1369] {strides = array<i32>} : memref<16x1024xf32, #tpu.memory_space<vmem>>, vector<16xf32>,
        %bitcast_convert_type3A_1371 = tpu.bitcast %get3A_1370 : vector<16xf32> -> vector<16xi32>
        %shift_right_logical3A_1372 = arith.constant 16 : i32
        %shift_right_logical3A_1373 = vector.broadcast %shift_right_logical3A_1372 : i32 to vector<16xi32>
        %shift_right_logical3A_1374 = arith.shrui %bitcast_convert_type3A_1371, %shift_right_logical3A_1373 : vector<16xi32>
        %and3A_1375 = arith.constant 1 : i32
        %and3A_1376 = vector.broadcast %and3A_1375 : i32 to vector<16xi32>
        %and3A_1377 = arith.andi %shift_right_logical3A_1374, %and3A_1376 : vector<16xi32>
        %add3A_1378 = arith.constant 32767 : i32
        %add3A_1379 = vector.broadcast %add3A_1378 : i32 to vector<16xi32>
        %add3A_1380 = arith.addi %add3A_1379, %and3A_1377 : vector<16xi32>
        %add3A_1381 = arith.addi %bitcast_convert_type3A_1371, %add3A_1380 : vector<16xi32>
        %and3A_1382 = arith.constant -65536 : i32
        %and3A_1383 = vector.broadcast %and3A_1382 : i32 to vector<16xi32>
        %and3A_1384 = arith.andi %add3A_1381, %and3A_1383 : vector<16xi32>
        %bitcast_convert_type3A_1385 = tpu.bitcast %and3A_1384 : vector<16xi32> -> vector<16xf32>
        %get3A_1386 = arith.constant 928 : index
        %get3A_1387 = tpu.vector_load %arg6[%get3A_1386] {strides = array<i32>} : memref<1024xf32, #tpu.memory_space<vmem>>, vector<16xf32>,
        %mul3A_1388 = arith.mulf %bitcast_convert_type3A_1385, %get3A_1387 : vector<16xf32>
        %add3A_1389 = arith.addf %add3A_1301, %mul3A_1388 : vector<16xf32>
        %get3A_1390 = arith.index_cast %scan3A_95 : i32 to index
        %get3A_1391 = arith.constant 944 : index
        %get3A_1392 = tpu.vector_load %arg8[%get3A_1390, %get3A_1391] {strides = array<i32>} : memref<16x1024xf32, #tpu.memory_space<vmem>>, vector<16xf32>,
        %bitcast_convert_type3A_1393 = tpu.bitcast %get3A_1392 : vector<16xf32> -> vector<16xi32>
        %shift_right_logical3A_1394 = arith.constant 16 : i32
        %shift_right_logical3A_1395 = vector.broadcast %shift_right_logical3A_1394 : i32 to vector<16xi32>
        %shift_right_logical3A_1396 = arith.shrui %bitcast_convert_type3A_1393, %shift_right_logical3A_1395 : vector<16xi32>
        %and3A_1397 = arith.constant 1 : i32
        %and3A_1398 = vector.broadcast %and3A_1397 : i32 to vector<16xi32>
        %and3A_1399 = arith.andi %shift_right_logical3A_1396, %and3A_1398 : vector<16xi32>
        %add3A_1400 = arith.constant 32767 : i32
        %add3A_1401 = vector.broadcast %add3A_1400 : i32 to vector<16xi32>
        %add3A_1402 = arith.addi %add3A_1401, %and3A_1399 : vector<16xi32>
        %add3A_1403 = arith.addi %bitcast_convert_type3A_1393, %add3A_1402 : vector<16xi32>
        %and3A_1404 = arith.constant -65536 : i32
        %and3A_1405 = vector.broadcast %and3A_1404 : i32 to vector<16xi32>
        %and3A_1406 = arith.andi %add3A_1403, %and3A_1405 : vector<16xi32>
        %bitcast_convert_type3A_1407 = tpu.bitcast %and3A_1406 : vector<16xi32> -> vector<16xf32>
        %get3A_1408 = arith.constant 944 : index
        %get3A_1409 = tpu.vector_load %arg6[%get3A_1408] {strides = array<i32>} : memref<1024xf32, #tpu.memory_space<vmem>>, vector<16xf32>,
        %mul3A_1410 = arith.mulf %bitcast_convert_type3A_1407, %get3A_1409 : vector<16xf32>
        %add3A_1411 = arith.addf %add3A_1323, %mul3A_1410 : vector<16xf32>
        %get3A_1412 = arith.index_cast %scan3A_95 : i32 to index
        %get3A_1413 = arith.constant 960 : index
        %get3A_1414 = tpu.vector_load %arg8[%get3A_1412, %get3A_1413] {strides = array<i32>} : memref<16x1024xf32, #tpu.memory_space<vmem>>, vector<16xf32>,
        %bitcast_convert_type3A_1415 = tpu.bitcast %get3A_1414 : vector<16xf32> -> vector<16xi32>
        %shift_right_logical3A_1416 = arith.constant 16 : i32
        %shift_right_logical3A_1417 = vector.broadcast %shift_right_logical3A_1416 : i32 to vector<16xi32>
        %shift_right_logical3A_1418 = arith.shrui %bitcast_convert_type3A_1415, %shift_right_logical3A_1417 : vector<16xi32>
        %and3A_1419 = arith.constant 1 : i32
        %and3A_1420 = vector.broadcast %and3A_1419 : i32 to vector<16xi32>
        %and3A_1421 = arith.andi %shift_right_logical3A_1418, %and3A_1420 : vector<16xi32>
        %add3A_1422 = arith.constant 32767 : i32
        %add3A_1423 = vector.broadcast %add3A_1422 : i32 to vector<16xi32>
        %add3A_1424 = arith.addi %add3A_1423, %and3A_1421 : vector<16xi32>
        %add3A_1425 = arith.addi %bitcast_convert_type3A_1415, %add3A_1424 : vector<16xi32>
        %and3A_1426 = arith.constant -65536 : i32
        %and3A_1427 = vector.broadcast %and3A_1426 : i32 to vector<16xi32>
        %and3A_1428 = arith.andi %add3A_1425, %and3A_1427 : vector<16xi32>
        %bitcast_convert_type3A_1429 = tpu.bitcast %and3A_1428 : vector<16xi32> -> vector<16xf32>
        %get3A_1430 = arith.constant 960 : index
        %get3A_1431 = tpu.vector_load %arg6[%get3A_1430] {strides = array<i32>} : memref<1024xf32, #tpu.memory_space<vmem>>, vector<16xf32>,
        %mul3A_1432 = arith.mulf %bitcast_convert_type3A_1429, %get3A_1431 : vector<16xf32>
        %add3A_1433 = arith.addf %add3A_1345, %mul3A_1432 : vector<16xf32>
        %get3A_1434 = arith.index_cast %scan3A_95 : i32 to index
        %get3A_1435 = arith.constant 976 : index
        %get3A_1436 = tpu.vector_load %arg8[%get3A_1434, %get3A_1435] {strides = array<i32>} : memref<16x1024xf32, #tpu.memory_space<vmem>>, vector<16xf32>,
        %bitcast_convert_type3A_1437 = tpu.bitcast %get3A_1436 : vector<16xf32> -> vector<16xi32>
        %shift_right_logical3A_1438 = arith.constant 16 : i32
        %shift_right_logical3A_1439 = vector.broadcast %shift_right_logical3A_1438 : i32 to vector<16xi32>
        %shift_right_logical3A_1440 = arith.shrui %bitcast_convert_type3A_1437, %shift_right_logical3A_1439 : vector<16xi32>
        %and3A_1441 = arith.constant 1 : i32
        %and3A_1442 = vector.broadcast %and3A_1441 : i32 to vector<16xi32>
        %and3A_1443 = arith.andi %shift_right_logical3A_1440, %and3A_1442 : vector<16xi32>
        %add3A_1444 = arith.constant 32767 : i32
        %add3A_1445 = vector.broadcast %add3A_1444 : i32 to vector<16xi32>
        %add3A_1446 = arith.addi %add3A_1445, %and3A_1443 : vector<16xi32>
        %add3A_1447 = arith.addi %bitcast_convert_type3A_1437, %add3A_1446 : vector<16xi32>
        %and3A_1448 = arith.constant -65536 : i32
        %and3A_1449 = vector.broadcast %and3A_1448 : i32 to vector<16xi32>
        %and3A_1450 = arith.andi %add3A_1447, %and3A_1449 : vector<16xi32>
        %bitcast_convert_type3A_1451 = tpu.bitcast %and3A_1450 : vector<16xi32> -> vector<16xf32>
        %get3A_1452 = arith.constant 976 : index
        %get3A_1453 = tpu.vector_load %arg6[%get3A_1452] {strides = array<i32>} : memref<1024xf32, #tpu.memory_space<vmem>>, vector<16xf32>,
        %mul3A_1454 = arith.mulf %bitcast_convert_type3A_1451, %get3A_1453 : vector<16xf32>
        %add3A_1455 = arith.addf %add3A_1367, %mul3A_1454 : vector<16xf32>
        %get3A_1456 = arith.index_cast %scan3A_95 : i32 to index
        %get3A_1457 = arith.constant 992 : index
        %get3A_1458 = tpu.vector_load %arg8[%get3A_1456, %get3A_1457] {strides = array<i32>} : memref<16x1024xf32, #tpu.memory_space<vmem>>, vector<16xf32>,
        %bitcast_convert_type3A_1459 = tpu.bitcast %get3A_1458 : vector<16xf32> -> vector<16xi32>
        %shift_right_logical3A_1460 = arith.constant 16 : i32
        %shift_right_logical3A_1461 = vector.broadcast %shift_right_logical3A_1460 : i32 to vector<16xi32>
        %shift_right_logical3A_1462 = arith.shrui %bitcast_convert_type3A_1459, %shift_right_logical3A_1461 : vector<16xi32>
        %and3A_1463 = arith.constant 1 : i32
        %and3A_1464 = vector.broadcast %and3A_1463 : i32 to vector<16xi32>
        %and3A_1465 = arith.andi %shift_right_logical3A_1462, %and3A_1464 : vector<16xi32>
        %add3A_1466 = arith.constant 32767 : i32
        %add3A_1467 = vector.broadcast %add3A_1466 : i32 to vector<16xi32>
        %add3A_1468 = arith.addi %add3A_1467, %and3A_1465 : vector<16xi32>
        %add3A_1469 = arith.addi %bitcast_convert_type3A_1459, %add3A_1468 : vector<16xi32>
        %and3A_1470 = arith.constant -65536 : i32
        %and3A_1471 = vector.broadcast %and3A_1470 : i32 to vector<16xi32>
        %and3A_1472 = arith.andi %add3A_1469, %and3A_1471 : vector<16xi32>
        %bitcast_convert_type3A_1473 = tpu.bitcast %and3A_1472 : vector<16xi32> -> vector<16xf32>
        %get3A_1474 = arith.constant 992 : index
        %get3A_1475 = tpu.vector_load %arg6[%get3A_1474] {strides = array<i32>} : memref<1024xf32, #tpu.memory_space<vmem>>, vector<16xf32>,
        %mul3A_1476 = arith.mulf %bitcast_convert_type3A_1473, %get3A_1475 : vector<16xf32>
        %add3A_1477 = arith.addf %add3A_1389, %mul3A_1476 : vector<16xf32>
        %get3A_1478 = arith.index_cast %scan3A_95 : i32 to index
        %get3A_1479 = arith.constant 1008 : index
        %get3A_1480 = tpu.vector_load %arg8[%get3A_1478, %get3A_1479] {strides = array<i32>} : memref<16x1024xf32, #tpu.memory_space<vmem>>, vector<16xf32>,
        %bitcast_convert_type3A_1481 = tpu.bitcast %get3A_1480 : vector<16xf32> -> vector<16xi32>
        %shift_right_logical3A_1482 = arith.constant 16 : i32
        %shift_right_logical3A_1483 = vector.broadcast %shift_right_logical3A_1482 : i32 to vector<16xi32>
        %shift_right_logical3A_1484 = arith.shrui %bitcast_convert_type3A_1481, %shift_right_logical3A_1483 : vector<16xi32>
        %and3A_1485 = arith.constant 1 : i32
        %and3A_1486 = vector.broadcast %and3A_1485 : i32 to vector<16xi32>
        %and3A_1487 = arith.andi %shift_right_logical3A_1484, %and3A_1486 : vector<16xi32>
        %add3A_1488 = arith.constant 32767 : i32
        %add3A_1489 = vector.broadcast %add3A_1488 : i32 to vector<16xi32>
        %add3A_1490 = arith.addi %add3A_1489, %and3A_1487 : vector<16xi32>
        %add3A_1491 = arith.addi %bitcast_convert_type3A_1481, %add3A_1490 : vector<16xi32>
        %and3A_1492 = arith.constant -65536 : i32
        %and3A_1493 = vector.broadcast %and3A_1492 : i32 to vector<16xi32>
        %and3A_1494 = arith.andi %add3A_1491, %and3A_1493 : vector<16xi32>
        %bitcast_convert_type3A_1495 = tpu.bitcast %and3A_1494 : vector<16xi32> -> vector<16xf32>
        %get3A_1496 = arith.constant 1008 : index
        %get3A_1497 = tpu.vector_load %arg6[%get3A_1496] {strides = array<i32>} : memref<1024xf32, #tpu.memory_space<vmem>>, vector<16xf32>,
        %mul3A_1498 = arith.mulf %bitcast_convert_type3A_1495, %get3A_1497 : vector<16xf32>
        %add3A_1499 = arith.addf %add3A_1411, %mul3A_1498 : vector<16xf32>
        %add3A_1500 = arith.addf %add3A_1433, %add3A_1455 : vector<16xf32>
        %add3A_1501 = arith.addf %add3A_1477, %add3A_1499 : vector<16xf32>
        %add3A_1502 = arith.addf %add3A_1500, %add3A_1501 : vector<16xf32>
        %reduce_sum3A = arith.constant true
        %reduce_sum3A_1503 = vector.broadcast %reduce_sum3A : i1 to vector<16xi1>
        %reduce_sum3A_1504 = tpu.scan <sum>, %add3A_1502 masked %reduce_sum3A_1503 : vector<16xf32>, vector<16xi1> -> vector<16xf32>
        %reduce_sum3A_1505 = vector.extract %reduce_sum3A_1504[15] : f32 from vector<16xf32>
        %broadcast_in_dim3A_1506 = vector.broadcast %reduce_sum3A_1505 : f32 to vector<16xf32>
        %get3A_1507 = arith.constant 0 : index
        %get3A_1508 = tpu.vector_load %arg7[%get3A_1507] {strides = array<i32>} : memref<16xf32, #tpu.memory_space<vmem>>, vector<16xf32>,
        %add3A_1509 = arith.addf %broadcast_in_dim3A_1506, %get3A_1508 : vector<16xf32>
        %neg3A = arith.constant 0.000000e+00 : f32
        %neg3A_1510 = vector.broadcast %neg3A : f32 to vector<16xf32>
        %neg3A_1511 = arith.subf %neg3A_1510, %add3A_1509 : vector<16xf32>
        %exp3A = math.exp %neg3A_1511 : vector<16xf32>
        %add3A_1512 = arith.constant 1.000000e+00 : f32
        %add3A_1513 = vector.broadcast %add3A_1512 : f32 to vector<16xf32>
        %add3A_1514 = arith.addf %add3A_1513, %exp3A : vector<16xf32>
        %div3A = arith.constant 1.000000e+00 : f32
        %div3A_1515 = vector.broadcast %div3A : f32 to vector<16xf32>
        %div3A_1516 = arith.divf %div3A_1515, %add3A_1514 : vector<16xf32>
        %gt3A = arith.constant 0.000000e+00 : f32
        %gt3A_1517 = vector.broadcast %gt3A : f32 to vector<16xf32>
        %gt3A_1518 = arith.cmpf ogt, %add3A_1509, %gt3A_1517 : vector<16xf32>
        %jit3A = arith.constant 0.000000e+00 : f32
        %broadcast_in_dim3A_1519 = vector.broadcast %jit3A : f32 to vector<16xf32>
        %select_n3A = arith.select %gt3A_1518, %div3A_1516, %broadcast_in_dim3A_1519 : vector<16xi1>, vector<16xf32>
        %get3A_1520 = arith.index_cast %scan3A_95 : i32 to index
        %get3A_1521 = arith.constant 0 : index
        %get3A_1522 = tpu.vector_load %arg8[%get3A_1520, %get3A_1521] {strides = array<i32>} : memref<16x1024xf32, #tpu.memory_space<vmem>>, vector<16xf32>,
        %mul3A_1523 = arith.mulf %get3A_1522, %select_n3A : vector<16xf32>
        %swap3A = arith.index_cast %scan3A_95 : i32 to index
        %swap3A_1524 = arith.constant 0 : index
        %swap3A_1525 = tpu.vector_load %arg10[%swap3A, %swap3A_1524] {strides = array<i32>} : memref<16x1024xf32, #tpu.memory_space<vmem>>, vector<16xf32>,
        tpu.vector_store %arg10[%swap3A, %swap3A_1524], %mul3A_1523 {strides = array<i32>} : memref<16x1024xf32, #tpu.memory_space<vmem>>, vector<16xf32>,
        %get3A_1526 = arith.index_cast %scan3A_95 : i32 to index
        %get3A_1527 = arith.constant 16 : index
        %get3A_1528 = tpu.vector_load %arg8[%get3A_1526, %get3A_1527] {strides = array<i32>} : memref<16x1024xf32, #tpu.memory_space<vmem>>, vector<16xf32>,
        %mul3A_1529 = arith.mulf %get3A_1528, %select_n3A : vector<16xf32>
        %swap3A_1530 = arith.index_cast %scan3A_95 : i32 to index
        %swap3A_1531 = arith.constant 16 : index
        %swap3A_1532 = tpu.vector_load %arg10[%swap3A_1530, %swap3A_1531] {strides = array<i32>} : memref<16x1024xf32, #tpu.memory_space<vmem>>, vector<16xf32>,
        tpu.vector_store %arg10[%swap3A_1530, %swap3A_1531], %mul3A_1529 {strides = array<i32>} : memref<16x1024xf32, #tpu.memory_space<vmem>>, vector<16xf32>,
        %get3A_1533 = arith.index_cast %scan3A_95 : i32 to index
        %get3A_1534 = arith.constant 32 : index
        %get3A_1535 = tpu.vector_load %arg8[%get3A_1533, %get3A_1534] {strides = array<i32>} : memref<16x1024xf32, #tpu.memory_space<vmem>>, vector<16xf32>,
        %mul3A_1536 = arith.mulf %get3A_1535, %select_n3A : vector<16xf32>
        %swap3A_1537 = arith.index_cast %scan3A_95 : i32 to index
        %swap3A_1538 = arith.constant 32 : index
        %swap3A_1539 = tpu.vector_load %arg10[%swap3A_1537, %swap3A_1538] {strides = array<i32>} : memref<16x1024xf32, #tpu.memory_space<vmem>>, vector<16xf32>,
        tpu.vector_store %arg10[%swap3A_1537, %swap3A_1538], %mul3A_1536 {strides = array<i32>} : memref<16x1024xf32, #tpu.memory_space<vmem>>, vector<16xf32>,
        %get3A_1540 = arith.index_cast %scan3A_95 : i32 to index
        %get3A_1541 = arith.constant 48 : index
        %get3A_1542 = tpu.vector_load %arg8[%get3A_1540, %get3A_1541] {strides = array<i32>} : memref<16x1024xf32, #tpu.memory_space<vmem>>, vector<16xf32>,
        %mul3A_1543 = arith.mulf %get3A_1542, %select_n3A : vector<16xf32>
        %swap3A_1544 = arith.index_cast %scan3A_95 : i32 to index
        %swap3A_1545 = arith.constant 48 : index
        %swap3A_1546 = tpu.vector_load %arg10[%swap3A_1544, %swap3A_1545] {strides = array<i32>} : memref<16x1024xf32, #tpu.memory_space<vmem>>, vector<16xf32>,
        tpu.vector_store %arg10[%swap3A_1544, %swap3A_1545], %mul3A_1543 {strides = array<i32>} : memref<16x1024xf32, #tpu.memory_space<vmem>>, vector<16xf32>,
        %get3A_1547 = arith.index_cast %scan3A_95 : i32 to index
        %get3A_1548 = arith.constant 64 : index
        %get3A_1549 = tpu.vector_load %arg8[%get3A_1547, %get3A_1548] {strides = array<i32>} : memref<16x1024xf32, #tpu.memory_space<vmem>>, vector<16xf32>,
        %mul3A_1550 = arith.mulf %get3A_1549, %select_n3A : vector<16xf32>
        %swap3A_1551 = arith.index_cast %scan3A_95 : i32 to index
        %swap3A_1552 = arith.constant 64 : index
        %swap3A_1553 = tpu.vector_load %arg10[%swap3A_1551, %swap3A_1552] {strides = array<i32>} : memref<16x1024xf32, #tpu.memory_space<vmem>>, vector<16xf32>,
        tpu.vector_store %arg10[%swap3A_1551, %swap3A_1552], %mul3A_1550 {strides = array<i32>} : memref<16x1024xf32, #tpu.memory_space<vmem>>, vector<16xf32>,
        %get3A_1554 = arith.index_cast %scan3A_95 : i32 to index
        %get3A_1555 = arith.constant 80 : index
        %get3A_1556 = tpu.vector_load %arg8[%get3A_1554, %get3A_1555] {strides = array<i32>} : memref<16x1024xf32, #tpu.memory_space<vmem>>, vector<16xf32>,
        %mul3A_1557 = arith.mulf %get3A_1556, %select_n3A : vector<16xf32>
        %swap3A_1558 = arith.index_cast %scan3A_95 : i32 to index
        %swap3A_1559 = arith.constant 80 : index
        %swap3A_1560 = tpu.vector_load %arg10[%swap3A_1558, %swap3A_1559] {strides = array<i32>} : memref<16x1024xf32, #tpu.memory_space<vmem>>, vector<16xf32>,
        tpu.vector_store %arg10[%swap3A_1558, %swap3A_1559], %mul3A_1557 {strides = array<i32>} : memref<16x1024xf32, #tpu.memory_space<vmem>>, vector<16xf32>,
        %get3A_1561 = arith.index_cast %scan3A_95 : i32 to index
        %get3A_1562 = arith.constant 96 : index
        %get3A_1563 = tpu.vector_load %arg8[%get3A_1561, %get3A_1562] {strides = array<i32>} : memref<16x1024xf32, #tpu.memory_space<vmem>>, vector<16xf32>,
        %mul3A_1564 = arith.mulf %get3A_1563, %select_n3A : vector<16xf32>
        %swap3A_1565 = arith.index_cast %scan3A_95 : i32 to index
        %swap3A_1566 = arith.constant 96 : index
        %swap3A_1567 = tpu.vector_load %arg10[%swap3A_1565, %swap3A_1566] {strides = array<i32>} : memref<16x1024xf32, #tpu.memory_space<vmem>>, vector<16xf32>,
        tpu.vector_store %arg10[%swap3A_1565, %swap3A_1566], %mul3A_1564 {strides = array<i32>} : memref<16x1024xf32, #tpu.memory_space<vmem>>, vector<16xf32>,
        %get3A_1568 = arith.index_cast %scan3A_95 : i32 to index
        %get3A_1569 = arith.constant 112 : index
        %get3A_1570 = tpu.vector_load %arg8[%get3A_1568, %get3A_1569] {strides = array<i32>} : memref<16x1024xf32, #tpu.memory_space<vmem>>, vector<16xf32>,
        %mul3A_1571 = arith.mulf %get3A_1570, %select_n3A : vector<16xf32>
        %swap3A_1572 = arith.index_cast %scan3A_95 : i32 to index
        %swap3A_1573 = arith.constant 112 : index
        %swap3A_1574 = tpu.vector_load %arg10[%swap3A_1572, %swap3A_1573] {strides = array<i32>} : memref<16x1024xf32, #tpu.memory_space<vmem>>, vector<16xf32>,
        tpu.vector_store %arg10[%swap3A_1572, %swap3A_1573], %mul3A_1571 {strides = array<i32>} : memref<16x1024xf32, #tpu.memory_space<vmem>>, vector<16xf32>,
        %get3A_1575 = arith.index_cast %scan3A_95 : i32 to index
        %get3A_1576 = arith.constant 128 : index
        %get3A_1577 = tpu.vector_load %arg8[%get3A_1575, %get3A_1576] {strides = array<i32>} : memref<16x1024xf32, #tpu.memory_space<vmem>>, vector<16xf32>,
        %mul3A_1578 = arith.mulf %get3A_1577, %select_n3A : vector<16xf32>
        %swap3A_1579 = arith.index_cast %scan3A_95 : i32 to index
        %swap3A_1580 = arith.constant 128 : index
        %swap3A_1581 = tpu.vector_load %arg10[%swap3A_1579, %swap3A_1580] {strides = array<i32>} : memref<16x1024xf32, #tpu.memory_space<vmem>>, vector<16xf32>,
        tpu.vector_store %arg10[%swap3A_1579, %swap3A_1580], %mul3A_1578 {strides = array<i32>} : memref<16x1024xf32, #tpu.memory_space<vmem>>, vector<16xf32>,
        %get3A_1582 = arith.index_cast %scan3A_95 : i32 to index
        %get3A_1583 = arith.constant 144 : index
        %get3A_1584 = tpu.vector_load %arg8[%get3A_1582, %get3A_1583] {strides = array<i32>} : memref<16x1024xf32, #tpu.memory_space<vmem>>, vector<16xf32>,
        %mul3A_1585 = arith.mulf %get3A_1584, %select_n3A : vector<16xf32>
        %swap3A_1586 = arith.index_cast %scan3A_95 : i32 to index
        %swap3A_1587 = arith.constant 144 : index
        %swap3A_1588 = tpu.vector_load %arg10[%swap3A_1586, %swap3A_1587] {strides = array<i32>} : memref<16x1024xf32, #tpu.memory_space<vmem>>, vector<16xf32>,
        tpu.vector_store %arg10[%swap3A_1586, %swap3A_1587], %mul3A_1585 {strides = array<i32>} : memref<16x1024xf32, #tpu.memory_space<vmem>>, vector<16xf32>,
        %get3A_1589 = arith.index_cast %scan3A_95 : i32 to index
        %get3A_1590 = arith.constant 160 : index
        %get3A_1591 = tpu.vector_load %arg8[%get3A_1589, %get3A_1590] {strides = array<i32>} : memref<16x1024xf32, #tpu.memory_space<vmem>>, vector<16xf32>,
        %mul3A_1592 = arith.mulf %get3A_1591, %select_n3A : vector<16xf32>
        %swap3A_1593 = arith.index_cast %scan3A_95 : i32 to index
        %swap3A_1594 = arith.constant 160 : index
        %swap3A_1595 = tpu.vector_load %arg10[%swap3A_1593, %swap3A_1594] {strides = array<i32>} : memref<16x1024xf32, #tpu.memory_space<vmem>>, vector<16xf32>,
        tpu.vector_store %arg10[%swap3A_1593, %swap3A_1594], %mul3A_1592 {strides = array<i32>} : memref<16x1024xf32, #tpu.memory_space<vmem>>, vector<16xf32>,
        %get3A_1596 = arith.index_cast %scan3A_95 : i32 to index
        %get3A_1597 = arith.constant 176 : index
        %get3A_1598 = tpu.vector_load %arg8[%get3A_1596, %get3A_1597] {strides = array<i32>} : memref<16x1024xf32, #tpu.memory_space<vmem>>, vector<16xf32>,
        %mul3A_1599 = arith.mulf %get3A_1598, %select_n3A : vector<16xf32>
        %swap3A_1600 = arith.index_cast %scan3A_95 : i32 to index
        %swap3A_1601 = arith.constant 176 : index
        %swap3A_1602 = tpu.vector_load %arg10[%swap3A_1600, %swap3A_1601] {strides = array<i32>} : memref<16x1024xf32, #tpu.memory_space<vmem>>, vector<16xf32>,
        tpu.vector_store %arg10[%swap3A_1600, %swap3A_1601], %mul3A_1599 {strides = array<i32>} : memref<16x1024xf32, #tpu.memory_space<vmem>>, vector<16xf32>,
        %get3A_1603 = arith.index_cast %scan3A_95 : i32 to index
        %get3A_1604 = arith.constant 192 : index
        %get3A_1605 = tpu.vector_load %arg8[%get3A_1603, %get3A_1604] {strides = array<i32>} : memref<16x1024xf32, #tpu.memory_space<vmem>>, vector<16xf32>,
        %mul3A_1606 = arith.mulf %get3A_1605, %select_n3A : vector<16xf32>
        %swap3A_1607 = arith.index_cast %scan3A_95 : i32 to index
        %swap3A_1608 = arith.constant 192 : index
        %swap3A_1609 = tpu.vector_load %arg10[%swap3A_1607, %swap3A_1608] {strides = array<i32>} : memref<16x1024xf32, #tpu.memory_space<vmem>>, vector<16xf32>,
        tpu.vector_store %arg10[%swap3A_1607, %swap3A_1608], %mul3A_1606 {strides = array<i32>} : memref<16x1024xf32, #tpu.memory_space<vmem>>, vector<16xf32>,
        %get3A_1610 = arith.index_cast %scan3A_95 : i32 to index
        %get3A_1611 = arith.constant 208 : index
        %get3A_1612 = tpu.vector_load %arg8[%get3A_1610, %get3A_1611] {strides = array<i32>} : memref<16x1024xf32, #tpu.memory_space<vmem>>, vector<16xf32>,
        %mul3A_1613 = arith.mulf %get3A_1612, %select_n3A : vector<16xf32>
        %swap3A_1614 = arith.index_cast %scan3A_95 : i32 to index
        %swap3A_1615 = arith.constant 208 : index
        %swap3A_1616 = tpu.vector_load %arg10[%swap3A_1614, %swap3A_1615] {strides = array<i32>} : memref<16x1024xf32, #tpu.memory_space<vmem>>, vector<16xf32>,
        tpu.vector_store %arg10[%swap3A_1614, %swap3A_1615], %mul3A_1613 {strides = array<i32>} : memref<16x1024xf32, #tpu.memory_space<vmem>>, vector<16xf32>,
        %get3A_1617 = arith.index_cast %scan3A_95 : i32 to index
        %get3A_1618 = arith.constant 224 : index
        %get3A_1619 = tpu.vector_load %arg8[%get3A_1617, %get3A_1618] {strides = array<i32>} : memref<16x1024xf32, #tpu.memory_space<vmem>>, vector<16xf32>,
        %mul3A_1620 = arith.mulf %get3A_1619, %select_n3A : vector<16xf32>
        %swap3A_1621 = arith.index_cast %scan3A_95 : i32 to index
        %swap3A_1622 = arith.constant 224 : index
        %swap3A_1623 = tpu.vector_load %arg10[%swap3A_1621, %swap3A_1622] {strides = array<i32>} : memref<16x1024xf32, #tpu.memory_space<vmem>>, vector<16xf32>,
        tpu.vector_store %arg10[%swap3A_1621, %swap3A_1622], %mul3A_1620 {strides = array<i32>} : memref<16x1024xf32, #tpu.memory_space<vmem>>, vector<16xf32>,
        %get3A_1624 = arith.index_cast %scan3A_95 : i32 to index
        %get3A_1625 = arith.constant 240 : index
        %get3A_1626 = tpu.vector_load %arg8[%get3A_1624, %get3A_1625] {strides = array<i32>} : memref<16x1024xf32, #tpu.memory_space<vmem>>, vector<16xf32>,
        %mul3A_1627 = arith.mulf %get3A_1626, %select_n3A : vector<16xf32>
        %swap3A_1628 = arith.index_cast %scan3A_95 : i32 to index
        %swap3A_1629 = arith.constant 240 : index
        %swap3A_1630 = tpu.vector_load %arg10[%swap3A_1628, %swap3A_1629] {strides = array<i32>} : memref<16x1024xf32, #tpu.memory_space<vmem>>, vector<16xf32>,
        tpu.vector_store %arg10[%swap3A_1628, %swap3A_1629], %mul3A_1627 {strides = array<i32>} : memref<16x1024xf32, #tpu.memory_space<vmem>>, vector<16xf32>,
        %get3A_1631 = arith.index_cast %scan3A_95 : i32 to index
        %get3A_1632 = arith.constant 256 : index
        %get3A_1633 = tpu.vector_load %arg8[%get3A_1631, %get3A_1632] {strides = array<i32>} : memref<16x1024xf32, #tpu.memory_space<vmem>>, vector<16xf32>,
        %mul3A_1634 = arith.mulf %get3A_1633, %select_n3A : vector<16xf32>
        %swap3A_1635 = arith.index_cast %scan3A_95 : i32 to index
        %swap3A_1636 = arith.constant 256 : index
        %swap3A_1637 = tpu.vector_load %arg10[%swap3A_1635, %swap3A_1636] {strides = array<i32>} : memref<16x1024xf32, #tpu.memory_space<vmem>>, vector<16xf32>,
        tpu.vector_store %arg10[%swap3A_1635, %swap3A_1636], %mul3A_1634 {strides = array<i32>} : memref<16x1024xf32, #tpu.memory_space<vmem>>, vector<16xf32>,
        %get3A_1638 = arith.index_cast %scan3A_95 : i32 to index
        %get3A_1639 = arith.constant 272 : index
        %get3A_1640 = tpu.vector_load %arg8[%get3A_1638, %get3A_1639] {strides = array<i32>} : memref<16x1024xf32, #tpu.memory_space<vmem>>, vector<16xf32>,
        %mul3A_1641 = arith.mulf %get3A_1640, %select_n3A : vector<16xf32>
        %swap3A_1642 = arith.index_cast %scan3A_95 : i32 to index
        %swap3A_1643 = arith.constant 272 : index
        %swap3A_1644 = tpu.vector_load %arg10[%swap3A_1642, %swap3A_1643] {strides = array<i32>} : memref<16x1024xf32, #tpu.memory_space<vmem>>, vector<16xf32>,
        tpu.vector_store %arg10[%swap3A_1642, %swap3A_1643], %mul3A_1641 {strides = array<i32>} : memref<16x1024xf32, #tpu.memory_space<vmem>>, vector<16xf32>,
        %get3A_1645 = arith.index_cast %scan3A_95 : i32 to index
        %get3A_1646 = arith.constant 288 : index
        %get3A_1647 = tpu.vector_load %arg8[%get3A_1645, %get3A_1646] {strides = array<i32>} : memref<16x1024xf32, #tpu.memory_space<vmem>>, vector<16xf32>,
        %mul3A_1648 = arith.mulf %get3A_1647, %select_n3A : vector<16xf32>
        %swap3A_1649 = arith.index_cast %scan3A_95 : i32 to index
        %swap3A_1650 = arith.constant 288 : index
        %swap3A_1651 = tpu.vector_load %arg10[%swap3A_1649, %swap3A_1650] {strides = array<i32>} : memref<16x1024xf32, #tpu.memory_space<vmem>>, vector<16xf32>,
        tpu.vector_store %arg10[%swap3A_1649, %swap3A_1650], %mul3A_1648 {strides = array<i32>} : memref<16x1024xf32, #tpu.memory_space<vmem>>, vector<16xf32>,
        %get3A_1652 = arith.index_cast %scan3A_95 : i32 to index
        %get3A_1653 = arith.constant 304 : index
        %get3A_1654 = tpu.vector_load %arg8[%get3A_1652, %get3A_1653] {strides = array<i32>} : memref<16x1024xf32, #tpu.memory_space<vmem>>, vector<16xf32>,
        %mul3A_1655 = arith.mulf %get3A_1654, %select_n3A : vector<16xf32>
        %swap3A_1656 = arith.index_cast %scan3A_95 : i32 to index
        %swap3A_1657 = arith.constant 304 : index
        %swap3A_1658 = tpu.vector_load %arg10[%swap3A_1656, %swap3A_1657] {strides = array<i32>} : memref<16x1024xf32, #tpu.memory_space<vmem>>, vector<16xf32>,
        tpu.vector_store %arg10[%swap3A_1656, %swap3A_1657], %mul3A_1655 {strides = array<i32>} : memref<16x1024xf32, #tpu.memory_space<vmem>>, vector<16xf32>,
        %get3A_1659 = arith.index_cast %scan3A_95 : i32 to index
        %get3A_1660 = arith.constant 320 : index
        %get3A_1661 = tpu.vector_load %arg8[%get3A_1659, %get3A_1660] {strides = array<i32>} : memref<16x1024xf32, #tpu.memory_space<vmem>>, vector<16xf32>,
        %mul3A_1662 = arith.mulf %get3A_1661, %select_n3A : vector<16xf32>
        %swap3A_1663 = arith.index_cast %scan3A_95 : i32 to index
        %swap3A_1664 = arith.constant 320 : index
        %swap3A_1665 = tpu.vector_load %arg10[%swap3A_1663, %swap3A_1664] {strides = array<i32>} : memref<16x1024xf32, #tpu.memory_space<vmem>>, vector<16xf32>,
        tpu.vector_store %arg10[%swap3A_1663, %swap3A_1664], %mul3A_1662 {strides = array<i32>} : memref<16x1024xf32, #tpu.memory_space<vmem>>, vector<16xf32>,
        %get3A_1666 = arith.index_cast %scan3A_95 : i32 to index
        %get3A_1667 = arith.constant 336 : index
        %get3A_1668 = tpu.vector_load %arg8[%get3A_1666, %get3A_1667] {strides = array<i32>} : memref<16x1024xf32, #tpu.memory_space<vmem>>, vector<16xf32>,
        %mul3A_1669 = arith.mulf %get3A_1668, %select_n3A : vector<16xf32>
        %swap3A_1670 = arith.index_cast %scan3A_95 : i32 to index
        %swap3A_1671 = arith.constant 336 : index
        %swap3A_1672 = tpu.vector_load %arg10[%swap3A_1670, %swap3A_1671] {strides = array<i32>} : memref<16x1024xf32, #tpu.memory_space<vmem>>, vector<16xf32>,
        tpu.vector_store %arg10[%swap3A_1670, %swap3A_1671], %mul3A_1669 {strides = array<i32>} : memref<16x1024xf32, #tpu.memory_space<vmem>>, vector<16xf32>,
        %get3A_1673 = arith.index_cast %scan3A_95 : i32 to index
        %get3A_1674 = arith.constant 352 : index
        %get3A_1675 = tpu.vector_load %arg8[%get3A_1673, %get3A_1674] {strides = array<i32>} : memref<16x1024xf32, #tpu.memory_space<vmem>>, vector<16xf32>,
        %mul3A_1676 = arith.mulf %get3A_1675, %select_n3A : vector<16xf32>
        %swap3A_1677 = arith.index_cast %scan3A_95 : i32 to index
        %swap3A_1678 = arith.constant 352 : index
        %swap3A_1679 = tpu.vector_load %arg10[%swap3A_1677, %swap3A_1678] {strides = array<i32>} : memref<16x1024xf32, #tpu.memory_space<vmem>>, vector<16xf32>,
        tpu.vector_store %arg10[%swap3A_1677, %swap3A_1678], %mul3A_1676 {strides = array<i32>} : memref<16x1024xf32, #tpu.memory_space<vmem>>, vector<16xf32>,
        %get3A_1680 = arith.index_cast %scan3A_95 : i32 to index
        %get3A_1681 = arith.constant 368 : index
        %get3A_1682 = tpu.vector_load %arg8[%get3A_1680, %get3A_1681] {strides = array<i32>} : memref<16x1024xf32, #tpu.memory_space<vmem>>, vector<16xf32>,
        %mul3A_1683 = arith.mulf %get3A_1682, %select_n3A : vector<16xf32>
        %swap3A_1684 = arith.index_cast %scan3A_95 : i32 to index
        %swap3A_1685 = arith.constant 368 : index
        %swap3A_1686 = tpu.vector_load %arg10[%swap3A_1684, %swap3A_1685] {strides = array<i32>} : memref<16x1024xf32, #tpu.memory_space<vmem>>, vector<16xf32>,
        tpu.vector_store %arg10[%swap3A_1684, %swap3A_1685], %mul3A_1683 {strides = array<i32>} : memref<16x1024xf32, #tpu.memory_space<vmem>>, vector<16xf32>,
        %get3A_1687 = arith.index_cast %scan3A_95 : i32 to index
        %get3A_1688 = arith.constant 384 : index
        %get3A_1689 = tpu.vector_load %arg8[%get3A_1687, %get3A_1688] {strides = array<i32>} : memref<16x1024xf32, #tpu.memory_space<vmem>>, vector<16xf32>,
        %mul3A_1690 = arith.mulf %get3A_1689, %select_n3A : vector<16xf32>
        %swap3A_1691 = arith.index_cast %scan3A_95 : i32 to index
        %swap3A_1692 = arith.constant 384 : index
        %swap3A_1693 = tpu.vector_load %arg10[%swap3A_1691, %swap3A_1692] {strides = array<i32>} : memref<16x1024xf32, #tpu.memory_space<vmem>>, vector<16xf32>,
        tpu.vector_store %arg10[%swap3A_1691, %swap3A_1692], %mul3A_1690 {strides = array<i32>} : memref<16x1024xf32, #tpu.memory_space<vmem>>, vector<16xf32>,
        %get3A_1694 = arith.index_cast %scan3A_95 : i32 to index
        %get3A_1695 = arith.constant 400 : index
        %get3A_1696 = tpu.vector_load %arg8[%get3A_1694, %get3A_1695] {strides = array<i32>} : memref<16x1024xf32, #tpu.memory_space<vmem>>, vector<16xf32>,
        %mul3A_1697 = arith.mulf %get3A_1696, %select_n3A : vector<16xf32>
        %swap3A_1698 = arith.index_cast %scan3A_95 : i32 to index
        %swap3A_1699 = arith.constant 400 : index
        %swap3A_1700 = tpu.vector_load %arg10[%swap3A_1698, %swap3A_1699] {strides = array<i32>} : memref<16x1024xf32, #tpu.memory_space<vmem>>, vector<16xf32>,
        tpu.vector_store %arg10[%swap3A_1698, %swap3A_1699], %mul3A_1697 {strides = array<i32>} : memref<16x1024xf32, #tpu.memory_space<vmem>>, vector<16xf32>,
        %get3A_1701 = arith.index_cast %scan3A_95 : i32 to index
        %get3A_1702 = arith.constant 416 : index
        %get3A_1703 = tpu.vector_load %arg8[%get3A_1701, %get3A_1702] {strides = array<i32>} : memref<16x1024xf32, #tpu.memory_space<vmem>>, vector<16xf32>,
        %mul3A_1704 = arith.mulf %get3A_1703, %select_n3A : vector<16xf32>
        %swap3A_1705 = arith.index_cast %scan3A_95 : i32 to index
        %swap3A_1706 = arith.constant 416 : index
        %swap3A_1707 = tpu.vector_load %arg10[%swap3A_1705, %swap3A_1706] {strides = array<i32>} : memref<16x1024xf32, #tpu.memory_space<vmem>>, vector<16xf32>,
        tpu.vector_store %arg10[%swap3A_1705, %swap3A_1706], %mul3A_1704 {strides = array<i32>} : memref<16x1024xf32, #tpu.memory_space<vmem>>, vector<16xf32>,
        %get3A_1708 = arith.index_cast %scan3A_95 : i32 to index
        %get3A_1709 = arith.constant 432 : index
        %get3A_1710 = tpu.vector_load %arg8[%get3A_1708, %get3A_1709] {strides = array<i32>} : memref<16x1024xf32, #tpu.memory_space<vmem>>, vector<16xf32>,
        %mul3A_1711 = arith.mulf %get3A_1710, %select_n3A : vector<16xf32>
        %swap3A_1712 = arith.index_cast %scan3A_95 : i32 to index
        %swap3A_1713 = arith.constant 432 : index
        %swap3A_1714 = tpu.vector_load %arg10[%swap3A_1712, %swap3A_1713] {strides = array<i32>} : memref<16x1024xf32, #tpu.memory_space<vmem>>, vector<16xf32>,
        tpu.vector_store %arg10[%swap3A_1712, %swap3A_1713], %mul3A_1711 {strides = array<i32>} : memref<16x1024xf32, #tpu.memory_space<vmem>>, vector<16xf32>,
        %get3A_1715 = arith.index_cast %scan3A_95 : i32 to index
        %get3A_1716 = arith.constant 448 : index
        %get3A_1717 = tpu.vector_load %arg8[%get3A_1715, %get3A_1716] {strides = array<i32>} : memref<16x1024xf32, #tpu.memory_space<vmem>>, vector<16xf32>,
        %mul3A_1718 = arith.mulf %get3A_1717, %select_n3A : vector<16xf32>
        %swap3A_1719 = arith.index_cast %scan3A_95 : i32 to index
        %swap3A_1720 = arith.constant 448 : index
        %swap3A_1721 = tpu.vector_load %arg10[%swap3A_1719, %swap3A_1720] {strides = array<i32>} : memref<16x1024xf32, #tpu.memory_space<vmem>>, vector<16xf32>,
        tpu.vector_store %arg10[%swap3A_1719, %swap3A_1720], %mul3A_1718 {strides = array<i32>} : memref<16x1024xf32, #tpu.memory_space<vmem>>, vector<16xf32>,
        %get3A_1722 = arith.index_cast %scan3A_95 : i32 to index
        %get3A_1723 = arith.constant 464 : index
        %get3A_1724 = tpu.vector_load %arg8[%get3A_1722, %get3A_1723] {strides = array<i32>} : memref<16x1024xf32, #tpu.memory_space<vmem>>, vector<16xf32>,
        %mul3A_1725 = arith.mulf %get3A_1724, %select_n3A : vector<16xf32>
        %swap3A_1726 = arith.index_cast %scan3A_95 : i32 to index
        %swap3A_1727 = arith.constant 464 : index
        %swap3A_1728 = tpu.vector_load %arg10[%swap3A_1726, %swap3A_1727] {strides = array<i32>} : memref<16x1024xf32, #tpu.memory_space<vmem>>, vector<16xf32>,
        tpu.vector_store %arg10[%swap3A_1726, %swap3A_1727], %mul3A_1725 {strides = array<i32>} : memref<16x1024xf32, #tpu.memory_space<vmem>>, vector<16xf32>,
        %get3A_1729 = arith.index_cast %scan3A_95 : i32 to index
        %get3A_1730 = arith.constant 480 : index
        %get3A_1731 = tpu.vector_load %arg8[%get3A_1729, %get3A_1730] {strides = array<i32>} : memref<16x1024xf32, #tpu.memory_space<vmem>>, vector<16xf32>,
        %mul3A_1732 = arith.mulf %get3A_1731, %select_n3A : vector<16xf32>
        %swap3A_1733 = arith.index_cast %scan3A_95 : i32 to index
        %swap3A_1734 = arith.constant 480 : index
        %swap3A_1735 = tpu.vector_load %arg10[%swap3A_1733, %swap3A_1734] {strides = array<i32>} : memref<16x1024xf32, #tpu.memory_space<vmem>>, vector<16xf32>,
        tpu.vector_store %arg10[%swap3A_1733, %swap3A_1734], %mul3A_1732 {strides = array<i32>} : memref<16x1024xf32, #tpu.memory_space<vmem>>, vector<16xf32>,
        %get3A_1736 = arith.index_cast %scan3A_95 : i32 to index
        %get3A_1737 = arith.constant 496 : index
        %get3A_1738 = tpu.vector_load %arg8[%get3A_1736, %get3A_1737] {strides = array<i32>} : memref<16x1024xf32, #tpu.memory_space<vmem>>, vector<16xf32>,
        %mul3A_1739 = arith.mulf %get3A_1738, %select_n3A : vector<16xf32>
        %swap3A_1740 = arith.index_cast %scan3A_95 : i32 to index
        %swap3A_1741 = arith.constant 496 : index
        %swap3A_1742 = tpu.vector_load %arg10[%swap3A_1740, %swap3A_1741] {strides = array<i32>} : memref<16x1024xf32, #tpu.memory_space<vmem>>, vector<16xf32>,
        tpu.vector_store %arg10[%swap3A_1740, %swap3A_1741], %mul3A_1739 {strides = array<i32>} : memref<16x1024xf32, #tpu.memory_space<vmem>>, vector<16xf32>,
        %get3A_1743 = arith.index_cast %scan3A_95 : i32 to index
        %get3A_1744 = arith.constant 512 : index
        %get3A_1745 = tpu.vector_load %arg8[%get3A_1743, %get3A_1744] {strides = array<i32>} : memref<16x1024xf32, #tpu.memory_space<vmem>>, vector<16xf32>,
        %mul3A_1746 = arith.mulf %get3A_1745, %select_n3A : vector<16xf32>
        %swap3A_1747 = arith.index_cast %scan3A_95 : i32 to index
        %swap3A_1748 = arith.constant 512 : index
        %swap3A_1749 = tpu.vector_load %arg10[%swap3A_1747, %swap3A_1748] {strides = array<i32>} : memref<16x1024xf32, #tpu.memory_space<vmem>>, vector<16xf32>,
        tpu.vector_store %arg10[%swap3A_1747, %swap3A_1748], %mul3A_1746 {strides = array<i32>} : memref<16x1024xf32, #tpu.memory_space<vmem>>, vector<16xf32>,
        %get3A_1750 = arith.index_cast %scan3A_95 : i32 to index
        %get3A_1751 = arith.constant 528 : index
        %get3A_1752 = tpu.vector_load %arg8[%get3A_1750, %get3A_1751] {strides = array<i32>} : memref<16x1024xf32, #tpu.memory_space<vmem>>, vector<16xf32>,
        %mul3A_1753 = arith.mulf %get3A_1752, %select_n3A : vector<16xf32>
        %swap3A_1754 = arith.index_cast %scan3A_95 : i32 to index
        %swap3A_1755 = arith.constant 528 : index
        %swap3A_1756 = tpu.vector_load %arg10[%swap3A_1754, %swap3A_1755] {strides = array<i32>} : memref<16x1024xf32, #tpu.memory_space<vmem>>, vector<16xf32>,
        tpu.vector_store %arg10[%swap3A_1754, %swap3A_1755], %mul3A_1753 {strides = array<i32>} : memref<16x1024xf32, #tpu.memory_space<vmem>>, vector<16xf32>,
        %get3A_1757 = arith.index_cast %scan3A_95 : i32 to index
        %get3A_1758 = arith.constant 544 : index
        %get3A_1759 = tpu.vector_load %arg8[%get3A_1757, %get3A_1758] {strides = array<i32>} : memref<16x1024xf32, #tpu.memory_space<vmem>>, vector<16xf32>,
        %mul3A_1760 = arith.mulf %get3A_1759, %select_n3A : vector<16xf32>
        %swap3A_1761 = arith.index_cast %scan3A_95 : i32 to index
        %swap3A_1762 = arith.constant 544 : index
        %swap3A_1763 = tpu.vector_load %arg10[%swap3A_1761, %swap3A_1762] {strides = array<i32>} : memref<16x1024xf32, #tpu.memory_space<vmem>>, vector<16xf32>,
        tpu.vector_store %arg10[%swap3A_1761, %swap3A_1762], %mul3A_1760 {strides = array<i32>} : memref<16x1024xf32, #tpu.memory_space<vmem>>, vector<16xf32>,
        %get3A_1764 = arith.index_cast %scan3A_95 : i32 to index
        %get3A_1765 = arith.constant 560 : index
        %get3A_1766 = tpu.vector_load %arg8[%get3A_1764, %get3A_1765] {strides = array<i32>} : memref<16x1024xf32, #tpu.memory_space<vmem>>, vector<16xf32>,
        %mul3A_1767 = arith.mulf %get3A_1766, %select_n3A : vector<16xf32>
        %swap3A_1768 = arith.index_cast %scan3A_95 : i32 to index
        %swap3A_1769 = arith.constant 560 : index
        %swap3A_1770 = tpu.vector_load %arg10[%swap3A_1768, %swap3A_1769] {strides = array<i32>} : memref<16x1024xf32, #tpu.memory_space<vmem>>, vector<16xf32>,
        tpu.vector_store %arg10[%swap3A_1768, %swap3A_1769], %mul3A_1767 {strides = array<i32>} : memref<16x1024xf32, #tpu.memory_space<vmem>>, vector<16xf32>,
        %get3A_1771 = arith.index_cast %scan3A_95 : i32 to index
        %get3A_1772 = arith.constant 576 : index
        %get3A_1773 = tpu.vector_load %arg8[%get3A_1771, %get3A_1772] {strides = array<i32>} : memref<16x1024xf32, #tpu.memory_space<vmem>>, vector<16xf32>,
        %mul3A_1774 = arith.mulf %get3A_1773, %select_n3A : vector<16xf32>
        %swap3A_1775 = arith.index_cast %scan3A_95 : i32 to index
        %swap3A_1776 = arith.constant 576 : index
        %swap3A_1777 = tpu.vector_load %arg10[%swap3A_1775, %swap3A_1776] {strides = array<i32>} : memref<16x1024xf32, #tpu.memory_space<vmem>>, vector<16xf32>,
        tpu.vector_store %arg10[%swap3A_1775, %swap3A_1776], %mul3A_1774 {strides = array<i32>} : memref<16x1024xf32, #tpu.memory_space<vmem>>, vector<16xf32>,
        %get3A_1778 = arith.index_cast %scan3A_95 : i32 to index
        %get3A_1779 = arith.constant 592 : index
        %get3A_1780 = tpu.vector_load %arg8[%get3A_1778, %get3A_1779] {strides = array<i32>} : memref<16x1024xf32, #tpu.memory_space<vmem>>, vector<16xf32>,
        %mul3A_1781 = arith.mulf %get3A_1780, %select_n3A : vector<16xf32>
        %swap3A_1782 = arith.index_cast %scan3A_95 : i32 to index
        %swap3A_1783 = arith.constant 592 : index
        %swap3A_1784 = tpu.vector_load %arg10[%swap3A_1782, %swap3A_1783] {strides = array<i32>} : memref<16x1024xf32, #tpu.memory_space<vmem>>, vector<16xf32>,
        tpu.vector_store %arg10[%swap3A_1782, %swap3A_1783], %mul3A_1781 {strides = array<i32>} : memref<16x1024xf32, #tpu.memory_space<vmem>>, vector<16xf32>,
        %get3A_1785 = arith.index_cast %scan3A_95 : i32 to index
        %get3A_1786 = arith.constant 608 : index
        %get3A_1787 = tpu.vector_load %arg8[%get3A_1785, %get3A_1786] {strides = array<i32>} : memref<16x1024xf32, #tpu.memory_space<vmem>>, vector<16xf32>,
        %mul3A_1788 = arith.mulf %get3A_1787, %select_n3A : vector<16xf32>
        %swap3A_1789 = arith.index_cast %scan3A_95 : i32 to index
        %swap3A_1790 = arith.constant 608 : index
        %swap3A_1791 = tpu.vector_load %arg10[%swap3A_1789, %swap3A_1790] {strides = array<i32>} : memref<16x1024xf32, #tpu.memory_space<vmem>>, vector<16xf32>,
        tpu.vector_store %arg10[%swap3A_1789, %swap3A_1790], %mul3A_1788 {strides = array<i32>} : memref<16x1024xf32, #tpu.memory_space<vmem>>, vector<16xf32>,
        %get3A_1792 = arith.index_cast %scan3A_95 : i32 to index
        %get3A_1793 = arith.constant 624 : index
        %get3A_1794 = tpu.vector_load %arg8[%get3A_1792, %get3A_1793] {strides = array<i32>} : memref<16x1024xf32, #tpu.memory_space<vmem>>, vector<16xf32>,
        %mul3A_1795 = arith.mulf %get3A_1794, %select_n3A : vector<16xf32>
        %swap3A_1796 = arith.index_cast %scan3A_95 : i32 to index
        %swap3A_1797 = arith.constant 624 : index
        %swap3A_1798 = tpu.vector_load %arg10[%swap3A_1796, %swap3A_1797] {strides = array<i32>} : memref<16x1024xf32, #tpu.memory_space<vmem>>, vector<16xf32>,
        tpu.vector_store %arg10[%swap3A_1796, %swap3A_1797], %mul3A_1795 {strides = array<i32>} : memref<16x1024xf32, #tpu.memory_space<vmem>>, vector<16xf32>,
        %get3A_1799 = arith.index_cast %scan3A_95 : i32 to index
        %get3A_1800 = arith.constant 640 : index
        %get3A_1801 = tpu.vector_load %arg8[%get3A_1799, %get3A_1800] {strides = array<i32>} : memref<16x1024xf32, #tpu.memory_space<vmem>>, vector<16xf32>,
        %mul3A_1802 = arith.mulf %get3A_1801, %select_n3A : vector<16xf32>
        %swap3A_1803 = arith.index_cast %scan3A_95 : i32 to index
        %swap3A_1804 = arith.constant 640 : index
        %swap3A_1805 = tpu.vector_load %arg10[%swap3A_1803, %swap3A_1804] {strides = array<i32>} : memref<16x1024xf32, #tpu.memory_space<vmem>>, vector<16xf32>,
        tpu.vector_store %arg10[%swap3A_1803, %swap3A_1804], %mul3A_1802 {strides = array<i32>} : memref<16x1024xf32, #tpu.memory_space<vmem>>, vector<16xf32>,
        %get3A_1806 = arith.index_cast %scan3A_95 : i32 to index
        %get3A_1807 = arith.constant 656 : index
        %get3A_1808 = tpu.vector_load %arg8[%get3A_1806, %get3A_1807] {strides = array<i32>} : memref<16x1024xf32, #tpu.memory_space<vmem>>, vector<16xf32>,
        %mul3A_1809 = arith.mulf %get3A_1808, %select_n3A : vector<16xf32>
        %swap3A_1810 = arith.index_cast %scan3A_95 : i32 to index
        %swap3A_1811 = arith.constant 656 : index
        %swap3A_1812 = tpu.vector_load %arg10[%swap3A_1810, %swap3A_1811] {strides = array<i32>} : memref<16x1024xf32, #tpu.memory_space<vmem>>, vector<16xf32>,
        tpu.vector_store %arg10[%swap3A_1810, %swap3A_1811], %mul3A_1809 {strides = array<i32>} : memref<16x1024xf32, #tpu.memory_space<vmem>>, vector<16xf32>,
        %get3A_1813 = arith.index_cast %scan3A_95 : i32 to index
        %get3A_1814 = arith.constant 672 : index
        %get3A_1815 = tpu.vector_load %arg8[%get3A_1813, %get3A_1814] {strides = array<i32>} : memref<16x1024xf32, #tpu.memory_space<vmem>>, vector<16xf32>,
        %mul3A_1816 = arith.mulf %get3A_1815, %select_n3A : vector<16xf32>
        %swap3A_1817 = arith.index_cast %scan3A_95 : i32 to index
        %swap3A_1818 = arith.constant 672 : index
        %swap3A_1819 = tpu.vector_load %arg10[%swap3A_1817, %swap3A_1818] {strides = array<i32>} : memref<16x1024xf32, #tpu.memory_space<vmem>>, vector<16xf32>,
        tpu.vector_store %arg10[%swap3A_1817, %swap3A_1818], %mul3A_1816 {strides = array<i32>} : memref<16x1024xf32, #tpu.memory_space<vmem>>, vector<16xf32>,
        %get3A_1820 = arith.index_cast %scan3A_95 : i32 to index
        %get3A_1821 = arith.constant 688 : index
        %get3A_1822 = tpu.vector_load %arg8[%get3A_1820, %get3A_1821] {strides = array<i32>} : memref<16x1024xf32, #tpu.memory_space<vmem>>, vector<16xf32>,
        %mul3A_1823 = arith.mulf %get3A_1822, %select_n3A : vector<16xf32>
        %swap3A_1824 = arith.index_cast %scan3A_95 : i32 to index
        %swap3A_1825 = arith.constant 688 : index
        %swap3A_1826 = tpu.vector_load %arg10[%swap3A_1824, %swap3A_1825] {strides = array<i32>} : memref<16x1024xf32, #tpu.memory_space<vmem>>, vector<16xf32>,
        tpu.vector_store %arg10[%swap3A_1824, %swap3A_1825], %mul3A_1823 {strides = array<i32>} : memref<16x1024xf32, #tpu.memory_space<vmem>>, vector<16xf32>,
        %get3A_1827 = arith.index_cast %scan3A_95 : i32 to index
        %get3A_1828 = arith.constant 704 : index
        %get3A_1829 = tpu.vector_load %arg8[%get3A_1827, %get3A_1828] {strides = array<i32>} : memref<16x1024xf32, #tpu.memory_space<vmem>>, vector<16xf32>,
        %mul3A_1830 = arith.mulf %get3A_1829, %select_n3A : vector<16xf32>
        %swap3A_1831 = arith.index_cast %scan3A_95 : i32 to index
        %swap3A_1832 = arith.constant 704 : index
        %swap3A_1833 = tpu.vector_load %arg10[%swap3A_1831, %swap3A_1832] {strides = array<i32>} : memref<16x1024xf32, #tpu.memory_space<vmem>>, vector<16xf32>,
        tpu.vector_store %arg10[%swap3A_1831, %swap3A_1832], %mul3A_1830 {strides = array<i32>} : memref<16x1024xf32, #tpu.memory_space<vmem>>, vector<16xf32>,
        %get3A_1834 = arith.index_cast %scan3A_95 : i32 to index
        %get3A_1835 = arith.constant 720 : index
        %get3A_1836 = tpu.vector_load %arg8[%get3A_1834, %get3A_1835] {strides = array<i32>} : memref<16x1024xf32, #tpu.memory_space<vmem>>, vector<16xf32>,
        %mul3A_1837 = arith.mulf %get3A_1836, %select_n3A : vector<16xf32>
        %swap3A_1838 = arith.index_cast %scan3A_95 : i32 to index
        %swap3A_1839 = arith.constant 720 : index
        %swap3A_1840 = tpu.vector_load %arg10[%swap3A_1838, %swap3A_1839] {strides = array<i32>} : memref<16x1024xf32, #tpu.memory_space<vmem>>, vector<16xf32>,
        tpu.vector_store %arg10[%swap3A_1838, %swap3A_1839], %mul3A_1837 {strides = array<i32>} : memref<16x1024xf32, #tpu.memory_space<vmem>>, vector<16xf32>,
        %get3A_1841 = arith.index_cast %scan3A_95 : i32 to index
        %get3A_1842 = arith.constant 736 : index
        %get3A_1843 = tpu.vector_load %arg8[%get3A_1841, %get3A_1842] {strides = array<i32>} : memref<16x1024xf32, #tpu.memory_space<vmem>>, vector<16xf32>,
        %mul3A_1844 = arith.mulf %get3A_1843, %select_n3A : vector<16xf32>
        %swap3A_1845 = arith.index_cast %scan3A_95 : i32 to index
        %swap3A_1846 = arith.constant 736 : index
        %swap3A_1847 = tpu.vector_load %arg10[%swap3A_1845, %swap3A_1846] {strides = array<i32>} : memref<16x1024xf32, #tpu.memory_space<vmem>>, vector<16xf32>,
        tpu.vector_store %arg10[%swap3A_1845, %swap3A_1846], %mul3A_1844 {strides = array<i32>} : memref<16x1024xf32, #tpu.memory_space<vmem>>, vector<16xf32>,
        %get3A_1848 = arith.index_cast %scan3A_95 : i32 to index
        %get3A_1849 = arith.constant 752 : index
        %get3A_1850 = tpu.vector_load %arg8[%get3A_1848, %get3A_1849] {strides = array<i32>} : memref<16x1024xf32, #tpu.memory_space<vmem>>, vector<16xf32>,
        %mul3A_1851 = arith.mulf %get3A_1850, %select_n3A : vector<16xf32>
        %swap3A_1852 = arith.index_cast %scan3A_95 : i32 to index
        %swap3A_1853 = arith.constant 752 : index
        %swap3A_1854 = tpu.vector_load %arg10[%swap3A_1852, %swap3A_1853] {strides = array<i32>} : memref<16x1024xf32, #tpu.memory_space<vmem>>, vector<16xf32>,
        tpu.vector_store %arg10[%swap3A_1852, %swap3A_1853], %mul3A_1851 {strides = array<i32>} : memref<16x1024xf32, #tpu.memory_space<vmem>>, vector<16xf32>,
        %get3A_1855 = arith.index_cast %scan3A_95 : i32 to index
        %get3A_1856 = arith.constant 768 : index
        %get3A_1857 = tpu.vector_load %arg8[%get3A_1855, %get3A_1856] {strides = array<i32>} : memref<16x1024xf32, #tpu.memory_space<vmem>>, vector<16xf32>,
        %mul3A_1858 = arith.mulf %get3A_1857, %select_n3A : vector<16xf32>
        %swap3A_1859 = arith.index_cast %scan3A_95 : i32 to index
        %swap3A_1860 = arith.constant 768 : index
        %swap3A_1861 = tpu.vector_load %arg10[%swap3A_1859, %swap3A_1860] {strides = array<i32>} : memref<16x1024xf32, #tpu.memory_space<vmem>>, vector<16xf32>,
        tpu.vector_store %arg10[%swap3A_1859, %swap3A_1860], %mul3A_1858 {strides = array<i32>} : memref<16x1024xf32, #tpu.memory_space<vmem>>, vector<16xf32>,
        %get3A_1862 = arith.index_cast %scan3A_95 : i32 to index
        %get3A_1863 = arith.constant 784 : index
        %get3A_1864 = tpu.vector_load %arg8[%get3A_1862, %get3A_1863] {strides = array<i32>} : memref<16x1024xf32, #tpu.memory_space<vmem>>, vector<16xf32>,
        %mul3A_1865 = arith.mulf %get3A_1864, %select_n3A : vector<16xf32>
        %swap3A_1866 = arith.index_cast %scan3A_95 : i32 to index
        %swap3A_1867 = arith.constant 784 : index
        %swap3A_1868 = tpu.vector_load %arg10[%swap3A_1866, %swap3A_1867] {strides = array<i32>} : memref<16x1024xf32, #tpu.memory_space<vmem>>, vector<16xf32>,
        tpu.vector_store %arg10[%swap3A_1866, %swap3A_1867], %mul3A_1865 {strides = array<i32>} : memref<16x1024xf32, #tpu.memory_space<vmem>>, vector<16xf32>,
        %get3A_1869 = arith.index_cast %scan3A_95 : i32 to index
        %get3A_1870 = arith.constant 800 : index
        %get3A_1871 = tpu.vector_load %arg8[%get3A_1869, %get3A_1870] {strides = array<i32>} : memref<16x1024xf32, #tpu.memory_space<vmem>>, vector<16xf32>,
        %mul3A_1872 = arith.mulf %get3A_1871, %select_n3A : vector<16xf32>
        %swap3A_1873 = arith.index_cast %scan3A_95 : i32 to index
        %swap3A_1874 = arith.constant 800 : index
        %swap3A_1875 = tpu.vector_load %arg10[%swap3A_1873, %swap3A_1874] {strides = array<i32>} : memref<16x1024xf32, #tpu.memory_space<vmem>>, vector<16xf32>,
        tpu.vector_store %arg10[%swap3A_1873, %swap3A_1874], %mul3A_1872 {strides = array<i32>} : memref<16x1024xf32, #tpu.memory_space<vmem>>, vector<16xf32>,
        %get3A_1876 = arith.index_cast %scan3A_95 : i32 to index
        %get3A_1877 = arith.constant 816 : index
        %get3A_1878 = tpu.vector_load %arg8[%get3A_1876, %get3A_1877] {strides = array<i32>} : memref<16x1024xf32, #tpu.memory_space<vmem>>, vector<16xf32>,
        %mul3A_1879 = arith.mulf %get3A_1878, %select_n3A : vector<16xf32>
        %swap3A_1880 = arith.index_cast %scan3A_95 : i32 to index
        %swap3A_1881 = arith.constant 816 : index
        %swap3A_1882 = tpu.vector_load %arg10[%swap3A_1880, %swap3A_1881] {strides = array<i32>} : memref<16x1024xf32, #tpu.memory_space<vmem>>, vector<16xf32>,
        tpu.vector_store %arg10[%swap3A_1880, %swap3A_1881], %mul3A_1879 {strides = array<i32>} : memref<16x1024xf32, #tpu.memory_space<vmem>>, vector<16xf32>,
        %get3A_1883 = arith.index_cast %scan3A_95 : i32 to index
        %get3A_1884 = arith.constant 832 : index
        %get3A_1885 = tpu.vector_load %arg8[%get3A_1883, %get3A_1884] {strides = array<i32>} : memref<16x1024xf32, #tpu.memory_space<vmem>>, vector<16xf32>,
        %mul3A_1886 = arith.mulf %get3A_1885, %select_n3A : vector<16xf32>
        %swap3A_1887 = arith.index_cast %scan3A_95 : i32 to index
        %swap3A_1888 = arith.constant 832 : index
        %swap3A_1889 = tpu.vector_load %arg10[%swap3A_1887, %swap3A_1888] {strides = array<i32>} : memref<16x1024xf32, #tpu.memory_space<vmem>>, vector<16xf32>,
        tpu.vector_store %arg10[%swap3A_1887, %swap3A_1888], %mul3A_1886 {strides = array<i32>} : memref<16x1024xf32, #tpu.memory_space<vmem>>, vector<16xf32>,
        %get3A_1890 = arith.index_cast %scan3A_95 : i32 to index
        %get3A_1891 = arith.constant 848 : index
        %get3A_1892 = tpu.vector_load %arg8[%get3A_1890, %get3A_1891] {strides = array<i32>} : memref<16x1024xf32, #tpu.memory_space<vmem>>, vector<16xf32>,
        %mul3A_1893 = arith.mulf %get3A_1892, %select_n3A : vector<16xf32>
        %swap3A_1894 = arith.index_cast %scan3A_95 : i32 to index
        %swap3A_1895 = arith.constant 848 : index
        %swap3A_1896 = tpu.vector_load %arg10[%swap3A_1894, %swap3A_1895] {strides = array<i32>} : memref<16x1024xf32, #tpu.memory_space<vmem>>, vector<16xf32>,
        tpu.vector_store %arg10[%swap3A_1894, %swap3A_1895], %mul3A_1893 {strides = array<i32>} : memref<16x1024xf32, #tpu.memory_space<vmem>>, vector<16xf32>,
        %get3A_1897 = arith.index_cast %scan3A_95 : i32 to index
        %get3A_1898 = arith.constant 864 : index
        %get3A_1899 = tpu.vector_load %arg8[%get3A_1897, %get3A_1898] {strides = array<i32>} : memref<16x1024xf32, #tpu.memory_space<vmem>>, vector<16xf32>,
        %mul3A_1900 = arith.mulf %get3A_1899, %select_n3A : vector<16xf32>
        %swap3A_1901 = arith.index_cast %scan3A_95 : i32 to index
        %swap3A_1902 = arith.constant 864 : index
        %swap3A_1903 = tpu.vector_load %arg10[%swap3A_1901, %swap3A_1902] {strides = array<i32>} : memref<16x1024xf32, #tpu.memory_space<vmem>>, vector<16xf32>,
        tpu.vector_store %arg10[%swap3A_1901, %swap3A_1902], %mul3A_1900 {strides = array<i32>} : memref<16x1024xf32, #tpu.memory_space<vmem>>, vector<16xf32>,
        %get3A_1904 = arith.index_cast %scan3A_95 : i32 to index
        %get3A_1905 = arith.constant 880 : index
        %get3A_1906 = tpu.vector_load %arg8[%get3A_1904, %get3A_1905] {strides = array<i32>} : memref<16x1024xf32, #tpu.memory_space<vmem>>, vector<16xf32>,
        %mul3A_1907 = arith.mulf %get3A_1906, %select_n3A : vector<16xf32>
        %swap3A_1908 = arith.index_cast %scan3A_95 : i32 to index
        %swap3A_1909 = arith.constant 880 : index
        %swap3A_1910 = tpu.vector_load %arg10[%swap3A_1908, %swap3A_1909] {strides = array<i32>} : memref<16x1024xf32, #tpu.memory_space<vmem>>, vector<16xf32>,
        tpu.vector_store %arg10[%swap3A_1908, %swap3A_1909], %mul3A_1907 {strides = array<i32>} : memref<16x1024xf32, #tpu.memory_space<vmem>>, vector<16xf32>,
        %get3A_1911 = arith.index_cast %scan3A_95 : i32 to index
        %get3A_1912 = arith.constant 896 : index
        %get3A_1913 = tpu.vector_load %arg8[%get3A_1911, %get3A_1912] {strides = array<i32>} : memref<16x1024xf32, #tpu.memory_space<vmem>>, vector<16xf32>,
        %mul3A_1914 = arith.mulf %get3A_1913, %select_n3A : vector<16xf32>
        %swap3A_1915 = arith.index_cast %scan3A_95 : i32 to index
        %swap3A_1916 = arith.constant 896 : index
        %swap3A_1917 = tpu.vector_load %arg10[%swap3A_1915, %swap3A_1916] {strides = array<i32>} : memref<16x1024xf32, #tpu.memory_space<vmem>>, vector<16xf32>,
        tpu.vector_store %arg10[%swap3A_1915, %swap3A_1916], %mul3A_1914 {strides = array<i32>} : memref<16x1024xf32, #tpu.memory_space<vmem>>, vector<16xf32>,
        %get3A_1918 = arith.index_cast %scan3A_95 : i32 to index
        %get3A_1919 = arith.constant 912 : index
        %get3A_1920 = tpu.vector_load %arg8[%get3A_1918, %get3A_1919] {strides = array<i32>} : memref<16x1024xf32, #tpu.memory_space<vmem>>, vector<16xf32>,
        %mul3A_1921 = arith.mulf %get3A_1920, %select_n3A : vector<16xf32>
        %swap3A_1922 = arith.index_cast %scan3A_95 : i32 to index
        %swap3A_1923 = arith.constant 912 : index
        %swap3A_1924 = tpu.vector_load %arg10[%swap3A_1922, %swap3A_1923] {strides = array<i32>} : memref<16x1024xf32, #tpu.memory_space<vmem>>, vector<16xf32>,
        tpu.vector_store %arg10[%swap3A_1922, %swap3A_1923], %mul3A_1921 {strides = array<i32>} : memref<16x1024xf32, #tpu.memory_space<vmem>>, vector<16xf32>,
        %get3A_1925 = arith.index_cast %scan3A_95 : i32 to index
        %get3A_1926 = arith.constant 928 : index
        %get3A_1927 = tpu.vector_load %arg8[%get3A_1925, %get3A_1926] {strides = array<i32>} : memref<16x1024xf32, #tpu.memory_space<vmem>>, vector<16xf32>,
        %mul3A_1928 = arith.mulf %get3A_1927, %select_n3A : vector<16xf32>
        %swap3A_1929 = arith.index_cast %scan3A_95 : i32 to index
        %swap3A_1930 = arith.constant 928 : index
        %swap3A_1931 = tpu.vector_load %arg10[%swap3A_1929, %swap3A_1930] {strides = array<i32>} : memref<16x1024xf32, #tpu.memory_space<vmem>>, vector<16xf32>,
        tpu.vector_store %arg10[%swap3A_1929, %swap3A_1930], %mul3A_1928 {strides = array<i32>} : memref<16x1024xf32, #tpu.memory_space<vmem>>, vector<16xf32>,
        %get3A_1932 = arith.index_cast %scan3A_95 : i32 to index
        %get3A_1933 = arith.constant 944 : index
        %get3A_1934 = tpu.vector_load %arg8[%get3A_1932, %get3A_1933] {strides = array<i32>} : memref<16x1024xf32, #tpu.memory_space<vmem>>, vector<16xf32>,
        %mul3A_1935 = arith.mulf %get3A_1934, %select_n3A : vector<16xf32>
        %swap3A_1936 = arith.index_cast %scan3A_95 : i32 to index
        %swap3A_1937 = arith.constant 944 : index
        %swap3A_1938 = tpu.vector_load %arg10[%swap3A_1936, %swap3A_1937] {strides = array<i32>} : memref<16x1024xf32, #tpu.memory_space<vmem>>, vector<16xf32>,
        tpu.vector_store %arg10[%swap3A_1936, %swap3A_1937], %mul3A_1935 {strides = array<i32>} : memref<16x1024xf32, #tpu.memory_space<vmem>>, vector<16xf32>,
        %get3A_1939 = arith.index_cast %scan3A_95 : i32 to index
        %get3A_1940 = arith.constant 960 : index
        %get3A_1941 = tpu.vector_load %arg8[%get3A_1939, %get3A_1940] {strides = array<i32>} : memref<16x1024xf32, #tpu.memory_space<vmem>>, vector<16xf32>,
        %mul3A_1942 = arith.mulf %get3A_1941, %select_n3A : vector<16xf32>
        %swap3A_1943 = arith.index_cast %scan3A_95 : i32 to index
        %swap3A_1944 = arith.constant 960 : index
        %swap3A_1945 = tpu.vector_load %arg10[%swap3A_1943, %swap3A_1944] {strides = array<i32>} : memref<16x1024xf32, #tpu.memory_space<vmem>>, vector<16xf32>,
        tpu.vector_store %arg10[%swap3A_1943, %swap3A_1944], %mul3A_1942 {strides = array<i32>} : memref<16x1024xf32, #tpu.memory_space<vmem>>, vector<16xf32>,
        %get3A_1946 = arith.index_cast %scan3A_95 : i32 to index
        %get3A_1947 = arith.constant 976 : index
        %get3A_1948 = tpu.vector_load %arg8[%get3A_1946, %get3A_1947] {strides = array<i32>} : memref<16x1024xf32, #tpu.memory_space<vmem>>, vector<16xf32>,
        %mul3A_1949 = arith.mulf %get3A_1948, %select_n3A : vector<16xf32>
        %swap3A_1950 = arith.index_cast %scan3A_95 : i32 to index
        %swap3A_1951 = arith.constant 976 : index
        %swap3A_1952 = tpu.vector_load %arg10[%swap3A_1950, %swap3A_1951] {strides = array<i32>} : memref<16x1024xf32, #tpu.memory_space<vmem>>, vector<16xf32>,
        tpu.vector_store %arg10[%swap3A_1950, %swap3A_1951], %mul3A_1949 {strides = array<i32>} : memref<16x1024xf32, #tpu.memory_space<vmem>>, vector<16xf32>,
        %get3A_1953 = arith.index_cast %scan3A_95 : i32 to index
        %get3A_1954 = arith.constant 992 : index
        %get3A_1955 = tpu.vector_load %arg8[%get3A_1953, %get3A_1954] {strides = array<i32>} : memref<16x1024xf32, #tpu.memory_space<vmem>>, vector<16xf32>,
        %mul3A_1956 = arith.mulf %get3A_1955, %select_n3A : vector<16xf32>
        %swap3A_1957 = arith.index_cast %scan3A_95 : i32 to index
        %swap3A_1958 = arith.constant 992 : index
        %swap3A_1959 = tpu.vector_load %arg10[%swap3A_1957, %swap3A_1958] {strides = array<i32>} : memref<16x1024xf32, #tpu.memory_space<vmem>>, vector<16xf32>,
        tpu.vector_store %arg10[%swap3A_1957, %swap3A_1958], %mul3A_1956 {strides = array<i32>} : memref<16x1024xf32, #tpu.memory_space<vmem>>, vector<16xf32>,
        %get3A_1960 = arith.index_cast %scan3A_95 : i32 to index
        %get3A_1961 = arith.constant 1008 : index
        %get3A_1962 = tpu.vector_load %arg8[%get3A_1960, %get3A_1961] {strides = array<i32>} : memref<16x1024xf32, #tpu.memory_space<vmem>>, vector<16xf32>,
        %mul3A_1963 = arith.mulf %get3A_1962, %select_n3A : vector<16xf32>
        %swap3A_1964 = arith.index_cast %scan3A_95 : i32 to index
        %swap3A_1965 = arith.constant 1008 : index
        %swap3A_1966 = tpu.vector_load %arg10[%swap3A_1964, %swap3A_1965] {strides = array<i32>} : memref<16x1024xf32, #tpu.memory_space<vmem>>, vector<16xf32>,
        tpu.vector_store %arg10[%swap3A_1964, %swap3A_1965], %mul3A_1963 {strides = array<i32>} : memref<16x1024xf32, #tpu.memory_space<vmem>>, vector<16xf32>,
      }
      %scan3A_47 = arith.constant 16 : i32
      %add3A_48 = arith.constant 2 : i32
      %add3A_49 = arith.addi %add3A_32, %add3A_48 : i32
      %lt3A = arith.constant 64 : i32
      %lt3A_50 = arith.cmpi slt, %add3A_49, %lt3A : i32
      %convert_element_type3A_51 = arith.extui %lt3A_50 : i1 to i32
      %cond3A_52 = arith.constant 0 : i32
      %cond3A_53 = arith.cmpi ne, %convert_element_type3A_51, %cond3A_52 : i32
      scf.if %cond3A_53 {
        %add3A_95 = arith.constant 2 : i32
        %add3A_96 = arith.addi %add3A_32, %add3A_95 : i32
        %mul3A_97 = arith.constant 16 : i32
        %mul3A_98 = arith.muli %add3A_96, %mul3A_97 : i32
        %add3A_99 = arith.addi %mul3A_2, %mul3A_98 : i32
        %dma_start3A_100 = arith.constant 0 : i32
        %dma_start3A_101 = tpu.memref_slice %arg2[%add3A_99, %dma_start3A_100] : memref<32768x1024xf32, #tpu.memory_space<hbm>> -> memref<16x1024xf32, #tpu.memory_space<hbm>>
        %dma_start3A_102 = arith.constant 0 : i32
        %dma_start3A_103 = tpu.memref_slice %arg2[%add3A_99, %dma_start3A_102] : memref<32768x1024xf32, #tpu.memory_space<hbm>> -> memref<16x1024xf32, #tpu.memory_space<hbm>>
        tpu.enqueue_dma source(%dma_start3A_103 : memref<16x1024xf32, #tpu.memory_space<hbm>>) target(%arg8 : memref<16x1024xf32, #tpu.memory_space<vmem>>) target_semaphore(%arg12 : memref<!tpu.dma_semaphore, #tpu.memory_space<semaphore_mem>>)
      } else {
      }
      %mul3A_54 = arith.constant 16 : i32
      %mul3A_55 = arith.muli %add3A_32, %mul3A_54 : i32
      %add3A_56 = arith.addi %mul3A_2, %mul3A_55 : i32
      %dma_start3A_57 = arith.constant 0 : i32
      %dma_start3A_58 = tpu.memref_slice %arg5[%add3A_56, %dma_start3A_57] : memref<32768x1024xf32, #tpu.memory_space<hbm>> -> memref<16x1024xf32, #tpu.memory_space<hbm>>
      %dma_start3A_59 = arith.constant 0 : i32
      %dma_start3A_60 = tpu.memref_slice %arg5[%add3A_56, %dma_start3A_59] : memref<32768x1024xf32, #tpu.memory_space<hbm>> -> memref<16x1024xf32, #tpu.memory_space<hbm>>
      tpu.enqueue_dma source(%arg10 : memref<16x1024xf32, #tpu.memory_space<vmem>>) target(%dma_start3A_60 : memref<16x1024xf32, #tpu.memory_space<hbm>>) target_semaphore(%arg14 : memref<!tpu.dma_semaphore, #tpu.memory_space<semaphore_mem>>)
      %add3A_61 = arith.constant 1 : i32
      %add3A_62 = arith.addi %add3A_32, %add3A_61 : i32
      %mul3A_63 = arith.constant 16 : i32
      %mul3A_64 = arith.muli %add3A_62, %mul3A_63 : i32
      %add3A_65 = arith.addi %mul3A_2, %mul3A_64 : i32
      %dma_wait3A_66 = arith.constant 0 : i32
      %dma_wait3A_67 = tpu.memref_slice %arg2[%add3A_65, %dma_wait3A_66] : memref<32768x1024xf32, #tpu.memory_space<hbm>> -> memref<16x1024xf32, #tpu.memory_space<hbm>>
      %dma_wait3A_68 = arith.constant 0 : i32
      %dma_wait3A_69 = tpu.memref_slice %arg2[%add3A_65, %dma_wait3A_68] : memref<32768x1024xf32, #tpu.memory_space<hbm>> -> memref<16x1024xf32, #tpu.memory_space<hbm>>
      tpu.wait_dma2 semaphore(%arg13 : memref<!tpu.dma_semaphore, #tpu.memory_space<semaphore_mem>>) src(%dma_wait3A_69 : memref<16x1024xf32, #tpu.memory_space<hbm>>) dst(%arg9 : memref<16x1024xf32, #tpu.memory_space<vmem>>)
      %ge3A_70 = arith.constant 2 : i32
      %ge3A_71 = arith.cmpi sge, %add3A_62, %ge3A_70 : i32
      %convert_element_type3A_72 = arith.extui %ge3A_71 : i1 to i32
      %cond3A_73 = arith.constant 0 : i32
      %cond3A_74 = arith.cmpi ne, %convert_element_type3A_72, %cond3A_73 : i32
      scf.if %cond3A_74 {
        %sub3A = arith.constant 2 : i32
        %sub3A_95 = arith.subi %add3A_62, %sub3A : i32
        %mul3A_96 = arith.constant 16 : i32
        %mul3A_97 = arith.muli %sub3A_95, %mul3A_96 : i32
        %add3A_98 = arith.addi %mul3A_2, %mul3A_97 : i32
        %dma_wait3A_99 = arith.constant 0 : i32
        %dma_wait3A_100 = tpu.memref_slice %arg5[%add3A_98, %dma_wait3A_99] : memref<32768x1024xf32, #tpu.memory_space<hbm>> -> memref<16x1024xf32, #tpu.memory_space<hbm>>
        %dma_wait3A_101 = arith.constant 0 : i32
        %dma_wait3A_102 = tpu.memref_slice %arg5[%add3A_98, %dma_wait3A_101] : memref<32768x1024xf32, #tpu.memory_space<hbm>> -> memref<16x1024xf32, #tpu.memory_space<hbm>>
        tpu.wait_dma2 semaphore(%arg15 : memref<!tpu.dma_semaphore, #tpu.memory_space<semaphore_mem>>) src(%arg11 : memref<16x1024xf32, #tpu.memory_space<vmem>>) dst(%dma_wait3A_102 : memref<16x1024xf32, #tpu.memory_space<hbm>>)
      } else {
      }
      %scan3A_75 = arith.constant 0 : i32
      %scan3A_76 = arith.constant 0 : i32
      %scan3A_77 = arith.constant 16 : i32
      %scan3A_78 = arith.addi %scan3A_76, %scan3A_77 : i32
      %scan3A_79 = arith.constant 1 : i32
      scf.for %scan3A_95 = %scan3A_76 to %scan3A_78 step %scan3A_79  : i32 {
        %get3A = arith.index_cast %scan3A_95 : i32 to index
        %get3A_96 = arith.constant 0 : index
        %get3A_97 = tpu.vector_load %arg9[%get3A, %get3A_96] {strides = array<i32>} : memref<16x1024xf32, #tpu.memory_space<vmem>>, vector<16xf32>,
        %bitcast_convert_type3A = tpu.bitcast %get3A_97 : vector<16xf32> -> vector<16xi32>
        %shift_right_logical3A = arith.constant 16 : i32
        %shift_right_logical3A_98 = vector.broadcast %shift_right_logical3A : i32 to vector<16xi32>
        %shift_right_logical3A_99 = arith.shrui %bitcast_convert_type3A, %shift_right_logical3A_98 : vector<16xi32>
        %and3A = arith.constant 1 : i32
        %and3A_100 = vector.broadcast %and3A : i32 to vector<16xi32>
        %and3A_101 = arith.andi %shift_right_logical3A_99, %and3A_100 : vector<16xi32>
        %add3A_102 = arith.constant 32767 : i32
        %add3A_103 = vector.broadcast %add3A_102 : i32 to vector<16xi32>
        %add3A_104 = arith.addi %add3A_103, %and3A_101 : vector<16xi32>
        %add3A_105 = arith.addi %bitcast_convert_type3A, %add3A_104 : vector<16xi32>
        %and3A_106 = arith.constant -65536 : i32
        %and3A_107 = vector.broadcast %and3A_106 : i32 to vector<16xi32>
        %and3A_108 = arith.andi %add3A_105, %and3A_107 : vector<16xi32>
        %bitcast_convert_type3A_109 = tpu.bitcast %and3A_108 : vector<16xi32> -> vector<16xf32>
        %get3A_110 = arith.constant 0 : index
        %get3A_111 = tpu.vector_load %arg6[%get3A_110] {strides = array<i32>} : memref<1024xf32, #tpu.memory_space<vmem>>, vector<16xf32>,
        %mul3A_112 = arith.mulf %bitcast_convert_type3A_109, %get3A_111 : vector<16xf32>
        %add3A_113 = arith.addf %broadcast_in_dim3A_3, %mul3A_112 : vector<16xf32>
        %get3A_114 = arith.index_cast %scan3A_95 : i32 to index
        %get3A_115 = arith.constant 16 : index
        %get3A_116 = tpu.vector_load %arg9[%get3A_114, %get3A_115] {strides = array<i32>} : memref<16x1024xf32, #tpu.memory_space<vmem>>, vector<16xf32>,
        %bitcast_convert_type3A_117 = tpu.bitcast %get3A_116 : vector<16xf32> -> vector<16xi32>
        %shift_right_logical3A_118 = arith.constant 16 : i32
        %shift_right_logical3A_119 = vector.broadcast %shift_right_logical3A_118 : i32 to vector<16xi32>
        %shift_right_logical3A_120 = arith.shrui %bitcast_convert_type3A_117, %shift_right_logical3A_119 : vector<16xi32>
        %and3A_121 = arith.constant 1 : i32
        %and3A_122 = vector.broadcast %and3A_121 : i32 to vector<16xi32>
        %and3A_123 = arith.andi %shift_right_logical3A_120, %and3A_122 : vector<16xi32>
        %add3A_124 = arith.constant 32767 : i32
        %add3A_125 = vector.broadcast %add3A_124 : i32 to vector<16xi32>
        %add3A_126 = arith.addi %add3A_125, %and3A_123 : vector<16xi32>
        %add3A_127 = arith.addi %bitcast_convert_type3A_117, %add3A_126 : vector<16xi32>
        %and3A_128 = arith.constant -65536 : i32
        %and3A_129 = vector.broadcast %and3A_128 : i32 to vector<16xi32>
        %and3A_130 = arith.andi %add3A_127, %and3A_129 : vector<16xi32>
        %bitcast_convert_type3A_131 = tpu.bitcast %and3A_130 : vector<16xi32> -> vector<16xf32>
        %get3A_132 = arith.constant 16 : index
        %get3A_133 = tpu.vector_load %arg6[%get3A_132] {strides = array<i32>} : memref<1024xf32, #tpu.memory_space<vmem>>, vector<16xf32>,
        %mul3A_134 = arith.mulf %bitcast_convert_type3A_131, %get3A_133 : vector<16xf32>
        %add3A_135 = arith.addf %broadcast_in_dim3A_3, %mul3A_134 : vector<16xf32>
        %get3A_136 = arith.index_cast %scan3A_95 : i32 to index
        %get3A_137 = arith.constant 32 : index
        %get3A_138 = tpu.vector_load %arg9[%get3A_136, %get3A_137] {strides = array<i32>} : memref<16x1024xf32, #tpu.memory_space<vmem>>, vector<16xf32>,
        %bitcast_convert_type3A_139 = tpu.bitcast %get3A_138 : vector<16xf32> -> vector<16xi32>
        %shift_right_logical3A_140 = arith.constant 16 : i32
        %shift_right_logical3A_141 = vector.broadcast %shift_right_logical3A_140 : i32 to vector<16xi32>
        %shift_right_logical3A_142 = arith.shrui %bitcast_convert_type3A_139, %shift_right_logical3A_141 : vector<16xi32>
        %and3A_143 = arith.constant 1 : i32
        %and3A_144 = vector.broadcast %and3A_143 : i32 to vector<16xi32>
        %and3A_145 = arith.andi %shift_right_logical3A_142, %and3A_144 : vector<16xi32>
        %add3A_146 = arith.constant 32767 : i32
        %add3A_147 = vector.broadcast %add3A_146 : i32 to vector<16xi32>
        %add3A_148 = arith.addi %add3A_147, %and3A_145 : vector<16xi32>
        %add3A_149 = arith.addi %bitcast_convert_type3A_139, %add3A_148 : vector<16xi32>
        %and3A_150 = arith.constant -65536 : i32
        %and3A_151 = vector.broadcast %and3A_150 : i32 to vector<16xi32>
        %and3A_152 = arith.andi %add3A_149, %and3A_151 : vector<16xi32>
        %bitcast_convert_type3A_153 = tpu.bitcast %and3A_152 : vector<16xi32> -> vector<16xf32>
        %get3A_154 = arith.constant 32 : index
        %get3A_155 = tpu.vector_load %arg6[%get3A_154] {strides = array<i32>} : memref<1024xf32, #tpu.memory_space<vmem>>, vector<16xf32>,
        %mul3A_156 = arith.mulf %bitcast_convert_type3A_153, %get3A_155 : vector<16xf32>
        %add3A_157 = arith.addf %broadcast_in_dim3A_3, %mul3A_156 : vector<16xf32>
        %get3A_158 = arith.index_cast %scan3A_95 : i32 to index
        %get3A_159 = arith.constant 48 : index
        %get3A_160 = tpu.vector_load %arg9[%get3A_158, %get3A_159] {strides = array<i32>} : memref<16x1024xf32, #tpu.memory_space<vmem>>, vector<16xf32>,
        %bitcast_convert_type3A_161 = tpu.bitcast %get3A_160 : vector<16xf32> -> vector<16xi32>
        %shift_right_logical3A_162 = arith.constant 16 : i32
        %shift_right_logical3A_163 = vector.broadcast %shift_right_logical3A_162 : i32 to vector<16xi32>
        %shift_right_logical3A_164 = arith.shrui %bitcast_convert_type3A_161, %shift_right_logical3A_163 : vector<16xi32>
        %and3A_165 = arith.constant 1 : i32
        %and3A_166 = vector.broadcast %and3A_165 : i32 to vector<16xi32>
        %and3A_167 = arith.andi %shift_right_logical3A_164, %and3A_166 : vector<16xi32>
        %add3A_168 = arith.constant 32767 : i32
        %add3A_169 = vector.broadcast %add3A_168 : i32 to vector<16xi32>
        %add3A_170 = arith.addi %add3A_169, %and3A_167 : vector<16xi32>
        %add3A_171 = arith.addi %bitcast_convert_type3A_161, %add3A_170 : vector<16xi32>
        %and3A_172 = arith.constant -65536 : i32
        %and3A_173 = vector.broadcast %and3A_172 : i32 to vector<16xi32>
        %and3A_174 = arith.andi %add3A_171, %and3A_173 : vector<16xi32>
        %bitcast_convert_type3A_175 = tpu.bitcast %and3A_174 : vector<16xi32> -> vector<16xf32>
        %get3A_176 = arith.constant 48 : index
        %get3A_177 = tpu.vector_load %arg6[%get3A_176] {strides = array<i32>} : memref<1024xf32, #tpu.memory_space<vmem>>, vector<16xf32>,
        %mul3A_178 = arith.mulf %bitcast_convert_type3A_175, %get3A_177 : vector<16xf32>
        %add3A_179 = arith.addf %broadcast_in_dim3A_3, %mul3A_178 : vector<16xf32>
        %get3A_180 = arith.index_cast %scan3A_95 : i32 to index
        %get3A_181 = arith.constant 64 : index
        %get3A_182 = tpu.vector_load %arg9[%get3A_180, %get3A_181] {strides = array<i32>} : memref<16x1024xf32, #tpu.memory_space<vmem>>, vector<16xf32>,
        %bitcast_convert_type3A_183 = tpu.bitcast %get3A_182 : vector<16xf32> -> vector<16xi32>
        %shift_right_logical3A_184 = arith.constant 16 : i32
        %shift_right_logical3A_185 = vector.broadcast %shift_right_logical3A_184 : i32 to vector<16xi32>
        %shift_right_logical3A_186 = arith.shrui %bitcast_convert_type3A_183, %shift_right_logical3A_185 : vector<16xi32>
        %and3A_187 = arith.constant 1 : i32
        %and3A_188 = vector.broadcast %and3A_187 : i32 to vector<16xi32>
        %and3A_189 = arith.andi %shift_right_logical3A_186, %and3A_188 : vector<16xi32>
        %add3A_190 = arith.constant 32767 : i32
        %add3A_191 = vector.broadcast %add3A_190 : i32 to vector<16xi32>
        %add3A_192 = arith.addi %add3A_191, %and3A_189 : vector<16xi32>
        %add3A_193 = arith.addi %bitcast_convert_type3A_183, %add3A_192 : vector<16xi32>
        %and3A_194 = arith.constant -65536 : i32
        %and3A_195 = vector.broadcast %and3A_194 : i32 to vector<16xi32>
        %and3A_196 = arith.andi %add3A_193, %and3A_195 : vector<16xi32>
        %bitcast_convert_type3A_197 = tpu.bitcast %and3A_196 : vector<16xi32> -> vector<16xf32>
        %get3A_198 = arith.constant 64 : index
        %get3A_199 = tpu.vector_load %arg6[%get3A_198] {strides = array<i32>} : memref<1024xf32, #tpu.memory_space<vmem>>, vector<16xf32>,
        %mul3A_200 = arith.mulf %bitcast_convert_type3A_197, %get3A_199 : vector<16xf32>
        %add3A_201 = arith.addf %add3A_113, %mul3A_200 : vector<16xf32>
        %get3A_202 = arith.index_cast %scan3A_95 : i32 to index
        %get3A_203 = arith.constant 80 : index
        %get3A_204 = tpu.vector_load %arg9[%get3A_202, %get3A_203] {strides = array<i32>} : memref<16x1024xf32, #tpu.memory_space<vmem>>, vector<16xf32>,
        %bitcast_convert_type3A_205 = tpu.bitcast %get3A_204 : vector<16xf32> -> vector<16xi32>
        %shift_right_logical3A_206 = arith.constant 16 : i32
        %shift_right_logical3A_207 = vector.broadcast %shift_right_logical3A_206 : i32 to vector<16xi32>
        %shift_right_logical3A_208 = arith.shrui %bitcast_convert_type3A_205, %shift_right_logical3A_207 : vector<16xi32>
        %and3A_209 = arith.constant 1 : i32
        %and3A_210 = vector.broadcast %and3A_209 : i32 to vector<16xi32>
        %and3A_211 = arith.andi %shift_right_logical3A_208, %and3A_210 : vector<16xi32>
        %add3A_212 = arith.constant 32767 : i32
        %add3A_213 = vector.broadcast %add3A_212 : i32 to vector<16xi32>
        %add3A_214 = arith.addi %add3A_213, %and3A_211 : vector<16xi32>
        %add3A_215 = arith.addi %bitcast_convert_type3A_205, %add3A_214 : vector<16xi32>
        %and3A_216 = arith.constant -65536 : i32
        %and3A_217 = vector.broadcast %and3A_216 : i32 to vector<16xi32>
        %and3A_218 = arith.andi %add3A_215, %and3A_217 : vector<16xi32>
        %bitcast_convert_type3A_219 = tpu.bitcast %and3A_218 : vector<16xi32> -> vector<16xf32>
        %get3A_220 = arith.constant 80 : index
        %get3A_221 = tpu.vector_load %arg6[%get3A_220] {strides = array<i32>} : memref<1024xf32, #tpu.memory_space<vmem>>, vector<16xf32>,
        %mul3A_222 = arith.mulf %bitcast_convert_type3A_219, %get3A_221 : vector<16xf32>
        %add3A_223 = arith.addf %add3A_135, %mul3A_222 : vector<16xf32>
        %get3A_224 = arith.index_cast %scan3A_95 : i32 to index
        %get3A_225 = arith.constant 96 : index
        %get3A_226 = tpu.vector_load %arg9[%get3A_224, %get3A_225] {strides = array<i32>} : memref<16x1024xf32, #tpu.memory_space<vmem>>, vector<16xf32>,
        %bitcast_convert_type3A_227 = tpu.bitcast %get3A_226 : vector<16xf32> -> vector<16xi32>
        %shift_right_logical3A_228 = arith.constant 16 : i32
        %shift_right_logical3A_229 = vector.broadcast %shift_right_logical3A_228 : i32 to vector<16xi32>
        %shift_right_logical3A_230 = arith.shrui %bitcast_convert_type3A_227, %shift_right_logical3A_229 : vector<16xi32>
        %and3A_231 = arith.constant 1 : i32
        %and3A_232 = vector.broadcast %and3A_231 : i32 to vector<16xi32>
        %and3A_233 = arith.andi %shift_right_logical3A_230, %and3A_232 : vector<16xi32>
        %add3A_234 = arith.constant 32767 : i32
        %add3A_235 = vector.broadcast %add3A_234 : i32 to vector<16xi32>
        %add3A_236 = arith.addi %add3A_235, %and3A_233 : vector<16xi32>
        %add3A_237 = arith.addi %bitcast_convert_type3A_227, %add3A_236 : vector<16xi32>
        %and3A_238 = arith.constant -65536 : i32
        %and3A_239 = vector.broadcast %and3A_238 : i32 to vector<16xi32>
        %and3A_240 = arith.andi %add3A_237, %and3A_239 : vector<16xi32>
        %bitcast_convert_type3A_241 = tpu.bitcast %and3A_240 : vector<16xi32> -> vector<16xf32>
        %get3A_242 = arith.constant 96 : index
        %get3A_243 = tpu.vector_load %arg6[%get3A_242] {strides = array<i32>} : memref<1024xf32, #tpu.memory_space<vmem>>, vector<16xf32>,
        %mul3A_244 = arith.mulf %bitcast_convert_type3A_241, %get3A_243 : vector<16xf32>
        %add3A_245 = arith.addf %add3A_157, %mul3A_244 : vector<16xf32>
        %get3A_246 = arith.index_cast %scan3A_95 : i32 to index
        %get3A_247 = arith.constant 112 : index
        %get3A_248 = tpu.vector_load %arg9[%get3A_246, %get3A_247] {strides = array<i32>} : memref<16x1024xf32, #tpu.memory_space<vmem>>, vector<16xf32>,
        %bitcast_convert_type3A_249 = tpu.bitcast %get3A_248 : vector<16xf32> -> vector<16xi32>
        %shift_right_logical3A_250 = arith.constant 16 : i32
        %shift_right_logical3A_251 = vector.broadcast %shift_right_logical3A_250 : i32 to vector<16xi32>
        %shift_right_logical3A_252 = arith.shrui %bitcast_convert_type3A_249, %shift_right_logical3A_251 : vector<16xi32>
        %and3A_253 = arith.constant 1 : i32
        %and3A_254 = vector.broadcast %and3A_253 : i32 to vector<16xi32>
        %and3A_255 = arith.andi %shift_right_logical3A_252, %and3A_254 : vector<16xi32>
        %add3A_256 = arith.constant 32767 : i32
        %add3A_257 = vector.broadcast %add3A_256 : i32 to vector<16xi32>
        %add3A_258 = arith.addi %add3A_257, %and3A_255 : vector<16xi32>
        %add3A_259 = arith.addi %bitcast_convert_type3A_249, %add3A_258 : vector<16xi32>
        %and3A_260 = arith.constant -65536 : i32
        %and3A_261 = vector.broadcast %and3A_260 : i32 to vector<16xi32>
        %and3A_262 = arith.andi %add3A_259, %and3A_261 : vector<16xi32>
        %bitcast_convert_type3A_263 = tpu.bitcast %and3A_262 : vector<16xi32> -> vector<16xf32>
        %get3A_264 = arith.constant 112 : index
        %get3A_265 = tpu.vector_load %arg6[%get3A_264] {strides = array<i32>} : memref<1024xf32, #tpu.memory_space<vmem>>, vector<16xf32>,
        %mul3A_266 = arith.mulf %bitcast_convert_type3A_263, %get3A_265 : vector<16xf32>
        %add3A_267 = arith.addf %add3A_179, %mul3A_266 : vector<16xf32>
        %get3A_268 = arith.index_cast %scan3A_95 : i32 to index
        %get3A_269 = arith.constant 128 : index
        %get3A_270 = tpu.vector_load %arg9[%get3A_268, %get3A_269] {strides = array<i32>} : memref<16x1024xf32, #tpu.memory_space<vmem>>, vector<16xf32>,
        %bitcast_convert_type3A_271 = tpu.bitcast %get3A_270 : vector<16xf32> -> vector<16xi32>
        %shift_right_logical3A_272 = arith.constant 16 : i32
        %shift_right_logical3A_273 = vector.broadcast %shift_right_logical3A_272 : i32 to vector<16xi32>
        %shift_right_logical3A_274 = arith.shrui %bitcast_convert_type3A_271, %shift_right_logical3A_273 : vector<16xi32>
        %and3A_275 = arith.constant 1 : i32
        %and3A_276 = vector.broadcast %and3A_275 : i32 to vector<16xi32>
        %and3A_277 = arith.andi %shift_right_logical3A_274, %and3A_276 : vector<16xi32>
        %add3A_278 = arith.constant 32767 : i32
        %add3A_279 = vector.broadcast %add3A_278 : i32 to vector<16xi32>
        %add3A_280 = arith.addi %add3A_279, %and3A_277 : vector<16xi32>
        %add3A_281 = arith.addi %bitcast_convert_type3A_271, %add3A_280 : vector<16xi32>
        %and3A_282 = arith.constant -65536 : i32
        %and3A_283 = vector.broadcast %and3A_282 : i32 to vector<16xi32>
        %and3A_284 = arith.andi %add3A_281, %and3A_283 : vector<16xi32>
        %bitcast_convert_type3A_285 = tpu.bitcast %and3A_284 : vector<16xi32> -> vector<16xf32>
        %get3A_286 = arith.constant 128 : index
        %get3A_287 = tpu.vector_load %arg6[%get3A_286] {strides = array<i32>} : memref<1024xf32, #tpu.memory_space<vmem>>, vector<16xf32>,
        %mul3A_288 = arith.mulf %bitcast_convert_type3A_285, %get3A_287 : vector<16xf32>
        %add3A_289 = arith.addf %add3A_201, %mul3A_288 : vector<16xf32>
        %get3A_290 = arith.index_cast %scan3A_95 : i32 to index
        %get3A_291 = arith.constant 144 : index
        %get3A_292 = tpu.vector_load %arg9[%get3A_290, %get3A_291] {strides = array<i32>} : memref<16x1024xf32, #tpu.memory_space<vmem>>, vector<16xf32>,
        %bitcast_convert_type3A_293 = tpu.bitcast %get3A_292 : vector<16xf32> -> vector<16xi32>
        %shift_right_logical3A_294 = arith.constant 16 : i32
        %shift_right_logical3A_295 = vector.broadcast %shift_right_logical3A_294 : i32 to vector<16xi32>
        %shift_right_logical3A_296 = arith.shrui %bitcast_convert_type3A_293, %shift_right_logical3A_295 : vector<16xi32>
        %and3A_297 = arith.constant 1 : i32
        %and3A_298 = vector.broadcast %and3A_297 : i32 to vector<16xi32>
        %and3A_299 = arith.andi %shift_right_logical3A_296, %and3A_298 : vector<16xi32>
        %add3A_300 = arith.constant 32767 : i32
        %add3A_301 = vector.broadcast %add3A_300 : i32 to vector<16xi32>
        %add3A_302 = arith.addi %add3A_301, %and3A_299 : vector<16xi32>
        %add3A_303 = arith.addi %bitcast_convert_type3A_293, %add3A_302 : vector<16xi32>
        %and3A_304 = arith.constant -65536 : i32
        %and3A_305 = vector.broadcast %and3A_304 : i32 to vector<16xi32>
        %and3A_306 = arith.andi %add3A_303, %and3A_305 : vector<16xi32>
        %bitcast_convert_type3A_307 = tpu.bitcast %and3A_306 : vector<16xi32> -> vector<16xf32>
        %get3A_308 = arith.constant 144 : index
        %get3A_309 = tpu.vector_load %arg6[%get3A_308] {strides = array<i32>} : memref<1024xf32, #tpu.memory_space<vmem>>, vector<16xf32>,
        %mul3A_310 = arith.mulf %bitcast_convert_type3A_307, %get3A_309 : vector<16xf32>
        %add3A_311 = arith.addf %add3A_223, %mul3A_310 : vector<16xf32>
        %get3A_312 = arith.index_cast %scan3A_95 : i32 to index
        %get3A_313 = arith.constant 160 : index
        %get3A_314 = tpu.vector_load %arg9[%get3A_312, %get3A_313] {strides = array<i32>} : memref<16x1024xf32, #tpu.memory_space<vmem>>, vector<16xf32>,
        %bitcast_convert_type3A_315 = tpu.bitcast %get3A_314 : vector<16xf32> -> vector<16xi32>
        %shift_right_logical3A_316 = arith.constant 16 : i32
        %shift_right_logical3A_317 = vector.broadcast %shift_right_logical3A_316 : i32 to vector<16xi32>
        %shift_right_logical3A_318 = arith.shrui %bitcast_convert_type3A_315, %shift_right_logical3A_317 : vector<16xi32>
        %and3A_319 = arith.constant 1 : i32
        %and3A_320 = vector.broadcast %and3A_319 : i32 to vector<16xi32>
        %and3A_321 = arith.andi %shift_right_logical3A_318, %and3A_320 : vector<16xi32>
        %add3A_322 = arith.constant 32767 : i32
        %add3A_323 = vector.broadcast %add3A_322 : i32 to vector<16xi32>
        %add3A_324 = arith.addi %add3A_323, %and3A_321 : vector<16xi32>
        %add3A_325 = arith.addi %bitcast_convert_type3A_315, %add3A_324 : vector<16xi32>
        %and3A_326 = arith.constant -65536 : i32
        %and3A_327 = vector.broadcast %and3A_326 : i32 to vector<16xi32>
        %and3A_328 = arith.andi %add3A_325, %and3A_327 : vector<16xi32>
        %bitcast_convert_type3A_329 = tpu.bitcast %and3A_328 : vector<16xi32> -> vector<16xf32>
        %get3A_330 = arith.constant 160 : index
        %get3A_331 = tpu.vector_load %arg6[%get3A_330] {strides = array<i32>} : memref<1024xf32, #tpu.memory_space<vmem>>, vector<16xf32>,
        %mul3A_332 = arith.mulf %bitcast_convert_type3A_329, %get3A_331 : vector<16xf32>
        %add3A_333 = arith.addf %add3A_245, %mul3A_332 : vector<16xf32>
        %get3A_334 = arith.index_cast %scan3A_95 : i32 to index
        %get3A_335 = arith.constant 176 : index
        %get3A_336 = tpu.vector_load %arg9[%get3A_334, %get3A_335] {strides = array<i32>} : memref<16x1024xf32, #tpu.memory_space<vmem>>, vector<16xf32>,
        %bitcast_convert_type3A_337 = tpu.bitcast %get3A_336 : vector<16xf32> -> vector<16xi32>
        %shift_right_logical3A_338 = arith.constant 16 : i32
        %shift_right_logical3A_339 = vector.broadcast %shift_right_logical3A_338 : i32 to vector<16xi32>
        %shift_right_logical3A_340 = arith.shrui %bitcast_convert_type3A_337, %shift_right_logical3A_339 : vector<16xi32>
        %and3A_341 = arith.constant 1 : i32
        %and3A_342 = vector.broadcast %and3A_341 : i32 to vector<16xi32>
        %and3A_343 = arith.andi %shift_right_logical3A_340, %and3A_342 : vector<16xi32>
        %add3A_344 = arith.constant 32767 : i32
        %add3A_345 = vector.broadcast %add3A_344 : i32 to vector<16xi32>
        %add3A_346 = arith.addi %add3A_345, %and3A_343 : vector<16xi32>
        %add3A_347 = arith.addi %bitcast_convert_type3A_337, %add3A_346 : vector<16xi32>
        %and3A_348 = arith.constant -65536 : i32
        %and3A_349 = vector.broadcast %and3A_348 : i32 to vector<16xi32>
        %and3A_350 = arith.andi %add3A_347, %and3A_349 : vector<16xi32>
        %bitcast_convert_type3A_351 = tpu.bitcast %and3A_350 : vector<16xi32> -> vector<16xf32>
        %get3A_352 = arith.constant 176 : index
        %get3A_353 = tpu.vector_load %arg6[%get3A_352] {strides = array<i32>} : memref<1024xf32, #tpu.memory_space<vmem>>, vector<16xf32>,
        %mul3A_354 = arith.mulf %bitcast_convert_type3A_351, %get3A_353 : vector<16xf32>
        %add3A_355 = arith.addf %add3A_267, %mul3A_354 : vector<16xf32>
        %get3A_356 = arith.index_cast %scan3A_95 : i32 to index
        %get3A_357 = arith.constant 192 : index
        %get3A_358 = tpu.vector_load %arg9[%get3A_356, %get3A_357] {strides = array<i32>} : memref<16x1024xf32, #tpu.memory_space<vmem>>, vector<16xf32>,
        %bitcast_convert_type3A_359 = tpu.bitcast %get3A_358 : vector<16xf32> -> vector<16xi32>
        %shift_right_logical3A_360 = arith.constant 16 : i32
        %shift_right_logical3A_361 = vector.broadcast %shift_right_logical3A_360 : i32 to vector<16xi32>
        %shift_right_logical3A_362 = arith.shrui %bitcast_convert_type3A_359, %shift_right_logical3A_361 : vector<16xi32>
        %and3A_363 = arith.constant 1 : i32
        %and3A_364 = vector.broadcast %and3A_363 : i32 to vector<16xi32>
        %and3A_365 = arith.andi %shift_right_logical3A_362, %and3A_364 : vector<16xi32>
        %add3A_366 = arith.constant 32767 : i32
        %add3A_367 = vector.broadcast %add3A_366 : i32 to vector<16xi32>
        %add3A_368 = arith.addi %add3A_367, %and3A_365 : vector<16xi32>
        %add3A_369 = arith.addi %bitcast_convert_type3A_359, %add3A_368 : vector<16xi32>
        %and3A_370 = arith.constant -65536 : i32
        %and3A_371 = vector.broadcast %and3A_370 : i32 to vector<16xi32>
        %and3A_372 = arith.andi %add3A_369, %and3A_371 : vector<16xi32>
        %bitcast_convert_type3A_373 = tpu.bitcast %and3A_372 : vector<16xi32> -> vector<16xf32>
        %get3A_374 = arith.constant 192 : index
        %get3A_375 = tpu.vector_load %arg6[%get3A_374] {strides = array<i32>} : memref<1024xf32, #tpu.memory_space<vmem>>, vector<16xf32>,
        %mul3A_376 = arith.mulf %bitcast_convert_type3A_373, %get3A_375 : vector<16xf32>
        %add3A_377 = arith.addf %add3A_289, %mul3A_376 : vector<16xf32>
        %get3A_378 = arith.index_cast %scan3A_95 : i32 to index
        %get3A_379 = arith.constant 208 : index
        %get3A_380 = tpu.vector_load %arg9[%get3A_378, %get3A_379] {strides = array<i32>} : memref<16x1024xf32, #tpu.memory_space<vmem>>, vector<16xf32>,
        %bitcast_convert_type3A_381 = tpu.bitcast %get3A_380 : vector<16xf32> -> vector<16xi32>
        %shift_right_logical3A_382 = arith.constant 16 : i32
        %shift_right_logical3A_383 = vector.broadcast %shift_right_logical3A_382 : i32 to vector<16xi32>
        %shift_right_logical3A_384 = arith.shrui %bitcast_convert_type3A_381, %shift_right_logical3A_383 : vector<16xi32>
        %and3A_385 = arith.constant 1 : i32
        %and3A_386 = vector.broadcast %and3A_385 : i32 to vector<16xi32>
        %and3A_387 = arith.andi %shift_right_logical3A_384, %and3A_386 : vector<16xi32>
        %add3A_388 = arith.constant 32767 : i32
        %add3A_389 = vector.broadcast %add3A_388 : i32 to vector<16xi32>
        %add3A_390 = arith.addi %add3A_389, %and3A_387 : vector<16xi32>
        %add3A_391 = arith.addi %bitcast_convert_type3A_381, %add3A_390 : vector<16xi32>
        %and3A_392 = arith.constant -65536 : i32
        %and3A_393 = vector.broadcast %and3A_392 : i32 to vector<16xi32>
        %and3A_394 = arith.andi %add3A_391, %and3A_393 : vector<16xi32>
        %bitcast_convert_type3A_395 = tpu.bitcast %and3A_394 : vector<16xi32> -> vector<16xf32>
        %get3A_396 = arith.constant 208 : index
        %get3A_397 = tpu.vector_load %arg6[%get3A_396] {strides = array<i32>} : memref<1024xf32, #tpu.memory_space<vmem>>, vector<16xf32>,
        %mul3A_398 = arith.mulf %bitcast_convert_type3A_395, %get3A_397 : vector<16xf32>
        %add3A_399 = arith.addf %add3A_311, %mul3A_398 : vector<16xf32>
        %get3A_400 = arith.index_cast %scan3A_95 : i32 to index
        %get3A_401 = arith.constant 224 : index
        %get3A_402 = tpu.vector_load %arg9[%get3A_400, %get3A_401] {strides = array<i32>} : memref<16x1024xf32, #tpu.memory_space<vmem>>, vector<16xf32>,
        %bitcast_convert_type3A_403 = tpu.bitcast %get3A_402 : vector<16xf32> -> vector<16xi32>
        %shift_right_logical3A_404 = arith.constant 16 : i32
        %shift_right_logical3A_405 = vector.broadcast %shift_right_logical3A_404 : i32 to vector<16xi32>
        %shift_right_logical3A_406 = arith.shrui %bitcast_convert_type3A_403, %shift_right_logical3A_405 : vector<16xi32>
        %and3A_407 = arith.constant 1 : i32
        %and3A_408 = vector.broadcast %and3A_407 : i32 to vector<16xi32>
        %and3A_409 = arith.andi %shift_right_logical3A_406, %and3A_408 : vector<16xi32>
        %add3A_410 = arith.constant 32767 : i32
        %add3A_411 = vector.broadcast %add3A_410 : i32 to vector<16xi32>
        %add3A_412 = arith.addi %add3A_411, %and3A_409 : vector<16xi32>
        %add3A_413 = arith.addi %bitcast_convert_type3A_403, %add3A_412 : vector<16xi32>
        %and3A_414 = arith.constant -65536 : i32
        %and3A_415 = vector.broadcast %and3A_414 : i32 to vector<16xi32>
        %and3A_416 = arith.andi %add3A_413, %and3A_415 : vector<16xi32>
        %bitcast_convert_type3A_417 = tpu.bitcast %and3A_416 : vector<16xi32> -> vector<16xf32>
        %get3A_418 = arith.constant 224 : index
        %get3A_419 = tpu.vector_load %arg6[%get3A_418] {strides = array<i32>} : memref<1024xf32, #tpu.memory_space<vmem>>, vector<16xf32>,
        %mul3A_420 = arith.mulf %bitcast_convert_type3A_417, %get3A_419 : vector<16xf32>
        %add3A_421 = arith.addf %add3A_333, %mul3A_420 : vector<16xf32>
        %get3A_422 = arith.index_cast %scan3A_95 : i32 to index
        %get3A_423 = arith.constant 240 : index
        %get3A_424 = tpu.vector_load %arg9[%get3A_422, %get3A_423] {strides = array<i32>} : memref<16x1024xf32, #tpu.memory_space<vmem>>, vector<16xf32>,
        %bitcast_convert_type3A_425 = tpu.bitcast %get3A_424 : vector<16xf32> -> vector<16xi32>
        %shift_right_logical3A_426 = arith.constant 16 : i32
        %shift_right_logical3A_427 = vector.broadcast %shift_right_logical3A_426 : i32 to vector<16xi32>
        %shift_right_logical3A_428 = arith.shrui %bitcast_convert_type3A_425, %shift_right_logical3A_427 : vector<16xi32>
        %and3A_429 = arith.constant 1 : i32
        %and3A_430 = vector.broadcast %and3A_429 : i32 to vector<16xi32>
        %and3A_431 = arith.andi %shift_right_logical3A_428, %and3A_430 : vector<16xi32>
        %add3A_432 = arith.constant 32767 : i32
        %add3A_433 = vector.broadcast %add3A_432 : i32 to vector<16xi32>
        %add3A_434 = arith.addi %add3A_433, %and3A_431 : vector<16xi32>
        %add3A_435 = arith.addi %bitcast_convert_type3A_425, %add3A_434 : vector<16xi32>
        %and3A_436 = arith.constant -65536 : i32
        %and3A_437 = vector.broadcast %and3A_436 : i32 to vector<16xi32>
        %and3A_438 = arith.andi %add3A_435, %and3A_437 : vector<16xi32>
        %bitcast_convert_type3A_439 = tpu.bitcast %and3A_438 : vector<16xi32> -> vector<16xf32>
        %get3A_440 = arith.constant 240 : index
        %get3A_441 = tpu.vector_load %arg6[%get3A_440] {strides = array<i32>} : memref<1024xf32, #tpu.memory_space<vmem>>, vector<16xf32>,
        %mul3A_442 = arith.mulf %bitcast_convert_type3A_439, %get3A_441 : vector<16xf32>
        %add3A_443 = arith.addf %add3A_355, %mul3A_442 : vector<16xf32>
        %get3A_444 = arith.index_cast %scan3A_95 : i32 to index
        %get3A_445 = arith.constant 256 : index
        %get3A_446 = tpu.vector_load %arg9[%get3A_444, %get3A_445] {strides = array<i32>} : memref<16x1024xf32, #tpu.memory_space<vmem>>, vector<16xf32>,
        %bitcast_convert_type3A_447 = tpu.bitcast %get3A_446 : vector<16xf32> -> vector<16xi32>
        %shift_right_logical3A_448 = arith.constant 16 : i32
        %shift_right_logical3A_449 = vector.broadcast %shift_right_logical3A_448 : i32 to vector<16xi32>
        %shift_right_logical3A_450 = arith.shrui %bitcast_convert_type3A_447, %shift_right_logical3A_449 : vector<16xi32>
        %and3A_451 = arith.constant 1 : i32
        %and3A_452 = vector.broadcast %and3A_451 : i32 to vector<16xi32>
        %and3A_453 = arith.andi %shift_right_logical3A_450, %and3A_452 : vector<16xi32>
        %add3A_454 = arith.constant 32767 : i32
        %add3A_455 = vector.broadcast %add3A_454 : i32 to vector<16xi32>
        %add3A_456 = arith.addi %add3A_455, %and3A_453 : vector<16xi32>
        %add3A_457 = arith.addi %bitcast_convert_type3A_447, %add3A_456 : vector<16xi32>
        %and3A_458 = arith.constant -65536 : i32
        %and3A_459 = vector.broadcast %and3A_458 : i32 to vector<16xi32>
        %and3A_460 = arith.andi %add3A_457, %and3A_459 : vector<16xi32>
        %bitcast_convert_type3A_461 = tpu.bitcast %and3A_460 : vector<16xi32> -> vector<16xf32>
        %get3A_462 = arith.constant 256 : index
        %get3A_463 = tpu.vector_load %arg6[%get3A_462] {strides = array<i32>} : memref<1024xf32, #tpu.memory_space<vmem>>, vector<16xf32>,
        %mul3A_464 = arith.mulf %bitcast_convert_type3A_461, %get3A_463 : vector<16xf32>
        %add3A_465 = arith.addf %add3A_377, %mul3A_464 : vector<16xf32>
        %get3A_466 = arith.index_cast %scan3A_95 : i32 to index
        %get3A_467 = arith.constant 272 : index
        %get3A_468 = tpu.vector_load %arg9[%get3A_466, %get3A_467] {strides = array<i32>} : memref<16x1024xf32, #tpu.memory_space<vmem>>, vector<16xf32>,
        %bitcast_convert_type3A_469 = tpu.bitcast %get3A_468 : vector<16xf32> -> vector<16xi32>
        %shift_right_logical3A_470 = arith.constant 16 : i32
        %shift_right_logical3A_471 = vector.broadcast %shift_right_logical3A_470 : i32 to vector<16xi32>
        %shift_right_logical3A_472 = arith.shrui %bitcast_convert_type3A_469, %shift_right_logical3A_471 : vector<16xi32>
        %and3A_473 = arith.constant 1 : i32
        %and3A_474 = vector.broadcast %and3A_473 : i32 to vector<16xi32>
        %and3A_475 = arith.andi %shift_right_logical3A_472, %and3A_474 : vector<16xi32>
        %add3A_476 = arith.constant 32767 : i32
        %add3A_477 = vector.broadcast %add3A_476 : i32 to vector<16xi32>
        %add3A_478 = arith.addi %add3A_477, %and3A_475 : vector<16xi32>
        %add3A_479 = arith.addi %bitcast_convert_type3A_469, %add3A_478 : vector<16xi32>
        %and3A_480 = arith.constant -65536 : i32
        %and3A_481 = vector.broadcast %and3A_480 : i32 to vector<16xi32>
        %and3A_482 = arith.andi %add3A_479, %and3A_481 : vector<16xi32>
        %bitcast_convert_type3A_483 = tpu.bitcast %and3A_482 : vector<16xi32> -> vector<16xf32>
        %get3A_484 = arith.constant 272 : index
        %get3A_485 = tpu.vector_load %arg6[%get3A_484] {strides = array<i32>} : memref<1024xf32, #tpu.memory_space<vmem>>, vector<16xf32>,
        %mul3A_486 = arith.mulf %bitcast_convert_type3A_483, %get3A_485 : vector<16xf32>
        %add3A_487 = arith.addf %add3A_399, %mul3A_486 : vector<16xf32>
        %get3A_488 = arith.index_cast %scan3A_95 : i32 to index
        %get3A_489 = arith.constant 288 : index
        %get3A_490 = tpu.vector_load %arg9[%get3A_488, %get3A_489] {strides = array<i32>} : memref<16x1024xf32, #tpu.memory_space<vmem>>, vector<16xf32>,
        %bitcast_convert_type3A_491 = tpu.bitcast %get3A_490 : vector<16xf32> -> vector<16xi32>
        %shift_right_logical3A_492 = arith.constant 16 : i32
        %shift_right_logical3A_493 = vector.broadcast %shift_right_logical3A_492 : i32 to vector<16xi32>
        %shift_right_logical3A_494 = arith.shrui %bitcast_convert_type3A_491, %shift_right_logical3A_493 : vector<16xi32>
        %and3A_495 = arith.constant 1 : i32
        %and3A_496 = vector.broadcast %and3A_495 : i32 to vector<16xi32>
        %and3A_497 = arith.andi %shift_right_logical3A_494, %and3A_496 : vector<16xi32>
        %add3A_498 = arith.constant 32767 : i32
        %add3A_499 = vector.broadcast %add3A_498 : i32 to vector<16xi32>
        %add3A_500 = arith.addi %add3A_499, %and3A_497 : vector<16xi32>
        %add3A_501 = arith.addi %bitcast_convert_type3A_491, %add3A_500 : vector<16xi32>
        %and3A_502 = arith.constant -65536 : i32
        %and3A_503 = vector.broadcast %and3A_502 : i32 to vector<16xi32>
        %and3A_504 = arith.andi %add3A_501, %and3A_503 : vector<16xi32>
        %bitcast_convert_type3A_505 = tpu.bitcast %and3A_504 : vector<16xi32> -> vector<16xf32>
        %get3A_506 = arith.constant 288 : index
        %get3A_507 = tpu.vector_load %arg6[%get3A_506] {strides = array<i32>} : memref<1024xf32, #tpu.memory_space<vmem>>, vector<16xf32>,
        %mul3A_508 = arith.mulf %bitcast_convert_type3A_505, %get3A_507 : vector<16xf32>
        %add3A_509 = arith.addf %add3A_421, %mul3A_508 : vector<16xf32>
        %get3A_510 = arith.index_cast %scan3A_95 : i32 to index
        %get3A_511 = arith.constant 304 : index
        %get3A_512 = tpu.vector_load %arg9[%get3A_510, %get3A_511] {strides = array<i32>} : memref<16x1024xf32, #tpu.memory_space<vmem>>, vector<16xf32>,
        %bitcast_convert_type3A_513 = tpu.bitcast %get3A_512 : vector<16xf32> -> vector<16xi32>
        %shift_right_logical3A_514 = arith.constant 16 : i32
        %shift_right_logical3A_515 = vector.broadcast %shift_right_logical3A_514 : i32 to vector<16xi32>
        %shift_right_logical3A_516 = arith.shrui %bitcast_convert_type3A_513, %shift_right_logical3A_515 : vector<16xi32>
        %and3A_517 = arith.constant 1 : i32
        %and3A_518 = vector.broadcast %and3A_517 : i32 to vector<16xi32>
        %and3A_519 = arith.andi %shift_right_logical3A_516, %and3A_518 : vector<16xi32>
        %add3A_520 = arith.constant 32767 : i32
        %add3A_521 = vector.broadcast %add3A_520 : i32 to vector<16xi32>
        %add3A_522 = arith.addi %add3A_521, %and3A_519 : vector<16xi32>
        %add3A_523 = arith.addi %bitcast_convert_type3A_513, %add3A_522 : vector<16xi32>
        %and3A_524 = arith.constant -65536 : i32
        %and3A_525 = vector.broadcast %and3A_524 : i32 to vector<16xi32>
        %and3A_526 = arith.andi %add3A_523, %and3A_525 : vector<16xi32>
        %bitcast_convert_type3A_527 = tpu.bitcast %and3A_526 : vector<16xi32> -> vector<16xf32>
        %get3A_528 = arith.constant 304 : index
        %get3A_529 = tpu.vector_load %arg6[%get3A_528] {strides = array<i32>} : memref<1024xf32, #tpu.memory_space<vmem>>, vector<16xf32>,
        %mul3A_530 = arith.mulf %bitcast_convert_type3A_527, %get3A_529 : vector<16xf32>
        %add3A_531 = arith.addf %add3A_443, %mul3A_530 : vector<16xf32>
        %get3A_532 = arith.index_cast %scan3A_95 : i32 to index
        %get3A_533 = arith.constant 320 : index
        %get3A_534 = tpu.vector_load %arg9[%get3A_532, %get3A_533] {strides = array<i32>} : memref<16x1024xf32, #tpu.memory_space<vmem>>, vector<16xf32>,
        %bitcast_convert_type3A_535 = tpu.bitcast %get3A_534 : vector<16xf32> -> vector<16xi32>
        %shift_right_logical3A_536 = arith.constant 16 : i32
        %shift_right_logical3A_537 = vector.broadcast %shift_right_logical3A_536 : i32 to vector<16xi32>
        %shift_right_logical3A_538 = arith.shrui %bitcast_convert_type3A_535, %shift_right_logical3A_537 : vector<16xi32>
        %and3A_539 = arith.constant 1 : i32
        %and3A_540 = vector.broadcast %and3A_539 : i32 to vector<16xi32>
        %and3A_541 = arith.andi %shift_right_logical3A_538, %and3A_540 : vector<16xi32>
        %add3A_542 = arith.constant 32767 : i32
        %add3A_543 = vector.broadcast %add3A_542 : i32 to vector<16xi32>
        %add3A_544 = arith.addi %add3A_543, %and3A_541 : vector<16xi32>
        %add3A_545 = arith.addi %bitcast_convert_type3A_535, %add3A_544 : vector<16xi32>
        %and3A_546 = arith.constant -65536 : i32
        %and3A_547 = vector.broadcast %and3A_546 : i32 to vector<16xi32>
        %and3A_548 = arith.andi %add3A_545, %and3A_547 : vector<16xi32>
        %bitcast_convert_type3A_549 = tpu.bitcast %and3A_548 : vector<16xi32> -> vector<16xf32>
        %get3A_550 = arith.constant 320 : index
        %get3A_551 = tpu.vector_load %arg6[%get3A_550] {strides = array<i32>} : memref<1024xf32, #tpu.memory_space<vmem>>, vector<16xf32>,
        %mul3A_552 = arith.mulf %bitcast_convert_type3A_549, %get3A_551 : vector<16xf32>
        %add3A_553 = arith.addf %add3A_465, %mul3A_552 : vector<16xf32>
        %get3A_554 = arith.index_cast %scan3A_95 : i32 to index
        %get3A_555 = arith.constant 336 : index
        %get3A_556 = tpu.vector_load %arg9[%get3A_554, %get3A_555] {strides = array<i32>} : memref<16x1024xf32, #tpu.memory_space<vmem>>, vector<16xf32>,
        %bitcast_convert_type3A_557 = tpu.bitcast %get3A_556 : vector<16xf32> -> vector<16xi32>
        %shift_right_logical3A_558 = arith.constant 16 : i32
        %shift_right_logical3A_559 = vector.broadcast %shift_right_logical3A_558 : i32 to vector<16xi32>
        %shift_right_logical3A_560 = arith.shrui %bitcast_convert_type3A_557, %shift_right_logical3A_559 : vector<16xi32>
        %and3A_561 = arith.constant 1 : i32
        %and3A_562 = vector.broadcast %and3A_561 : i32 to vector<16xi32>
        %and3A_563 = arith.andi %shift_right_logical3A_560, %and3A_562 : vector<16xi32>
        %add3A_564 = arith.constant 32767 : i32
        %add3A_565 = vector.broadcast %add3A_564 : i32 to vector<16xi32>
        %add3A_566 = arith.addi %add3A_565, %and3A_563 : vector<16xi32>
        %add3A_567 = arith.addi %bitcast_convert_type3A_557, %add3A_566 : vector<16xi32>
        %and3A_568 = arith.constant -65536 : i32
        %and3A_569 = vector.broadcast %and3A_568 : i32 to vector<16xi32>
        %and3A_570 = arith.andi %add3A_567, %and3A_569 : vector<16xi32>
        %bitcast_convert_type3A_571 = tpu.bitcast %and3A_570 : vector<16xi32> -> vector<16xf32>
        %get3A_572 = arith.constant 336 : index
        %get3A_573 = tpu.vector_load %arg6[%get3A_572] {strides = array<i32>} : memref<1024xf32, #tpu.memory_space<vmem>>, vector<16xf32>,
        %mul3A_574 = arith.mulf %bitcast_convert_type3A_571, %get3A_573 : vector<16xf32>
        %add3A_575 = arith.addf %add3A_487, %mul3A_574 : vector<16xf32>
        %get3A_576 = arith.index_cast %scan3A_95 : i32 to index
        %get3A_577 = arith.constant 352 : index
        %get3A_578 = tpu.vector_load %arg9[%get3A_576, %get3A_577] {strides = array<i32>} : memref<16x1024xf32, #tpu.memory_space<vmem>>, vector<16xf32>,
        %bitcast_convert_type3A_579 = tpu.bitcast %get3A_578 : vector<16xf32> -> vector<16xi32>
        %shift_right_logical3A_580 = arith.constant 16 : i32
        %shift_right_logical3A_581 = vector.broadcast %shift_right_logical3A_580 : i32 to vector<16xi32>
        %shift_right_logical3A_582 = arith.shrui %bitcast_convert_type3A_579, %shift_right_logical3A_581 : vector<16xi32>
        %and3A_583 = arith.constant 1 : i32
        %and3A_584 = vector.broadcast %and3A_583 : i32 to vector<16xi32>
        %and3A_585 = arith.andi %shift_right_logical3A_582, %and3A_584 : vector<16xi32>
        %add3A_586 = arith.constant 32767 : i32
        %add3A_587 = vector.broadcast %add3A_586 : i32 to vector<16xi32>
        %add3A_588 = arith.addi %add3A_587, %and3A_585 : vector<16xi32>
        %add3A_589 = arith.addi %bitcast_convert_type3A_579, %add3A_588 : vector<16xi32>
        %and3A_590 = arith.constant -65536 : i32
        %and3A_591 = vector.broadcast %and3A_590 : i32 to vector<16xi32>
        %and3A_592 = arith.andi %add3A_589, %and3A_591 : vector<16xi32>
        %bitcast_convert_type3A_593 = tpu.bitcast %and3A_592 : vector<16xi32> -> vector<16xf32>
        %get3A_594 = arith.constant 352 : index
        %get3A_595 = tpu.vector_load %arg6[%get3A_594] {strides = array<i32>} : memref<1024xf32, #tpu.memory_space<vmem>>, vector<16xf32>,
        %mul3A_596 = arith.mulf %bitcast_convert_type3A_593, %get3A_595 : vector<16xf32>
        %add3A_597 = arith.addf %add3A_509, %mul3A_596 : vector<16xf32>
        %get3A_598 = arith.index_cast %scan3A_95 : i32 to index
        %get3A_599 = arith.constant 368 : index
        %get3A_600 = tpu.vector_load %arg9[%get3A_598, %get3A_599] {strides = array<i32>} : memref<16x1024xf32, #tpu.memory_space<vmem>>, vector<16xf32>,
        %bitcast_convert_type3A_601 = tpu.bitcast %get3A_600 : vector<16xf32> -> vector<16xi32>
        %shift_right_logical3A_602 = arith.constant 16 : i32
        %shift_right_logical3A_603 = vector.broadcast %shift_right_logical3A_602 : i32 to vector<16xi32>
        %shift_right_logical3A_604 = arith.shrui %bitcast_convert_type3A_601, %shift_right_logical3A_603 : vector<16xi32>
        %and3A_605 = arith.constant 1 : i32
        %and3A_606 = vector.broadcast %and3A_605 : i32 to vector<16xi32>
        %and3A_607 = arith.andi %shift_right_logical3A_604, %and3A_606 : vector<16xi32>
        %add3A_608 = arith.constant 32767 : i32
        %add3A_609 = vector.broadcast %add3A_608 : i32 to vector<16xi32>
        %add3A_610 = arith.addi %add3A_609, %and3A_607 : vector<16xi32>
        %add3A_611 = arith.addi %bitcast_convert_type3A_601, %add3A_610 : vector<16xi32>
        %and3A_612 = arith.constant -65536 : i32
        %and3A_613 = vector.broadcast %and3A_612 : i32 to vector<16xi32>
        %and3A_614 = arith.andi %add3A_611, %and3A_613 : vector<16xi32>
        %bitcast_convert_type3A_615 = tpu.bitcast %and3A_614 : vector<16xi32> -> vector<16xf32>
        %get3A_616 = arith.constant 368 : index
        %get3A_617 = tpu.vector_load %arg6[%get3A_616] {strides = array<i32>} : memref<1024xf32, #tpu.memory_space<vmem>>, vector<16xf32>,
        %mul3A_618 = arith.mulf %bitcast_convert_type3A_615, %get3A_617 : vector<16xf32>
        %add3A_619 = arith.addf %add3A_531, %mul3A_618 : vector<16xf32>
        %get3A_620 = arith.index_cast %scan3A_95 : i32 to index
        %get3A_621 = arith.constant 384 : index
        %get3A_622 = tpu.vector_load %arg9[%get3A_620, %get3A_621] {strides = array<i32>} : memref<16x1024xf32, #tpu.memory_space<vmem>>, vector<16xf32>,
        %bitcast_convert_type3A_623 = tpu.bitcast %get3A_622 : vector<16xf32> -> vector<16xi32>
        %shift_right_logical3A_624 = arith.constant 16 : i32
        %shift_right_logical3A_625 = vector.broadcast %shift_right_logical3A_624 : i32 to vector<16xi32>
        %shift_right_logical3A_626 = arith.shrui %bitcast_convert_type3A_623, %shift_right_logical3A_625 : vector<16xi32>
        %and3A_627 = arith.constant 1 : i32
        %and3A_628 = vector.broadcast %and3A_627 : i32 to vector<16xi32>
        %and3A_629 = arith.andi %shift_right_logical3A_626, %and3A_628 : vector<16xi32>
        %add3A_630 = arith.constant 32767 : i32
        %add3A_631 = vector.broadcast %add3A_630 : i32 to vector<16xi32>
        %add3A_632 = arith.addi %add3A_631, %and3A_629 : vector<16xi32>
        %add3A_633 = arith.addi %bitcast_convert_type3A_623, %add3A_632 : vector<16xi32>
        %and3A_634 = arith.constant -65536 : i32
        %and3A_635 = vector.broadcast %and3A_634 : i32 to vector<16xi32>
        %and3A_636 = arith.andi %add3A_633, %and3A_635 : vector<16xi32>
        %bitcast_convert_type3A_637 = tpu.bitcast %and3A_636 : vector<16xi32> -> vector<16xf32>
        %get3A_638 = arith.constant 384 : index
        %get3A_639 = tpu.vector_load %arg6[%get3A_638] {strides = array<i32>} : memref<1024xf32, #tpu.memory_space<vmem>>, vector<16xf32>,
        %mul3A_640 = arith.mulf %bitcast_convert_type3A_637, %get3A_639 : vector<16xf32>
        %add3A_641 = arith.addf %add3A_553, %mul3A_640 : vector<16xf32>
        %get3A_642 = arith.index_cast %scan3A_95 : i32 to index
        %get3A_643 = arith.constant 400 : index
        %get3A_644 = tpu.vector_load %arg9[%get3A_642, %get3A_643] {strides = array<i32>} : memref<16x1024xf32, #tpu.memory_space<vmem>>, vector<16xf32>,
        %bitcast_convert_type3A_645 = tpu.bitcast %get3A_644 : vector<16xf32> -> vector<16xi32>
        %shift_right_logical3A_646 = arith.constant 16 : i32
        %shift_right_logical3A_647 = vector.broadcast %shift_right_logical3A_646 : i32 to vector<16xi32>
        %shift_right_logical3A_648 = arith.shrui %bitcast_convert_type3A_645, %shift_right_logical3A_647 : vector<16xi32>
        %and3A_649 = arith.constant 1 : i32
        %and3A_650 = vector.broadcast %and3A_649 : i32 to vector<16xi32>
        %and3A_651 = arith.andi %shift_right_logical3A_648, %and3A_650 : vector<16xi32>
        %add3A_652 = arith.constant 32767 : i32
        %add3A_653 = vector.broadcast %add3A_652 : i32 to vector<16xi32>
        %add3A_654 = arith.addi %add3A_653, %and3A_651 : vector<16xi32>
        %add3A_655 = arith.addi %bitcast_convert_type3A_645, %add3A_654 : vector<16xi32>
        %and3A_656 = arith.constant -65536 : i32
        %and3A_657 = vector.broadcast %and3A_656 : i32 to vector<16xi32>
        %and3A_658 = arith.andi %add3A_655, %and3A_657 : vector<16xi32>
        %bitcast_convert_type3A_659 = tpu.bitcast %and3A_658 : vector<16xi32> -> vector<16xf32>
        %get3A_660 = arith.constant 400 : index
        %get3A_661 = tpu.vector_load %arg6[%get3A_660] {strides = array<i32>} : memref<1024xf32, #tpu.memory_space<vmem>>, vector<16xf32>,
        %mul3A_662 = arith.mulf %bitcast_convert_type3A_659, %get3A_661 : vector<16xf32>
        %add3A_663 = arith.addf %add3A_575, %mul3A_662 : vector<16xf32>
        %get3A_664 = arith.index_cast %scan3A_95 : i32 to index
        %get3A_665 = arith.constant 416 : index
        %get3A_666 = tpu.vector_load %arg9[%get3A_664, %get3A_665] {strides = array<i32>} : memref<16x1024xf32, #tpu.memory_space<vmem>>, vector<16xf32>,
        %bitcast_convert_type3A_667 = tpu.bitcast %get3A_666 : vector<16xf32> -> vector<16xi32>
        %shift_right_logical3A_668 = arith.constant 16 : i32
        %shift_right_logical3A_669 = vector.broadcast %shift_right_logical3A_668 : i32 to vector<16xi32>
        %shift_right_logical3A_670 = arith.shrui %bitcast_convert_type3A_667, %shift_right_logical3A_669 : vector<16xi32>
        %and3A_671 = arith.constant 1 : i32
        %and3A_672 = vector.broadcast %and3A_671 : i32 to vector<16xi32>
        %and3A_673 = arith.andi %shift_right_logical3A_670, %and3A_672 : vector<16xi32>
        %add3A_674 = arith.constant 32767 : i32
        %add3A_675 = vector.broadcast %add3A_674 : i32 to vector<16xi32>
        %add3A_676 = arith.addi %add3A_675, %and3A_673 : vector<16xi32>
        %add3A_677 = arith.addi %bitcast_convert_type3A_667, %add3A_676 : vector<16xi32>
        %and3A_678 = arith.constant -65536 : i32
        %and3A_679 = vector.broadcast %and3A_678 : i32 to vector<16xi32>
        %and3A_680 = arith.andi %add3A_677, %and3A_679 : vector<16xi32>
        %bitcast_convert_type3A_681 = tpu.bitcast %and3A_680 : vector<16xi32> -> vector<16xf32>
        %get3A_682 = arith.constant 416 : index
        %get3A_683 = tpu.vector_load %arg6[%get3A_682] {strides = array<i32>} : memref<1024xf32, #tpu.memory_space<vmem>>, vector<16xf32>,
        %mul3A_684 = arith.mulf %bitcast_convert_type3A_681, %get3A_683 : vector<16xf32>
        %add3A_685 = arith.addf %add3A_597, %mul3A_684 : vector<16xf32>
        %get3A_686 = arith.index_cast %scan3A_95 : i32 to index
        %get3A_687 = arith.constant 432 : index
        %get3A_688 = tpu.vector_load %arg9[%get3A_686, %get3A_687] {strides = array<i32>} : memref<16x1024xf32, #tpu.memory_space<vmem>>, vector<16xf32>,
        %bitcast_convert_type3A_689 = tpu.bitcast %get3A_688 : vector<16xf32> -> vector<16xi32>
        %shift_right_logical3A_690 = arith.constant 16 : i32
        %shift_right_logical3A_691 = vector.broadcast %shift_right_logical3A_690 : i32 to vector<16xi32>
        %shift_right_logical3A_692 = arith.shrui %bitcast_convert_type3A_689, %shift_right_logical3A_691 : vector<16xi32>
        %and3A_693 = arith.constant 1 : i32
        %and3A_694 = vector.broadcast %and3A_693 : i32 to vector<16xi32>
        %and3A_695 = arith.andi %shift_right_logical3A_692, %and3A_694 : vector<16xi32>
        %add3A_696 = arith.constant 32767 : i32
        %add3A_697 = vector.broadcast %add3A_696 : i32 to vector<16xi32>
        %add3A_698 = arith.addi %add3A_697, %and3A_695 : vector<16xi32>
        %add3A_699 = arith.addi %bitcast_convert_type3A_689, %add3A_698 : vector<16xi32>
        %and3A_700 = arith.constant -65536 : i32
        %and3A_701 = vector.broadcast %and3A_700 : i32 to vector<16xi32>
        %and3A_702 = arith.andi %add3A_699, %and3A_701 : vector<16xi32>
        %bitcast_convert_type3A_703 = tpu.bitcast %and3A_702 : vector<16xi32> -> vector<16xf32>
        %get3A_704 = arith.constant 432 : index
        %get3A_705 = tpu.vector_load %arg6[%get3A_704] {strides = array<i32>} : memref<1024xf32, #tpu.memory_space<vmem>>, vector<16xf32>,
        %mul3A_706 = arith.mulf %bitcast_convert_type3A_703, %get3A_705 : vector<16xf32>
        %add3A_707 = arith.addf %add3A_619, %mul3A_706 : vector<16xf32>
        %get3A_708 = arith.index_cast %scan3A_95 : i32 to index
        %get3A_709 = arith.constant 448 : index
        %get3A_710 = tpu.vector_load %arg9[%get3A_708, %get3A_709] {strides = array<i32>} : memref<16x1024xf32, #tpu.memory_space<vmem>>, vector<16xf32>,
        %bitcast_convert_type3A_711 = tpu.bitcast %get3A_710 : vector<16xf32> -> vector<16xi32>
        %shift_right_logical3A_712 = arith.constant 16 : i32
        %shift_right_logical3A_713 = vector.broadcast %shift_right_logical3A_712 : i32 to vector<16xi32>
        %shift_right_logical3A_714 = arith.shrui %bitcast_convert_type3A_711, %shift_right_logical3A_713 : vector<16xi32>
        %and3A_715 = arith.constant 1 : i32
        %and3A_716 = vector.broadcast %and3A_715 : i32 to vector<16xi32>
        %and3A_717 = arith.andi %shift_right_logical3A_714, %and3A_716 : vector<16xi32>
        %add3A_718 = arith.constant 32767 : i32
        %add3A_719 = vector.broadcast %add3A_718 : i32 to vector<16xi32>
        %add3A_720 = arith.addi %add3A_719, %and3A_717 : vector<16xi32>
        %add3A_721 = arith.addi %bitcast_convert_type3A_711, %add3A_720 : vector<16xi32>
        %and3A_722 = arith.constant -65536 : i32
        %and3A_723 = vector.broadcast %and3A_722 : i32 to vector<16xi32>
        %and3A_724 = arith.andi %add3A_721, %and3A_723 : vector<16xi32>
        %bitcast_convert_type3A_725 = tpu.bitcast %and3A_724 : vector<16xi32> -> vector<16xf32>
        %get3A_726 = arith.constant 448 : index
        %get3A_727 = tpu.vector_load %arg6[%get3A_726] {strides = array<i32>} : memref<1024xf32, #tpu.memory_space<vmem>>, vector<16xf32>,
        %mul3A_728 = arith.mulf %bitcast_convert_type3A_725, %get3A_727 : vector<16xf32>
        %add3A_729 = arith.addf %add3A_641, %mul3A_728 : vector<16xf32>
        %get3A_730 = arith.index_cast %scan3A_95 : i32 to index
        %get3A_731 = arith.constant 464 : index
        %get3A_732 = tpu.vector_load %arg9[%get3A_730, %get3A_731] {strides = array<i32>} : memref<16x1024xf32, #tpu.memory_space<vmem>>, vector<16xf32>,
        %bitcast_convert_type3A_733 = tpu.bitcast %get3A_732 : vector<16xf32> -> vector<16xi32>
        %shift_right_logical3A_734 = arith.constant 16 : i32
        %shift_right_logical3A_735 = vector.broadcast %shift_right_logical3A_734 : i32 to vector<16xi32>
        %shift_right_logical3A_736 = arith.shrui %bitcast_convert_type3A_733, %shift_right_logical3A_735 : vector<16xi32>
        %and3A_737 = arith.constant 1 : i32
        %and3A_738 = vector.broadcast %and3A_737 : i32 to vector<16xi32>
        %and3A_739 = arith.andi %shift_right_logical3A_736, %and3A_738 : vector<16xi32>
        %add3A_740 = arith.constant 32767 : i32
        %add3A_741 = vector.broadcast %add3A_740 : i32 to vector<16xi32>
        %add3A_742 = arith.addi %add3A_741, %and3A_739 : vector<16xi32>
        %add3A_743 = arith.addi %bitcast_convert_type3A_733, %add3A_742 : vector<16xi32>
        %and3A_744 = arith.constant -65536 : i32
        %and3A_745 = vector.broadcast %and3A_744 : i32 to vector<16xi32>
        %and3A_746 = arith.andi %add3A_743, %and3A_745 : vector<16xi32>
        %bitcast_convert_type3A_747 = tpu.bitcast %and3A_746 : vector<16xi32> -> vector<16xf32>
        %get3A_748 = arith.constant 464 : index
        %get3A_749 = tpu.vector_load %arg6[%get3A_748] {strides = array<i32>} : memref<1024xf32, #tpu.memory_space<vmem>>, vector<16xf32>,
        %mul3A_750 = arith.mulf %bitcast_convert_type3A_747, %get3A_749 : vector<16xf32>
        %add3A_751 = arith.addf %add3A_663, %mul3A_750 : vector<16xf32>
        %get3A_752 = arith.index_cast %scan3A_95 : i32 to index
        %get3A_753 = arith.constant 480 : index
        %get3A_754 = tpu.vector_load %arg9[%get3A_752, %get3A_753] {strides = array<i32>} : memref<16x1024xf32, #tpu.memory_space<vmem>>, vector<16xf32>,
        %bitcast_convert_type3A_755 = tpu.bitcast %get3A_754 : vector<16xf32> -> vector<16xi32>
        %shift_right_logical3A_756 = arith.constant 16 : i32
        %shift_right_logical3A_757 = vector.broadcast %shift_right_logical3A_756 : i32 to vector<16xi32>
        %shift_right_logical3A_758 = arith.shrui %bitcast_convert_type3A_755, %shift_right_logical3A_757 : vector<16xi32>
        %and3A_759 = arith.constant 1 : i32
        %and3A_760 = vector.broadcast %and3A_759 : i32 to vector<16xi32>
        %and3A_761 = arith.andi %shift_right_logical3A_758, %and3A_760 : vector<16xi32>
        %add3A_762 = arith.constant 32767 : i32
        %add3A_763 = vector.broadcast %add3A_762 : i32 to vector<16xi32>
        %add3A_764 = arith.addi %add3A_763, %and3A_761 : vector<16xi32>
        %add3A_765 = arith.addi %bitcast_convert_type3A_755, %add3A_764 : vector<16xi32>
        %and3A_766 = arith.constant -65536 : i32
        %and3A_767 = vector.broadcast %and3A_766 : i32 to vector<16xi32>
        %and3A_768 = arith.andi %add3A_765, %and3A_767 : vector<16xi32>
        %bitcast_convert_type3A_769 = tpu.bitcast %and3A_768 : vector<16xi32> -> vector<16xf32>
        %get3A_770 = arith.constant 480 : index
        %get3A_771 = tpu.vector_load %arg6[%get3A_770] {strides = array<i32>} : memref<1024xf32, #tpu.memory_space<vmem>>, vector<16xf32>,
        %mul3A_772 = arith.mulf %bitcast_convert_type3A_769, %get3A_771 : vector<16xf32>
        %add3A_773 = arith.addf %add3A_685, %mul3A_772 : vector<16xf32>
        %get3A_774 = arith.index_cast %scan3A_95 : i32 to index
        %get3A_775 = arith.constant 496 : index
        %get3A_776 = tpu.vector_load %arg9[%get3A_774, %get3A_775] {strides = array<i32>} : memref<16x1024xf32, #tpu.memory_space<vmem>>, vector<16xf32>,
        %bitcast_convert_type3A_777 = tpu.bitcast %get3A_776 : vector<16xf32> -> vector<16xi32>
        %shift_right_logical3A_778 = arith.constant 16 : i32
        %shift_right_logical3A_779 = vector.broadcast %shift_right_logical3A_778 : i32 to vector<16xi32>
        %shift_right_logical3A_780 = arith.shrui %bitcast_convert_type3A_777, %shift_right_logical3A_779 : vector<16xi32>
        %and3A_781 = arith.constant 1 : i32
        %and3A_782 = vector.broadcast %and3A_781 : i32 to vector<16xi32>
        %and3A_783 = arith.andi %shift_right_logical3A_780, %and3A_782 : vector<16xi32>
        %add3A_784 = arith.constant 32767 : i32
        %add3A_785 = vector.broadcast %add3A_784 : i32 to vector<16xi32>
        %add3A_786 = arith.addi %add3A_785, %and3A_783 : vector<16xi32>
        %add3A_787 = arith.addi %bitcast_convert_type3A_777, %add3A_786 : vector<16xi32>
        %and3A_788 = arith.constant -65536 : i32
        %and3A_789 = vector.broadcast %and3A_788 : i32 to vector<16xi32>
        %and3A_790 = arith.andi %add3A_787, %and3A_789 : vector<16xi32>
        %bitcast_convert_type3A_791 = tpu.bitcast %and3A_790 : vector<16xi32> -> vector<16xf32>
        %get3A_792 = arith.constant 496 : index
        %get3A_793 = tpu.vector_load %arg6[%get3A_792] {strides = array<i32>} : memref<1024xf32, #tpu.memory_space<vmem>>, vector<16xf32>,
        %mul3A_794 = arith.mulf %bitcast_convert_type3A_791, %get3A_793 : vector<16xf32>
        %add3A_795 = arith.addf %add3A_707, %mul3A_794 : vector<16xf32>
        %get3A_796 = arith.index_cast %scan3A_95 : i32 to index
        %get3A_797 = arith.constant 512 : index
        %get3A_798 = tpu.vector_load %arg9[%get3A_796, %get3A_797] {strides = array<i32>} : memref<16x1024xf32, #tpu.memory_space<vmem>>, vector<16xf32>,
        %bitcast_convert_type3A_799 = tpu.bitcast %get3A_798 : vector<16xf32> -> vector<16xi32>
        %shift_right_logical3A_800 = arith.constant 16 : i32
        %shift_right_logical3A_801 = vector.broadcast %shift_right_logical3A_800 : i32 to vector<16xi32>
        %shift_right_logical3A_802 = arith.shrui %bitcast_convert_type3A_799, %shift_right_logical3A_801 : vector<16xi32>
        %and3A_803 = arith.constant 1 : i32
        %and3A_804 = vector.broadcast %and3A_803 : i32 to vector<16xi32>
        %and3A_805 = arith.andi %shift_right_logical3A_802, %and3A_804 : vector<16xi32>
        %add3A_806 = arith.constant 32767 : i32
        %add3A_807 = vector.broadcast %add3A_806 : i32 to vector<16xi32>
        %add3A_808 = arith.addi %add3A_807, %and3A_805 : vector<16xi32>
        %add3A_809 = arith.addi %bitcast_convert_type3A_799, %add3A_808 : vector<16xi32>
        %and3A_810 = arith.constant -65536 : i32
        %and3A_811 = vector.broadcast %and3A_810 : i32 to vector<16xi32>
        %and3A_812 = arith.andi %add3A_809, %and3A_811 : vector<16xi32>
        %bitcast_convert_type3A_813 = tpu.bitcast %and3A_812 : vector<16xi32> -> vector<16xf32>
        %get3A_814 = arith.constant 512 : index
        %get3A_815 = tpu.vector_load %arg6[%get3A_814] {strides = array<i32>} : memref<1024xf32, #tpu.memory_space<vmem>>, vector<16xf32>,
        %mul3A_816 = arith.mulf %bitcast_convert_type3A_813, %get3A_815 : vector<16xf32>
        %add3A_817 = arith.addf %add3A_729, %mul3A_816 : vector<16xf32>
        %get3A_818 = arith.index_cast %scan3A_95 : i32 to index
        %get3A_819 = arith.constant 528 : index
        %get3A_820 = tpu.vector_load %arg9[%get3A_818, %get3A_819] {strides = array<i32>} : memref<16x1024xf32, #tpu.memory_space<vmem>>, vector<16xf32>,
        %bitcast_convert_type3A_821 = tpu.bitcast %get3A_820 : vector<16xf32> -> vector<16xi32>
        %shift_right_logical3A_822 = arith.constant 16 : i32
        %shift_right_logical3A_823 = vector.broadcast %shift_right_logical3A_822 : i32 to vector<16xi32>
        %shift_right_logical3A_824 = arith.shrui %bitcast_convert_type3A_821, %shift_right_logical3A_823 : vector<16xi32>
        %and3A_825 = arith.constant 1 : i32
        %and3A_826 = vector.broadcast %and3A_825 : i32 to vector<16xi32>
        %and3A_827 = arith.andi %shift_right_logical3A_824, %and3A_826 : vector<16xi32>
        %add3A_828 = arith.constant 32767 : i32
        %add3A_829 = vector.broadcast %add3A_828 : i32 to vector<16xi32>
        %add3A_830 = arith.addi %add3A_829, %and3A_827 : vector<16xi32>
        %add3A_831 = arith.addi %bitcast_convert_type3A_821, %add3A_830 : vector<16xi32>
        %and3A_832 = arith.constant -65536 : i32
        %and3A_833 = vector.broadcast %and3A_832 : i32 to vector<16xi32>
        %and3A_834 = arith.andi %add3A_831, %and3A_833 : vector<16xi32>
        %bitcast_convert_type3A_835 = tpu.bitcast %and3A_834 : vector<16xi32> -> vector<16xf32>
        %get3A_836 = arith.constant 528 : index
        %get3A_837 = tpu.vector_load %arg6[%get3A_836] {strides = array<i32>} : memref<1024xf32, #tpu.memory_space<vmem>>, vector<16xf32>,
        %mul3A_838 = arith.mulf %bitcast_convert_type3A_835, %get3A_837 : vector<16xf32>
        %add3A_839 = arith.addf %add3A_751, %mul3A_838 : vector<16xf32>
        %get3A_840 = arith.index_cast %scan3A_95 : i32 to index
        %get3A_841 = arith.constant 544 : index
        %get3A_842 = tpu.vector_load %arg9[%get3A_840, %get3A_841] {strides = array<i32>} : memref<16x1024xf32, #tpu.memory_space<vmem>>, vector<16xf32>,
        %bitcast_convert_type3A_843 = tpu.bitcast %get3A_842 : vector<16xf32> -> vector<16xi32>
        %shift_right_logical3A_844 = arith.constant 16 : i32
        %shift_right_logical3A_845 = vector.broadcast %shift_right_logical3A_844 : i32 to vector<16xi32>
        %shift_right_logical3A_846 = arith.shrui %bitcast_convert_type3A_843, %shift_right_logical3A_845 : vector<16xi32>
        %and3A_847 = arith.constant 1 : i32
        %and3A_848 = vector.broadcast %and3A_847 : i32 to vector<16xi32>
        %and3A_849 = arith.andi %shift_right_logical3A_846, %and3A_848 : vector<16xi32>
        %add3A_850 = arith.constant 32767 : i32
        %add3A_851 = vector.broadcast %add3A_850 : i32 to vector<16xi32>
        %add3A_852 = arith.addi %add3A_851, %and3A_849 : vector<16xi32>
        %add3A_853 = arith.addi %bitcast_convert_type3A_843, %add3A_852 : vector<16xi32>
        %and3A_854 = arith.constant -65536 : i32
        %and3A_855 = vector.broadcast %and3A_854 : i32 to vector<16xi32>
        %and3A_856 = arith.andi %add3A_853, %and3A_855 : vector<16xi32>
        %bitcast_convert_type3A_857 = tpu.bitcast %and3A_856 : vector<16xi32> -> vector<16xf32>
        %get3A_858 = arith.constant 544 : index
        %get3A_859 = tpu.vector_load %arg6[%get3A_858] {strides = array<i32>} : memref<1024xf32, #tpu.memory_space<vmem>>, vector<16xf32>,
        %mul3A_860 = arith.mulf %bitcast_convert_type3A_857, %get3A_859 : vector<16xf32>
        %add3A_861 = arith.addf %add3A_773, %mul3A_860 : vector<16xf32>
        %get3A_862 = arith.index_cast %scan3A_95 : i32 to index
        %get3A_863 = arith.constant 560 : index
        %get3A_864 = tpu.vector_load %arg9[%get3A_862, %get3A_863] {strides = array<i32>} : memref<16x1024xf32, #tpu.memory_space<vmem>>, vector<16xf32>,
        %bitcast_convert_type3A_865 = tpu.bitcast %get3A_864 : vector<16xf32> -> vector<16xi32>
        %shift_right_logical3A_866 = arith.constant 16 : i32
        %shift_right_logical3A_867 = vector.broadcast %shift_right_logical3A_866 : i32 to vector<16xi32>
        %shift_right_logical3A_868 = arith.shrui %bitcast_convert_type3A_865, %shift_right_logical3A_867 : vector<16xi32>
        %and3A_869 = arith.constant 1 : i32
        %and3A_870 = vector.broadcast %and3A_869 : i32 to vector<16xi32>
        %and3A_871 = arith.andi %shift_right_logical3A_868, %and3A_870 : vector<16xi32>
        %add3A_872 = arith.constant 32767 : i32
        %add3A_873 = vector.broadcast %add3A_872 : i32 to vector<16xi32>
        %add3A_874 = arith.addi %add3A_873, %and3A_871 : vector<16xi32>
        %add3A_875 = arith.addi %bitcast_convert_type3A_865, %add3A_874 : vector<16xi32>
        %and3A_876 = arith.constant -65536 : i32
        %and3A_877 = vector.broadcast %and3A_876 : i32 to vector<16xi32>
        %and3A_878 = arith.andi %add3A_875, %and3A_877 : vector<16xi32>
        %bitcast_convert_type3A_879 = tpu.bitcast %and3A_878 : vector<16xi32> -> vector<16xf32>
        %get3A_880 = arith.constant 560 : index
        %get3A_881 = tpu.vector_load %arg6[%get3A_880] {strides = array<i32>} : memref<1024xf32, #tpu.memory_space<vmem>>, vector<16xf32>,
        %mul3A_882 = arith.mulf %bitcast_convert_type3A_879, %get3A_881 : vector<16xf32>
        %add3A_883 = arith.addf %add3A_795, %mul3A_882 : vector<16xf32>
        %get3A_884 = arith.index_cast %scan3A_95 : i32 to index
        %get3A_885 = arith.constant 576 : index
        %get3A_886 = tpu.vector_load %arg9[%get3A_884, %get3A_885] {strides = array<i32>} : memref<16x1024xf32, #tpu.memory_space<vmem>>, vector<16xf32>,
        %bitcast_convert_type3A_887 = tpu.bitcast %get3A_886 : vector<16xf32> -> vector<16xi32>
        %shift_right_logical3A_888 = arith.constant 16 : i32
        %shift_right_logical3A_889 = vector.broadcast %shift_right_logical3A_888 : i32 to vector<16xi32>
        %shift_right_logical3A_890 = arith.shrui %bitcast_convert_type3A_887, %shift_right_logical3A_889 : vector<16xi32>
        %and3A_891 = arith.constant 1 : i32
        %and3A_892 = vector.broadcast %and3A_891 : i32 to vector<16xi32>
        %and3A_893 = arith.andi %shift_right_logical3A_890, %and3A_892 : vector<16xi32>
        %add3A_894 = arith.constant 32767 : i32
        %add3A_895 = vector.broadcast %add3A_894 : i32 to vector<16xi32>
        %add3A_896 = arith.addi %add3A_895, %and3A_893 : vector<16xi32>
        %add3A_897 = arith.addi %bitcast_convert_type3A_887, %add3A_896 : vector<16xi32>
        %and3A_898 = arith.constant -65536 : i32
        %and3A_899 = vector.broadcast %and3A_898 : i32 to vector<16xi32>
        %and3A_900 = arith.andi %add3A_897, %and3A_899 : vector<16xi32>
        %bitcast_convert_type3A_901 = tpu.bitcast %and3A_900 : vector<16xi32> -> vector<16xf32>
        %get3A_902 = arith.constant 576 : index
        %get3A_903 = tpu.vector_load %arg6[%get3A_902] {strides = array<i32>} : memref<1024xf32, #tpu.memory_space<vmem>>, vector<16xf32>,
        %mul3A_904 = arith.mulf %bitcast_convert_type3A_901, %get3A_903 : vector<16xf32>
        %add3A_905 = arith.addf %add3A_817, %mul3A_904 : vector<16xf32>
        %get3A_906 = arith.index_cast %scan3A_95 : i32 to index
        %get3A_907 = arith.constant 592 : index
        %get3A_908 = tpu.vector_load %arg9[%get3A_906, %get3A_907] {strides = array<i32>} : memref<16x1024xf32, #tpu.memory_space<vmem>>, vector<16xf32>,
        %bitcast_convert_type3A_909 = tpu.bitcast %get3A_908 : vector<16xf32> -> vector<16xi32>
        %shift_right_logical3A_910 = arith.constant 16 : i32
        %shift_right_logical3A_911 = vector.broadcast %shift_right_logical3A_910 : i32 to vector<16xi32>
        %shift_right_logical3A_912 = arith.shrui %bitcast_convert_type3A_909, %shift_right_logical3A_911 : vector<16xi32>
        %and3A_913 = arith.constant 1 : i32
        %and3A_914 = vector.broadcast %and3A_913 : i32 to vector<16xi32>
        %and3A_915 = arith.andi %shift_right_logical3A_912, %and3A_914 : vector<16xi32>
        %add3A_916 = arith.constant 32767 : i32
        %add3A_917 = vector.broadcast %add3A_916 : i32 to vector<16xi32>
        %add3A_918 = arith.addi %add3A_917, %and3A_915 : vector<16xi32>
        %add3A_919 = arith.addi %bitcast_convert_type3A_909, %add3A_918 : vector<16xi32>
        %and3A_920 = arith.constant -65536 : i32
        %and3A_921 = vector.broadcast %and3A_920 : i32 to vector<16xi32>
        %and3A_922 = arith.andi %add3A_919, %and3A_921 : vector<16xi32>
        %bitcast_convert_type3A_923 = tpu.bitcast %and3A_922 : vector<16xi32> -> vector<16xf32>
        %get3A_924 = arith.constant 592 : index
        %get3A_925 = tpu.vector_load %arg6[%get3A_924] {strides = array<i32>} : memref<1024xf32, #tpu.memory_space<vmem>>, vector<16xf32>,
        %mul3A_926 = arith.mulf %bitcast_convert_type3A_923, %get3A_925 : vector<16xf32>
        %add3A_927 = arith.addf %add3A_839, %mul3A_926 : vector<16xf32>
        %get3A_928 = arith.index_cast %scan3A_95 : i32 to index
        %get3A_929 = arith.constant 608 : index
        %get3A_930 = tpu.vector_load %arg9[%get3A_928, %get3A_929] {strides = array<i32>} : memref<16x1024xf32, #tpu.memory_space<vmem>>, vector<16xf32>,
        %bitcast_convert_type3A_931 = tpu.bitcast %get3A_930 : vector<16xf32> -> vector<16xi32>
        %shift_right_logical3A_932 = arith.constant 16 : i32
        %shift_right_logical3A_933 = vector.broadcast %shift_right_logical3A_932 : i32 to vector<16xi32>
        %shift_right_logical3A_934 = arith.shrui %bitcast_convert_type3A_931, %shift_right_logical3A_933 : vector<16xi32>
        %and3A_935 = arith.constant 1 : i32
        %and3A_936 = vector.broadcast %and3A_935 : i32 to vector<16xi32>
        %and3A_937 = arith.andi %shift_right_logical3A_934, %and3A_936 : vector<16xi32>
        %add3A_938 = arith.constant 32767 : i32
        %add3A_939 = vector.broadcast %add3A_938 : i32 to vector<16xi32>
        %add3A_940 = arith.addi %add3A_939, %and3A_937 : vector<16xi32>
        %add3A_941 = arith.addi %bitcast_convert_type3A_931, %add3A_940 : vector<16xi32>
        %and3A_942 = arith.constant -65536 : i32
        %and3A_943 = vector.broadcast %and3A_942 : i32 to vector<16xi32>
        %and3A_944 = arith.andi %add3A_941, %and3A_943 : vector<16xi32>
        %bitcast_convert_type3A_945 = tpu.bitcast %and3A_944 : vector<16xi32> -> vector<16xf32>
        %get3A_946 = arith.constant 608 : index
        %get3A_947 = tpu.vector_load %arg6[%get3A_946] {strides = array<i32>} : memref<1024xf32, #tpu.memory_space<vmem>>, vector<16xf32>,
        %mul3A_948 = arith.mulf %bitcast_convert_type3A_945, %get3A_947 : vector<16xf32>
        %add3A_949 = arith.addf %add3A_861, %mul3A_948 : vector<16xf32>
        %get3A_950 = arith.index_cast %scan3A_95 : i32 to index
        %get3A_951 = arith.constant 624 : index
        %get3A_952 = tpu.vector_load %arg9[%get3A_950, %get3A_951] {strides = array<i32>} : memref<16x1024xf32, #tpu.memory_space<vmem>>, vector<16xf32>,
        %bitcast_convert_type3A_953 = tpu.bitcast %get3A_952 : vector<16xf32> -> vector<16xi32>
        %shift_right_logical3A_954 = arith.constant 16 : i32
        %shift_right_logical3A_955 = vector.broadcast %shift_right_logical3A_954 : i32 to vector<16xi32>
        %shift_right_logical3A_956 = arith.shrui %bitcast_convert_type3A_953, %shift_right_logical3A_955 : vector<16xi32>
        %and3A_957 = arith.constant 1 : i32
        %and3A_958 = vector.broadcast %and3A_957 : i32 to vector<16xi32>
        %and3A_959 = arith.andi %shift_right_logical3A_956, %and3A_958 : vector<16xi32>
        %add3A_960 = arith.constant 32767 : i32
        %add3A_961 = vector.broadcast %add3A_960 : i32 to vector<16xi32>
        %add3A_962 = arith.addi %add3A_961, %and3A_959 : vector<16xi32>
        %add3A_963 = arith.addi %bitcast_convert_type3A_953, %add3A_962 : vector<16xi32>
        %and3A_964 = arith.constant -65536 : i32
        %and3A_965 = vector.broadcast %and3A_964 : i32 to vector<16xi32>
        %and3A_966 = arith.andi %add3A_963, %and3A_965 : vector<16xi32>
        %bitcast_convert_type3A_967 = tpu.bitcast %and3A_966 : vector<16xi32> -> vector<16xf32>
        %get3A_968 = arith.constant 624 : index
        %get3A_969 = tpu.vector_load %arg6[%get3A_968] {strides = array<i32>} : memref<1024xf32, #tpu.memory_space<vmem>>, vector<16xf32>,
        %mul3A_970 = arith.mulf %bitcast_convert_type3A_967, %get3A_969 : vector<16xf32>
        %add3A_971 = arith.addf %add3A_883, %mul3A_970 : vector<16xf32>
        %get3A_972 = arith.index_cast %scan3A_95 : i32 to index
        %get3A_973 = arith.constant 640 : index
        %get3A_974 = tpu.vector_load %arg9[%get3A_972, %get3A_973] {strides = array<i32>} : memref<16x1024xf32, #tpu.memory_space<vmem>>, vector<16xf32>,
        %bitcast_convert_type3A_975 = tpu.bitcast %get3A_974 : vector<16xf32> -> vector<16xi32>
        %shift_right_logical3A_976 = arith.constant 16 : i32
        %shift_right_logical3A_977 = vector.broadcast %shift_right_logical3A_976 : i32 to vector<16xi32>
        %shift_right_logical3A_978 = arith.shrui %bitcast_convert_type3A_975, %shift_right_logical3A_977 : vector<16xi32>
        %and3A_979 = arith.constant 1 : i32
        %and3A_980 = vector.broadcast %and3A_979 : i32 to vector<16xi32>
        %and3A_981 = arith.andi %shift_right_logical3A_978, %and3A_980 : vector<16xi32>
        %add3A_982 = arith.constant 32767 : i32
        %add3A_983 = vector.broadcast %add3A_982 : i32 to vector<16xi32>
        %add3A_984 = arith.addi %add3A_983, %and3A_981 : vector<16xi32>
        %add3A_985 = arith.addi %bitcast_convert_type3A_975, %add3A_984 : vector<16xi32>
        %and3A_986 = arith.constant -65536 : i32
        %and3A_987 = vector.broadcast %and3A_986 : i32 to vector<16xi32>
        %and3A_988 = arith.andi %add3A_985, %and3A_987 : vector<16xi32>
        %bitcast_convert_type3A_989 = tpu.bitcast %and3A_988 : vector<16xi32> -> vector<16xf32>
        %get3A_990 = arith.constant 640 : index
        %get3A_991 = tpu.vector_load %arg6[%get3A_990] {strides = array<i32>} : memref<1024xf32, #tpu.memory_space<vmem>>, vector<16xf32>,
        %mul3A_992 = arith.mulf %bitcast_convert_type3A_989, %get3A_991 : vector<16xf32>
        %add3A_993 = arith.addf %add3A_905, %mul3A_992 : vector<16xf32>
        %get3A_994 = arith.index_cast %scan3A_95 : i32 to index
        %get3A_995 = arith.constant 656 : index
        %get3A_996 = tpu.vector_load %arg9[%get3A_994, %get3A_995] {strides = array<i32>} : memref<16x1024xf32, #tpu.memory_space<vmem>>, vector<16xf32>,
        %bitcast_convert_type3A_997 = tpu.bitcast %get3A_996 : vector<16xf32> -> vector<16xi32>
        %shift_right_logical3A_998 = arith.constant 16 : i32
        %shift_right_logical3A_999 = vector.broadcast %shift_right_logical3A_998 : i32 to vector<16xi32>
        %shift_right_logical3A_1000 = arith.shrui %bitcast_convert_type3A_997, %shift_right_logical3A_999 : vector<16xi32>
        %and3A_1001 = arith.constant 1 : i32
        %and3A_1002 = vector.broadcast %and3A_1001 : i32 to vector<16xi32>
        %and3A_1003 = arith.andi %shift_right_logical3A_1000, %and3A_1002 : vector<16xi32>
        %add3A_1004 = arith.constant 32767 : i32
        %add3A_1005 = vector.broadcast %add3A_1004 : i32 to vector<16xi32>
        %add3A_1006 = arith.addi %add3A_1005, %and3A_1003 : vector<16xi32>
        %add3A_1007 = arith.addi %bitcast_convert_type3A_997, %add3A_1006 : vector<16xi32>
        %and3A_1008 = arith.constant -65536 : i32
        %and3A_1009 = vector.broadcast %and3A_1008 : i32 to vector<16xi32>
        %and3A_1010 = arith.andi %add3A_1007, %and3A_1009 : vector<16xi32>
        %bitcast_convert_type3A_1011 = tpu.bitcast %and3A_1010 : vector<16xi32> -> vector<16xf32>
        %get3A_1012 = arith.constant 656 : index
        %get3A_1013 = tpu.vector_load %arg6[%get3A_1012] {strides = array<i32>} : memref<1024xf32, #tpu.memory_space<vmem>>, vector<16xf32>,
        %mul3A_1014 = arith.mulf %bitcast_convert_type3A_1011, %get3A_1013 : vector<16xf32>
        %add3A_1015 = arith.addf %add3A_927, %mul3A_1014 : vector<16xf32>
        %get3A_1016 = arith.index_cast %scan3A_95 : i32 to index
        %get3A_1017 = arith.constant 672 : index
        %get3A_1018 = tpu.vector_load %arg9[%get3A_1016, %get3A_1017] {strides = array<i32>} : memref<16x1024xf32, #tpu.memory_space<vmem>>, vector<16xf32>,
        %bitcast_convert_type3A_1019 = tpu.bitcast %get3A_1018 : vector<16xf32> -> vector<16xi32>
        %shift_right_logical3A_1020 = arith.constant 16 : i32
        %shift_right_logical3A_1021 = vector.broadcast %shift_right_logical3A_1020 : i32 to vector<16xi32>
        %shift_right_logical3A_1022 = arith.shrui %bitcast_convert_type3A_1019, %shift_right_logical3A_1021 : vector<16xi32>
        %and3A_1023 = arith.constant 1 : i32
        %and3A_1024 = vector.broadcast %and3A_1023 : i32 to vector<16xi32>
        %and3A_1025 = arith.andi %shift_right_logical3A_1022, %and3A_1024 : vector<16xi32>
        %add3A_1026 = arith.constant 32767 : i32
        %add3A_1027 = vector.broadcast %add3A_1026 : i32 to vector<16xi32>
        %add3A_1028 = arith.addi %add3A_1027, %and3A_1025 : vector<16xi32>
        %add3A_1029 = arith.addi %bitcast_convert_type3A_1019, %add3A_1028 : vector<16xi32>
        %and3A_1030 = arith.constant -65536 : i32
        %and3A_1031 = vector.broadcast %and3A_1030 : i32 to vector<16xi32>
        %and3A_1032 = arith.andi %add3A_1029, %and3A_1031 : vector<16xi32>
        %bitcast_convert_type3A_1033 = tpu.bitcast %and3A_1032 : vector<16xi32> -> vector<16xf32>
        %get3A_1034 = arith.constant 672 : index
        %get3A_1035 = tpu.vector_load %arg6[%get3A_1034] {strides = array<i32>} : memref<1024xf32, #tpu.memory_space<vmem>>, vector<16xf32>,
        %mul3A_1036 = arith.mulf %bitcast_convert_type3A_1033, %get3A_1035 : vector<16xf32>
        %add3A_1037 = arith.addf %add3A_949, %mul3A_1036 : vector<16xf32>
        %get3A_1038 = arith.index_cast %scan3A_95 : i32 to index
        %get3A_1039 = arith.constant 688 : index
        %get3A_1040 = tpu.vector_load %arg9[%get3A_1038, %get3A_1039] {strides = array<i32>} : memref<16x1024xf32, #tpu.memory_space<vmem>>, vector<16xf32>,
        %bitcast_convert_type3A_1041 = tpu.bitcast %get3A_1040 : vector<16xf32> -> vector<16xi32>
        %shift_right_logical3A_1042 = arith.constant 16 : i32
        %shift_right_logical3A_1043 = vector.broadcast %shift_right_logical3A_1042 : i32 to vector<16xi32>
        %shift_right_logical3A_1044 = arith.shrui %bitcast_convert_type3A_1041, %shift_right_logical3A_1043 : vector<16xi32>
        %and3A_1045 = arith.constant 1 : i32
        %and3A_1046 = vector.broadcast %and3A_1045 : i32 to vector<16xi32>
        %and3A_1047 = arith.andi %shift_right_logical3A_1044, %and3A_1046 : vector<16xi32>
        %add3A_1048 = arith.constant 32767 : i32
        %add3A_1049 = vector.broadcast %add3A_1048 : i32 to vector<16xi32>
        %add3A_1050 = arith.addi %add3A_1049, %and3A_1047 : vector<16xi32>
        %add3A_1051 = arith.addi %bitcast_convert_type3A_1041, %add3A_1050 : vector<16xi32>
        %and3A_1052 = arith.constant -65536 : i32
        %and3A_1053 = vector.broadcast %and3A_1052 : i32 to vector<16xi32>
        %and3A_1054 = arith.andi %add3A_1051, %and3A_1053 : vector<16xi32>
        %bitcast_convert_type3A_1055 = tpu.bitcast %and3A_1054 : vector<16xi32> -> vector<16xf32>
        %get3A_1056 = arith.constant 688 : index
        %get3A_1057 = tpu.vector_load %arg6[%get3A_1056] {strides = array<i32>} : memref<1024xf32, #tpu.memory_space<vmem>>, vector<16xf32>,
        %mul3A_1058 = arith.mulf %bitcast_convert_type3A_1055, %get3A_1057 : vector<16xf32>
        %add3A_1059 = arith.addf %add3A_971, %mul3A_1058 : vector<16xf32>
        %get3A_1060 = arith.index_cast %scan3A_95 : i32 to index
        %get3A_1061 = arith.constant 704 : index
        %get3A_1062 = tpu.vector_load %arg9[%get3A_1060, %get3A_1061] {strides = array<i32>} : memref<16x1024xf32, #tpu.memory_space<vmem>>, vector<16xf32>,
        %bitcast_convert_type3A_1063 = tpu.bitcast %get3A_1062 : vector<16xf32> -> vector<16xi32>
        %shift_right_logical3A_1064 = arith.constant 16 : i32
        %shift_right_logical3A_1065 = vector.broadcast %shift_right_logical3A_1064 : i32 to vector<16xi32>
        %shift_right_logical3A_1066 = arith.shrui %bitcast_convert_type3A_1063, %shift_right_logical3A_1065 : vector<16xi32>
        %and3A_1067 = arith.constant 1 : i32
        %and3A_1068 = vector.broadcast %and3A_1067 : i32 to vector<16xi32>
        %and3A_1069 = arith.andi %shift_right_logical3A_1066, %and3A_1068 : vector<16xi32>
        %add3A_1070 = arith.constant 32767 : i32
        %add3A_1071 = vector.broadcast %add3A_1070 : i32 to vector<16xi32>
        %add3A_1072 = arith.addi %add3A_1071, %and3A_1069 : vector<16xi32>
        %add3A_1073 = arith.addi %bitcast_convert_type3A_1063, %add3A_1072 : vector<16xi32>
        %and3A_1074 = arith.constant -65536 : i32
        %and3A_1075 = vector.broadcast %and3A_1074 : i32 to vector<16xi32>
        %and3A_1076 = arith.andi %add3A_1073, %and3A_1075 : vector<16xi32>
        %bitcast_convert_type3A_1077 = tpu.bitcast %and3A_1076 : vector<16xi32> -> vector<16xf32>
        %get3A_1078 = arith.constant 704 : index
        %get3A_1079 = tpu.vector_load %arg6[%get3A_1078] {strides = array<i32>} : memref<1024xf32, #tpu.memory_space<vmem>>, vector<16xf32>,
        %mul3A_1080 = arith.mulf %bitcast_convert_type3A_1077, %get3A_1079 : vector<16xf32>
        %add3A_1081 = arith.addf %add3A_993, %mul3A_1080 : vector<16xf32>
        %get3A_1082 = arith.index_cast %scan3A_95 : i32 to index
        %get3A_1083 = arith.constant 720 : index
        %get3A_1084 = tpu.vector_load %arg9[%get3A_1082, %get3A_1083] {strides = array<i32>} : memref<16x1024xf32, #tpu.memory_space<vmem>>, vector<16xf32>,
        %bitcast_convert_type3A_1085 = tpu.bitcast %get3A_1084 : vector<16xf32> -> vector<16xi32>
        %shift_right_logical3A_1086 = arith.constant 16 : i32
        %shift_right_logical3A_1087 = vector.broadcast %shift_right_logical3A_1086 : i32 to vector<16xi32>
        %shift_right_logical3A_1088 = arith.shrui %bitcast_convert_type3A_1085, %shift_right_logical3A_1087 : vector<16xi32>
        %and3A_1089 = arith.constant 1 : i32
        %and3A_1090 = vector.broadcast %and3A_1089 : i32 to vector<16xi32>
        %and3A_1091 = arith.andi %shift_right_logical3A_1088, %and3A_1090 : vector<16xi32>
        %add3A_1092 = arith.constant 32767 : i32
        %add3A_1093 = vector.broadcast %add3A_1092 : i32 to vector<16xi32>
        %add3A_1094 = arith.addi %add3A_1093, %and3A_1091 : vector<16xi32>
        %add3A_1095 = arith.addi %bitcast_convert_type3A_1085, %add3A_1094 : vector<16xi32>
        %and3A_1096 = arith.constant -65536 : i32
        %and3A_1097 = vector.broadcast %and3A_1096 : i32 to vector<16xi32>
        %and3A_1098 = arith.andi %add3A_1095, %and3A_1097 : vector<16xi32>
        %bitcast_convert_type3A_1099 = tpu.bitcast %and3A_1098 : vector<16xi32> -> vector<16xf32>
        %get3A_1100 = arith.constant 720 : index
        %get3A_1101 = tpu.vector_load %arg6[%get3A_1100] {strides = array<i32>} : memref<1024xf32, #tpu.memory_space<vmem>>, vector<16xf32>,
        %mul3A_1102 = arith.mulf %bitcast_convert_type3A_1099, %get3A_1101 : vector<16xf32>
        %add3A_1103 = arith.addf %add3A_1015, %mul3A_1102 : vector<16xf32>
        %get3A_1104 = arith.index_cast %scan3A_95 : i32 to index
        %get3A_1105 = arith.constant 736 : index
        %get3A_1106 = tpu.vector_load %arg9[%get3A_1104, %get3A_1105] {strides = array<i32>} : memref<16x1024xf32, #tpu.memory_space<vmem>>, vector<16xf32>,
        %bitcast_convert_type3A_1107 = tpu.bitcast %get3A_1106 : vector<16xf32> -> vector<16xi32>
        %shift_right_logical3A_1108 = arith.constant 16 : i32
        %shift_right_logical3A_1109 = vector.broadcast %shift_right_logical3A_1108 : i32 to vector<16xi32>
        %shift_right_logical3A_1110 = arith.shrui %bitcast_convert_type3A_1107, %shift_right_logical3A_1109 : vector<16xi32>
        %and3A_1111 = arith.constant 1 : i32
        %and3A_1112 = vector.broadcast %and3A_1111 : i32 to vector<16xi32>
        %and3A_1113 = arith.andi %shift_right_logical3A_1110, %and3A_1112 : vector<16xi32>
        %add3A_1114 = arith.constant 32767 : i32
        %add3A_1115 = vector.broadcast %add3A_1114 : i32 to vector<16xi32>
        %add3A_1116 = arith.addi %add3A_1115, %and3A_1113 : vector<16xi32>
        %add3A_1117 = arith.addi %bitcast_convert_type3A_1107, %add3A_1116 : vector<16xi32>
        %and3A_1118 = arith.constant -65536 : i32
        %and3A_1119 = vector.broadcast %and3A_1118 : i32 to vector<16xi32>
        %and3A_1120 = arith.andi %add3A_1117, %and3A_1119 : vector<16xi32>
        %bitcast_convert_type3A_1121 = tpu.bitcast %and3A_1120 : vector<16xi32> -> vector<16xf32>
        %get3A_1122 = arith.constant 736 : index
        %get3A_1123 = tpu.vector_load %arg6[%get3A_1122] {strides = array<i32>} : memref<1024xf32, #tpu.memory_space<vmem>>, vector<16xf32>,
        %mul3A_1124 = arith.mulf %bitcast_convert_type3A_1121, %get3A_1123 : vector<16xf32>
        %add3A_1125 = arith.addf %add3A_1037, %mul3A_1124 : vector<16xf32>
        %get3A_1126 = arith.index_cast %scan3A_95 : i32 to index
        %get3A_1127 = arith.constant 752 : index
        %get3A_1128 = tpu.vector_load %arg9[%get3A_1126, %get3A_1127] {strides = array<i32>} : memref<16x1024xf32, #tpu.memory_space<vmem>>, vector<16xf32>,
        %bitcast_convert_type3A_1129 = tpu.bitcast %get3A_1128 : vector<16xf32> -> vector<16xi32>
        %shift_right_logical3A_1130 = arith.constant 16 : i32
        %shift_right_logical3A_1131 = vector.broadcast %shift_right_logical3A_1130 : i32 to vector<16xi32>
        %shift_right_logical3A_1132 = arith.shrui %bitcast_convert_type3A_1129, %shift_right_logical3A_1131 : vector<16xi32>
        %and3A_1133 = arith.constant 1 : i32
        %and3A_1134 = vector.broadcast %and3A_1133 : i32 to vector<16xi32>
        %and3A_1135 = arith.andi %shift_right_logical3A_1132, %and3A_1134 : vector<16xi32>
        %add3A_1136 = arith.constant 32767 : i32
        %add3A_1137 = vector.broadcast %add3A_1136 : i32 to vector<16xi32>
        %add3A_1138 = arith.addi %add3A_1137, %and3A_1135 : vector<16xi32>
        %add3A_1139 = arith.addi %bitcast_convert_type3A_1129, %add3A_1138 : vector<16xi32>
        %and3A_1140 = arith.constant -65536 : i32
        %and3A_1141 = vector.broadcast %and3A_1140 : i32 to vector<16xi32>
        %and3A_1142 = arith.andi %add3A_1139, %and3A_1141 : vector<16xi32>
        %bitcast_convert_type3A_1143 = tpu.bitcast %and3A_1142 : vector<16xi32> -> vector<16xf32>
        %get3A_1144 = arith.constant 752 : index
        %get3A_1145 = tpu.vector_load %arg6[%get3A_1144] {strides = array<i32>} : memref<1024xf32, #tpu.memory_space<vmem>>, vector<16xf32>,
        %mul3A_1146 = arith.mulf %bitcast_convert_type3A_1143, %get3A_1145 : vector<16xf32>
        %add3A_1147 = arith.addf %add3A_1059, %mul3A_1146 : vector<16xf32>
        %get3A_1148 = arith.index_cast %scan3A_95 : i32 to index
        %get3A_1149 = arith.constant 768 : index
        %get3A_1150 = tpu.vector_load %arg9[%get3A_1148, %get3A_1149] {strides = array<i32>} : memref<16x1024xf32, #tpu.memory_space<vmem>>, vector<16xf32>,
        %bitcast_convert_type3A_1151 = tpu.bitcast %get3A_1150 : vector<16xf32> -> vector<16xi32>
        %shift_right_logical3A_1152 = arith.constant 16 : i32
        %shift_right_logical3A_1153 = vector.broadcast %shift_right_logical3A_1152 : i32 to vector<16xi32>
        %shift_right_logical3A_1154 = arith.shrui %bitcast_convert_type3A_1151, %shift_right_logical3A_1153 : vector<16xi32>
        %and3A_1155 = arith.constant 1 : i32
        %and3A_1156 = vector.broadcast %and3A_1155 : i32 to vector<16xi32>
        %and3A_1157 = arith.andi %shift_right_logical3A_1154, %and3A_1156 : vector<16xi32>
        %add3A_1158 = arith.constant 32767 : i32
        %add3A_1159 = vector.broadcast %add3A_1158 : i32 to vector<16xi32>
        %add3A_1160 = arith.addi %add3A_1159, %and3A_1157 : vector<16xi32>
        %add3A_1161 = arith.addi %bitcast_convert_type3A_1151, %add3A_1160 : vector<16xi32>
        %and3A_1162 = arith.constant -65536 : i32
        %and3A_1163 = vector.broadcast %and3A_1162 : i32 to vector<16xi32>
        %and3A_1164 = arith.andi %add3A_1161, %and3A_1163 : vector<16xi32>
        %bitcast_convert_type3A_1165 = tpu.bitcast %and3A_1164 : vector<16xi32> -> vector<16xf32>
        %get3A_1166 = arith.constant 768 : index
        %get3A_1167 = tpu.vector_load %arg6[%get3A_1166] {strides = array<i32>} : memref<1024xf32, #tpu.memory_space<vmem>>, vector<16xf32>,
        %mul3A_1168 = arith.mulf %bitcast_convert_type3A_1165, %get3A_1167 : vector<16xf32>
        %add3A_1169 = arith.addf %add3A_1081, %mul3A_1168 : vector<16xf32>
        %get3A_1170 = arith.index_cast %scan3A_95 : i32 to index
        %get3A_1171 = arith.constant 784 : index
        %get3A_1172 = tpu.vector_load %arg9[%get3A_1170, %get3A_1171] {strides = array<i32>} : memref<16x1024xf32, #tpu.memory_space<vmem>>, vector<16xf32>,
        %bitcast_convert_type3A_1173 = tpu.bitcast %get3A_1172 : vector<16xf32> -> vector<16xi32>
        %shift_right_logical3A_1174 = arith.constant 16 : i32
        %shift_right_logical3A_1175 = vector.broadcast %shift_right_logical3A_1174 : i32 to vector<16xi32>
        %shift_right_logical3A_1176 = arith.shrui %bitcast_convert_type3A_1173, %shift_right_logical3A_1175 : vector<16xi32>
        %and3A_1177 = arith.constant 1 : i32
        %and3A_1178 = vector.broadcast %and3A_1177 : i32 to vector<16xi32>
        %and3A_1179 = arith.andi %shift_right_logical3A_1176, %and3A_1178 : vector<16xi32>
        %add3A_1180 = arith.constant 32767 : i32
        %add3A_1181 = vector.broadcast %add3A_1180 : i32 to vector<16xi32>
        %add3A_1182 = arith.addi %add3A_1181, %and3A_1179 : vector<16xi32>
        %add3A_1183 = arith.addi %bitcast_convert_type3A_1173, %add3A_1182 : vector<16xi32>
        %and3A_1184 = arith.constant -65536 : i32
        %and3A_1185 = vector.broadcast %and3A_1184 : i32 to vector<16xi32>
        %and3A_1186 = arith.andi %add3A_1183, %and3A_1185 : vector<16xi32>
        %bitcast_convert_type3A_1187 = tpu.bitcast %and3A_1186 : vector<16xi32> -> vector<16xf32>
        %get3A_1188 = arith.constant 784 : index
        %get3A_1189 = tpu.vector_load %arg6[%get3A_1188] {strides = array<i32>} : memref<1024xf32, #tpu.memory_space<vmem>>, vector<16xf32>,
        %mul3A_1190 = arith.mulf %bitcast_convert_type3A_1187, %get3A_1189 : vector<16xf32>
        %add3A_1191 = arith.addf %add3A_1103, %mul3A_1190 : vector<16xf32>
        %get3A_1192 = arith.index_cast %scan3A_95 : i32 to index
        %get3A_1193 = arith.constant 800 : index
        %get3A_1194 = tpu.vector_load %arg9[%get3A_1192, %get3A_1193] {strides = array<i32>} : memref<16x1024xf32, #tpu.memory_space<vmem>>, vector<16xf32>,
        %bitcast_convert_type3A_1195 = tpu.bitcast %get3A_1194 : vector<16xf32> -> vector<16xi32>
        %shift_right_logical3A_1196 = arith.constant 16 : i32
        %shift_right_logical3A_1197 = vector.broadcast %shift_right_logical3A_1196 : i32 to vector<16xi32>
        %shift_right_logical3A_1198 = arith.shrui %bitcast_convert_type3A_1195, %shift_right_logical3A_1197 : vector<16xi32>
        %and3A_1199 = arith.constant 1 : i32
        %and3A_1200 = vector.broadcast %and3A_1199 : i32 to vector<16xi32>
        %and3A_1201 = arith.andi %shift_right_logical3A_1198, %and3A_1200 : vector<16xi32>
        %add3A_1202 = arith.constant 32767 : i32
        %add3A_1203 = vector.broadcast %add3A_1202 : i32 to vector<16xi32>
        %add3A_1204 = arith.addi %add3A_1203, %and3A_1201 : vector<16xi32>
        %add3A_1205 = arith.addi %bitcast_convert_type3A_1195, %add3A_1204 : vector<16xi32>
        %and3A_1206 = arith.constant -65536 : i32
        %and3A_1207 = vector.broadcast %and3A_1206 : i32 to vector<16xi32>
        %and3A_1208 = arith.andi %add3A_1205, %and3A_1207 : vector<16xi32>
        %bitcast_convert_type3A_1209 = tpu.bitcast %and3A_1208 : vector<16xi32> -> vector<16xf32>
        %get3A_1210 = arith.constant 800 : index
        %get3A_1211 = tpu.vector_load %arg6[%get3A_1210] {strides = array<i32>} : memref<1024xf32, #tpu.memory_space<vmem>>, vector<16xf32>,
        %mul3A_1212 = arith.mulf %bitcast_convert_type3A_1209, %get3A_1211 : vector<16xf32>
        %add3A_1213 = arith.addf %add3A_1125, %mul3A_1212 : vector<16xf32>
        %get3A_1214 = arith.index_cast %scan3A_95 : i32 to index
        %get3A_1215 = arith.constant 816 : index
        %get3A_1216 = tpu.vector_load %arg9[%get3A_1214, %get3A_1215] {strides = array<i32>} : memref<16x1024xf32, #tpu.memory_space<vmem>>, vector<16xf32>,
        %bitcast_convert_type3A_1217 = tpu.bitcast %get3A_1216 : vector<16xf32> -> vector<16xi32>
        %shift_right_logical3A_1218 = arith.constant 16 : i32
        %shift_right_logical3A_1219 = vector.broadcast %shift_right_logical3A_1218 : i32 to vector<16xi32>
        %shift_right_logical3A_1220 = arith.shrui %bitcast_convert_type3A_1217, %shift_right_logical3A_1219 : vector<16xi32>
        %and3A_1221 = arith.constant 1 : i32
        %and3A_1222 = vector.broadcast %and3A_1221 : i32 to vector<16xi32>
        %and3A_1223 = arith.andi %shift_right_logical3A_1220, %and3A_1222 : vector<16xi32>
        %add3A_1224 = arith.constant 32767 : i32
        %add3A_1225 = vector.broadcast %add3A_1224 : i32 to vector<16xi32>
        %add3A_1226 = arith.addi %add3A_1225, %and3A_1223 : vector<16xi32>
        %add3A_1227 = arith.addi %bitcast_convert_type3A_1217, %add3A_1226 : vector<16xi32>
        %and3A_1228 = arith.constant -65536 : i32
        %and3A_1229 = vector.broadcast %and3A_1228 : i32 to vector<16xi32>
        %and3A_1230 = arith.andi %add3A_1227, %and3A_1229 : vector<16xi32>
        %bitcast_convert_type3A_1231 = tpu.bitcast %and3A_1230 : vector<16xi32> -> vector<16xf32>
        %get3A_1232 = arith.constant 816 : index
        %get3A_1233 = tpu.vector_load %arg6[%get3A_1232] {strides = array<i32>} : memref<1024xf32, #tpu.memory_space<vmem>>, vector<16xf32>,
        %mul3A_1234 = arith.mulf %bitcast_convert_type3A_1231, %get3A_1233 : vector<16xf32>
        %add3A_1235 = arith.addf %add3A_1147, %mul3A_1234 : vector<16xf32>
        %get3A_1236 = arith.index_cast %scan3A_95 : i32 to index
        %get3A_1237 = arith.constant 832 : index
        %get3A_1238 = tpu.vector_load %arg9[%get3A_1236, %get3A_1237] {strides = array<i32>} : memref<16x1024xf32, #tpu.memory_space<vmem>>, vector<16xf32>,
        %bitcast_convert_type3A_1239 = tpu.bitcast %get3A_1238 : vector<16xf32> -> vector<16xi32>
        %shift_right_logical3A_1240 = arith.constant 16 : i32
        %shift_right_logical3A_1241 = vector.broadcast %shift_right_logical3A_1240 : i32 to vector<16xi32>
        %shift_right_logical3A_1242 = arith.shrui %bitcast_convert_type3A_1239, %shift_right_logical3A_1241 : vector<16xi32>
        %and3A_1243 = arith.constant 1 : i32
        %and3A_1244 = vector.broadcast %and3A_1243 : i32 to vector<16xi32>
        %and3A_1245 = arith.andi %shift_right_logical3A_1242, %and3A_1244 : vector<16xi32>
        %add3A_1246 = arith.constant 32767 : i32
        %add3A_1247 = vector.broadcast %add3A_1246 : i32 to vector<16xi32>
        %add3A_1248 = arith.addi %add3A_1247, %and3A_1245 : vector<16xi32>
        %add3A_1249 = arith.addi %bitcast_convert_type3A_1239, %add3A_1248 : vector<16xi32>
        %and3A_1250 = arith.constant -65536 : i32
        %and3A_1251 = vector.broadcast %and3A_1250 : i32 to vector<16xi32>
        %and3A_1252 = arith.andi %add3A_1249, %and3A_1251 : vector<16xi32>
        %bitcast_convert_type3A_1253 = tpu.bitcast %and3A_1252 : vector<16xi32> -> vector<16xf32>
        %get3A_1254 = arith.constant 832 : index
        %get3A_1255 = tpu.vector_load %arg6[%get3A_1254] {strides = array<i32>} : memref<1024xf32, #tpu.memory_space<vmem>>, vector<16xf32>,
        %mul3A_1256 = arith.mulf %bitcast_convert_type3A_1253, %get3A_1255 : vector<16xf32>
        %add3A_1257 = arith.addf %add3A_1169, %mul3A_1256 : vector<16xf32>
        %get3A_1258 = arith.index_cast %scan3A_95 : i32 to index
        %get3A_1259 = arith.constant 848 : index
        %get3A_1260 = tpu.vector_load %arg9[%get3A_1258, %get3A_1259] {strides = array<i32>} : memref<16x1024xf32, #tpu.memory_space<vmem>>, vector<16xf32>,
        %bitcast_convert_type3A_1261 = tpu.bitcast %get3A_1260 : vector<16xf32> -> vector<16xi32>
        %shift_right_logical3A_1262 = arith.constant 16 : i32
        %shift_right_logical3A_1263 = vector.broadcast %shift_right_logical3A_1262 : i32 to vector<16xi32>
        %shift_right_logical3A_1264 = arith.shrui %bitcast_convert_type3A_1261, %shift_right_logical3A_1263 : vector<16xi32>
        %and3A_1265 = arith.constant 1 : i32
        %and3A_1266 = vector.broadcast %and3A_1265 : i32 to vector<16xi32>
        %and3A_1267 = arith.andi %shift_right_logical3A_1264, %and3A_1266 : vector<16xi32>
        %add3A_1268 = arith.constant 32767 : i32
        %add3A_1269 = vector.broadcast %add3A_1268 : i32 to vector<16xi32>
        %add3A_1270 = arith.addi %add3A_1269, %and3A_1267 : vector<16xi32>
        %add3A_1271 = arith.addi %bitcast_convert_type3A_1261, %add3A_1270 : vector<16xi32>
        %and3A_1272 = arith.constant -65536 : i32
        %and3A_1273 = vector.broadcast %and3A_1272 : i32 to vector<16xi32>
        %and3A_1274 = arith.andi %add3A_1271, %and3A_1273 : vector<16xi32>
        %bitcast_convert_type3A_1275 = tpu.bitcast %and3A_1274 : vector<16xi32> -> vector<16xf32>
        %get3A_1276 = arith.constant 848 : index
        %get3A_1277 = tpu.vector_load %arg6[%get3A_1276] {strides = array<i32>} : memref<1024xf32, #tpu.memory_space<vmem>>, vector<16xf32>,
        %mul3A_1278 = arith.mulf %bitcast_convert_type3A_1275, %get3A_1277 : vector<16xf32>
        %add3A_1279 = arith.addf %add3A_1191, %mul3A_1278 : vector<16xf32>
        %get3A_1280 = arith.index_cast %scan3A_95 : i32 to index
        %get3A_1281 = arith.constant 864 : index
        %get3A_1282 = tpu.vector_load %arg9[%get3A_1280, %get3A_1281] {strides = array<i32>} : memref<16x1024xf32, #tpu.memory_space<vmem>>, vector<16xf32>,
        %bitcast_convert_type3A_1283 = tpu.bitcast %get3A_1282 : vector<16xf32> -> vector<16xi32>
        %shift_right_logical3A_1284 = arith.constant 16 : i32
        %shift_right_logical3A_1285 = vector.broadcast %shift_right_logical3A_1284 : i32 to vector<16xi32>
        %shift_right_logical3A_1286 = arith.shrui %bitcast_convert_type3A_1283, %shift_right_logical3A_1285 : vector<16xi32>
        %and3A_1287 = arith.constant 1 : i32
        %and3A_1288 = vector.broadcast %and3A_1287 : i32 to vector<16xi32>
        %and3A_1289 = arith.andi %shift_right_logical3A_1286, %and3A_1288 : vector<16xi32>
        %add3A_1290 = arith.constant 32767 : i32
        %add3A_1291 = vector.broadcast %add3A_1290 : i32 to vector<16xi32>
        %add3A_1292 = arith.addi %add3A_1291, %and3A_1289 : vector<16xi32>
        %add3A_1293 = arith.addi %bitcast_convert_type3A_1283, %add3A_1292 : vector<16xi32>
        %and3A_1294 = arith.constant -65536 : i32
        %and3A_1295 = vector.broadcast %and3A_1294 : i32 to vector<16xi32>
        %and3A_1296 = arith.andi %add3A_1293, %and3A_1295 : vector<16xi32>
        %bitcast_convert_type3A_1297 = tpu.bitcast %and3A_1296 : vector<16xi32> -> vector<16xf32>
        %get3A_1298 = arith.constant 864 : index
        %get3A_1299 = tpu.vector_load %arg6[%get3A_1298] {strides = array<i32>} : memref<1024xf32, #tpu.memory_space<vmem>>, vector<16xf32>,
        %mul3A_1300 = arith.mulf %bitcast_convert_type3A_1297, %get3A_1299 : vector<16xf32>
        %add3A_1301 = arith.addf %add3A_1213, %mul3A_1300 : vector<16xf32>
        %get3A_1302 = arith.index_cast %scan3A_95 : i32 to index
        %get3A_1303 = arith.constant 880 : index
        %get3A_1304 = tpu.vector_load %arg9[%get3A_1302, %get3A_1303] {strides = array<i32>} : memref<16x1024xf32, #tpu.memory_space<vmem>>, vector<16xf32>,
        %bitcast_convert_type3A_1305 = tpu.bitcast %get3A_1304 : vector<16xf32> -> vector<16xi32>
        %shift_right_logical3A_1306 = arith.constant 16 : i32
        %shift_right_logical3A_1307 = vector.broadcast %shift_right_logical3A_1306 : i32 to vector<16xi32>
        %shift_right_logical3A_1308 = arith.shrui %bitcast_convert_type3A_1305, %shift_right_logical3A_1307 : vector<16xi32>
        %and3A_1309 = arith.constant 1 : i32
        %and3A_1310 = vector.broadcast %and3A_1309 : i32 to vector<16xi32>
        %and3A_1311 = arith.andi %shift_right_logical3A_1308, %and3A_1310 : vector<16xi32>
        %add3A_1312 = arith.constant 32767 : i32
        %add3A_1313 = vector.broadcast %add3A_1312 : i32 to vector<16xi32>
        %add3A_1314 = arith.addi %add3A_1313, %and3A_1311 : vector<16xi32>
        %add3A_1315 = arith.addi %bitcast_convert_type3A_1305, %add3A_1314 : vector<16xi32>
        %and3A_1316 = arith.constant -65536 : i32
        %and3A_1317 = vector.broadcast %and3A_1316 : i32 to vector<16xi32>
        %and3A_1318 = arith.andi %add3A_1315, %and3A_1317 : vector<16xi32>
        %bitcast_convert_type3A_1319 = tpu.bitcast %and3A_1318 : vector<16xi32> -> vector<16xf32>
        %get3A_1320 = arith.constant 880 : index
        %get3A_1321 = tpu.vector_load %arg6[%get3A_1320] {strides = array<i32>} : memref<1024xf32, #tpu.memory_space<vmem>>, vector<16xf32>,
        %mul3A_1322 = arith.mulf %bitcast_convert_type3A_1319, %get3A_1321 : vector<16xf32>
        %add3A_1323 = arith.addf %add3A_1235, %mul3A_1322 : vector<16xf32>
        %get3A_1324 = arith.index_cast %scan3A_95 : i32 to index
        %get3A_1325 = arith.constant 896 : index
        %get3A_1326 = tpu.vector_load %arg9[%get3A_1324, %get3A_1325] {strides = array<i32>} : memref<16x1024xf32, #tpu.memory_space<vmem>>, vector<16xf32>,
        %bitcast_convert_type3A_1327 = tpu.bitcast %get3A_1326 : vector<16xf32> -> vector<16xi32>
        %shift_right_logical3A_1328 = arith.constant 16 : i32
        %shift_right_logical3A_1329 = vector.broadcast %shift_right_logical3A_1328 : i32 to vector<16xi32>
        %shift_right_logical3A_1330 = arith.shrui %bitcast_convert_type3A_1327, %shift_right_logical3A_1329 : vector<16xi32>
        %and3A_1331 = arith.constant 1 : i32
        %and3A_1332 = vector.broadcast %and3A_1331 : i32 to vector<16xi32>
        %and3A_1333 = arith.andi %shift_right_logical3A_1330, %and3A_1332 : vector<16xi32>
        %add3A_1334 = arith.constant 32767 : i32
        %add3A_1335 = vector.broadcast %add3A_1334 : i32 to vector<16xi32>
        %add3A_1336 = arith.addi %add3A_1335, %and3A_1333 : vector<16xi32>
        %add3A_1337 = arith.addi %bitcast_convert_type3A_1327, %add3A_1336 : vector<16xi32>
        %and3A_1338 = arith.constant -65536 : i32
        %and3A_1339 = vector.broadcast %and3A_1338 : i32 to vector<16xi32>
        %and3A_1340 = arith.andi %add3A_1337, %and3A_1339 : vector<16xi32>
        %bitcast_convert_type3A_1341 = tpu.bitcast %and3A_1340 : vector<16xi32> -> vector<16xf32>
        %get3A_1342 = arith.constant 896 : index
        %get3A_1343 = tpu.vector_load %arg6[%get3A_1342] {strides = array<i32>} : memref<1024xf32, #tpu.memory_space<vmem>>, vector<16xf32>,
        %mul3A_1344 = arith.mulf %bitcast_convert_type3A_1341, %get3A_1343 : vector<16xf32>
        %add3A_1345 = arith.addf %add3A_1257, %mul3A_1344 : vector<16xf32>
        %get3A_1346 = arith.index_cast %scan3A_95 : i32 to index
        %get3A_1347 = arith.constant 912 : index
        %get3A_1348 = tpu.vector_load %arg9[%get3A_1346, %get3A_1347] {strides = array<i32>} : memref<16x1024xf32, #tpu.memory_space<vmem>>, vector<16xf32>,
        %bitcast_convert_type3A_1349 = tpu.bitcast %get3A_1348 : vector<16xf32> -> vector<16xi32>
        %shift_right_logical3A_1350 = arith.constant 16 : i32
        %shift_right_logical3A_1351 = vector.broadcast %shift_right_logical3A_1350 : i32 to vector<16xi32>
        %shift_right_logical3A_1352 = arith.shrui %bitcast_convert_type3A_1349, %shift_right_logical3A_1351 : vector<16xi32>
        %and3A_1353 = arith.constant 1 : i32
        %and3A_1354 = vector.broadcast %and3A_1353 : i32 to vector<16xi32>
        %and3A_1355 = arith.andi %shift_right_logical3A_1352, %and3A_1354 : vector<16xi32>
        %add3A_1356 = arith.constant 32767 : i32
        %add3A_1357 = vector.broadcast %add3A_1356 : i32 to vector<16xi32>
        %add3A_1358 = arith.addi %add3A_1357, %and3A_1355 : vector<16xi32>
        %add3A_1359 = arith.addi %bitcast_convert_type3A_1349, %add3A_1358 : vector<16xi32>
        %and3A_1360 = arith.constant -65536 : i32
        %and3A_1361 = vector.broadcast %and3A_1360 : i32 to vector<16xi32>
        %and3A_1362 = arith.andi %add3A_1359, %and3A_1361 : vector<16xi32>
        %bitcast_convert_type3A_1363 = tpu.bitcast %and3A_1362 : vector<16xi32> -> vector<16xf32>
        %get3A_1364 = arith.constant 912 : index
        %get3A_1365 = tpu.vector_load %arg6[%get3A_1364] {strides = array<i32>} : memref<1024xf32, #tpu.memory_space<vmem>>, vector<16xf32>,
        %mul3A_1366 = arith.mulf %bitcast_convert_type3A_1363, %get3A_1365 : vector<16xf32>
        %add3A_1367 = arith.addf %add3A_1279, %mul3A_1366 : vector<16xf32>
        %get3A_1368 = arith.index_cast %scan3A_95 : i32 to index
        %get3A_1369 = arith.constant 928 : index
        %get3A_1370 = tpu.vector_load %arg9[%get3A_1368, %get3A_1369] {strides = array<i32>} : memref<16x1024xf32, #tpu.memory_space<vmem>>, vector<16xf32>,
        %bitcast_convert_type3A_1371 = tpu.bitcast %get3A_1370 : vector<16xf32> -> vector<16xi32>
        %shift_right_logical3A_1372 = arith.constant 16 : i32
        %shift_right_logical3A_1373 = vector.broadcast %shift_right_logical3A_1372 : i32 to vector<16xi32>
        %shift_right_logical3A_1374 = arith.shrui %bitcast_convert_type3A_1371, %shift_right_logical3A_1373 : vector<16xi32>
        %and3A_1375 = arith.constant 1 : i32
        %and3A_1376 = vector.broadcast %and3A_1375 : i32 to vector<16xi32>
        %and3A_1377 = arith.andi %shift_right_logical3A_1374, %and3A_1376 : vector<16xi32>
        %add3A_1378 = arith.constant 32767 : i32
        %add3A_1379 = vector.broadcast %add3A_1378 : i32 to vector<16xi32>
        %add3A_1380 = arith.addi %add3A_1379, %and3A_1377 : vector<16xi32>
        %add3A_1381 = arith.addi %bitcast_convert_type3A_1371, %add3A_1380 : vector<16xi32>
        %and3A_1382 = arith.constant -65536 : i32
        %and3A_1383 = vector.broadcast %and3A_1382 : i32 to vector<16xi32>
        %and3A_1384 = arith.andi %add3A_1381, %and3A_1383 : vector<16xi32>
        %bitcast_convert_type3A_1385 = tpu.bitcast %and3A_1384 : vector<16xi32> -> vector<16xf32>
        %get3A_1386 = arith.constant 928 : index
        %get3A_1387 = tpu.vector_load %arg6[%get3A_1386] {strides = array<i32>} : memref<1024xf32, #tpu.memory_space<vmem>>, vector<16xf32>,
        %mul3A_1388 = arith.mulf %bitcast_convert_type3A_1385, %get3A_1387 : vector<16xf32>
        %add3A_1389 = arith.addf %add3A_1301, %mul3A_1388 : vector<16xf32>
        %get3A_1390 = arith.index_cast %scan3A_95 : i32 to index
        %get3A_1391 = arith.constant 944 : index
        %get3A_1392 = tpu.vector_load %arg9[%get3A_1390, %get3A_1391] {strides = array<i32>} : memref<16x1024xf32, #tpu.memory_space<vmem>>, vector<16xf32>,
        %bitcast_convert_type3A_1393 = tpu.bitcast %get3A_1392 : vector<16xf32> -> vector<16xi32>
        %shift_right_logical3A_1394 = arith.constant 16 : i32
        %shift_right_logical3A_1395 = vector.broadcast %shift_right_logical3A_1394 : i32 to vector<16xi32>
        %shift_right_logical3A_1396 = arith.shrui %bitcast_convert_type3A_1393, %shift_right_logical3A_1395 : vector<16xi32>
        %and3A_1397 = arith.constant 1 : i32
        %and3A_1398 = vector.broadcast %and3A_1397 : i32 to vector<16xi32>
        %and3A_1399 = arith.andi %shift_right_logical3A_1396, %and3A_1398 : vector<16xi32>
        %add3A_1400 = arith.constant 32767 : i32
        %add3A_1401 = vector.broadcast %add3A_1400 : i32 to vector<16xi32>
        %add3A_1402 = arith.addi %add3A_1401, %and3A_1399 : vector<16xi32>
        %add3A_1403 = arith.addi %bitcast_convert_type3A_1393, %add3A_1402 : vector<16xi32>
        %and3A_1404 = arith.constant -65536 : i32
        %and3A_1405 = vector.broadcast %and3A_1404 : i32 to vector<16xi32>
        %and3A_1406 = arith.andi %add3A_1403, %and3A_1405 : vector<16xi32>
        %bitcast_convert_type3A_1407 = tpu.bitcast %and3A_1406 : vector<16xi32> -> vector<16xf32>
        %get3A_1408 = arith.constant 944 : index
        %get3A_1409 = tpu.vector_load %arg6[%get3A_1408] {strides = array<i32>} : memref<1024xf32, #tpu.memory_space<vmem>>, vector<16xf32>,
        %mul3A_1410 = arith.mulf %bitcast_convert_type3A_1407, %get3A_1409 : vector<16xf32>
        %add3A_1411 = arith.addf %add3A_1323, %mul3A_1410 : vector<16xf32>
        %get3A_1412 = arith.index_cast %scan3A_95 : i32 to index
        %get3A_1413 = arith.constant 960 : index
        %get3A_1414 = tpu.vector_load %arg9[%get3A_1412, %get3A_1413] {strides = array<i32>} : memref<16x1024xf32, #tpu.memory_space<vmem>>, vector<16xf32>,
        %bitcast_convert_type3A_1415 = tpu.bitcast %get3A_1414 : vector<16xf32> -> vector<16xi32>
        %shift_right_logical3A_1416 = arith.constant 16 : i32
        %shift_right_logical3A_1417 = vector.broadcast %shift_right_logical3A_1416 : i32 to vector<16xi32>
        %shift_right_logical3A_1418 = arith.shrui %bitcast_convert_type3A_1415, %shift_right_logical3A_1417 : vector<16xi32>
        %and3A_1419 = arith.constant 1 : i32
        %and3A_1420 = vector.broadcast %and3A_1419 : i32 to vector<16xi32>
        %and3A_1421 = arith.andi %shift_right_logical3A_1418, %and3A_1420 : vector<16xi32>
        %add3A_1422 = arith.constant 32767 : i32
        %add3A_1423 = vector.broadcast %add3A_1422 : i32 to vector<16xi32>
        %add3A_1424 = arith.addi %add3A_1423, %and3A_1421 : vector<16xi32>
        %add3A_1425 = arith.addi %bitcast_convert_type3A_1415, %add3A_1424 : vector<16xi32>
        %and3A_1426 = arith.constant -65536 : i32
        %and3A_1427 = vector.broadcast %and3A_1426 : i32 to vector<16xi32>
        %and3A_1428 = arith.andi %add3A_1425, %and3A_1427 : vector<16xi32>
        %bitcast_convert_type3A_1429 = tpu.bitcast %and3A_1428 : vector<16xi32> -> vector<16xf32>
        %get3A_1430 = arith.constant 960 : index
        %get3A_1431 = tpu.vector_load %arg6[%get3A_1430] {strides = array<i32>} : memref<1024xf32, #tpu.memory_space<vmem>>, vector<16xf32>,
        %mul3A_1432 = arith.mulf %bitcast_convert_type3A_1429, %get3A_1431 : vector<16xf32>
        %add3A_1433 = arith.addf %add3A_1345, %mul3A_1432 : vector<16xf32>
        %get3A_1434 = arith.index_cast %scan3A_95 : i32 to index
        %get3A_1435 = arith.constant 976 : index
        %get3A_1436 = tpu.vector_load %arg9[%get3A_1434, %get3A_1435] {strides = array<i32>} : memref<16x1024xf32, #tpu.memory_space<vmem>>, vector<16xf32>,
        %bitcast_convert_type3A_1437 = tpu.bitcast %get3A_1436 : vector<16xf32> -> vector<16xi32>
        %shift_right_logical3A_1438 = arith.constant 16 : i32
        %shift_right_logical3A_1439 = vector.broadcast %shift_right_logical3A_1438 : i32 to vector<16xi32>
        %shift_right_logical3A_1440 = arith.shrui %bitcast_convert_type3A_1437, %shift_right_logical3A_1439 : vector<16xi32>
        %and3A_1441 = arith.constant 1 : i32
        %and3A_1442 = vector.broadcast %and3A_1441 : i32 to vector<16xi32>
        %and3A_1443 = arith.andi %shift_right_logical3A_1440, %and3A_1442 : vector<16xi32>
        %add3A_1444 = arith.constant 32767 : i32
        %add3A_1445 = vector.broadcast %add3A_1444 : i32 to vector<16xi32>
        %add3A_1446 = arith.addi %add3A_1445, %and3A_1443 : vector<16xi32>
        %add3A_1447 = arith.addi %bitcast_convert_type3A_1437, %add3A_1446 : vector<16xi32>
        %and3A_1448 = arith.constant -65536 : i32
        %and3A_1449 = vector.broadcast %and3A_1448 : i32 to vector<16xi32>
        %and3A_1450 = arith.andi %add3A_1447, %and3A_1449 : vector<16xi32>
        %bitcast_convert_type3A_1451 = tpu.bitcast %and3A_1450 : vector<16xi32> -> vector<16xf32>
        %get3A_1452 = arith.constant 976 : index
        %get3A_1453 = tpu.vector_load %arg6[%get3A_1452] {strides = array<i32>} : memref<1024xf32, #tpu.memory_space<vmem>>, vector<16xf32>,
        %mul3A_1454 = arith.mulf %bitcast_convert_type3A_1451, %get3A_1453 : vector<16xf32>
        %add3A_1455 = arith.addf %add3A_1367, %mul3A_1454 : vector<16xf32>
        %get3A_1456 = arith.index_cast %scan3A_95 : i32 to index
        %get3A_1457 = arith.constant 992 : index
        %get3A_1458 = tpu.vector_load %arg9[%get3A_1456, %get3A_1457] {strides = array<i32>} : memref<16x1024xf32, #tpu.memory_space<vmem>>, vector<16xf32>,
        %bitcast_convert_type3A_1459 = tpu.bitcast %get3A_1458 : vector<16xf32> -> vector<16xi32>
        %shift_right_logical3A_1460 = arith.constant 16 : i32
        %shift_right_logical3A_1461 = vector.broadcast %shift_right_logical3A_1460 : i32 to vector<16xi32>
        %shift_right_logical3A_1462 = arith.shrui %bitcast_convert_type3A_1459, %shift_right_logical3A_1461 : vector<16xi32>
        %and3A_1463 = arith.constant 1 : i32
        %and3A_1464 = vector.broadcast %and3A_1463 : i32 to vector<16xi32>
        %and3A_1465 = arith.andi %shift_right_logical3A_1462, %and3A_1464 : vector<16xi32>
        %add3A_1466 = arith.constant 32767 : i32
        %add3A_1467 = vector.broadcast %add3A_1466 : i32 to vector<16xi32>
        %add3A_1468 = arith.addi %add3A_1467, %and3A_1465 : vector<16xi32>
        %add3A_1469 = arith.addi %bitcast_convert_type3A_1459, %add3A_1468 : vector<16xi32>
        %and3A_1470 = arith.constant -65536 : i32
        %and3A_1471 = vector.broadcast %and3A_1470 : i32 to vector<16xi32>
        %and3A_1472 = arith.andi %add3A_1469, %and3A_1471 : vector<16xi32>
        %bitcast_convert_type3A_1473 = tpu.bitcast %and3A_1472 : vector<16xi32> -> vector<16xf32>
        %get3A_1474 = arith.constant 992 : index
        %get3A_1475 = tpu.vector_load %arg6[%get3A_1474] {strides = array<i32>} : memref<1024xf32, #tpu.memory_space<vmem>>, vector<16xf32>,
        %mul3A_1476 = arith.mulf %bitcast_convert_type3A_1473, %get3A_1475 : vector<16xf32>
        %add3A_1477 = arith.addf %add3A_1389, %mul3A_1476 : vector<16xf32>
        %get3A_1478 = arith.index_cast %scan3A_95 : i32 to index
        %get3A_1479 = arith.constant 1008 : index
        %get3A_1480 = tpu.vector_load %arg9[%get3A_1478, %get3A_1479] {strides = array<i32>} : memref<16x1024xf32, #tpu.memory_space<vmem>>, vector<16xf32>,
        %bitcast_convert_type3A_1481 = tpu.bitcast %get3A_1480 : vector<16xf32> -> vector<16xi32>
        %shift_right_logical3A_1482 = arith.constant 16 : i32
        %shift_right_logical3A_1483 = vector.broadcast %shift_right_logical3A_1482 : i32 to vector<16xi32>
        %shift_right_logical3A_1484 = arith.shrui %bitcast_convert_type3A_1481, %shift_right_logical3A_1483 : vector<16xi32>
        %and3A_1485 = arith.constant 1 : i32
        %and3A_1486 = vector.broadcast %and3A_1485 : i32 to vector<16xi32>
        %and3A_1487 = arith.andi %shift_right_logical3A_1484, %and3A_1486 : vector<16xi32>
        %add3A_1488 = arith.constant 32767 : i32
        %add3A_1489 = vector.broadcast %add3A_1488 : i32 to vector<16xi32>
        %add3A_1490 = arith.addi %add3A_1489, %and3A_1487 : vector<16xi32>
        %add3A_1491 = arith.addi %bitcast_convert_type3A_1481, %add3A_1490 : vector<16xi32>
        %and3A_1492 = arith.constant -65536 : i32
        %and3A_1493 = vector.broadcast %and3A_1492 : i32 to vector<16xi32>
        %and3A_1494 = arith.andi %add3A_1491, %and3A_1493 : vector<16xi32>
        %bitcast_convert_type3A_1495 = tpu.bitcast %and3A_1494 : vector<16xi32> -> vector<16xf32>
        %get3A_1496 = arith.constant 1008 : index
        %get3A_1497 = tpu.vector_load %arg6[%get3A_1496] {strides = array<i32>} : memref<1024xf32, #tpu.memory_space<vmem>>, vector<16xf32>,
        %mul3A_1498 = arith.mulf %bitcast_convert_type3A_1495, %get3A_1497 : vector<16xf32>
        %add3A_1499 = arith.addf %add3A_1411, %mul3A_1498 : vector<16xf32>
        %add3A_1500 = arith.addf %add3A_1433, %add3A_1455 : vector<16xf32>
        %add3A_1501 = arith.addf %add3A_1477, %add3A_1499 : vector<16xf32>
        %add3A_1502 = arith.addf %add3A_1500, %add3A_1501 : vector<16xf32>
        %reduce_sum3A = arith.constant true
        %reduce_sum3A_1503 = vector.broadcast %reduce_sum3A : i1 to vector<16xi1>
        %reduce_sum3A_1504 = tpu.scan <sum>, %add3A_1502 masked %reduce_sum3A_1503 : vector<16xf32>, vector<16xi1> -> vector<16xf32>
        %reduce_sum3A_1505 = vector.extract %reduce_sum3A_1504[15] : f32 from vector<16xf32>
        %broadcast_in_dim3A_1506 = vector.broadcast %reduce_sum3A_1505 : f32 to vector<16xf32>
        %get3A_1507 = arith.constant 0 : index
        %get3A_1508 = tpu.vector_load %arg7[%get3A_1507] {strides = array<i32>} : memref<16xf32, #tpu.memory_space<vmem>>, vector<16xf32>,
        %add3A_1509 = arith.addf %broadcast_in_dim3A_1506, %get3A_1508 : vector<16xf32>
        %neg3A = arith.constant 0.000000e+00 : f32
        %neg3A_1510 = vector.broadcast %neg3A : f32 to vector<16xf32>
        %neg3A_1511 = arith.subf %neg3A_1510, %add3A_1509 : vector<16xf32>
        %exp3A = math.exp %neg3A_1511 : vector<16xf32>
        %add3A_1512 = arith.constant 1.000000e+00 : f32
        %add3A_1513 = vector.broadcast %add3A_1512 : f32 to vector<16xf32>
        %add3A_1514 = arith.addf %add3A_1513, %exp3A : vector<16xf32>
        %div3A = arith.constant 1.000000e+00 : f32
        %div3A_1515 = vector.broadcast %div3A : f32 to vector<16xf32>
        %div3A_1516 = arith.divf %div3A_1515, %add3A_1514 : vector<16xf32>
        %gt3A = arith.constant 0.000000e+00 : f32
        %gt3A_1517 = vector.broadcast %gt3A : f32 to vector<16xf32>
        %gt3A_1518 = arith.cmpf ogt, %add3A_1509, %gt3A_1517 : vector<16xf32>
        %jit3A = arith.constant 0.000000e+00 : f32
        %broadcast_in_dim3A_1519 = vector.broadcast %jit3A : f32 to vector<16xf32>
        %select_n3A = arith.select %gt3A_1518, %div3A_1516, %broadcast_in_dim3A_1519 : vector<16xi1>, vector<16xf32>
        %get3A_1520 = arith.index_cast %scan3A_95 : i32 to index
        %get3A_1521 = arith.constant 0 : index
        %get3A_1522 = tpu.vector_load %arg9[%get3A_1520, %get3A_1521] {strides = array<i32>} : memref<16x1024xf32, #tpu.memory_space<vmem>>, vector<16xf32>,
        %mul3A_1523 = arith.mulf %get3A_1522, %select_n3A : vector<16xf32>
        %swap3A = arith.index_cast %scan3A_95 : i32 to index
        %swap3A_1524 = arith.constant 0 : index
        %swap3A_1525 = tpu.vector_load %arg11[%swap3A, %swap3A_1524] {strides = array<i32>} : memref<16x1024xf32, #tpu.memory_space<vmem>>, vector<16xf32>,
        tpu.vector_store %arg11[%swap3A, %swap3A_1524], %mul3A_1523 {strides = array<i32>} : memref<16x1024xf32, #tpu.memory_space<vmem>>, vector<16xf32>,
        %get3A_1526 = arith.index_cast %scan3A_95 : i32 to index
        %get3A_1527 = arith.constant 16 : index
        %get3A_1528 = tpu.vector_load %arg9[%get3A_1526, %get3A_1527] {strides = array<i32>} : memref<16x1024xf32, #tpu.memory_space<vmem>>, vector<16xf32>,
        %mul3A_1529 = arith.mulf %get3A_1528, %select_n3A : vector<16xf32>
        %swap3A_1530 = arith.index_cast %scan3A_95 : i32 to index
        %swap3A_1531 = arith.constant 16 : index
        %swap3A_1532 = tpu.vector_load %arg11[%swap3A_1530, %swap3A_1531] {strides = array<i32>} : memref<16x1024xf32, #tpu.memory_space<vmem>>, vector<16xf32>,
        tpu.vector_store %arg11[%swap3A_1530, %swap3A_1531], %mul3A_1529 {strides = array<i32>} : memref<16x1024xf32, #tpu.memory_space<vmem>>, vector<16xf32>,
        %get3A_1533 = arith.index_cast %scan3A_95 : i32 to index
        %get3A_1534 = arith.constant 32 : index
        %get3A_1535 = tpu.vector_load %arg9[%get3A_1533, %get3A_1534] {strides = array<i32>} : memref<16x1024xf32, #tpu.memory_space<vmem>>, vector<16xf32>,
        %mul3A_1536 = arith.mulf %get3A_1535, %select_n3A : vector<16xf32>
        %swap3A_1537 = arith.index_cast %scan3A_95 : i32 to index
        %swap3A_1538 = arith.constant 32 : index
        %swap3A_1539 = tpu.vector_load %arg11[%swap3A_1537, %swap3A_1538] {strides = array<i32>} : memref<16x1024xf32, #tpu.memory_space<vmem>>, vector<16xf32>,
        tpu.vector_store %arg11[%swap3A_1537, %swap3A_1538], %mul3A_1536 {strides = array<i32>} : memref<16x1024xf32, #tpu.memory_space<vmem>>, vector<16xf32>,
        %get3A_1540 = arith.index_cast %scan3A_95 : i32 to index
        %get3A_1541 = arith.constant 48 : index
        %get3A_1542 = tpu.vector_load %arg9[%get3A_1540, %get3A_1541] {strides = array<i32>} : memref<16x1024xf32, #tpu.memory_space<vmem>>, vector<16xf32>,
        %mul3A_1543 = arith.mulf %get3A_1542, %select_n3A : vector<16xf32>
        %swap3A_1544 = arith.index_cast %scan3A_95 : i32 to index
        %swap3A_1545 = arith.constant 48 : index
        %swap3A_1546 = tpu.vector_load %arg11[%swap3A_1544, %swap3A_1545] {strides = array<i32>} : memref<16x1024xf32, #tpu.memory_space<vmem>>, vector<16xf32>,
        tpu.vector_store %arg11[%swap3A_1544, %swap3A_1545], %mul3A_1543 {strides = array<i32>} : memref<16x1024xf32, #tpu.memory_space<vmem>>, vector<16xf32>,
        %get3A_1547 = arith.index_cast %scan3A_95 : i32 to index
        %get3A_1548 = arith.constant 64 : index
        %get3A_1549 = tpu.vector_load %arg9[%get3A_1547, %get3A_1548] {strides = array<i32>} : memref<16x1024xf32, #tpu.memory_space<vmem>>, vector<16xf32>,
        %mul3A_1550 = arith.mulf %get3A_1549, %select_n3A : vector<16xf32>
        %swap3A_1551 = arith.index_cast %scan3A_95 : i32 to index
        %swap3A_1552 = arith.constant 64 : index
        %swap3A_1553 = tpu.vector_load %arg11[%swap3A_1551, %swap3A_1552] {strides = array<i32>} : memref<16x1024xf32, #tpu.memory_space<vmem>>, vector<16xf32>,
        tpu.vector_store %arg11[%swap3A_1551, %swap3A_1552], %mul3A_1550 {strides = array<i32>} : memref<16x1024xf32, #tpu.memory_space<vmem>>, vector<16xf32>,
        %get3A_1554 = arith.index_cast %scan3A_95 : i32 to index
        %get3A_1555 = arith.constant 80 : index
        %get3A_1556 = tpu.vector_load %arg9[%get3A_1554, %get3A_1555] {strides = array<i32>} : memref<16x1024xf32, #tpu.memory_space<vmem>>, vector<16xf32>,
        %mul3A_1557 = arith.mulf %get3A_1556, %select_n3A : vector<16xf32>
        %swap3A_1558 = arith.index_cast %scan3A_95 : i32 to index
        %swap3A_1559 = arith.constant 80 : index
        %swap3A_1560 = tpu.vector_load %arg11[%swap3A_1558, %swap3A_1559] {strides = array<i32>} : memref<16x1024xf32, #tpu.memory_space<vmem>>, vector<16xf32>,
        tpu.vector_store %arg11[%swap3A_1558, %swap3A_1559], %mul3A_1557 {strides = array<i32>} : memref<16x1024xf32, #tpu.memory_space<vmem>>, vector<16xf32>,
        %get3A_1561 = arith.index_cast %scan3A_95 : i32 to index
        %get3A_1562 = arith.constant 96 : index
        %get3A_1563 = tpu.vector_load %arg9[%get3A_1561, %get3A_1562] {strides = array<i32>} : memref<16x1024xf32, #tpu.memory_space<vmem>>, vector<16xf32>,
        %mul3A_1564 = arith.mulf %get3A_1563, %select_n3A : vector<16xf32>
        %swap3A_1565 = arith.index_cast %scan3A_95 : i32 to index
        %swap3A_1566 = arith.constant 96 : index
        %swap3A_1567 = tpu.vector_load %arg11[%swap3A_1565, %swap3A_1566] {strides = array<i32>} : memref<16x1024xf32, #tpu.memory_space<vmem>>, vector<16xf32>,
        tpu.vector_store %arg11[%swap3A_1565, %swap3A_1566], %mul3A_1564 {strides = array<i32>} : memref<16x1024xf32, #tpu.memory_space<vmem>>, vector<16xf32>,
        %get3A_1568 = arith.index_cast %scan3A_95 : i32 to index
        %get3A_1569 = arith.constant 112 : index
        %get3A_1570 = tpu.vector_load %arg9[%get3A_1568, %get3A_1569] {strides = array<i32>} : memref<16x1024xf32, #tpu.memory_space<vmem>>, vector<16xf32>,
        %mul3A_1571 = arith.mulf %get3A_1570, %select_n3A : vector<16xf32>
        %swap3A_1572 = arith.index_cast %scan3A_95 : i32 to index
        %swap3A_1573 = arith.constant 112 : index
        %swap3A_1574 = tpu.vector_load %arg11[%swap3A_1572, %swap3A_1573] {strides = array<i32>} : memref<16x1024xf32, #tpu.memory_space<vmem>>, vector<16xf32>,
        tpu.vector_store %arg11[%swap3A_1572, %swap3A_1573], %mul3A_1571 {strides = array<i32>} : memref<16x1024xf32, #tpu.memory_space<vmem>>, vector<16xf32>,
        %get3A_1575 = arith.index_cast %scan3A_95 : i32 to index
        %get3A_1576 = arith.constant 128 : index
        %get3A_1577 = tpu.vector_load %arg9[%get3A_1575, %get3A_1576] {strides = array<i32>} : memref<16x1024xf32, #tpu.memory_space<vmem>>, vector<16xf32>,
        %mul3A_1578 = arith.mulf %get3A_1577, %select_n3A : vector<16xf32>
        %swap3A_1579 = arith.index_cast %scan3A_95 : i32 to index
        %swap3A_1580 = arith.constant 128 : index
        %swap3A_1581 = tpu.vector_load %arg11[%swap3A_1579, %swap3A_1580] {strides = array<i32>} : memref<16x1024xf32, #tpu.memory_space<vmem>>, vector<16xf32>,
        tpu.vector_store %arg11[%swap3A_1579, %swap3A_1580], %mul3A_1578 {strides = array<i32>} : memref<16x1024xf32, #tpu.memory_space<vmem>>, vector<16xf32>,
        %get3A_1582 = arith.index_cast %scan3A_95 : i32 to index
        %get3A_1583 = arith.constant 144 : index
        %get3A_1584 = tpu.vector_load %arg9[%get3A_1582, %get3A_1583] {strides = array<i32>} : memref<16x1024xf32, #tpu.memory_space<vmem>>, vector<16xf32>,
        %mul3A_1585 = arith.mulf %get3A_1584, %select_n3A : vector<16xf32>
        %swap3A_1586 = arith.index_cast %scan3A_95 : i32 to index
        %swap3A_1587 = arith.constant 144 : index
        %swap3A_1588 = tpu.vector_load %arg11[%swap3A_1586, %swap3A_1587] {strides = array<i32>} : memref<16x1024xf32, #tpu.memory_space<vmem>>, vector<16xf32>,
        tpu.vector_store %arg11[%swap3A_1586, %swap3A_1587], %mul3A_1585 {strides = array<i32>} : memref<16x1024xf32, #tpu.memory_space<vmem>>, vector<16xf32>,
        %get3A_1589 = arith.index_cast %scan3A_95 : i32 to index
        %get3A_1590 = arith.constant 160 : index
        %get3A_1591 = tpu.vector_load %arg9[%get3A_1589, %get3A_1590] {strides = array<i32>} : memref<16x1024xf32, #tpu.memory_space<vmem>>, vector<16xf32>,
        %mul3A_1592 = arith.mulf %get3A_1591, %select_n3A : vector<16xf32>
        %swap3A_1593 = arith.index_cast %scan3A_95 : i32 to index
        %swap3A_1594 = arith.constant 160 : index
        %swap3A_1595 = tpu.vector_load %arg11[%swap3A_1593, %swap3A_1594] {strides = array<i32>} : memref<16x1024xf32, #tpu.memory_space<vmem>>, vector<16xf32>,
        tpu.vector_store %arg11[%swap3A_1593, %swap3A_1594], %mul3A_1592 {strides = array<i32>} : memref<16x1024xf32, #tpu.memory_space<vmem>>, vector<16xf32>,
        %get3A_1596 = arith.index_cast %scan3A_95 : i32 to index
        %get3A_1597 = arith.constant 176 : index
        %get3A_1598 = tpu.vector_load %arg9[%get3A_1596, %get3A_1597] {strides = array<i32>} : memref<16x1024xf32, #tpu.memory_space<vmem>>, vector<16xf32>,
        %mul3A_1599 = arith.mulf %get3A_1598, %select_n3A : vector<16xf32>
        %swap3A_1600 = arith.index_cast %scan3A_95 : i32 to index
        %swap3A_1601 = arith.constant 176 : index
        %swap3A_1602 = tpu.vector_load %arg11[%swap3A_1600, %swap3A_1601] {strides = array<i32>} : memref<16x1024xf32, #tpu.memory_space<vmem>>, vector<16xf32>,
        tpu.vector_store %arg11[%swap3A_1600, %swap3A_1601], %mul3A_1599 {strides = array<i32>} : memref<16x1024xf32, #tpu.memory_space<vmem>>, vector<16xf32>,
        %get3A_1603 = arith.index_cast %scan3A_95 : i32 to index
        %get3A_1604 = arith.constant 192 : index
        %get3A_1605 = tpu.vector_load %arg9[%get3A_1603, %get3A_1604] {strides = array<i32>} : memref<16x1024xf32, #tpu.memory_space<vmem>>, vector<16xf32>,
        %mul3A_1606 = arith.mulf %get3A_1605, %select_n3A : vector<16xf32>
        %swap3A_1607 = arith.index_cast %scan3A_95 : i32 to index
        %swap3A_1608 = arith.constant 192 : index
        %swap3A_1609 = tpu.vector_load %arg11[%swap3A_1607, %swap3A_1608] {strides = array<i32>} : memref<16x1024xf32, #tpu.memory_space<vmem>>, vector<16xf32>,
        tpu.vector_store %arg11[%swap3A_1607, %swap3A_1608], %mul3A_1606 {strides = array<i32>} : memref<16x1024xf32, #tpu.memory_space<vmem>>, vector<16xf32>,
        %get3A_1610 = arith.index_cast %scan3A_95 : i32 to index
        %get3A_1611 = arith.constant 208 : index
        %get3A_1612 = tpu.vector_load %arg9[%get3A_1610, %get3A_1611] {strides = array<i32>} : memref<16x1024xf32, #tpu.memory_space<vmem>>, vector<16xf32>,
        %mul3A_1613 = arith.mulf %get3A_1612, %select_n3A : vector<16xf32>
        %swap3A_1614 = arith.index_cast %scan3A_95 : i32 to index
        %swap3A_1615 = arith.constant 208 : index
        %swap3A_1616 = tpu.vector_load %arg11[%swap3A_1614, %swap3A_1615] {strides = array<i32>} : memref<16x1024xf32, #tpu.memory_space<vmem>>, vector<16xf32>,
        tpu.vector_store %arg11[%swap3A_1614, %swap3A_1615], %mul3A_1613 {strides = array<i32>} : memref<16x1024xf32, #tpu.memory_space<vmem>>, vector<16xf32>,
        %get3A_1617 = arith.index_cast %scan3A_95 : i32 to index
        %get3A_1618 = arith.constant 224 : index
        %get3A_1619 = tpu.vector_load %arg9[%get3A_1617, %get3A_1618] {strides = array<i32>} : memref<16x1024xf32, #tpu.memory_space<vmem>>, vector<16xf32>,
        %mul3A_1620 = arith.mulf %get3A_1619, %select_n3A : vector<16xf32>
        %swap3A_1621 = arith.index_cast %scan3A_95 : i32 to index
        %swap3A_1622 = arith.constant 224 : index
        %swap3A_1623 = tpu.vector_load %arg11[%swap3A_1621, %swap3A_1622] {strides = array<i32>} : memref<16x1024xf32, #tpu.memory_space<vmem>>, vector<16xf32>,
        tpu.vector_store %arg11[%swap3A_1621, %swap3A_1622], %mul3A_1620 {strides = array<i32>} : memref<16x1024xf32, #tpu.memory_space<vmem>>, vector<16xf32>,
        %get3A_1624 = arith.index_cast %scan3A_95 : i32 to index
        %get3A_1625 = arith.constant 240 : index
        %get3A_1626 = tpu.vector_load %arg9[%get3A_1624, %get3A_1625] {strides = array<i32>} : memref<16x1024xf32, #tpu.memory_space<vmem>>, vector<16xf32>,
        %mul3A_1627 = arith.mulf %get3A_1626, %select_n3A : vector<16xf32>
        %swap3A_1628 = arith.index_cast %scan3A_95 : i32 to index
        %swap3A_1629 = arith.constant 240 : index
        %swap3A_1630 = tpu.vector_load %arg11[%swap3A_1628, %swap3A_1629] {strides = array<i32>} : memref<16x1024xf32, #tpu.memory_space<vmem>>, vector<16xf32>,
        tpu.vector_store %arg11[%swap3A_1628, %swap3A_1629], %mul3A_1627 {strides = array<i32>} : memref<16x1024xf32, #tpu.memory_space<vmem>>, vector<16xf32>,
        %get3A_1631 = arith.index_cast %scan3A_95 : i32 to index
        %get3A_1632 = arith.constant 256 : index
        %get3A_1633 = tpu.vector_load %arg9[%get3A_1631, %get3A_1632] {strides = array<i32>} : memref<16x1024xf32, #tpu.memory_space<vmem>>, vector<16xf32>,
        %mul3A_1634 = arith.mulf %get3A_1633, %select_n3A : vector<16xf32>
        %swap3A_1635 = arith.index_cast %scan3A_95 : i32 to index
        %swap3A_1636 = arith.constant 256 : index
        %swap3A_1637 = tpu.vector_load %arg11[%swap3A_1635, %swap3A_1636] {strides = array<i32>} : memref<16x1024xf32, #tpu.memory_space<vmem>>, vector<16xf32>,
        tpu.vector_store %arg11[%swap3A_1635, %swap3A_1636], %mul3A_1634 {strides = array<i32>} : memref<16x1024xf32, #tpu.memory_space<vmem>>, vector<16xf32>,
        %get3A_1638 = arith.index_cast %scan3A_95 : i32 to index
        %get3A_1639 = arith.constant 272 : index
        %get3A_1640 = tpu.vector_load %arg9[%get3A_1638, %get3A_1639] {strides = array<i32>} : memref<16x1024xf32, #tpu.memory_space<vmem>>, vector<16xf32>,
        %mul3A_1641 = arith.mulf %get3A_1640, %select_n3A : vector<16xf32>
        %swap3A_1642 = arith.index_cast %scan3A_95 : i32 to index
        %swap3A_1643 = arith.constant 272 : index
        %swap3A_1644 = tpu.vector_load %arg11[%swap3A_1642, %swap3A_1643] {strides = array<i32>} : memref<16x1024xf32, #tpu.memory_space<vmem>>, vector<16xf32>,
        tpu.vector_store %arg11[%swap3A_1642, %swap3A_1643], %mul3A_1641 {strides = array<i32>} : memref<16x1024xf32, #tpu.memory_space<vmem>>, vector<16xf32>,
        %get3A_1645 = arith.index_cast %scan3A_95 : i32 to index
        %get3A_1646 = arith.constant 288 : index
        %get3A_1647 = tpu.vector_load %arg9[%get3A_1645, %get3A_1646] {strides = array<i32>} : memref<16x1024xf32, #tpu.memory_space<vmem>>, vector<16xf32>,
        %mul3A_1648 = arith.mulf %get3A_1647, %select_n3A : vector<16xf32>
        %swap3A_1649 = arith.index_cast %scan3A_95 : i32 to index
        %swap3A_1650 = arith.constant 288 : index
        %swap3A_1651 = tpu.vector_load %arg11[%swap3A_1649, %swap3A_1650] {strides = array<i32>} : memref<16x1024xf32, #tpu.memory_space<vmem>>, vector<16xf32>,
        tpu.vector_store %arg11[%swap3A_1649, %swap3A_1650], %mul3A_1648 {strides = array<i32>} : memref<16x1024xf32, #tpu.memory_space<vmem>>, vector<16xf32>,
        %get3A_1652 = arith.index_cast %scan3A_95 : i32 to index
        %get3A_1653 = arith.constant 304 : index
        %get3A_1654 = tpu.vector_load %arg9[%get3A_1652, %get3A_1653] {strides = array<i32>} : memref<16x1024xf32, #tpu.memory_space<vmem>>, vector<16xf32>,
        %mul3A_1655 = arith.mulf %get3A_1654, %select_n3A : vector<16xf32>
        %swap3A_1656 = arith.index_cast %scan3A_95 : i32 to index
        %swap3A_1657 = arith.constant 304 : index
        %swap3A_1658 = tpu.vector_load %arg11[%swap3A_1656, %swap3A_1657] {strides = array<i32>} : memref<16x1024xf32, #tpu.memory_space<vmem>>, vector<16xf32>,
        tpu.vector_store %arg11[%swap3A_1656, %swap3A_1657], %mul3A_1655 {strides = array<i32>} : memref<16x1024xf32, #tpu.memory_space<vmem>>, vector<16xf32>,
        %get3A_1659 = arith.index_cast %scan3A_95 : i32 to index
        %get3A_1660 = arith.constant 320 : index
        %get3A_1661 = tpu.vector_load %arg9[%get3A_1659, %get3A_1660] {strides = array<i32>} : memref<16x1024xf32, #tpu.memory_space<vmem>>, vector<16xf32>,
        %mul3A_1662 = arith.mulf %get3A_1661, %select_n3A : vector<16xf32>
        %swap3A_1663 = arith.index_cast %scan3A_95 : i32 to index
        %swap3A_1664 = arith.constant 320 : index
        %swap3A_1665 = tpu.vector_load %arg11[%swap3A_1663, %swap3A_1664] {strides = array<i32>} : memref<16x1024xf32, #tpu.memory_space<vmem>>, vector<16xf32>,
        tpu.vector_store %arg11[%swap3A_1663, %swap3A_1664], %mul3A_1662 {strides = array<i32>} : memref<16x1024xf32, #tpu.memory_space<vmem>>, vector<16xf32>,
        %get3A_1666 = arith.index_cast %scan3A_95 : i32 to index
        %get3A_1667 = arith.constant 336 : index
        %get3A_1668 = tpu.vector_load %arg9[%get3A_1666, %get3A_1667] {strides = array<i32>} : memref<16x1024xf32, #tpu.memory_space<vmem>>, vector<16xf32>,
        %mul3A_1669 = arith.mulf %get3A_1668, %select_n3A : vector<16xf32>
        %swap3A_1670 = arith.index_cast %scan3A_95 : i32 to index
        %swap3A_1671 = arith.constant 336 : index
        %swap3A_1672 = tpu.vector_load %arg11[%swap3A_1670, %swap3A_1671] {strides = array<i32>} : memref<16x1024xf32, #tpu.memory_space<vmem>>, vector<16xf32>,
        tpu.vector_store %arg11[%swap3A_1670, %swap3A_1671], %mul3A_1669 {strides = array<i32>} : memref<16x1024xf32, #tpu.memory_space<vmem>>, vector<16xf32>,
        %get3A_1673 = arith.index_cast %scan3A_95 : i32 to index
        %get3A_1674 = arith.constant 352 : index
        %get3A_1675 = tpu.vector_load %arg9[%get3A_1673, %get3A_1674] {strides = array<i32>} : memref<16x1024xf32, #tpu.memory_space<vmem>>, vector<16xf32>,
        %mul3A_1676 = arith.mulf %get3A_1675, %select_n3A : vector<16xf32>
        %swap3A_1677 = arith.index_cast %scan3A_95 : i32 to index
        %swap3A_1678 = arith.constant 352 : index
        %swap3A_1679 = tpu.vector_load %arg11[%swap3A_1677, %swap3A_1678] {strides = array<i32>} : memref<16x1024xf32, #tpu.memory_space<vmem>>, vector<16xf32>,
        tpu.vector_store %arg11[%swap3A_1677, %swap3A_1678], %mul3A_1676 {strides = array<i32>} : memref<16x1024xf32, #tpu.memory_space<vmem>>, vector<16xf32>,
        %get3A_1680 = arith.index_cast %scan3A_95 : i32 to index
        %get3A_1681 = arith.constant 368 : index
        %get3A_1682 = tpu.vector_load %arg9[%get3A_1680, %get3A_1681] {strides = array<i32>} : memref<16x1024xf32, #tpu.memory_space<vmem>>, vector<16xf32>,
        %mul3A_1683 = arith.mulf %get3A_1682, %select_n3A : vector<16xf32>
        %swap3A_1684 = arith.index_cast %scan3A_95 : i32 to index
        %swap3A_1685 = arith.constant 368 : index
        %swap3A_1686 = tpu.vector_load %arg11[%swap3A_1684, %swap3A_1685] {strides = array<i32>} : memref<16x1024xf32, #tpu.memory_space<vmem>>, vector<16xf32>,
        tpu.vector_store %arg11[%swap3A_1684, %swap3A_1685], %mul3A_1683 {strides = array<i32>} : memref<16x1024xf32, #tpu.memory_space<vmem>>, vector<16xf32>,
        %get3A_1687 = arith.index_cast %scan3A_95 : i32 to index
        %get3A_1688 = arith.constant 384 : index
        %get3A_1689 = tpu.vector_load %arg9[%get3A_1687, %get3A_1688] {strides = array<i32>} : memref<16x1024xf32, #tpu.memory_space<vmem>>, vector<16xf32>,
        %mul3A_1690 = arith.mulf %get3A_1689, %select_n3A : vector<16xf32>
        %swap3A_1691 = arith.index_cast %scan3A_95 : i32 to index
        %swap3A_1692 = arith.constant 384 : index
        %swap3A_1693 = tpu.vector_load %arg11[%swap3A_1691, %swap3A_1692] {strides = array<i32>} : memref<16x1024xf32, #tpu.memory_space<vmem>>, vector<16xf32>,
        tpu.vector_store %arg11[%swap3A_1691, %swap3A_1692], %mul3A_1690 {strides = array<i32>} : memref<16x1024xf32, #tpu.memory_space<vmem>>, vector<16xf32>,
        %get3A_1694 = arith.index_cast %scan3A_95 : i32 to index
        %get3A_1695 = arith.constant 400 : index
        %get3A_1696 = tpu.vector_load %arg9[%get3A_1694, %get3A_1695] {strides = array<i32>} : memref<16x1024xf32, #tpu.memory_space<vmem>>, vector<16xf32>,
        %mul3A_1697 = arith.mulf %get3A_1696, %select_n3A : vector<16xf32>
        %swap3A_1698 = arith.index_cast %scan3A_95 : i32 to index
        %swap3A_1699 = arith.constant 400 : index
        %swap3A_1700 = tpu.vector_load %arg11[%swap3A_1698, %swap3A_1699] {strides = array<i32>} : memref<16x1024xf32, #tpu.memory_space<vmem>>, vector<16xf32>,
        tpu.vector_store %arg11[%swap3A_1698, %swap3A_1699], %mul3A_1697 {strides = array<i32>} : memref<16x1024xf32, #tpu.memory_space<vmem>>, vector<16xf32>,
        %get3A_1701 = arith.index_cast %scan3A_95 : i32 to index
        %get3A_1702 = arith.constant 416 : index
        %get3A_1703 = tpu.vector_load %arg9[%get3A_1701, %get3A_1702] {strides = array<i32>} : memref<16x1024xf32, #tpu.memory_space<vmem>>, vector<16xf32>,
        %mul3A_1704 = arith.mulf %get3A_1703, %select_n3A : vector<16xf32>
        %swap3A_1705 = arith.index_cast %scan3A_95 : i32 to index
        %swap3A_1706 = arith.constant 416 : index
        %swap3A_1707 = tpu.vector_load %arg11[%swap3A_1705, %swap3A_1706] {strides = array<i32>} : memref<16x1024xf32, #tpu.memory_space<vmem>>, vector<16xf32>,
        tpu.vector_store %arg11[%swap3A_1705, %swap3A_1706], %mul3A_1704 {strides = array<i32>} : memref<16x1024xf32, #tpu.memory_space<vmem>>, vector<16xf32>,
        %get3A_1708 = arith.index_cast %scan3A_95 : i32 to index
        %get3A_1709 = arith.constant 432 : index
        %get3A_1710 = tpu.vector_load %arg9[%get3A_1708, %get3A_1709] {strides = array<i32>} : memref<16x1024xf32, #tpu.memory_space<vmem>>, vector<16xf32>,
        %mul3A_1711 = arith.mulf %get3A_1710, %select_n3A : vector<16xf32>
        %swap3A_1712 = arith.index_cast %scan3A_95 : i32 to index
        %swap3A_1713 = arith.constant 432 : index
        %swap3A_1714 = tpu.vector_load %arg11[%swap3A_1712, %swap3A_1713] {strides = array<i32>} : memref<16x1024xf32, #tpu.memory_space<vmem>>, vector<16xf32>,
        tpu.vector_store %arg11[%swap3A_1712, %swap3A_1713], %mul3A_1711 {strides = array<i32>} : memref<16x1024xf32, #tpu.memory_space<vmem>>, vector<16xf32>,
        %get3A_1715 = arith.index_cast %scan3A_95 : i32 to index
        %get3A_1716 = arith.constant 448 : index
        %get3A_1717 = tpu.vector_load %arg9[%get3A_1715, %get3A_1716] {strides = array<i32>} : memref<16x1024xf32, #tpu.memory_space<vmem>>, vector<16xf32>,
        %mul3A_1718 = arith.mulf %get3A_1717, %select_n3A : vector<16xf32>
        %swap3A_1719 = arith.index_cast %scan3A_95 : i32 to index
        %swap3A_1720 = arith.constant 448 : index
        %swap3A_1721 = tpu.vector_load %arg11[%swap3A_1719, %swap3A_1720] {strides = array<i32>} : memref<16x1024xf32, #tpu.memory_space<vmem>>, vector<16xf32>,
        tpu.vector_store %arg11[%swap3A_1719, %swap3A_1720], %mul3A_1718 {strides = array<i32>} : memref<16x1024xf32, #tpu.memory_space<vmem>>, vector<16xf32>,
        %get3A_1722 = arith.index_cast %scan3A_95 : i32 to index
        %get3A_1723 = arith.constant 464 : index
        %get3A_1724 = tpu.vector_load %arg9[%get3A_1722, %get3A_1723] {strides = array<i32>} : memref<16x1024xf32, #tpu.memory_space<vmem>>, vector<16xf32>,
        %mul3A_1725 = arith.mulf %get3A_1724, %select_n3A : vector<16xf32>
        %swap3A_1726 = arith.index_cast %scan3A_95 : i32 to index
        %swap3A_1727 = arith.constant 464 : index
        %swap3A_1728 = tpu.vector_load %arg11[%swap3A_1726, %swap3A_1727] {strides = array<i32>} : memref<16x1024xf32, #tpu.memory_space<vmem>>, vector<16xf32>,
        tpu.vector_store %arg11[%swap3A_1726, %swap3A_1727], %mul3A_1725 {strides = array<i32>} : memref<16x1024xf32, #tpu.memory_space<vmem>>, vector<16xf32>,
        %get3A_1729 = arith.index_cast %scan3A_95 : i32 to index
        %get3A_1730 = arith.constant 480 : index
        %get3A_1731 = tpu.vector_load %arg9[%get3A_1729, %get3A_1730] {strides = array<i32>} : memref<16x1024xf32, #tpu.memory_space<vmem>>, vector<16xf32>,
        %mul3A_1732 = arith.mulf %get3A_1731, %select_n3A : vector<16xf32>
        %swap3A_1733 = arith.index_cast %scan3A_95 : i32 to index
        %swap3A_1734 = arith.constant 480 : index
        %swap3A_1735 = tpu.vector_load %arg11[%swap3A_1733, %swap3A_1734] {strides = array<i32>} : memref<16x1024xf32, #tpu.memory_space<vmem>>, vector<16xf32>,
        tpu.vector_store %arg11[%swap3A_1733, %swap3A_1734], %mul3A_1732 {strides = array<i32>} : memref<16x1024xf32, #tpu.memory_space<vmem>>, vector<16xf32>,
        %get3A_1736 = arith.index_cast %scan3A_95 : i32 to index
        %get3A_1737 = arith.constant 496 : index
        %get3A_1738 = tpu.vector_load %arg9[%get3A_1736, %get3A_1737] {strides = array<i32>} : memref<16x1024xf32, #tpu.memory_space<vmem>>, vector<16xf32>,
        %mul3A_1739 = arith.mulf %get3A_1738, %select_n3A : vector<16xf32>
        %swap3A_1740 = arith.index_cast %scan3A_95 : i32 to index
        %swap3A_1741 = arith.constant 496 : index
        %swap3A_1742 = tpu.vector_load %arg11[%swap3A_1740, %swap3A_1741] {strides = array<i32>} : memref<16x1024xf32, #tpu.memory_space<vmem>>, vector<16xf32>,
        tpu.vector_store %arg11[%swap3A_1740, %swap3A_1741], %mul3A_1739 {strides = array<i32>} : memref<16x1024xf32, #tpu.memory_space<vmem>>, vector<16xf32>,
        %get3A_1743 = arith.index_cast %scan3A_95 : i32 to index
        %get3A_1744 = arith.constant 512 : index
        %get3A_1745 = tpu.vector_load %arg9[%get3A_1743, %get3A_1744] {strides = array<i32>} : memref<16x1024xf32, #tpu.memory_space<vmem>>, vector<16xf32>,
        %mul3A_1746 = arith.mulf %get3A_1745, %select_n3A : vector<16xf32>
        %swap3A_1747 = arith.index_cast %scan3A_95 : i32 to index
        %swap3A_1748 = arith.constant 512 : index
        %swap3A_1749 = tpu.vector_load %arg11[%swap3A_1747, %swap3A_1748] {strides = array<i32>} : memref<16x1024xf32, #tpu.memory_space<vmem>>, vector<16xf32>,
        tpu.vector_store %arg11[%swap3A_1747, %swap3A_1748], %mul3A_1746 {strides = array<i32>} : memref<16x1024xf32, #tpu.memory_space<vmem>>, vector<16xf32>,
        %get3A_1750 = arith.index_cast %scan3A_95 : i32 to index
        %get3A_1751 = arith.constant 528 : index
        %get3A_1752 = tpu.vector_load %arg9[%get3A_1750, %get3A_1751] {strides = array<i32>} : memref<16x1024xf32, #tpu.memory_space<vmem>>, vector<16xf32>,
        %mul3A_1753 = arith.mulf %get3A_1752, %select_n3A : vector<16xf32>
        %swap3A_1754 = arith.index_cast %scan3A_95 : i32 to index
        %swap3A_1755 = arith.constant 528 : index
        %swap3A_1756 = tpu.vector_load %arg11[%swap3A_1754, %swap3A_1755] {strides = array<i32>} : memref<16x1024xf32, #tpu.memory_space<vmem>>, vector<16xf32>,
        tpu.vector_store %arg11[%swap3A_1754, %swap3A_1755], %mul3A_1753 {strides = array<i32>} : memref<16x1024xf32, #tpu.memory_space<vmem>>, vector<16xf32>,
        %get3A_1757 = arith.index_cast %scan3A_95 : i32 to index
        %get3A_1758 = arith.constant 544 : index
        %get3A_1759 = tpu.vector_load %arg9[%get3A_1757, %get3A_1758] {strides = array<i32>} : memref<16x1024xf32, #tpu.memory_space<vmem>>, vector<16xf32>,
        %mul3A_1760 = arith.mulf %get3A_1759, %select_n3A : vector<16xf32>
        %swap3A_1761 = arith.index_cast %scan3A_95 : i32 to index
        %swap3A_1762 = arith.constant 544 : index
        %swap3A_1763 = tpu.vector_load %arg11[%swap3A_1761, %swap3A_1762] {strides = array<i32>} : memref<16x1024xf32, #tpu.memory_space<vmem>>, vector<16xf32>,
        tpu.vector_store %arg11[%swap3A_1761, %swap3A_1762], %mul3A_1760 {strides = array<i32>} : memref<16x1024xf32, #tpu.memory_space<vmem>>, vector<16xf32>,
        %get3A_1764 = arith.index_cast %scan3A_95 : i32 to index
        %get3A_1765 = arith.constant 560 : index
        %get3A_1766 = tpu.vector_load %arg9[%get3A_1764, %get3A_1765] {strides = array<i32>} : memref<16x1024xf32, #tpu.memory_space<vmem>>, vector<16xf32>,
        %mul3A_1767 = arith.mulf %get3A_1766, %select_n3A : vector<16xf32>
        %swap3A_1768 = arith.index_cast %scan3A_95 : i32 to index
        %swap3A_1769 = arith.constant 560 : index
        %swap3A_1770 = tpu.vector_load %arg11[%swap3A_1768, %swap3A_1769] {strides = array<i32>} : memref<16x1024xf32, #tpu.memory_space<vmem>>, vector<16xf32>,
        tpu.vector_store %arg11[%swap3A_1768, %swap3A_1769], %mul3A_1767 {strides = array<i32>} : memref<16x1024xf32, #tpu.memory_space<vmem>>, vector<16xf32>,
        %get3A_1771 = arith.index_cast %scan3A_95 : i32 to index
        %get3A_1772 = arith.constant 576 : index
        %get3A_1773 = tpu.vector_load %arg9[%get3A_1771, %get3A_1772] {strides = array<i32>} : memref<16x1024xf32, #tpu.memory_space<vmem>>, vector<16xf32>,
        %mul3A_1774 = arith.mulf %get3A_1773, %select_n3A : vector<16xf32>
        %swap3A_1775 = arith.index_cast %scan3A_95 : i32 to index
        %swap3A_1776 = arith.constant 576 : index
        %swap3A_1777 = tpu.vector_load %arg11[%swap3A_1775, %swap3A_1776] {strides = array<i32>} : memref<16x1024xf32, #tpu.memory_space<vmem>>, vector<16xf32>,
        tpu.vector_store %arg11[%swap3A_1775, %swap3A_1776], %mul3A_1774 {strides = array<i32>} : memref<16x1024xf32, #tpu.memory_space<vmem>>, vector<16xf32>,
        %get3A_1778 = arith.index_cast %scan3A_95 : i32 to index
        %get3A_1779 = arith.constant 592 : index
        %get3A_1780 = tpu.vector_load %arg9[%get3A_1778, %get3A_1779] {strides = array<i32>} : memref<16x1024xf32, #tpu.memory_space<vmem>>, vector<16xf32>,
        %mul3A_1781 = arith.mulf %get3A_1780, %select_n3A : vector<16xf32>
        %swap3A_1782 = arith.index_cast %scan3A_95 : i32 to index
        %swap3A_1783 = arith.constant 592 : index
        %swap3A_1784 = tpu.vector_load %arg11[%swap3A_1782, %swap3A_1783] {strides = array<i32>} : memref<16x1024xf32, #tpu.memory_space<vmem>>, vector<16xf32>,
        tpu.vector_store %arg11[%swap3A_1782, %swap3A_1783], %mul3A_1781 {strides = array<i32>} : memref<16x1024xf32, #tpu.memory_space<vmem>>, vector<16xf32>,
        %get3A_1785 = arith.index_cast %scan3A_95 : i32 to index
        %get3A_1786 = arith.constant 608 : index
        %get3A_1787 = tpu.vector_load %arg9[%get3A_1785, %get3A_1786] {strides = array<i32>} : memref<16x1024xf32, #tpu.memory_space<vmem>>, vector<16xf32>,
        %mul3A_1788 = arith.mulf %get3A_1787, %select_n3A : vector<16xf32>
        %swap3A_1789 = arith.index_cast %scan3A_95 : i32 to index
        %swap3A_1790 = arith.constant 608 : index
        %swap3A_1791 = tpu.vector_load %arg11[%swap3A_1789, %swap3A_1790] {strides = array<i32>} : memref<16x1024xf32, #tpu.memory_space<vmem>>, vector<16xf32>,
        tpu.vector_store %arg11[%swap3A_1789, %swap3A_1790], %mul3A_1788 {strides = array<i32>} : memref<16x1024xf32, #tpu.memory_space<vmem>>, vector<16xf32>,
        %get3A_1792 = arith.index_cast %scan3A_95 : i32 to index
        %get3A_1793 = arith.constant 624 : index
        %get3A_1794 = tpu.vector_load %arg9[%get3A_1792, %get3A_1793] {strides = array<i32>} : memref<16x1024xf32, #tpu.memory_space<vmem>>, vector<16xf32>,
        %mul3A_1795 = arith.mulf %get3A_1794, %select_n3A : vector<16xf32>
        %swap3A_1796 = arith.index_cast %scan3A_95 : i32 to index
        %swap3A_1797 = arith.constant 624 : index
        %swap3A_1798 = tpu.vector_load %arg11[%swap3A_1796, %swap3A_1797] {strides = array<i32>} : memref<16x1024xf32, #tpu.memory_space<vmem>>, vector<16xf32>,
        tpu.vector_store %arg11[%swap3A_1796, %swap3A_1797], %mul3A_1795 {strides = array<i32>} : memref<16x1024xf32, #tpu.memory_space<vmem>>, vector<16xf32>,
        %get3A_1799 = arith.index_cast %scan3A_95 : i32 to index
        %get3A_1800 = arith.constant 640 : index
        %get3A_1801 = tpu.vector_load %arg9[%get3A_1799, %get3A_1800] {strides = array<i32>} : memref<16x1024xf32, #tpu.memory_space<vmem>>, vector<16xf32>,
        %mul3A_1802 = arith.mulf %get3A_1801, %select_n3A : vector<16xf32>
        %swap3A_1803 = arith.index_cast %scan3A_95 : i32 to index
        %swap3A_1804 = arith.constant 640 : index
        %swap3A_1805 = tpu.vector_load %arg11[%swap3A_1803, %swap3A_1804] {strides = array<i32>} : memref<16x1024xf32, #tpu.memory_space<vmem>>, vector<16xf32>,
        tpu.vector_store %arg11[%swap3A_1803, %swap3A_1804], %mul3A_1802 {strides = array<i32>} : memref<16x1024xf32, #tpu.memory_space<vmem>>, vector<16xf32>,
        %get3A_1806 = arith.index_cast %scan3A_95 : i32 to index
        %get3A_1807 = arith.constant 656 : index
        %get3A_1808 = tpu.vector_load %arg9[%get3A_1806, %get3A_1807] {strides = array<i32>} : memref<16x1024xf32, #tpu.memory_space<vmem>>, vector<16xf32>,
        %mul3A_1809 = arith.mulf %get3A_1808, %select_n3A : vector<16xf32>
        %swap3A_1810 = arith.index_cast %scan3A_95 : i32 to index
        %swap3A_1811 = arith.constant 656 : index
        %swap3A_1812 = tpu.vector_load %arg11[%swap3A_1810, %swap3A_1811] {strides = array<i32>} : memref<16x1024xf32, #tpu.memory_space<vmem>>, vector<16xf32>,
        tpu.vector_store %arg11[%swap3A_1810, %swap3A_1811], %mul3A_1809 {strides = array<i32>} : memref<16x1024xf32, #tpu.memory_space<vmem>>, vector<16xf32>,
        %get3A_1813 = arith.index_cast %scan3A_95 : i32 to index
        %get3A_1814 = arith.constant 672 : index
        %get3A_1815 = tpu.vector_load %arg9[%get3A_1813, %get3A_1814] {strides = array<i32>} : memref<16x1024xf32, #tpu.memory_space<vmem>>, vector<16xf32>,
        %mul3A_1816 = arith.mulf %get3A_1815, %select_n3A : vector<16xf32>
        %swap3A_1817 = arith.index_cast %scan3A_95 : i32 to index
        %swap3A_1818 = arith.constant 672 : index
        %swap3A_1819 = tpu.vector_load %arg11[%swap3A_1817, %swap3A_1818] {strides = array<i32>} : memref<16x1024xf32, #tpu.memory_space<vmem>>, vector<16xf32>,
        tpu.vector_store %arg11[%swap3A_1817, %swap3A_1818], %mul3A_1816 {strides = array<i32>} : memref<16x1024xf32, #tpu.memory_space<vmem>>, vector<16xf32>,
        %get3A_1820 = arith.index_cast %scan3A_95 : i32 to index
        %get3A_1821 = arith.constant 688 : index
        %get3A_1822 = tpu.vector_load %arg9[%get3A_1820, %get3A_1821] {strides = array<i32>} : memref<16x1024xf32, #tpu.memory_space<vmem>>, vector<16xf32>,
        %mul3A_1823 = arith.mulf %get3A_1822, %select_n3A : vector<16xf32>
        %swap3A_1824 = arith.index_cast %scan3A_95 : i32 to index
        %swap3A_1825 = arith.constant 688 : index
        %swap3A_1826 = tpu.vector_load %arg11[%swap3A_1824, %swap3A_1825] {strides = array<i32>} : memref<16x1024xf32, #tpu.memory_space<vmem>>, vector<16xf32>,
        tpu.vector_store %arg11[%swap3A_1824, %swap3A_1825], %mul3A_1823 {strides = array<i32>} : memref<16x1024xf32, #tpu.memory_space<vmem>>, vector<16xf32>,
        %get3A_1827 = arith.index_cast %scan3A_95 : i32 to index
        %get3A_1828 = arith.constant 704 : index
        %get3A_1829 = tpu.vector_load %arg9[%get3A_1827, %get3A_1828] {strides = array<i32>} : memref<16x1024xf32, #tpu.memory_space<vmem>>, vector<16xf32>,
        %mul3A_1830 = arith.mulf %get3A_1829, %select_n3A : vector<16xf32>
        %swap3A_1831 = arith.index_cast %scan3A_95 : i32 to index
        %swap3A_1832 = arith.constant 704 : index
        %swap3A_1833 = tpu.vector_load %arg11[%swap3A_1831, %swap3A_1832] {strides = array<i32>} : memref<16x1024xf32, #tpu.memory_space<vmem>>, vector<16xf32>,
        tpu.vector_store %arg11[%swap3A_1831, %swap3A_1832], %mul3A_1830 {strides = array<i32>} : memref<16x1024xf32, #tpu.memory_space<vmem>>, vector<16xf32>,
        %get3A_1834 = arith.index_cast %scan3A_95 : i32 to index
        %get3A_1835 = arith.constant 720 : index
        %get3A_1836 = tpu.vector_load %arg9[%get3A_1834, %get3A_1835] {strides = array<i32>} : memref<16x1024xf32, #tpu.memory_space<vmem>>, vector<16xf32>,
        %mul3A_1837 = arith.mulf %get3A_1836, %select_n3A : vector<16xf32>
        %swap3A_1838 = arith.index_cast %scan3A_95 : i32 to index
        %swap3A_1839 = arith.constant 720 : index
        %swap3A_1840 = tpu.vector_load %arg11[%swap3A_1838, %swap3A_1839] {strides = array<i32>} : memref<16x1024xf32, #tpu.memory_space<vmem>>, vector<16xf32>,
        tpu.vector_store %arg11[%swap3A_1838, %swap3A_1839], %mul3A_1837 {strides = array<i32>} : memref<16x1024xf32, #tpu.memory_space<vmem>>, vector<16xf32>,
        %get3A_1841 = arith.index_cast %scan3A_95 : i32 to index
        %get3A_1842 = arith.constant 736 : index
        %get3A_1843 = tpu.vector_load %arg9[%get3A_1841, %get3A_1842] {strides = array<i32>} : memref<16x1024xf32, #tpu.memory_space<vmem>>, vector<16xf32>,
        %mul3A_1844 = arith.mulf %get3A_1843, %select_n3A : vector<16xf32>
        %swap3A_1845 = arith.index_cast %scan3A_95 : i32 to index
        %swap3A_1846 = arith.constant 736 : index
        %swap3A_1847 = tpu.vector_load %arg11[%swap3A_1845, %swap3A_1846] {strides = array<i32>} : memref<16x1024xf32, #tpu.memory_space<vmem>>, vector<16xf32>,
        tpu.vector_store %arg11[%swap3A_1845, %swap3A_1846], %mul3A_1844 {strides = array<i32>} : memref<16x1024xf32, #tpu.memory_space<vmem>>, vector<16xf32>,
        %get3A_1848 = arith.index_cast %scan3A_95 : i32 to index
        %get3A_1849 = arith.constant 752 : index
        %get3A_1850 = tpu.vector_load %arg9[%get3A_1848, %get3A_1849] {strides = array<i32>} : memref<16x1024xf32, #tpu.memory_space<vmem>>, vector<16xf32>,
        %mul3A_1851 = arith.mulf %get3A_1850, %select_n3A : vector<16xf32>
        %swap3A_1852 = arith.index_cast %scan3A_95 : i32 to index
        %swap3A_1853 = arith.constant 752 : index
        %swap3A_1854 = tpu.vector_load %arg11[%swap3A_1852, %swap3A_1853] {strides = array<i32>} : memref<16x1024xf32, #tpu.memory_space<vmem>>, vector<16xf32>,
        tpu.vector_store %arg11[%swap3A_1852, %swap3A_1853], %mul3A_1851 {strides = array<i32>} : memref<16x1024xf32, #tpu.memory_space<vmem>>, vector<16xf32>,
        %get3A_1855 = arith.index_cast %scan3A_95 : i32 to index
        %get3A_1856 = arith.constant 768 : index
        %get3A_1857 = tpu.vector_load %arg9[%get3A_1855, %get3A_1856] {strides = array<i32>} : memref<16x1024xf32, #tpu.memory_space<vmem>>, vector<16xf32>,
        %mul3A_1858 = arith.mulf %get3A_1857, %select_n3A : vector<16xf32>
        %swap3A_1859 = arith.index_cast %scan3A_95 : i32 to index
        %swap3A_1860 = arith.constant 768 : index
        %swap3A_1861 = tpu.vector_load %arg11[%swap3A_1859, %swap3A_1860] {strides = array<i32>} : memref<16x1024xf32, #tpu.memory_space<vmem>>, vector<16xf32>,
        tpu.vector_store %arg11[%swap3A_1859, %swap3A_1860], %mul3A_1858 {strides = array<i32>} : memref<16x1024xf32, #tpu.memory_space<vmem>>, vector<16xf32>,
        %get3A_1862 = arith.index_cast %scan3A_95 : i32 to index
        %get3A_1863 = arith.constant 784 : index
        %get3A_1864 = tpu.vector_load %arg9[%get3A_1862, %get3A_1863] {strides = array<i32>} : memref<16x1024xf32, #tpu.memory_space<vmem>>, vector<16xf32>,
        %mul3A_1865 = arith.mulf %get3A_1864, %select_n3A : vector<16xf32>
        %swap3A_1866 = arith.index_cast %scan3A_95 : i32 to index
        %swap3A_1867 = arith.constant 784 : index
        %swap3A_1868 = tpu.vector_load %arg11[%swap3A_1866, %swap3A_1867] {strides = array<i32>} : memref<16x1024xf32, #tpu.memory_space<vmem>>, vector<16xf32>,
        tpu.vector_store %arg11[%swap3A_1866, %swap3A_1867], %mul3A_1865 {strides = array<i32>} : memref<16x1024xf32, #tpu.memory_space<vmem>>, vector<16xf32>,
        %get3A_1869 = arith.index_cast %scan3A_95 : i32 to index
        %get3A_1870 = arith.constant 800 : index
        %get3A_1871 = tpu.vector_load %arg9[%get3A_1869, %get3A_1870] {strides = array<i32>} : memref<16x1024xf32, #tpu.memory_space<vmem>>, vector<16xf32>,
        %mul3A_1872 = arith.mulf %get3A_1871, %select_n3A : vector<16xf32>
        %swap3A_1873 = arith.index_cast %scan3A_95 : i32 to index
        %swap3A_1874 = arith.constant 800 : index
        %swap3A_1875 = tpu.vector_load %arg11[%swap3A_1873, %swap3A_1874] {strides = array<i32>} : memref<16x1024xf32, #tpu.memory_space<vmem>>, vector<16xf32>,
        tpu.vector_store %arg11[%swap3A_1873, %swap3A_1874], %mul3A_1872 {strides = array<i32>} : memref<16x1024xf32, #tpu.memory_space<vmem>>, vector<16xf32>,
        %get3A_1876 = arith.index_cast %scan3A_95 : i32 to index
        %get3A_1877 = arith.constant 816 : index
        %get3A_1878 = tpu.vector_load %arg9[%get3A_1876, %get3A_1877] {strides = array<i32>} : memref<16x1024xf32, #tpu.memory_space<vmem>>, vector<16xf32>,
        %mul3A_1879 = arith.mulf %get3A_1878, %select_n3A : vector<16xf32>
        %swap3A_1880 = arith.index_cast %scan3A_95 : i32 to index
        %swap3A_1881 = arith.constant 816 : index
        %swap3A_1882 = tpu.vector_load %arg11[%swap3A_1880, %swap3A_1881] {strides = array<i32>} : memref<16x1024xf32, #tpu.memory_space<vmem>>, vector<16xf32>,
        tpu.vector_store %arg11[%swap3A_1880, %swap3A_1881], %mul3A_1879 {strides = array<i32>} : memref<16x1024xf32, #tpu.memory_space<vmem>>, vector<16xf32>,
        %get3A_1883 = arith.index_cast %scan3A_95 : i32 to index
        %get3A_1884 = arith.constant 832 : index
        %get3A_1885 = tpu.vector_load %arg9[%get3A_1883, %get3A_1884] {strides = array<i32>} : memref<16x1024xf32, #tpu.memory_space<vmem>>, vector<16xf32>,
        %mul3A_1886 = arith.mulf %get3A_1885, %select_n3A : vector<16xf32>
        %swap3A_1887 = arith.index_cast %scan3A_95 : i32 to index
        %swap3A_1888 = arith.constant 832 : index
        %swap3A_1889 = tpu.vector_load %arg11[%swap3A_1887, %swap3A_1888] {strides = array<i32>} : memref<16x1024xf32, #tpu.memory_space<vmem>>, vector<16xf32>,
        tpu.vector_store %arg11[%swap3A_1887, %swap3A_1888], %mul3A_1886 {strides = array<i32>} : memref<16x1024xf32, #tpu.memory_space<vmem>>, vector<16xf32>,
        %get3A_1890 = arith.index_cast %scan3A_95 : i32 to index
        %get3A_1891 = arith.constant 848 : index
        %get3A_1892 = tpu.vector_load %arg9[%get3A_1890, %get3A_1891] {strides = array<i32>} : memref<16x1024xf32, #tpu.memory_space<vmem>>, vector<16xf32>,
        %mul3A_1893 = arith.mulf %get3A_1892, %select_n3A : vector<16xf32>
        %swap3A_1894 = arith.index_cast %scan3A_95 : i32 to index
        %swap3A_1895 = arith.constant 848 : index
        %swap3A_1896 = tpu.vector_load %arg11[%swap3A_1894, %swap3A_1895] {strides = array<i32>} : memref<16x1024xf32, #tpu.memory_space<vmem>>, vector<16xf32>,
        tpu.vector_store %arg11[%swap3A_1894, %swap3A_1895], %mul3A_1893 {strides = array<i32>} : memref<16x1024xf32, #tpu.memory_space<vmem>>, vector<16xf32>,
        %get3A_1897 = arith.index_cast %scan3A_95 : i32 to index
        %get3A_1898 = arith.constant 864 : index
        %get3A_1899 = tpu.vector_load %arg9[%get3A_1897, %get3A_1898] {strides = array<i32>} : memref<16x1024xf32, #tpu.memory_space<vmem>>, vector<16xf32>,
        %mul3A_1900 = arith.mulf %get3A_1899, %select_n3A : vector<16xf32>
        %swap3A_1901 = arith.index_cast %scan3A_95 : i32 to index
        %swap3A_1902 = arith.constant 864 : index
        %swap3A_1903 = tpu.vector_load %arg11[%swap3A_1901, %swap3A_1902] {strides = array<i32>} : memref<16x1024xf32, #tpu.memory_space<vmem>>, vector<16xf32>,
        tpu.vector_store %arg11[%swap3A_1901, %swap3A_1902], %mul3A_1900 {strides = array<i32>} : memref<16x1024xf32, #tpu.memory_space<vmem>>, vector<16xf32>,
        %get3A_1904 = arith.index_cast %scan3A_95 : i32 to index
        %get3A_1905 = arith.constant 880 : index
        %get3A_1906 = tpu.vector_load %arg9[%get3A_1904, %get3A_1905] {strides = array<i32>} : memref<16x1024xf32, #tpu.memory_space<vmem>>, vector<16xf32>,
        %mul3A_1907 = arith.mulf %get3A_1906, %select_n3A : vector<16xf32>
        %swap3A_1908 = arith.index_cast %scan3A_95 : i32 to index
        %swap3A_1909 = arith.constant 880 : index
        %swap3A_1910 = tpu.vector_load %arg11[%swap3A_1908, %swap3A_1909] {strides = array<i32>} : memref<16x1024xf32, #tpu.memory_space<vmem>>, vector<16xf32>,
        tpu.vector_store %arg11[%swap3A_1908, %swap3A_1909], %mul3A_1907 {strides = array<i32>} : memref<16x1024xf32, #tpu.memory_space<vmem>>, vector<16xf32>,
        %get3A_1911 = arith.index_cast %scan3A_95 : i32 to index
        %get3A_1912 = arith.constant 896 : index
        %get3A_1913 = tpu.vector_load %arg9[%get3A_1911, %get3A_1912] {strides = array<i32>} : memref<16x1024xf32, #tpu.memory_space<vmem>>, vector<16xf32>,
        %mul3A_1914 = arith.mulf %get3A_1913, %select_n3A : vector<16xf32>
        %swap3A_1915 = arith.index_cast %scan3A_95 : i32 to index
        %swap3A_1916 = arith.constant 896 : index
        %swap3A_1917 = tpu.vector_load %arg11[%swap3A_1915, %swap3A_1916] {strides = array<i32>} : memref<16x1024xf32, #tpu.memory_space<vmem>>, vector<16xf32>,
        tpu.vector_store %arg11[%swap3A_1915, %swap3A_1916], %mul3A_1914 {strides = array<i32>} : memref<16x1024xf32, #tpu.memory_space<vmem>>, vector<16xf32>,
        %get3A_1918 = arith.index_cast %scan3A_95 : i32 to index
        %get3A_1919 = arith.constant 912 : index
        %get3A_1920 = tpu.vector_load %arg9[%get3A_1918, %get3A_1919] {strides = array<i32>} : memref<16x1024xf32, #tpu.memory_space<vmem>>, vector<16xf32>,
        %mul3A_1921 = arith.mulf %get3A_1920, %select_n3A : vector<16xf32>
        %swap3A_1922 = arith.index_cast %scan3A_95 : i32 to index
        %swap3A_1923 = arith.constant 912 : index
        %swap3A_1924 = tpu.vector_load %arg11[%swap3A_1922, %swap3A_1923] {strides = array<i32>} : memref<16x1024xf32, #tpu.memory_space<vmem>>, vector<16xf32>,
        tpu.vector_store %arg11[%swap3A_1922, %swap3A_1923], %mul3A_1921 {strides = array<i32>} : memref<16x1024xf32, #tpu.memory_space<vmem>>, vector<16xf32>,
        %get3A_1925 = arith.index_cast %scan3A_95 : i32 to index
        %get3A_1926 = arith.constant 928 : index
        %get3A_1927 = tpu.vector_load %arg9[%get3A_1925, %get3A_1926] {strides = array<i32>} : memref<16x1024xf32, #tpu.memory_space<vmem>>, vector<16xf32>,
        %mul3A_1928 = arith.mulf %get3A_1927, %select_n3A : vector<16xf32>
        %swap3A_1929 = arith.index_cast %scan3A_95 : i32 to index
        %swap3A_1930 = arith.constant 928 : index
        %swap3A_1931 = tpu.vector_load %arg11[%swap3A_1929, %swap3A_1930] {strides = array<i32>} : memref<16x1024xf32, #tpu.memory_space<vmem>>, vector<16xf32>,
        tpu.vector_store %arg11[%swap3A_1929, %swap3A_1930], %mul3A_1928 {strides = array<i32>} : memref<16x1024xf32, #tpu.memory_space<vmem>>, vector<16xf32>,
        %get3A_1932 = arith.index_cast %scan3A_95 : i32 to index
        %get3A_1933 = arith.constant 944 : index
        %get3A_1934 = tpu.vector_load %arg9[%get3A_1932, %get3A_1933] {strides = array<i32>} : memref<16x1024xf32, #tpu.memory_space<vmem>>, vector<16xf32>,
        %mul3A_1935 = arith.mulf %get3A_1934, %select_n3A : vector<16xf32>
        %swap3A_1936 = arith.index_cast %scan3A_95 : i32 to index
        %swap3A_1937 = arith.constant 944 : index
        %swap3A_1938 = tpu.vector_load %arg11[%swap3A_1936, %swap3A_1937] {strides = array<i32>} : memref<16x1024xf32, #tpu.memory_space<vmem>>, vector<16xf32>,
        tpu.vector_store %arg11[%swap3A_1936, %swap3A_1937], %mul3A_1935 {strides = array<i32>} : memref<16x1024xf32, #tpu.memory_space<vmem>>, vector<16xf32>,
        %get3A_1939 = arith.index_cast %scan3A_95 : i32 to index
        %get3A_1940 = arith.constant 960 : index
        %get3A_1941 = tpu.vector_load %arg9[%get3A_1939, %get3A_1940] {strides = array<i32>} : memref<16x1024xf32, #tpu.memory_space<vmem>>, vector<16xf32>,
        %mul3A_1942 = arith.mulf %get3A_1941, %select_n3A : vector<16xf32>
        %swap3A_1943 = arith.index_cast %scan3A_95 : i32 to index
        %swap3A_1944 = arith.constant 960 : index
        %swap3A_1945 = tpu.vector_load %arg11[%swap3A_1943, %swap3A_1944] {strides = array<i32>} : memref<16x1024xf32, #tpu.memory_space<vmem>>, vector<16xf32>,
        tpu.vector_store %arg11[%swap3A_1943, %swap3A_1944], %mul3A_1942 {strides = array<i32>} : memref<16x1024xf32, #tpu.memory_space<vmem>>, vector<16xf32>,
        %get3A_1946 = arith.index_cast %scan3A_95 : i32 to index
        %get3A_1947 = arith.constant 976 : index
        %get3A_1948 = tpu.vector_load %arg9[%get3A_1946, %get3A_1947] {strides = array<i32>} : memref<16x1024xf32, #tpu.memory_space<vmem>>, vector<16xf32>,
        %mul3A_1949 = arith.mulf %get3A_1948, %select_n3A : vector<16xf32>
        %swap3A_1950 = arith.index_cast %scan3A_95 : i32 to index
        %swap3A_1951 = arith.constant 976 : index
        %swap3A_1952 = tpu.vector_load %arg11[%swap3A_1950, %swap3A_1951] {strides = array<i32>} : memref<16x1024xf32, #tpu.memory_space<vmem>>, vector<16xf32>,
        tpu.vector_store %arg11[%swap3A_1950, %swap3A_1951], %mul3A_1949 {strides = array<i32>} : memref<16x1024xf32, #tpu.memory_space<vmem>>, vector<16xf32>,
        %get3A_1953 = arith.index_cast %scan3A_95 : i32 to index
        %get3A_1954 = arith.constant 992 : index
        %get3A_1955 = tpu.vector_load %arg9[%get3A_1953, %get3A_1954] {strides = array<i32>} : memref<16x1024xf32, #tpu.memory_space<vmem>>, vector<16xf32>,
        %mul3A_1956 = arith.mulf %get3A_1955, %select_n3A : vector<16xf32>
        %swap3A_1957 = arith.index_cast %scan3A_95 : i32 to index
        %swap3A_1958 = arith.constant 992 : index
        %swap3A_1959 = tpu.vector_load %arg11[%swap3A_1957, %swap3A_1958] {strides = array<i32>} : memref<16x1024xf32, #tpu.memory_space<vmem>>, vector<16xf32>,
        tpu.vector_store %arg11[%swap3A_1957, %swap3A_1958], %mul3A_1956 {strides = array<i32>} : memref<16x1024xf32, #tpu.memory_space<vmem>>, vector<16xf32>,
        %get3A_1960 = arith.index_cast %scan3A_95 : i32 to index
        %get3A_1961 = arith.constant 1008 : index
        %get3A_1962 = tpu.vector_load %arg9[%get3A_1960, %get3A_1961] {strides = array<i32>} : memref<16x1024xf32, #tpu.memory_space<vmem>>, vector<16xf32>,
        %mul3A_1963 = arith.mulf %get3A_1962, %select_n3A : vector<16xf32>
        %swap3A_1964 = arith.index_cast %scan3A_95 : i32 to index
        %swap3A_1965 = arith.constant 1008 : index
        %swap3A_1966 = tpu.vector_load %arg11[%swap3A_1964, %swap3A_1965] {strides = array<i32>} : memref<16x1024xf32, #tpu.memory_space<vmem>>, vector<16xf32>,
        tpu.vector_store %arg11[%swap3A_1964, %swap3A_1965], %mul3A_1963 {strides = array<i32>} : memref<16x1024xf32, #tpu.memory_space<vmem>>, vector<16xf32>,
      }
      %scan3A_80 = arith.constant 16 : i32
      %add3A_81 = arith.constant 2 : i32
      %add3A_82 = arith.addi %add3A_62, %add3A_81 : i32
      %lt3A_83 = arith.constant 64 : i32
      %lt3A_84 = arith.cmpi slt, %add3A_82, %lt3A_83 : i32
      %convert_element_type3A_85 = arith.extui %lt3A_84 : i1 to i32
      %cond3A_86 = arith.constant 0 : i32
      %cond3A_87 = arith.cmpi ne, %convert_element_type3A_85, %cond3A_86 : i32
      scf.if %cond3A_87 {
        %add3A_95 = arith.constant 2 : i32
        %add3A_96 = arith.addi %add3A_62, %add3A_95 : i32
        %mul3A_97 = arith.constant 16 : i32
        %mul3A_98 = arith.muli %add3A_96, %mul3A_97 : i32
        %add3A_99 = arith.addi %mul3A_2, %mul3A_98 : i32
        %dma_start3A_100 = arith.constant 0 : i32
        %dma_start3A_101 = tpu.memref_slice %arg2[%add3A_99, %dma_start3A_100] : memref<32768x1024xf32, #tpu.memory_space<hbm>> -> memref<16x1024xf32, #tpu.memory_space<hbm>>
        %dma_start3A_102 = arith.constant 0 : i32
        %dma_start3A_103 = tpu.memref_slice %arg2[%add3A_99, %dma_start3A_102] : memref<32768x1024xf32, #tpu.memory_space<hbm>> -> memref<16x1024xf32, #tpu.memory_space<hbm>>
        tpu.enqueue_dma source(%dma_start3A_103 : memref<16x1024xf32, #tpu.memory_space<hbm>>) target(%arg9 : memref<16x1024xf32, #tpu.memory_space<vmem>>) target_semaphore(%arg13 : memref<!tpu.dma_semaphore, #tpu.memory_space<semaphore_mem>>)
      } else {
      }
      %mul3A_88 = arith.constant 16 : i32
      %mul3A_89 = arith.muli %add3A_62, %mul3A_88 : i32
      %add3A_90 = arith.addi %mul3A_2, %mul3A_89 : i32
      %dma_start3A_91 = arith.constant 0 : i32
      %dma_start3A_92 = tpu.memref_slice %arg5[%add3A_90, %dma_start3A_91] : memref<32768x1024xf32, #tpu.memory_space<hbm>> -> memref<16x1024xf32, #tpu.memory_space<hbm>>
      %dma_start3A_93 = arith.constant 0 : i32
      %dma_start3A_94 = tpu.memref_slice %arg5[%add3A_90, %dma_start3A_93] : memref<32768x1024xf32, #tpu.memory_space<hbm>> -> memref<16x1024xf32, #tpu.memory_space<hbm>>
      tpu.enqueue_dma source(%arg11 : memref<16x1024xf32, #tpu.memory_space<vmem>>) target(%dma_start3A_94 : memref<16x1024xf32, #tpu.memory_space<hbm>>) target_semaphore(%arg15 : memref<!tpu.dma_semaphore, #tpu.memory_space<semaphore_mem>>)
    }
    %scan3A_16 = arith.constant 32 : i32
    %add3A_17 = arith.constant 992 : i32
    %add3A_18 = arith.addi %mul3A_2, %add3A_17 : i32
    %dma_wait3A = arith.constant 0 : i32
    %dma_wait3A_19 = tpu.memref_slice %arg5[%add3A_18, %dma_wait3A] : memref<32768x1024xf32, #tpu.memory_space<hbm>> -> memref<16x1024xf32, #tpu.memory_space<hbm>>
    %dma_wait3A_20 = arith.constant 0 : i32
    %dma_wait3A_21 = tpu.memref_slice %arg5[%add3A_18, %dma_wait3A_20] : memref<32768x1024xf32, #tpu.memory_space<hbm>> -> memref<16x1024xf32, #tpu.memory_space<hbm>>
    tpu.wait_dma2 semaphore(%arg14 : memref<!tpu.dma_semaphore, #tpu.memory_space<semaphore_mem>>) src(%arg10 : memref<16x1024xf32, #tpu.memory_space<vmem>>) dst(%dma_wait3A_21 : memref<16x1024xf32, #tpu.memory_space<hbm>>)
    %add3A_22 = arith.constant 1008 : i32
    %add3A_23 = arith.addi %mul3A_2, %add3A_22 : i32
    %dma_wait3A_24 = arith.constant 0 : i32
    %dma_wait3A_25 = tpu.memref_slice %arg5[%add3A_23, %dma_wait3A_24] : memref<32768x1024xf32, #tpu.memory_space<hbm>> -> memref<16x1024xf32, #tpu.memory_space<hbm>>
    %dma_wait3A_26 = arith.constant 0 : i32
    %dma_wait3A_27 = tpu.memref_slice %arg5[%add3A_23, %dma_wait3A_26] : memref<32768x1024xf32, #tpu.memory_space<hbm>> -> memref<16x1024xf32, #tpu.memory_space<hbm>>
    tpu.wait_dma2 semaphore(%arg15 : memref<!tpu.dma_semaphore, #tpu.memory_space<semaphore_mem>>) src(%arg11 : memref<16x1024xf32, #tpu.memory_space<vmem>>) dst(%dma_wait3A_27 : memref<16x1024xf32, #tpu.memory_space<hbm>>)
    return
  }
}

module attributes {stable_mosaic.version = 14 : i64} {
  func.func @_tc_body(%arg0: i32, %arg1: memref<512x1024xf32, #tpu.memory_space<vmem>>, %arg2: memref<1024x2xf32, #tpu.memory_space<vmem>>, %arg3: memref<1x2xf32, #tpu.memory_space<vmem>>, %arg4: memref<512x1024xf32, #tpu.memory_space<vmem>>, %arg5: memref<512x1024xf32, #tpu.memory_space<vmem>>) attributes {dimension_semantics = [#tpu.dimension_semantics<arbitrary>], iteration_bounds = array<i64: 64>, scalar_prefetch = 0 : i64, scratch_operands = 0 : i64, tpu.core_type = #tpu.core_type<tc>, window_params = [{transform_indices = @transform_0, window_bounds = array<i64: 512, 1024>}, {pipeline_mode = #tpu.pipeline_mode<synchronous>, transform_indices = @transform_1, window_bounds = array<i64: 1024, 2>}, {pipeline_mode = #tpu.pipeline_mode<synchronous>, transform_indices = @transform_2, window_bounds = array<i64: 1, 2>}, {transform_indices = @transform_3, window_bounds = array<i64: 512, 1024>}, {transform_indices = @transform_4, window_bounds = array<i64: 512, 1024>}]} {
    %get3A = arith.constant 0 : index
    %get3A_0 = arith.constant 0 : index
    %get3A_1 = vector.load %arg1[%get3A, %get3A_0] : memref<512x1024xf32, #tpu.memory_space<vmem>>, vector<512x1024xf32>
    %bitcast_convert_type3A = tpu.bitcast %get3A_1 : vector<512x1024xf32> -> vector<512x1024xi32>
    %shift_right_logical3A = arith.constant 16 : i32
    %shift_right_logical3A_2 = vector.broadcast %shift_right_logical3A : i32 to vector<512x1024xi32>
    %shift_right_logical3A_3 = arith.shrui %bitcast_convert_type3A, %shift_right_logical3A_2 : vector<512x1024xi32>
    %and3A = arith.constant 1 : i32
    %and3A_4 = vector.broadcast %and3A : i32 to vector<512x1024xi32>
    %and3A_5 = arith.andi %shift_right_logical3A_3, %and3A_4 : vector<512x1024xi32>
    %add3A = arith.constant 32767 : i32
    %add3A_6 = vector.broadcast %add3A : i32 to vector<512x1024xi32>
    %add3A_7 = arith.addi %add3A_6, %and3A_5 : vector<512x1024xi32>
    %add3A_8 = arith.addi %bitcast_convert_type3A, %add3A_7 : vector<512x1024xi32>
    %and3A_9 = arith.constant -65536 : i32
    %and3A_10 = vector.broadcast %and3A_9 : i32 to vector<512x1024xi32>
    %and3A_11 = arith.andi %add3A_8, %and3A_10 : vector<512x1024xi32>
    %bitcast_convert_type3A_12 = tpu.bitcast %and3A_11 : vector<512x1024xi32> -> vector<512x1024xf32>
    %get3A_13 = arith.constant 0 : index
    %get3A_14 = arith.constant 0 : index
    %get3A_15 = vector.load %arg2[%get3A_13, %get3A_14] : memref<1024x2xf32, #tpu.memory_space<vmem>>, vector<1024x2xf32>
    %dot_general3A = arith.constant dense<0.000000e+00> : vector<512x2xf32>
    %dot_general3A_16 = tpu.matmul %bitcast_convert_type3A_12, %get3A_15, %dot_general3A {dimension_numbers = #tpu.dot_dimension_numbers<[1], [0], [0], [1], [0, 0, 1, 1], [], []>, transpose_lhs_hint = false} : vector<512x1024xf32>, vector<1024x2xf32>, vector<512x2xf32> -> vector<512x2xf32>
    %get3A_17 = arith.constant 0 : index
    %get3A_18 = arith.constant 0 : index
    %get3A_19 = vector.load %arg3[%get3A_17, %get3A_18] : memref<1x2xf32, #tpu.memory_space<vmem>>, vector<1x2xf32>
    %add3A_20 = vector.broadcast %get3A_19 : vector<1x2xf32> to vector<512x2xf32>
    %add3A_21 = arith.addf %dot_general3A_16, %add3A_20 : vector<512x2xf32>
    %logistic3A = arith.negf %add3A_21 : vector<512x2xf32>
    %logistic3A_22 = math.exp %logistic3A : vector<512x2xf32>
    %logistic3A_23 = arith.constant 1.000000e+00 : f32
    %logistic3A_24 = vector.broadcast %logistic3A_23 : f32 to vector<512x2xf32>
    %logistic3A_25 = arith.addf %logistic3A_24, %logistic3A_22 : vector<512x2xf32>
    %logistic3A_26 = arith.divf %logistic3A_24, %logistic3A_25 : vector<512x2xf32>
    %slice3A = vector.extract_strided_slice %logistic3A_26 {offsets = [0, 0], sizes = [512, 1], strides = [1, 1]} : vector<512x2xf32> to vector<512x1xf32>
    %gt3A = arith.constant 5.000000e-01 : f32
    %gt3A_27 = vector.broadcast %gt3A : f32 to vector<512x1xf32>
    %gt3A_28 = arith.cmpf ogt, %slice3A, %gt3A_27 : vector<512x1xf32>
    %slice3A_29 = vector.extract_strided_slice %logistic3A_26 {offsets = [0, 0], sizes = [512, 1], strides = [1, 1]} : vector<512x2xf32> to vector<512x1xf32>
    %jit3A = arith.constant 0.000000e+00 : f32
    %broadcast_in_dim3A = vector.broadcast %jit3A : f32 to vector<512x1xf32>
    %select_n3A = arith.select %gt3A_28, %slice3A_29, %broadcast_in_dim3A : vector<512x1xi1>, vector<512x1xf32>
    %slice3A_30 = vector.extract_strided_slice %logistic3A_26 {offsets = [0, 1], sizes = [512, 1], strides = [1, 1]} : vector<512x2xf32> to vector<512x1xf32>
    %gt3A_31 = arith.constant 5.000000e-01 : f32
    %gt3A_32 = vector.broadcast %gt3A_31 : f32 to vector<512x1xf32>
    %gt3A_33 = arith.cmpf ogt, %slice3A_30, %gt3A_32 : vector<512x1xf32>
    %slice3A_34 = vector.extract_strided_slice %logistic3A_26 {offsets = [0, 1], sizes = [512, 1], strides = [1, 1]} : vector<512x2xf32> to vector<512x1xf32>
    %jit3A_35 = arith.constant 0.000000e+00 : f32
    %broadcast_in_dim3A_36 = vector.broadcast %jit3A_35 : f32 to vector<512x1xf32>
    %select_n3A_37 = arith.select %gt3A_33, %slice3A_34, %broadcast_in_dim3A_36 : vector<512x1xi1>, vector<512x1xf32>
    %mul3A = vector.broadcast %select_n3A_37 : vector<512x1xf32> to vector<512x1024xf32>
    %mul3A_38 = arith.mulf %get3A_1, %mul3A : vector<512x1024xf32>
    %swap3A = arith.constant 0 : index
    %swap3A_39 = arith.constant 0 : index
    %swap3A_40 = vector.load %arg4[%swap3A, %swap3A_39] : memref<512x1024xf32, #tpu.memory_space<vmem>>, vector<512x1024xf32>
    tpu.vector_store %arg4[%swap3A, %swap3A_39], %mul3A_38 {strides = array<i32>} : memref<512x1024xf32, #tpu.memory_space<vmem>>, vector<512x1024xf32>,
    %add3A_41 = arith.addf %select_n3A, %select_n3A_37 : vector<512x1xf32>
    %mul3A_42 = vector.broadcast %add3A_41 : vector<512x1xf32> to vector<512x1024xf32>
    %mul3A_43 = arith.mulf %get3A_1, %mul3A_42 : vector<512x1024xf32>
    %swap3A_44 = arith.constant 0 : index
    %swap3A_45 = arith.constant 0 : index
    %swap3A_46 = vector.load %arg5[%swap3A_44, %swap3A_45] : memref<512x1024xf32, #tpu.memory_space<vmem>>, vector<512x1024xf32>
    tpu.vector_store %arg5[%swap3A_44, %swap3A_45], %mul3A_43 {strides = array<i32>} : memref<512x1024xf32, #tpu.memory_space<vmem>>, vector<512x1024xf32>,
    return
  }
  func.func @transform_0(%arg0: i32) -> (i32, i32) {
    %c0_i32 = arith.constant 0 : i32
    %c0_i32_0 = arith.constant 0 : i32
    return %arg0, %c0_i32 : i32, i32
  }
  func.func @transform_1(%arg0: i32) -> (i32, i32) {
    %c0_i32 = arith.constant 0 : i32
    %c0_i32_0 = arith.constant 0 : i32
    %c0_i32_1 = arith.constant 0 : i32
    return %c0_i32, %c0_i32_0 : i32, i32
  }
  func.func @transform_2(%arg0: i32) -> (i32, i32) {
    %c0_i32 = arith.constant 0 : i32
    %c0_i32_0 = arith.constant 0 : i32
    %c0_i32_1 = arith.constant 0 : i32
    return %c0_i32, %c0_i32_0 : i32, i32
  }
  func.func @transform_3(%arg0: i32) -> (i32, i32) {
    %c0_i32 = arith.constant 0 : i32
    %c0_i32_0 = arith.constant 0 : i32
    return %arg0, %c0_i32 : i32, i32
  }
  func.func @transform_4(%arg0: i32) -> (i32, i32) {
    %c0_i32 = arith.constant 0 : i32
    %c0_i32_0 = arith.constant 0 : i32
    return %arg0, %c0_i32 : i32, i32
  }
}

</mosaic_0001>

<sc_bundles>
// kernel: _branch_route.4.cloned.1.call-start
scs
__scs_entry_jumppad:
0x0: {  	(pc) =	sbr.rel $0x88, $3  }
0x1: {  	(tag) =	ssettag $0x0;
	lr =	simm.s32 $0x1  }
0x2: {  	[smem:$0x3F9C] =	sst lr;
	_ =	strace $0xD0000000  }
0x3: {  	_ = 	snop  }
0x4: {  	_ = 	snop  }
0x5: {  	_ = 	snop  }
0x6: {  	_ = 	snop  }
0x7: {  	_ = 	snop  }
__scs_overlays_trampoline_lowered:
0x8: {  	[smem:$0x3FAB] =	sst s0  }
0x9: {  	[smem:$0x3FAC] =	sst s1  }
0xa: {  	[smem:$0x3FAD] =	sst s2  }
0xb: {  	[smem:$0x3FAE] =	sst s3  }
0xc: {  	[smem:$0x3FAF] =	sst s4  }
0xd: {  	[smem:$0x3FB0] =	sst s5  }
0xe: {  	[smem:$0x3FB1] =	sst s6  }
0xf: {  	[smem:$0x3FB2] =	sst s7  }
0x10: {  	[smem:$0x3FB3] =	sst s8  }
0x11: {  	[smem:$0x3FB4] =	sst s9;
	s0 =	simm.s32 @!p0 $0x0  }
0x12: {  	s1 =	sld [smem:$0x3F9A];
	s0 =	simm.s32 @p0 $0x1  }
0x13: {  	[smem:$0x3FB5] =	sst s0;
	s0 =	simm.s32 @!p1 $0x0  }
0x14: {  	s2 =	sld [smem:$0x3F99];
	s0 =	simm.s32 @p1 $0x1  }
0x15: {  	[smem:$0x3FB6] =	sst s0;
	s0 =	simm.s32 @!p2 $0x0  }
0x16: {  	s3 =	sld [smem:$0x3FDB];
	s0 =	simm.s32 @p2 $0x1  }
0x17: {  	s4 =	simm.s32 $0x1BF5;
	[smem:$0x3FB8] =	sst s0  }
0x18: {  	s0 =	sld [smem:$0x3F9B];
	_ =	swait.ge [sflag:s4], $0x0  }
0x19: {  	s7 =	sld [smem:$0x3F9C]  }
0x1a: {  	s8 =	sadd.s32 $0xFFFFE003, lr  }
0x1b: {  	s9 =	sadd.s32 $0xFFFFFEF7, lr;
	s5 =	simm.s32 $0xFFFFFFFF;
	p2 =	slt.u32 s8, $0xFFFFF086  }
0x1c: {  	p1 =	slt.u32 s9, $0xF7A;
	s5 =	simm.s32 @!p2 $0x0  }
0x1d: {  	s5 =	simm.s32 @p1 $0x1;
	p0 =	seq.s32 s7, s2  }
0x1e: {  	s7 =	smul.u32 @!p0 $0xF7A, s2;
	p2 =	seq.s32 @!p0 s5, $0x0  }
0x1f: {  	s9 =	smul.u32 $0xF7A, s1;
	s8 =	simm.s32 @!p0 $0x1BF5;
	p2 =	por !p2, p0  }
0x20: {  	[sflag:s8] =	ssyncset.s32 @!p0 $0xFFFFF086;
	s6 =	sadd.s32 @!p0 s3, s7;
	s7 =	simm.s32 @!p0 $0x108  }
0x21: {  	s3 =	sadd.s32 s3, s9;
	s6 =	sadd.s32 @!p0 $0x88, s6;
	s7 =	simm.s32 @p2 $0x1082  }
0x22: {  	[simem:s7], [sflag:s8] =	dma.local @!p0 [hbm:s6], $0xF7A  }
0x23: {  	s9 =	sor.u32 $0xD0000000, s2;
	s6 =	simm.s32 $0x108;
	_ =	swait.ge @!p0 [sflag:s8], $0x0  }
0x24: {  	s3 =	sadd.s32 $0x88, s3;
	s6 =	simm.s32 @!p1 $0x1082;
	[sflag:s4] =	ssyncset.s32 $0xFFFFF086  }
0x25: {  	[simem:s6], [sflag:s4] =	dma.local [hbm:s3], $0xF7A  }
0x26: {  	[smem:$0x3F9C] =	sst s1;
	(tag) =	ssettag s2;
	_ =	strace s9  }
0x27: {  	s1 =	sld [smem:$0x3FAC]  }
0x28: {  	s2 =	sld [smem:$0x3FAD]  }
0x29: {  	s4 =	sld [smem:$0x3FAF]  }
0x2a: {  	p0 =	seq.s32 s5, $0x0;
	s5 =	sld [smem:$0x3FB0]  }
0x2b: {  	s6 =	sld [smem:$0x3FB1]  }
0x2c: {  	s7 =	sld [smem:$0x3FB2]  }
0x2d: {  	s3 =	simm.s32 $0x108;
	s8 =	sld [smem:$0x3FB3]  }
0x2e: {  	s3 =	simm.s32 @!p0 $0x1082;
	s9 =	sld [smem:$0x3FB4]  }
0x2f: {  	lr =	sadd.s32 s0, s3;
	s0 =	sld [smem:$0x3FAB]  }
0x30: {  	s3 =	sld [smem:$0x3FAE]  }
0x31: {  	[smem:$0x3FB7] =	sst s10  }
0x32: {  	s10 =	sld [smem:$0x3FB5];
	_ =	sdelay $0x3  }
0x33: {  	p0 =	seq.s32 s10, $0x1;
	s10 =	sld [smem:$0x3FB7];
	_ =	sdelay $0x3  }
0x34: {  	[smem:$0x3FB7] =	sst s10  }
0x35: {  	s10 =	sld [smem:$0x3FB6];
	_ =	sdelay $0x3  }
0x36: {  	p1 =	seq.s32 s10, $0x1;
	s10 =	sld [smem:$0x3FB7];
	_ =	sdelay $0x3  }
0x37: {  	[smem:$0x3FB7] =	sst s10  }
0x38: {  	s10 =	sld [smem:$0x3FB8]  }
0x39: {  	_ = 	snop;
	(pc) =	sbr.ind lr, $3  }
0x3a: {  	_ = 	snop  }
0x3b: {  	_ = 	snop  }
0x3c: {  	p2 =	seq.s32 s10, $0x1;
	s10 =	sld [smem:$0x3FB7]  }
0x3d: {  	_ =	shalt  }
0x3e: {  	_ =	shalt  }
0x3f: {  	_ =	shalt  }
0x40: {  	_ =	shalt  }
0x41: {  	_ =	shalt  }
0x42: {  	_ =	shalt  }
0x43: {  	_ =	shalt  }
0x44: {  	_ =	shalt  }
0x45: {  	_ =	shalt  }
0x46: {  	_ =	shalt  }
0x47: {  	_ =	shalt  }
0x48: {  	_ =	shalt  }
0x49: {  	_ =	shalt  }
0x4a: {  	_ =	shalt  }
0x4b: {  	_ =	shalt  }
0x4c: {  	_ =	shalt  }
0x4d: {  	_ =	shalt  }
0x4e: {  	_ =	shalt  }
0x4f: {  	_ =	shalt  }
0x50: {  	_ =	shalt  }
0x51: {  	_ =	shalt  }
0x52: {  	_ =	shalt  }
0x53: {  	_ =	shalt  }
0x54: {  	_ =	shalt  }
0x55: {  	_ =	shalt  }
0x56: {  	_ =	shalt  }
0x57: {  	_ =	shalt  }
0x58: {  	_ =	shalt  }
0x59: {  	_ =	shalt  }
0x5a: {  	_ =	shalt  }
0x5b: {  	_ =	shalt  }
0x5c: {  	_ =	shalt  }
0x5d: {  	_ =	shalt  }
0x5e: {  	_ =	shalt  }
0x5f: {  	_ =	shalt  }
0x60: {  	_ =	shalt  }
0x61: {  	_ =	shalt  }
0x62: {  	_ =	shalt  }
0x63: {  	_ =	shalt  }
0x64: {  	_ =	shalt  }
0x65: {  	_ =	shalt  }
0x66: {  	_ =	shalt  }
0x67: {  	_ =	shalt  }
0x68: {  	_ =	shalt  }
0x69: {  	_ =	shalt  }
0x6a: {  	_ =	shalt  }
0x6b: {  	_ =	shalt  }
0x6c: {  	_ =	shalt  }
0x6d: {  	_ =	shalt  }
0x6e: {  	_ =	shalt  }
0x6f: {  	_ =	shalt  }
0x70: {  	_ =	shalt  }
0x71: {  	_ =	shalt  }
0x72: {  	_ =	shalt  }
0x73: {  	_ =	shalt  }
0x74: {  	_ =	shalt  }
0x75: {  	_ =	shalt  }
0x76: {  	_ =	shalt  }
0x77: {  	_ =	shalt  }
0x78: {  	_ =	shalt  }
0x79: {  	_ =	shalt  }
0x7a: {  	_ =	shalt  }
0x7b: {  	_ =	shalt  }
0x7c: {  	_ =	shalt  }
0x7d: {  	_ =	shalt  }
0x7e: {  	_ =	shalt  }
0x7f: {  	_ =	shalt  }
0x80: {  	_ =	shalt  }
0x81: {  	_ =	shalt  }
0x82: {  	_ =	shalt  }
0x83: {  	_ =	shalt  }
0x84: {  	_ =	shalt  }
0x85: {  	_ =	shalt  }
0x86: {  	_ =	shalt  }
0x87: {  	_ =	shalt  }
.Lfunc_end0:
.L_simem_size_0:
called_computation_lowered:
.L_overlay_start_0:
0x88: {  	s2 =	sld [smem:$0x3FD9]  }
0x89: {  	s3 =	sld [smem:$0x3FFE];
	_ =	sdelay $0x1  }
0x8a: {  	s1 =	srdreg.scid  }
0x8b: {  	s0 =	sand.u32 $0x1, s1  }
0x8c: {  	s15 =	sshll.u32 s0, $0xA;
	s2 =	sadd.s32 s3, s2  }
0x8d: {  	s2 =	sadd.s32 s2, s15  }
0x8e: {  	[smem:$0x3FC3] =	sst s2  }
0x8f: {  	_ = 	snop  }
0x90: {  	s2 =	sld [smem:$0x3FD0]  }
0x91: {  	s16 =	sld [smem:$0x3FC9]  }
0x92: {  	s4 =	sld [smem:$0x3FC8]  }
0x93: {  	s6 =	simm.s32 $0xA;
	s7 =	simm.s32 $0x10;
	s5 =	sld [smem:$0x3FC7]  }
0x94: {  	[smem:s7], [sflag:s6] =	dma.local [hbm:s2], $0x1  }
0x95: {  	_ =	swait.eq [sflag:s6], $0x1  }
0x96: {  	[sflag:s6] =	ssyncset.done $0x0  }
0x97: {  	[sflag:s6] =	ssyncadd.s32 $0xFFFFFFFF  }
0x98: {  	s17 =	sld [smem:$0x10];
	(tm) =	ssettm $0x1  }
0x99: {  	s18 =	sld [smem:$0x3FFB];
	_ =	sdelay $0x3  }
0x9a: {  	_ =	strace s18  }
0x9b: {  	s6 =	sld [smem:$0x3FFC];
	_ =	sdelay $0x3  }
0x9c: {  	_ =	strace s6  }
0x9d: {  	s6 =	sld [smem:$0x3FFD];
	_ =	sdelay $0x3  }
0x9e: {  	_ =	strace s6  }
0x9f: {  	_ =	strace $0x8FFFFFFF  }
0xa0: {  	s19 =	sld [smem:$0x3FDB];
	_ =	sdelay $0x1  }
0xa1: {  	s20 =	simm.s32 $_scs_section_size  }
0xa2: {  	s8 =	simm.s32 $_size__tile_overlayer_lowered;
	s9 =	simm.s32 $_tile_overlayer_lowered  }
0xa3: {  	s23 =	simm.s32 $0x1BFF;
	s22 =	sshll.u32 s9, $0x1;
	s6 =	sadd.s32 s20, s19  }
0xa4: {  	s10 =	simm.s32 $0x0;
	s21 =	sshll.u32 s8, $0x1;
	s8 =	sadd.s32 s22, s6  }
0xa5: {  	[timem:s10], [sflag:s23] =	dma.local [hbm:s8], s21  }
0xa6: {  	_ =	swait.ge [sflag:s23], s21  }
0xa7: {  	s7 =	ssub.s32 $0x0, s21;
	[sflag:s23] =	ssyncset.done $0x0  }
0xa8: {  	[sflag:s23] =	ssyncadd.s32 s7;
	_ =	sdelay $0x1  }
0xa9: {  	s24 =	simm.s32 $0x1B8B  }
0xaa: {  	_ =	swait.ge [sflag:s24], $0x1  }
0xab: {  	[sflag:s24] =	ssyncset.done $0x0  }
0xac: {  	s25 =	simm.s32 $0x1B8E;
	[sflag:s24] =	ssyncadd.s32 $0xFFFFFFFF  }
0xad: {  	s26 =	simm.s32 $execute0_lowered;
	[smem:$0x3FD2] =	sst s25  }
0xae: {  	s7 =	sshll.u32 s26, $0x1;
	_ =	strace $0x80000046;
	[dreg:$0x1] =	wrdreg $0xFFFFFFFF  }
0xaf: {  	s28 =	simm.s32 $_size_execute0_lowered;
	s6 =	sadd.s32 s6, s7;
	[dreg:$0x0] =	wrdreg $0x0  }
0xb0: {  	s7 =	sshll.u32 s28, $0x1;
	[dreg:$0x2] =	wrdreg s6  }
0xb1: {  	[dreg:$0x3] =	wrdreg s7  }
0xb2: {  	[dreg:$0x4] =	wrdreg $0xC0  }
0xb3: {  	_ =	task [dreg:s10], $0x5FFFF  }
0xb4: {  	[dreg:$0x1] =	wrdreg $0xFFFFFFFF  }
0xb5: {  	[dreg:$0x0] =	wrdreg $0x60  }
0xb6: {  	[dreg:$0x2] =	wrdreg s16  }
0xb7: {  	[dreg:$0x3] =	wrdreg s4  }
0xb8: {  	[dreg:$0x4] =	wrdreg s5  }
0xb9: {  	[dreg:$0x5] =	wrdreg s17  }
0xba: {  	[dreg:$0x6] =	wrdreg $0x9  }
0xbb: {  	_ =	task.clear_ibuf [dreg:s10], $0x7FFFF;
	_ =	strace $0x90000046  }
0xbc: {  	s29 =	simm.s32 $0x9;
	_ =	strace $0x80000048  }
0xbd: {  	_ =	swait.ge [sflag:s29], $0x1  }
0xbe: {  	[sflag:s29] =	ssyncadd.s32 $0xFFFFFFFF  }
0xbf: {  	_ =	strace $0x90000048  }
0xc0: {  	_ =	sfence  }
0xc1: {  	s30 =	sld [smem:$0x0];
	_ =	sdelay $0x2  }
0xc2: {  	s31 =	sshll.u32 s1, $0xD;
	s1 =	sshrl.u32 s1, $0x2  }
0xc3: {  	s3 =	sand.u32 $0x4000, s31;
	s1 =	sadd.s32 s1, s30  }
0xc4: {  	s0 =	sor.u32 s3, s0;
	s1 =	sshll.u32 s1, $0x11  }
0xc5: {  	s0 =	sor.u32 s1, s0  }
0xc6: {  	s0 =	sadd.s32 $0x8F2B, s0  }
0xc7: {  	[sflag:s0] =	ssyncadd.remote.s32 $0x1  }
0xc8: {  	_ =	sfence.sel $0xFFFF  }
0xc9: {  	[dreg:$0x0] =	wrdreg $0xFFFFFFFF;
	(pc) =	sbr.abs _section_cstart, $3  }
0xca: {  	[dreg:$0x1] =	wrdreg $0xFFFFFFFF  }
0xcb: {  	_ =	task.clear_ibuf [dreg:s10], $0x2FFFF;
	_ =	strace $0x9FFFFFFF  }
0xcc: {  	(tm) =	ssettm $0x7FFFFFFF  }
0xcd: {  	_ =	shalt  }
tec
execute0_lowered:
.L_overlay_start_1:
0x0: {  	(tag) =	ssettag $0x1  }
0x1: {  	s0 =	rddreg [dreg:$0x0]  }
0x2: {  	s1 =	rddreg [dreg:$0x3]  }
0x3: {  	s2 =	srdreg.scid;
	s3 =	stileid.u32;
	s4 =	simm.s32 $0x0  }
0x4: {  	s12 =	simm.s32 $0x5;
	s16 =	simm.s32 $0x1;
	s17 =	simm.s32 $0x8480  }
0x5: {  	s18 =	simm.s32 $0x2;
	s19 =	simm.s32 $0xC480;
	s20 =	simm.s32 $0x3  }
0x6: {  	s21 =	simm.s32 $0x4;
	s22 =	simm.s32 $0x0;
	s2 =	sand.u32 $0x1, s2  }
0x7: {  	s3 =	sshll.u32 s3, $0x12;
	s5 =	sshll.u32 s2, $0x11;
	s2 =	ssub.s32 $0x2, s2  }
0x8: {  	[smem:$0x7FF] =	sst s4;
	s3 =	sor.u32 s5, s3;
	s6 =	sshrl.u32 s2, $0x1  }
0x9: {  	_ =	strace $0x80000047;
	s5 =	sadd.s32 s0, s3;
	s31 =	ssub.s32 s2, s6  }
0xa: {  	s8 =	sadd.s32 s1, s3;
	s6 =	sadd.s32 $0x800, s5;
	s7 =	sadd.s32 $0x1000, s5  }
0xb: {  	s9 =	sadd.s32 $0x1800, s5;
	s10 =	smax.u32 s31, $0x1;
	s11 =	sadd.s32 $0x800, s8  }
.LBB2_1:
0xc: {  	s0 =	rddreg [dreg:$0x1]  }
0xd: {  	[tilespmem:s4], [sflag:$0x5] =	stream.linear.gather [hbm4b:s0+s4], $0x400, $0x38;
	[tilespmem:$0x10480] =	vst v63  }
0xe: {  	_ =	swait.ge [sflag:s12], $0x400  }
0xf: {  	[sflag:s12] =	ssyncset.done $0x0  }
0x10: {  	[sflag:s12] =	ssyncadd.s32 $0xFFFFFC00  }
0x11: {  	s1 =	simm.s32 $0x400;
	s29 =	rddreg [dreg:$0x2]  }
0x12: {  	[tilespmem:s1], [sflag:$0x5] =	stream.linear.gather [hbm4b:s29+s4], $0x80, $0x38;
	[tilespmem:$0x10480] =	vst v63  }
0x13: {  	_ =	swait.ge [sflag:s12], $0x80  }
0x14: {  	[sflag:s12] =	ssyncset.done $0x0  }
0x15: {  	s30 =	simm.s32 $0x480;
	[sflag:s12] =	ssyncadd.s32 $0xFFFFFF80  }
0x16: {  	[tilespmem:s30], [sflag:$0x1] =	stream.linear.gather [hbm4b:s5+s4], $0x4000, $0x38;
	[tilespmem:$0x10480] =	vst v63  }
0x17: {  	s31 =	simm.s32 $0x4480;
	s23 =	simm.s32 $0x0  }
0x18: {  	[tilespmem:s31], [sflag:$0x2] =	stream.linear.gather [hbm4b:s6+s4], $0x4000, $0x38;
	[tilespmem:$0x10480] =	vst v63  }
.LBB2_2:
0x19: {  	_ =	swait.ge [sflag:s16], $0x4000  }
0x1a: {  	p0 =	seq.s32 s23, $0x0;
	[sflag:s16] =	ssyncset.done $0x0  }
0x1b: {  	s0 =	simm.s32 @!p0 $0x3;
	[sflag:s16] =	ssyncadd.s32 $0xFFFFC000  }
0x1c: {  	s24 =	sshll.u32 s23, $0xC;
	_ =	swait.ge @!p0 [sflag:s0], $0x4000  }
0x1d: {  	s25 =	simm.s32 $0x0;
	s26 =	simm.s32 $0xFFFFC000;
	[sflag:s0] =	ssyncset.done @!p0 $0x0  }
0x1e: {  	s28 =	simm.s32 $0x0;
	s29 =	simm.s32 $0x0;
	[sflag:s0] =	ssyncadd.s32 @!p0 $0xFFFFC000  }
.LBB2_3:
0x1f: {  	s0 =	sadd.s32 $0x4000, s26  }
0x20: {  	s1 =	sand.u32 $0x380, s29;
	s0 =	sand.u32 $0x2000, s0  }
0x21: {  	s30 =	sor.u32 s1, s0  }
0x22: {  	v0 =	vld [tilespmem:s30+$0x480]  }
0x23: {  	v1 =	vld [tilespmem:s30+$0x490]  }
0x24: {  	v6 =	vld [tilespmem:s30+$0x4A0]  }
0x25: {  	v38 =	vld [tilespmem:s30+$0x4B0]  }
0x26: {  	v7 =	vld [tilespmem:s30+$0x4C0]  }
0x27: {  	v8 =	vld [tilespmem:s30+$0x4D0]  }
0x28: {  	v43 =	vld [tilespmem:s30+$0x4E0]  }
0x29: {  	v12 =	vld [tilespmem:s30+$0x4F0]  }
0x2a: {  	v48 =	vld [tilespmem:s30+$0x880]  }
0x2b: {  	v53 =	vld [tilespmem:s30+$0x890]  }
0x2c: {  	v59 =	vld [tilespmem:s30+$0x8A0]  }
0x2d: {  	v15 =	vld [tilespmem:s30+$0x8B0]  }
0x2e: {  	v62 =	vld [tilespmem:s30+$0x8C0]  }
0x2f: {  	v23 =	vld [tilespmem:s30+$0x8D0]  }
0x30: {  	v24 =	vld [tilespmem:s30+$0x8E0]  }
0x31: {  	v3 =	vshrl.u32 v0, $0x10;
	v5 =	vshrl.u32 v1, $0x10;
	v39 =	vshrl.u32 v6, $0x10  }
0x32: {  	v41 =	vshrl.u32 v38, $0x10;
	v10 =	vshrl.u32 v7, $0x10;
	v47 =	vshrl.u32 v8, $0x10  }
0x33: {  	v49 =	vshrl.u32 v43, $0x10;
	v55 =	vshrl.u32 v12, $0x10;
	v13 =	vshrl.u32 v48, $0x10  }
0x34: {  	v60 =	vshrl.u32 v53, $0x10;
	v18 =	vshrl.u32 v59, $0x10;
	v20 =	vshrl.u32 v15, $0x10  }
0x35: {  	v36 =	vld [tilespmem:s30+$0xC80];
	v22 =	vshrl.u32 v62, $0x10;
	v32 =	vshrl.u32 v23, $0x10;
	v35 =	vshrl.u32 v24, $0x10  }
0x36: {  	v3 =	vand.u32 $0x1, v3;
	v5 =	vand.u32 $0x1, v5;
	v42 =	vand.u32 $0x1, v10  }
0x37: {  	v2 =	vld [tilespmem:$0x0];
	v52 =	vand.u32 $0x1, v49;
	v57 =	vand.u32 $0x1, v13;
	v61 =	vand.u32 $0x1, v60  }
0x38: {  	v4 =	vld [tilespmem:$0x10];
	v34 =	vand.u32 $0x1, v32;
	v37 =	vand.u32 $0x1, v35;
	v3 =	vadd.s32 v3, v0  }
0x39: {  	v27 =	vld [tilespmem:s30+$0x8F0];
	v1 =	vadd.s32 v5, v1;
	v45 =	vadd.s32 v42, v7;
	v7 =	vand.u32 $0x1, v47  }
0x3a: {  	v54 =	vadd.s32 v52, v43;
	v43 =	vshrl.u32 v36, $0x10;
	v3 =	vadd.s32 $0x7FFF, v3  }
0x3b: {  	v1 =	vadd.s32 $0x7FFF, v1;
	v7 =	vadd.s32 v7, v8;
	v8 =	vadd.s32 v61, v53  }
0x3c: {  	v3 =	vand.u32 $0xFFFF0000, v3;
	v1 =	vand.u32 $0xFFFF0000, v1;
	v7 =	vadd.s32 $0x7FFF, v7  }
0x3d: {  	v47 =	vld [tilespmem:s30+$0xCB0];
	v2 =	vmul.f32 v3, v2;
	v1 =	vmul.f32 v1, v4;
	v3 =	vand.u32 $0x1, v39  }
0x3e: {  	v40 =	vld [tilespmem:$0x20];
	v51 =	vand.u32 $0xFFFF0000, v7;
	v7 =	vand.u32 $0x1, v55;
	v39 =	vshrl.u32 v27, $0x10  }
0x3f: {  	v9 =	vld [tilespmem:$0x30];
	v3 =	vadd.s32 v3, v6;
	v6 =	vand.u32 $0x1, v41;
	v7 =	vadd.s32 v7, v12  }
0x40: {  	v50 =	vld [tilespmem:$0x60];
	v12 =	vand.u32 $0x1, v39;
	v2 =	vadd.f32 $0.0e+00, v2;
	v1 =	vadd.f32 $0.0e+00, v1  }
0x41: {  	v56 =	vld [tilespmem:$0x70];
	v3 =	vadd.s32 $0x7FFF, v3;
	v5 =	vadd.s32 v6, v38;
	v6 =	vadd.s32 $0x7FFF, v54  }
0x42: {  	v11 =	vld [tilespmem:$0x40];
	v7 =	vadd.s32 $0x7FFF, v7;
	v42 =	vadd.s32 v12, v27;
	v55 =	vshrl.u32 v47, $0x10  }
0x43: {  	v46 =	vld [tilespmem:$0x50];
	v3 =	vand.u32 $0xFFFF0000, v3;
	v44 =	vadd.s32 $0x7FFF, v5;
	v5 =	vadd.s32 $0x7FFF, v45  }
0x44: {  	v14 =	vld [tilespmem:$0x80];
	v6 =	vand.u32 $0xFFFF0000, v6;
	v7 =	vand.u32 $0xFFFF0000, v7;
	v13 =	vand.u32 $0x1, v55  }
0x45: {  	v41 =	vld [tilespmem:s30+$0xCA0];
	v3 =	vmul.f32 v3, v40;
	v4 =	vand.u32 $0xFFFF0000, v44;
	v6 =	vmul.f32 v6, v50  }
0x46: {  	v54 =	vld [tilespmem:s30+$0xCC0];
	v5 =	vand.u32 $0xFFFF0000, v5;
	v7 =	vmul.f32 v7, v56;
	v4 =	vmul.f32 v4, v9  }
0x47: {  	v5 =	vmul.f32 v5, v11;
	v9 =	vadd.s32 v57, v48;
	v11 =	vand.u32 $0x1, v22  }
0x48: {  	v3 =	vadd.f32 $0.0e+00, v3;
	v9 =	vadd.s32 $0x7FFF, v9;
	v11 =	vadd.s32 v11, v62  }
0x49: {  	v27 =	vld [tilespmem:s30+$0x10A0];
	v4 =	vadd.f32 $0.0e+00, v4;
	v2 =	vadd.f32 v5, v2;
	v5 =	vmul.f32 v51, v46  }
0x4a: {  	v55 =	vld [tilespmem:s30+$0x10F0];
	v9 =	vand.u32 $0xFFFF0000, v9;
	v26 =	vadd.s32 $0x7FFF, v11;
	v46 =	vand.u32 $0x1, v43  }
0x4b: {  	v21 =	vld [tilespmem:$0xC0];
	v51 =	vshrl.u32 v41, $0x10;
	v61 =	vshrl.u32 v54, $0x10;
	v63 =	vmul.f32 v9, v14  }
0x4c: {  	v40 =	vld [tilespmem:s30+$0xC90];
	v3 =	vadd.f32 v6, v3;
	v14 =	vadd.s32 $0x7FFF, v8;
	v6 =	vand.u32 $0x1, v18  }
0x4d: {  	v56 =	vld [tilespmem:s30+$0xCD0];
	v9 =	vand.u32 $0x1, v20;
	v29 =	vand.u32 $0xFFFF0000, v26;
	v8 =	vadd.s32 $0x7FFF, v42  }
0x4e: {  	v58 =	vld [tilespmem:$0x90];
	v48 =	vadd.s32 v46, v36;
	v10 =	vand.u32 $0x1, v51;
	v36 =	vshrl.u32 v27, $0x10  }
0x4f: {  	v12 =	vshrl.u32 v55, $0x10;
	v1 =	vadd.f32 v5, v1;
	v4 =	vadd.f32 v7, v4  }
0x50: {  	v17 =	vand.u32 $0xFFFF0000, v14;
	v6 =	vadd.s32 v6, v59;
	v9 =	vadd.s32 v9, v15  }
0x51: {  	v16 =	vld [tilespmem:$0xA0];
	v31 =	vmul.f32 v29, v21;
	v45 =	vand.u32 $0xFFFF0000, v8;
	v50 =	vshrl.u32 v40, $0x10  }
0x52: {  	v19 =	vld [tilespmem:$0xB0];
	v10 =	vadd.s32 v10, v41;
	v62 =	vshrl.u32 v56, $0x10;
	v39 =	vand.u32 $0x1, v36  }
0x53: {  	v52 =	vld [tilespmem:$0x120];
	v2 =	vadd.f32 v63, v2;
	v5 =	vmul.f32 v17, v58;
	v6 =	vadd.s32 $0x7FFF, v6  }
0x54: {  	v9 =	vadd.s32 $0x7FFF, v9;
	v8 =	vand.u32 $0x1, v50;
	v10 =	vadd.s32 $0x7FFF, v10  }
0x55: {  	v20 =	vld [tilespmem:s30+$0x1080];
	v6 =	vand.u32 $0xFFFF0000, v6;
	v25 =	vand.u32 $0xFFFF0000, v9;
	v8 =	vadd.s32 v8, v40  }
0x56: {  	v49 =	vld [tilespmem:$0x110];
	v10 =	vand.u32 $0xFFFF0000, v10;
	v9 =	vadd.s32 v13, v47;
	v6 =	vmul.f32 v6, v16  }
0x57: {  	v18 =	vld [tilespmem:s30+$0xCF0];
	v1 =	vadd.f32 v5, v1;
	v28 =	vmul.f32 v25, v19;
	v2 =	vadd.f32 v31, v2  }
0x58: {  	v21 =	vld [tilespmem:s30+$0x1090];
	v5 =	vadd.s32 v34, v23;
	v8 =	vadd.s32 $0x7FFF, v8;
	v57 =	vmul.f32 v10, v52  }
0x59: {  	v30 =	vld [tilespmem:$0xD0];
	v58 =	vadd.s32 $0x7FFF, v9;
	v9 =	vand.u32 $0x1, v62;
	v5 =	vadd.s32 $0x7FFF, v5  }
0x5a: {  	v33 =	vld [tilespmem:$0xE0];
	v8 =	vand.u32 $0xFFFF0000, v8;
	v9 =	vadd.s32 v9, v56;
	v29 =	vshrl.u32 v20, $0x10  }
0x5b: {  	v38 =	vld [tilespmem:$0xF0];
	v3 =	vadd.f32 v6, v3;
	v4 =	vadd.f32 v28, v4;
	v6 =	vadd.s32 v37, v24  }
0x5c: {  	v40 =	vld [tilespmem:s30+$0x10D0];
	v5 =	vand.u32 $0xFFFF0000, v5;
	v7 =	vmul.f32 v8, v49;
	v8 =	vand.u32 $0x1, v61  }
0x5d: {  	v16 =	vld [tilespmem:s30+$0xCE0];
	v9 =	vadd.s32 $0x7FFF, v9;
	v24 =	vshrl.u32 v18, $0x10;
	v31 =	vshrl.u32 v21, $0x10  }
0x5e: {  	v47 =	vld [tilespmem:s30+$0x10E0];
	v6 =	vadd.s32 $0x7FFF, v6;
	v5 =	vmul.f32 v5, v30;
	v8 =	vadd.s32 v8, v54  }
0x5f: {  	v9 =	vand.u32 $0xFFFF0000, v9;
	v26 =	vand.u32 $0x1, v24;
	v10 =	vand.u32 $0x1, v31  }
0x60: {  	v60 =	vld [tilespmem:$0x150];
	v6 =	vand.u32 $0xFFFF0000, v6;
	v8 =	vadd.s32 $0x7FFF, v8;
	v28 =	vadd.s32 v26, v18  }
0x61: {  	v37 =	vld [tilespmem:s30+$0x10C0];
	v34 =	vadd.s32 v10, v21;
	v50 =	vshrl.u32 v40, $0x10;
	v6 =	vmul.f32 v6, v33  }
0x62: {  	v53 =	vld [tilespmem:$0x130];
	v1 =	vadd.f32 v5, v1;
	v5 =	vmul.f32 v45, v38;
	v17 =	vshrl.u32 v16, $0x10  }
0x63: {  	v44 =	vld [tilespmem:$0x100];
	v56 =	vshrl.u32 v47, $0x10;
	v8 =	vand.u32 $0xFFFF0000, v8;
	v19 =	vand.u32 $0x1, v17  }
0x64: {  	v24 =	vld [tilespmem:s30+$0x14C0];
	v3 =	vadd.f32 v6, v3;
	v6 =	vadd.s32 $0x7FFF, v48;
	v4 =	vadd.f32 v5, v4  }
0x65: {  	v32 =	vld [tilespmem:$0x190];
	v1 =	vadd.f32 v7, v1;
	v5 =	vand.u32 $0xFFFF0000, v58;
	v11 =	vadd.s32 v19, v16  }
0x66: {  	v63 =	vld [tilespmem:$0x160];
	v7 =	vmul.f32 v9, v60;
	v9 =	vadd.s32 $0x7FFF, v34;
	v48 =	vshrl.u32 v37, $0x10  }
0x67: {  	v21 =	vld [tilespmem:s30+$0x14B0];
	v58 =	vand.u32 $0x1, v56;
	v6 =	vand.u32 $0xFFFF0000, v6;
	v5 =	vmul.f32 v5, v53  }
0x68: {  	v33 =	vld [tilespmem:s30+$0x10B0];
	v11 =	vadd.s32 $0x7FFF, v11;
	v38 =	vand.u32 $0xFFFF0000, v9;
	v9 =	vand.u32 $0x1, v48  }
0x69: {  	v36 =	vshrl.u32 v24, $0x10;
	v6 =	vmul.f32 v6, v44;
	v3 =	vadd.f32 v57, v3  }
0x6a: {  	v59 =	vld [tilespmem:$0x140];
	v22 =	vand.u32 $0xFFFF0000, v11;
	v1 =	vadd.f32 v7, v1;
	v41 =	vmul.f32 v38, v32  }
0x6b: {  	v35 =	vld [tilespmem:$0x1A0];
	v7 =	vadd.s32 v39, v27;
	v9 =	vadd.s32 v9, v37;
	v11 =	vand.u32 $0x1, v50  }
0x6c: {  	v51 =	vld [tilespmem:$0x1D0];
	v32 =	vshrl.u32 v21, $0x10;
	v4 =	vadd.f32 v5, v4;
	v23 =	vmul.f32 v22, v63  }
0x6d: {  	v25 =	vld [tilespmem:$0x170];
	v5 =	vadd.s32 $0x7FFF, v28;
	v42 =	vadd.s32 $0x7FFF, v7;
	v43 =	vshrl.u32 v33, $0x10  }
0x6e: {  	v49 =	vld [tilespmem:$0x1C0];
	v53 =	vadd.s32 $0x7FFF, v9;
	v54 =	vadd.s32 v11, v40;
	v7 =	vadd.s32 v58, v47  }
0x6f: {  	v57 =	vld [tilespmem:s30+$0x1480];
	v34 =	vand.u32 $0x1, v32;
	v2 =	vadd.f32 v6, v2;
	v6 =	vmul.f32 v8, v59  }
0x70: {  	v37 =	vld [tilespmem:s30+$0x14E0];
	v5 =	vand.u32 $0xFFFF0000, v5;
	v1 =	vadd.f32 v41, v1;
	v45 =	vand.u32 $0xFFFF0000, v42  }
0x71: {  	v38 =	vld [tilespmem:s30+$0x14F0];
	v46 =	vand.u32 $0x1, v43;
	v8 =	vand.u32 $0xFFFF0000, v53;
	v9 =	vadd.s32 $0x7FFF, v54  }
0x72: {  	v52 =	vld [tilespmem:$0x1E0];
	v61 =	vadd.s32 $0x7FFF, v7;
	v3 =	vadd.f32 v23, v3;
	v5 =	vmul.f32 v5, v25  }
0x73: {  	v30 =	vld [tilespmem:$0x180];
	v8 =	vmul.f32 v8, v49;
	v9 =	vand.u32 $0xFFFF0000, v9;
	v63 =	vand.u32 $0xFFFF0000, v61  }
0x74: {  	v59 =	vld [tilespmem:s30+$0x1490];
	v2 =	vadd.f32 v6, v2;
	v6 =	vand.u32 $0x1, v29;
	v60 =	vmul.f32 v9, v51  }
0x75: {  	v53 =	vld [tilespmem:s30+$0x18A0];
	v6 =	vadd.s32 v6, v20;
	v4 =	vadd.f32 v5, v4;
	v5 =	vmul.f32 v45, v35  }
0x76: {  	v17 =	vshrl.u32 v57, $0x10;
	v47 =	vshrl.u32 v37, $0x10;
	v48 =	vshrl.u32 v38, $0x10  }
0x77: {  	v6 =	vadd.s32 $0x7FFF, v6;
	v1 =	vadd.f32 v60, v1;
	v9 =	vand.u32 $0x1, v17  }
0x78: {  	v51 =	vld [tilespmem:s30+$0x1890];
	v10 =	vand.u32 $0x1, v48;
	v6 =	vand.u32 $0xFFFF0000, v6;
	v3 =	vadd.f32 v5, v3  }
0x79: {  	v16 =	vld [tilespmem:$0x200];
	v5 =	vmul.f32 v63, v52;
	v19 =	vshrl.u32 v59, $0x10;
	v9 =	vadd.s32 v9, v57  }
0x7a: {  	v20 =	vld [tilespmem:s30+$0x14A0];
	v10 =	vadd.s32 v10, v38;
	v60 =	vshrl.u32 v53, $0x10;
	v6 =	vmul.f32 v6, v30  }
0x7b: {  	v18 =	vld [tilespmem:$0x210];
	v11 =	vand.u32 $0x1, v19;
	v9 =	vadd.s32 $0x7FFF, v9;
	v10 =	vadd.s32 $0x7FFF, v10  }
0x7c: {  	v63 =	vld [tilespmem:s30+$0x18C0];
	v11 =	vadd.s32 v11, v59;
	v22 =	vand.u32 $0xFFFF0000, v9;
	v3 =	vadd.f32 v5, v3  }
0x7d: {  	v44 =	vld [tilespmem:$0x1B0];
	v10 =	vand.u32 $0xFFFF0000, v10;
	v59 =	vshrl.u32 v51, $0x10;
	v2 =	vadd.f32 v6, v2  }
0x7e: {  	v27 =	vld [tilespmem:$0x220];
	v6 =	vadd.s32 v46, v33;
	v23 =	vadd.s32 $0x7FFF, v11;
	v25 =	vmul.f32 v22, v16  }
0x7f: {  	v29 =	vshrl.u32 v20, $0x10;
	v33 =	vld [tilespmem:s30+$0x14D0];
	v6 =	vadd.s32 $0x7FFF, v6;
	v26 =	vand.u32 $0xFFFF0000, v23  }
0x80: {  	v16 =	vld [tilespmem:s30+$0x18D0];
	v31 =	vand.u32 $0x1, v29;
	v6 =	vand.u32 $0xFFFF0000, v6;
	v2 =	vadd.f32 v8, v2  }
0x81: {  	v17 =	vld [tilespmem:s30+$0x18E0];
	v28 =	vmul.f32 v26, v18;
	v5 =	vadd.s32 v31, v20;
	v20 =	vshrl.u32 v63, $0x10  }
0x82: {  	v49 =	vld [tilespmem:$0x270];
	v6 =	vmul.f32 v6, v44;
	v5 =	vadd.s32 $0x7FFF, v5;
	v22 =	vand.u32 $0x1, v20  }
0x83: {  	v23 =	vld [tilespmem:s30+$0x18F0];
	v2 =	vadd.f32 v25, v2;
	v1 =	vadd.f32 v28, v1;
	v5 =	vand.u32 $0xFFFF0000, v5  }
0x84: {  	v62 =	vld [tilespmem:$0x1F0];
	v4 =	vadd.f32 v6, v4;
	v6 =	vand.u32 $0x1, v12;
	v12 =	vand.u32 $0x1, v36  }
0x85: {  	v29 =	vld [tilespmem:s30+$0x1C80];
	v5 =	vmul.f32 v5, v27;
	v40 =	vshrl.u32 v33, $0x10;
	v25 =	vshrl.u32 v16, $0x10  }
0x86: {  	v44 =	vld [tilespmem:s30+$0x1880];
	v27 =	vshrl.u32 v17, $0x10;
	v6 =	vadd.s32 v6, v55;
	v39 =	vadd.s32 v12, v24  }
0x87: {  	v35 =	vld [tilespmem:$0x240];
	v43 =	vand.u32 $0x1, v40;
	v55 =	vmul.f32 v10, v49;
	v24 =	vadd.s32 v22, v63  }
0x88: {  	v54 =	vld [tilespmem:s30+$0x18B0];
	v10 =	vand.u32 $0x1, v27;
	v32 =	vshrl.u32 v23, $0x10;
	v6 =	vadd.s32 $0x7FFF, v6  }
0x89: {  	v8 =	vadd.s32 $0x7FFF, v39;
	v3 =	vadd.f32 v5, v3;
	v45 =	vadd.s32 v43, v33  }
0x8a: {  	v39 =	vshrl.u32 v29, $0x10;
	v6 =	vand.u32 $0xFFFF0000, v6;
	v42 =	vand.u32 $0xFFFF0000, v8  }
0x8b: {  	v50 =	vld [tilespmem:$0x280];
	v8 =	vand.u32 $0x1, v47;
	v52 =	vshrl.u32 v44, $0x10;
	v6 =	vmul.f32 v6, v62  }
0x8c: {  	v46 =	vld [tilespmem:$0x260];
	v5 =	vmul.f32 v42, v35;
	v8 =	vadd.s32 v8, v37;
	v13 =	vand.u32 $0x1, v52  }
0x8d: {  	v36 =	vld [tilespmem:s30+$0x1CA0];
	v62 =	vshrl.u32 v54, $0x10;
	v35 =	vand.u32 $0x1, v32;
	v42 =	vand.u32 $0x1, v39  }
0x8e: {  	v33 =	vld [tilespmem:s30+$0x1C90];
	v8 =	vadd.s32 $0x7FFF, v8;
	v9 =	vadd.s32 v13, v44;
	v15 =	vand.u32 $0x1, v62  }
0x8f: {  	v43 =	vld [tilespmem:s30+$0x1CB0];
	v4 =	vadd.f32 v6, v4;
	v6 =	vadd.s32 v34, v21;
	v8 =	vand.u32 $0xFFFF0000, v8  }
0x90: {  	v2 =	vadd.f32 v5, v2;
	v56 =	vadd.s32 $0x7FFF, v9;
	v9 =	vand.u32 $0x1, v60  }
0x91: {  	v30 =	vld [tilespmem:$0x230];
	v11 =	vadd.s32 v15, v54;
	v6 =	vadd.s32 $0x7FFF, v6;
	v7 =	vmul.f32 v8, v46  }
0x92: {  	v5 =	vand.u32 $0xFFFF0000, v56;
	v8 =	vand.u32 $0x1, v59;
	v9 =	vadd.s32 v9, v53  }
0x93: {  	v61 =	vld [tilespmem:$0x2B0];
	v11 =	vadd.s32 $0x7FFF, v11;
	v44 =	vshrl.u32 v33, $0x10;
	v46 =	vshrl.u32 v36, $0x10  }
0x94: {  	v58 =	vld [tilespmem:$0x2A0];
	v52 =	vshrl.u32 v43, $0x10;
	v6 =	vand.u32 $0xFFFF0000, v6;
	v5 =	vmul.f32 v5, v50  }
0x95: {  	v8 =	vadd.s32 v8, v51;
	v9 =	vadd.s32 $0x7FFF, v9;
	v18 =	vand.u32 $0xFFFF0000, v11  }
0x96: {  	v41 =	vld [tilespmem:$0x250];
	v11 =	vand.u32 $0x1, v46;
	v54 =	vand.u32 $0x1, v52;
	v6 =	vmul.f32 v6, v30  }
0x97: {  	v28 =	vld [tilespmem:$0x2E0];
	v3 =	vadd.f32 v7, v3;
	v8 =	vadd.s32 $0x7FFF, v8;
	v9 =	vand.u32 $0xFFFF0000, v9  }
0x98: {  	v21 =	vld [tilespmem:$0x2C0];
	v19 =	vmul.f32 v18, v61;
	v30 =	vadd.s32 v10, v17;
	v50 =	vadd.s32 v11, v36  }
0x99: {  	v53 =	vld [tilespmem:s30+$0x1CD0];
	v8 =	vand.u32 $0xFFFF0000, v8;
	v7 =	vmul.f32 v9, v58;
	v2 =	vadd.f32 v5, v2  }
0x9a: {  	v48 =	vld [tilespmem:$0x330];
	v5 =	vadd.s32 $0x7FFF, v24;
	v9 =	vadd.s32 $0x7FFF, v30;
	v4 =	vadd.f32 v6, v4  }
0x9b: {  	s31 =	sand.u32 $0x7, s25;
	v51 =	vld [tilespmem:s30+$0x1CC0];
	v6 =	vadd.s32 $0x7FFF, v45;
	v5 =	vand.u32 $0xFFFF0000, v5;
	v34 =	vand.u32 $0xFFFF0000, v9  }
0x9c: {  	s0 =	sshll.u32 s31, $0x7;
	v57 =	vld [tilespmem:$0x290];
	v9 =	vand.u32 $0x1, v44;
	v6 =	vand.u32 $0xFFFF0000, v6;
	v3 =	vadd.f32 v7, v3  }
0x9d: {  	s15 =	sadd.s32 s0, s28;
	v31 =	vld [tilespmem:$0x2F0];
	v5 =	vmul.f32 v5, v21;
	v37 =	vmul.f32 v34, v28;
	v7 =	vadd.s32 v35, v23  }
0x9e: {  	s2 =	sor.u32 $0x1C20, s15;
	v47 =	vld [tilespmem:$0x320];
	v9 =	vadd.s32 v9, v33;
	v62 =	vshrl.u32 v53, $0x10;
	v6 =	vmul.f32 v6, v41  }
0x9f: {  	v30 =	vld [tilespmem:s2+$0x480];
	v4 =	vadd.f32 v55, v4;
	v38 =	vadd.s32 $0x7FFF, v7;
	v49 =	vadd.s32 $0x7FFF, v9  }
0xa0: {  	s13 =	sor.u32 $0x1C50, s15;
	v45 =	vld [tilespmem:$0x310];
	v9 =	vadd.s32 $0x7FFF, v50;
	v7 =	vadd.s32 v54, v43;
	v60 =	vshrl.u32 v51, $0x10  }
0xa1: {  	s0 =	sor.u32 $0x1C10, s15;
	v44 =	vld [tilespmem:s13+$0x480];
	v2 =	vadd.f32 v5, v2;
	v3 =	vadd.f32 v37, v3;
	v41 =	vand.u32 $0xFFFF0000, v38  }
0xa2: {  	s1 =	sor.u32 $0x1C30, s15;
	v21 =	vld [tilespmem:s0+$0x480];
	v9 =	vand.u32 $0xFFFF0000, v9;
	v1 =	vadd.f32 v6, v1;
	v6 =	vmul.f32 v8, v57  }
0xa3: {  	s3 =	sor.u32 $0x1C40, s15;
	v34 =	vld [tilespmem:s1+$0x480];
	v4 =	vadd.f32 v19, v4;
	v5 =	vmul.f32 v41, v31;
	v8 =	vand.u32 $0xFFFF0000, v49  }
0xa4: {  	v35 =	vld [tilespmem:s3+$0x480];
	v56 =	vmul.f32 v9, v47;
	v57 =	vadd.s32 $0x7FFF, v7;
	v9 =	vand.u32 $0x1, v62  }
0xa5: {  	v55 =	vld [tilespmem:s30+$0x1CE0];
	v38 =	vshrl.u32 v30, $0x10;
	v8 =	vmul.f32 v8, v45;
	v59 =	vand.u32 $0xFFFF0000, v57  }
0xa6: {  	v9 =	vadd.s32 v9, v53;
	v41 =	vand.u32 $0x1, v38;
	v53 =	vshrl.u32 v44, $0x10  }
0xa7: {  	v1 =	vadd.f32 v6, v1;
	v6 =	vand.u32 $0x1, v25;
	v4 =	vadd.f32 v5, v4  }
0xa8: {  	v61 =	vld [tilespmem:$0x350];
	v3 =	vadd.f32 v56, v3;
	v5 =	vmul.f32 v59, v48;
	v9 =	vadd.s32 $0x7FFF, v9  }
0xa9: {  	v26 =	vld [tilespmem:$0x2D0];
	v33 =	vshrl.u32 v21, $0x10;
	v43 =	vadd.s32 v41, v30;
	v45 =	vshrl.u32 v34, $0x10  }
0xaa: {  	s14 =	sor.u32 $0x1C60, s15;
	v40 =	vld [tilespmem:$0x300];
	v46 =	vshrl.u32 v35, $0x10;
	v6 =	vadd.s32 v6, v16;
	v16 =	vshrl.u32 v55, $0x10  }
0xab: {  	v47 =	vld [tilespmem:s14+$0x480];
	v19 =	vand.u32 $0xFFFF0000, v9;
	v12 =	vand.u32 $0x1, v33;
	v10 =	vand.u32 $0x1, v46  }
0xac: {  	v63 =	vld [tilespmem:$0x360];
	v9 =	vand.u32 $0x1, v53;
	v6 =	vadd.s32 $0x7FFF, v6;
	v11 =	vand.u32 $0x1, v16  }
0xad: {  	v17 =	vld [tilespmem:s30+$0x1CF0];
	v4 =	vadd.f32 v5, v4;
	v22 =	vmul.f32 v19, v61;
	v6 =	vand.u32 $0xFFFF0000, v6  }
0xae: {  	s31 =	sor.u32 $0x1C00, s15;
	s15 =	sor.u32 $0x1C70, s15;
	v52 =	vld [tilespmem:$0x3D0];
	v36 =	vadd.s32 v12, v21;
	v10 =	vadd.s32 v10, v35;
	v6 =	vmul.f32 v6, v26  }
0xaf: {  	v48 =	vld [tilespmem:s15+$0x480];
	v7 =	vadd.s32 v9, v44;
	v11 =	vadd.s32 v11, v55;
	v50 =	vadd.s32 $0x7FFF, v10  }
0xb0: {  	v18 =	vld [tilespmem:s31+$0x480];
	v55 =	vshrl.u32 v47, $0x10;
	v1 =	vadd.f32 v6, v1;
	v6 =	vadd.s32 v42, v29  }
0xb1: {  	v7 =	vadd.s32 $0x7FFF, v7;
	v20 =	vadd.s32 $0x7FFF, v11;
	v6 =	vadd.s32 $0x7FFF, v6  }
0xb2: {  	v26 =	vshrl.u32 v17, $0x10;
	v7 =	vand.u32 $0xFFFF0000, v7;
	v6 =	vand.u32 $0xFFFF0000, v6  }
0xb3: {  	v23 =	vand.u32 $0xFFFF0000, v20;
	v28 =	vand.u32 $0x1, v26;
	v6 =	vmul.f32 v6, v40  }
0xb4: {  	v58 =	vld [tilespmem:$0x340];
	v56 =	vshrl.u32 v48, $0x10;
	v7 =	vmul.f32 v7, v52;
	v25 =	vmul.f32 v23, v63  }
0xb5: {  	v24 =	vld [tilespmem:$0x370];
	v29 =	vshrl.u32 v18, $0x10;
	v2 =	vadd.f32 v6, v2;
	v6 =	vand.u32 $0x1, v60  }
0xb6: {  	v5 =	vadd.s32 v28, v17;
	v59 =	vand.u32 $0x1, v56;
	v6 =	vadd.s32 v6, v51  }
0xb7: {  	v31 =	vand.u32 $0x1, v29;
	v5 =	vadd.s32 $0x7FFF, v5;
	v6 =	vadd.s32 $0x7FFF, v6  }
0xb8: {  	v32 =	vld [tilespmem:$0x390];
	v11 =	vadd.s32 v59, v48;
	v1 =	vadd.f32 v8, v1;
	v6 =	vand.u32 $0xFFFF0000, v6  }
0xb9: {  	v27 =	vld [tilespmem:$0x380];
	v5 =	vand.u32 $0xFFFF0000, v5;
	v8 =	vadd.s32 $0x7FFF, v36;
	v6 =	vmul.f32 v6, v58  }
0xba: {  	v3 =	vadd.f32 v25, v3;
	v5 =	vmul.f32 v5, v24;
	v40 =	vand.u32 $0xFFFF0000, v8  }
0xbb: {  	v39 =	vld [tilespmem:$0x3B0];
	v8 =	vand.u32 $0x1, v45;
	v2 =	vadd.f32 v6, v2;
	v6 =	vadd.s32 v31, v18  }
0xbc: {  	v37 =	vld [tilespmem:$0x3A0];
	v1 =	vadd.f32 v22, v1;
	v8 =	vadd.s32 v8, v34;
	v6 =	vadd.s32 $0x7FFF, v6  }
0xbd: {  	v57 =	vld [tilespmem:$0x3F0];
	v4 =	vadd.f32 v5, v4;
	v5 =	vmul.f32 v40, v32;
	v6 =	vand.u32 $0xFFFF0000, v6  }
0xbe: {  	v54 =	vld [tilespmem:$0x3E0];
	v11 =	vadd.s32 $0x7FFF, v11;
	v49 =	vadd.s32 $0x7FFF, v8;
	v6 =	vmul.f32 v6, v27  }
0xbf: {  	v42 =	vld [tilespmem:$0x3C0];
	v61 =	vand.u32 $0xFFFF0000, v11;
	v1 =	vadd.f32 v5, v1;
	v5 =	vand.u32 $0xFFFF0000, v49  }
0xc0: {  	v58 =	vand.u32 $0x1, v55;
	v2 =	vadd.f32 v6, v2;
	v6 =	vadd.s32 $0x7FFF, v43  }
0xc1: {  	v5 =	vmul.f32 v5, v39;
	v9 =	vadd.s32 v58, v47;
	v6 =	vand.u32 $0xFFFF0000, v6  }
0xc2: {  	v63 =	vmul.f32 v61, v57;
	v9 =	vadd.s32 $0x7FFF, v9;
	v6 =	vmul.f32 v6, v37  }
0xc3: {  	v51 =	vand.u32 $0xFFFF0000, v50;
	v4 =	vadd.f32 v5, v4;
	v60 =	vand.u32 $0xFFFF0000, v9  }
0xc4: {  	v62 =	vmul.f32 v60, v54;
	v3 =	vadd.f32 v6, v3;
	v6 =	vmul.f32 v51, v42  }
0xc5: {  	v1 =	vadd.f32 v7, v1;
	v4 =	vadd.f32 v63, v4  }
0xc6: {  	v2 =	vadd.f32 v6, v2;
	v3 =	vadd.f32 v62, v3;
	_ =	sdelay $0x1  }
0xc7: {  	v1 =	vadd.f32 v1, v2;
	v6 =	vadd.f32 v4, v3;
	_ =	sdelay $0x1  }
0xc8: {  	v1 =	vadd.f32 v6, v1;
	_ =	sdelay $0x1  }
0xc9: {  	(xrf2) =	vadd.scan.msk.f32 $0xffff, v1;
	_ =	sdelay $0x7  }
0xca: {  	v7 =	vld [tilespmem:$0x400];
	_ =	sdelay $0x1  }
0xcb: {  	v8, _, _ =	vpop (xrf2)  }
0xcc: {  	v2 =	vbroadcast v8, $0xF;
	_ =	sdelay $0x1  }
0xcd: {  	v1 =	vadd.f32 v2, v7;
	_ =	sdelay $0x1  }
0xce: {  	v2 =	vsub.f32 $0.0e+00, v1;
	_ =	sdelay $0x1  }
0xcf: {  	v2 =	vmul.f32 $1.442695020e+00, v2;
	_ =	sdelay $0x1  }
0xd0: {  	(erf) = vpow2.f32 v2;
	_ =	sdelay $0x8  }
0xd1: {  	v2 =	vpop (erf)  }
0xd2: {  	v2 =	vadd.f32 $1.000000000e+00, v2;
	_ =	sdelay $0x1  }
0xd3: {  	(erf) = vrcp.f32 v2;
	_ =	sdelay $0x6  }
0xd4: {  	v9 =	vld [tilespmem:s30+$0x490]  }
0xd5: {  	v10 =	vld [tilespmem:s30+$0x4A0]  }
0xd6: {  	v12 =	vld [tilespmem:s30+$0x4B0];
	vm0 =	vgt.f32 v1, $0.0e+00;
	v11 =	vpop (erf)  }
0xd7: {  	v13 =	vld [tilespmem:s30+$0x4C0];
	v1 =	vnsel vm0, $0x0, v11  }
0xd8: {  	v14 =	vld [tilespmem:s30+$0x4D0];
	v0 =	vmul.f32 v1, v0  }
0xd9: {  	v15 =	vld [tilespmem:s30+$0x4E0];
	v2 =	vmul.f32 v1, v9  }
0xda: {  	v17 =	vld [tilespmem:s30+$0x4F0];
	v16 =	vmul.f32 v1, v10;
	[tilespmem:s30+$0x8480] =	vst v0  }
0xdb: {  	v19 =	vld [tilespmem:s30+$0x880];
	v18 =	vmul.f32 v1, v12;
	[tilespmem:s30+$0x8490] =	vst v2  }
0xdc: {  	v21 =	vld [tilespmem:s30+$0x890];
	v20 =	vmul.f32 v1, v13;
	[tilespmem:s30+$0x84A0] =	vst v16  }
0xdd: {  	v23 =	vld [tilespmem:s30+$0x8A0];
	v22 =	vmul.f32 v1, v14;
	[tilespmem:s30+$0x84B0] =	vst v18  }
0xde: {  	v25 =	vld [tilespmem:s30+$0x8B0];
	v24 =	vmul.f32 v1, v15;
	[tilespmem:s30+$0x84C0] =	vst v20  }
0xdf: {  	v27 =	vld [tilespmem:s30+$0x8C0];
	v26 =	vmul.f32 v1, v17;
	[tilespmem:s30+$0x84D0] =	vst v22  }
0xe0: {  	v29 =	vld [tilespmem:s30+$0x8D0];
	v28 =	vmul.f32 v1, v19;
	[tilespmem:s30+$0x84E0] =	vst v24  }
0xe1: {  	v31 =	vld [tilespmem:s30+$0x8E0];
	v30 =	vmul.f32 v1, v21;
	[tilespmem:s30+$0x84F0] =	vst v26  }
0xe2: {  	v33 =	vld [tilespmem:s30+$0x8F0];
	v32 =	vmul.f32 v23, v1;
	[tilespmem:s30+$0x8880] =	vst v28  }
0xe3: {  	v35 =	vld [tilespmem:s30+$0xC80];
	v34 =	vmul.f32 v25, v1;
	[tilespmem:s30+$0x8890] =	vst v30  }
0xe4: {  	v37 =	vld [tilespmem:s30+$0xC90];
	v36 =	vmul.f32 v27, v1;
	[tilespmem:s30+$0x88A0] =	vst v32  }
0xe5: {  	v39 =	vld [tilespmem:s30+$0xCA0];
	v38 =	vmul.f32 v29, v1;
	[tilespmem:s30+$0x88B0] =	vst v34  }
0xe6: {  	v41 =	vld [tilespmem:s30+$0xCB0];
	v40 =	vmul.f32 v31, v1;
	[tilespmem:s30+$0x88C0] =	vst v36  }
0xe7: {  	v43 =	vld [tilespmem:s30+$0xCC0];
	v42 =	vmul.f32 v33, v1;
	[tilespmem:s30+$0x88D0] =	vst v38  }
0xe8: {  	v45 =	vld [tilespmem:s30+$0xCD0];
	v44 =	vmul.f32 v35, v1;
	[tilespmem:s30+$0x88E0] =	vst v40  }
0xe9: {  	v47 =	vld [tilespmem:s30+$0xCE0];
	v46 =	vmul.f32 v37, v1;
	[tilespmem:s30+$0x88F0] =	vst v42  }
0xea: {  	v49 =	vld [tilespmem:s30+$0xCF0];
	v48 =	vmul.f32 v39, v1;
	[tilespmem:s30+$0x8C80] =	vst v44  }
0xeb: {  	v51 =	vld [tilespmem:s30+$0x1080];
	v50 =	vmul.f32 v41, v1;
	[tilespmem:s30+$0x8C90] =	vst v46  }
0xec: {  	v53 =	vld [tilespmem:s30+$0x1090];
	v52 =	vmul.f32 v43, v1;
	[tilespmem:s30+$0x8CA0] =	vst v48  }
0xed: {  	v55 =	vld [tilespmem:s30+$0x10A0];
	v54 =	vmul.f32 v45, v1;
	[tilespmem:s30+$0x8CB0] =	vst v50  }
0xee: {  	v57 =	vld [tilespmem:s30+$0x10B0];
	v56 =	vmul.f32 v47, v1;
	[tilespmem:s30+$0x8CC0] =	vst v52  }
0xef: {  	v59 =	vld [tilespmem:s30+$0x10C0];
	v58 =	vmul.f32 v49, v1;
	[tilespmem:s30+$0x8CD0] =	vst v54  }
0xf0: {  	v61 =	vld [tilespmem:s30+$0x10D0];
	v60 =	vmul.f32 v51, v1;
	[tilespmem:s30+$0x8CE0] =	vst v56  }
0xf1: {  	v63 =	vld [tilespmem:s30+$0x10E0];
	v62 =	vmul.f32 v53, v1;
	[tilespmem:s30+$0x8CF0] =	vst v58  }
0xf2: {  	v9 =	vmul.f32 v55, v1;
	v10 =	vld [tilespmem:s30+$0x10F0];
	[tilespmem:s30+$0x9080] =	vst v60  }
0xf3: {  	v11 =	vmul.f32 v57, v1;
	v12 =	vld [tilespmem:s30+$0x1480];
	[tilespmem:s30+$0x9090] =	vst v62  }
0xf4: {  	v13 =	vmul.f32 v59, v1;
	v14 =	vld [tilespmem:s30+$0x1490];
	[tilespmem:s30+$0x90A0] =	vst v9  }
0xf5: {  	v15 =	vmul.f32 v61, v1;
	[tilespmem:s30+$0x90B0] =	vst v11;
	v16 =	vld [tilespmem:s30+$0x14A0]  }
0xf6: {  	v17 =	vmul.f32 v63, v1;
	[tilespmem:s30+$0x90C0] =	vst v13;
	v18 =	vld [tilespmem:s30+$0x14B0]  }
0xf7: {  	[tilespmem:s30+$0x90D0] =	vst v15;
	v20 =	vld [tilespmem:s30+$0x14C0];
	v19 =	vmul.f32 v10, v1  }
0xf8: {  	[tilespmem:s30+$0x90E0] =	vst v17;
	v22 =	vld [tilespmem:s30+$0x14D0];
	v21 =	vmul.f32 v12, v1  }
0xf9: {  	v24 =	vld [tilespmem:s30+$0x14E0];
	v23 =	vmul.f32 v14, v1;
	[tilespmem:s30+$0x90F0] =	vst v19  }
0xfa: {  	v26 =	vld [tilespmem:s30+$0x14F0];
	[tilespmem:s30+$0x9480] =	vst v21;
	v25 =	vmul.f32 v16, v1  }
0xfb: {  	v28 =	vld [tilespmem:s30+$0x1880];
	[tilespmem:s30+$0x9490] =	vst v23;
	v27 =	vmul.f32 v18, v1  }
0xfc: {  	v30 =	vld [tilespmem:s30+$0x1890];
	v29 =	vmul.f32 v20, v1;
	[tilespmem:s30+$0x94A0] =	vst v25  }
0xfd: {  	v32 =	vld [tilespmem:s30+$0x18A0];
	v31 =	vmul.f32 v22, v1;
	[tilespmem:s30+$0x94B0] =	vst v27  }
0xfe: {  	v34 =	vld [tilespmem:s30+$0x18B0];
	v33 =	vmul.f32 v24, v1;
	[tilespmem:s30+$0x94C0] =	vst v29  }
0xff: {  	v36 =	vld [tilespmem:s30+$0x18C0];
	v35 =	vmul.f32 v26, v1;
	[tilespmem:s30+$0x94D0] =	vst v31  }
0x100: {  	v38 =	vld [tilespmem:s30+$0x18D0];
	v37 =	vmul.f32 v28, v1;
	[tilespmem:s30+$0x94E0] =	vst v33  }
0x101: {  	v40 =	vld [tilespmem:s30+$0x18E0];
	v39 =	vmul.f32 v30, v1;
	[tilespmem:s30+$0x94F0] =	vst v35  }
0x102: {  	v42 =	vld [tilespmem:s30+$0x18F0];
	v41 =	vmul.f32 v32, v1;
	[tilespmem:s30+$0x9880] =	vst v37  }
0x103: {  	v44 =	vld [tilespmem:s30+$0x1C80];
	v43 =	vmul.f32 v34, v1;
	[tilespmem:s30+$0x9890] =	vst v39  }
0x104: {  	v46 =	vld [tilespmem:s30+$0x1C90];
	v45 =	vmul.f32 v36, v1;
	[tilespmem:s30+$0x98A0] =	vst v41  }
0x105: {  	v48 =	vld [tilespmem:s30+$0x1CA0];
	v47 =	vmul.f32 v38, v1;
	[tilespmem:s30+$0x98B0] =	vst v43  }
0x106: {  	v50 =	vld [tilespmem:s30+$0x1CB0];
	v49 =	vmul.f32 v40, v1;
	[tilespmem:s30+$0x98C0] =	vst v45  }
0x107: {  	v52 =	vld [tilespmem:s30+$0x1CC0];
	v51 =	vmul.f32 v42, v1;
	[tilespmem:s30+$0x98D0] =	vst v47  }
0x108: {  	v54 =	vld [tilespmem:s30+$0x1CD0];
	v53 =	vmul.f32 v44, v1;
	[tilespmem:s30+$0x98E0] =	vst v49  }
0x109: {  	v56 =	vld [tilespmem:s30+$0x1CE0];
	v55 =	vmul.f32 v46, v1;
	[tilespmem:s30+$0x98F0] =	vst v51  }
0x10a: {  	v58 =	vld [tilespmem:s30+$0x1CF0];
	v57 =	vmul.f32 v48, v1;
	[tilespmem:s30+$0x9C80] =	vst v53  }
0x10b: {  	v59 =	vmul.f32 v50, v1;
	[tilespmem:s30+$0x9C90] =	vst v55  }
0x10c: {  	v60 =	vmul.f32 v52, v1;
	[tilespmem:s30+$0x9CA0] =	vst v57  }
0x10d: {  	v61 =	vmul.f32 v54, v1;
	[tilespmem:s30+$0x9CB0] =	vst v59  }
0x10e: {  	v62 =	vmul.f32 v56, v1;
	[tilespmem:s30+$0x9CC0] =	vst v60  }
0x10f: {  	v63 =	vmul.f32 v58, v1;
	[tilespmem:s30+$0x9CD0] =	vst v61  }
0x110: {  	[tilespmem:s30+$0x9CE0] =	vst v62  }
0x111: {  	[tilespmem:s30+$0x9CF0] =	vst v63  }
0x112: {  	v0 =	vld [tilespmem:s31+$0x480];
	_ =	sdelay $0x4  }
0x113: {  	v0 =	vmul.f32 v0, v1;
	_ =	sdelay $0x1  }
0x114: {  	[tilespmem:s31+$0x8480] =	vst v0  }
0x115: {  	v0 =	vld [tilespmem:s0+$0x480];
	_ =	sdelay $0x4  }
0x116: {  	v0 =	vmul.f32 v0, v1;
	_ =	sdelay $0x1  }
0x117: {  	[tilespmem:s0+$0x8480] =	vst v0  }
0x118: {  	v0 =	vld [tilespmem:s2+$0x480];
	_ =	sdelay $0x4  }
0x119: {  	v0 =	vmul.f32 v0, v1;
	_ =	sdelay $0x1  }
0x11a: {  	[tilespmem:s2+$0x8480] =	vst v0  }
0x11b: {  	v0 =	vld [tilespmem:s1+$0x480];
	_ =	sdelay $0x4  }
0x11c: {  	v0 =	vmul.f32 v0, v1;
	_ =	sdelay $0x1  }
0x11d: {  	[tilespmem:s1+$0x8480] =	vst v0  }
0x11e: {  	v0 =	vld [tilespmem:s3+$0x480];
	_ =	sdelay $0x4  }
0x11f: {  	v0 =	vmul.f32 v0, v1;
	_ =	sdelay $0x1  }
0x120: {  	[tilespmem:s3+$0x8480] =	vst v0  }
0x121: {  	v0 =	vld [tilespmem:s13+$0x480];
	_ =	sdelay $0x4  }
0x122: {  	v0 =	vmul.f32 v0, v1;
	_ =	sdelay $0x1  }
0x123: {  	[tilespmem:s13+$0x8480] =	vst v0  }
0x124: {  	v0 =	vld [tilespmem:s14+$0x480];
	_ =	sdelay $0x4  }
0x125: {  	v0 =	vmul.f32 v0, v1;
	_ =	sdelay $0x1  }
0x126: {  	[tilespmem:s14+$0x8480] =	vst v0  }
0x127: {  	v0 =	vld [tilespmem:s15+$0x480];
	_ =	sdelay $0x1  }
0x128: {  	p1 =	sne.s32 s29, $0x780  }
.Ltmp0:
0x129: {  	_ = 	snop;
	(pc) =	sbr.rel @p1 .LBB2_3-.Ltmp0, $4  }
0x12a: {  	_ = 	snop  }
0x12b: {  	v0 =	vmul.f32 v0, v1  }
0x12c: {  	s25 =	sadd.s32 $0x1, s25  }
0x12d: {  	s26 =	sadd.s32 $0x400, s26;
	s29 =	sadd.s32 $0x80, s29;
	s28 =	sadd.s32 $0x400, s28;
	[tilespmem:s15+$0x8480] =	vst v0  }
0x12e: {  	p1 =	seq.s32 s23, $0x1F  }
0x12f: {  	s0 =	sadd.s32 @!p1 s24, s7;
	s1 =	simm.s32 @!p1 $0x0;
	s2 =	simm.s32 @!p1 $0x480  }
0x130: {  	[tilespmem:s2], [sflag:$0x1] =	stream.linear.gather @!p1 [hbm4b:s0+s1], $0x4000, $0x38;
	[tilespmem:$0x10480] =	vst v63  }
0x131: {  	s31 =	sadd.s32 s24, s8  }
0x132: {  	[hbm4b:s31+s4] =	stream.linear.scatter [tilespmem:s17], [sflag:$0x3], $0x4000, $0x38;
	[tilespmem:$0x10480] =	vst v63  }
0x133: {  	_ =	swait.ge [sflag:s18], $0x4000  }
0x134: {  	[sflag:s18] =	ssyncset.done $0x0  }
0x135: {  	s0 =	simm.s32 @!p0 $0x4;
	[sflag:s18] =	ssyncadd.s32 $0xFFFFC000  }
0x136: {  	_ =	swait.ge @!p0 [sflag:s0], $0x4000  }
0x137: {  	s25 =	simm.s32 $0x0;
	s26 =	simm.s32 $0xFFFFC000;
	[sflag:s0] =	ssyncset.done @!p0 $0x0  }
0x138: {  	s28 =	simm.s32 $0x0;
	s29 =	simm.s32 $0x0;
	[sflag:s0] =	ssyncadd.s32 @!p0 $0xFFFFC000  }
.LBB2_5:
0x139: {  	s0 =	sadd.s32 $0x4000, s26  }
0x13a: {  	s1 =	sand.u32 $0x380, s29;
	s0 =	sand.u32 $0x2000, s0  }
0x13b: {  	s30 =	sor.u32 s1, s0  }
0x13c: {  	v0 =	vld [tilespmem:s30+$0x4480]  }
0x13d: {  	v1 =	vld [tilespmem:s30+$0x4490]  }
0x13e: {  	v6 =	vld [tilespmem:s30+$0x44A0]  }
0x13f: {  	v38 =	vld [tilespmem:s30+$0x44B0]  }
0x140: {  	v7 =	vld [tilespmem:s30+$0x44C0]  }
0x141: {  	v8 =	vld [tilespmem:s30+$0x44D0]  }
0x142: {  	v43 =	vld [tilespmem:s30+$0x44E0]  }
0x143: {  	v12 =	vld [tilespmem:s30+$0x44F0]  }
0x144: {  	v48 =	vld [tilespmem:s30+$0x4880]  }
0x145: {  	v53 =	vld [tilespmem:s30+$0x4890]  }
0x146: {  	v59 =	vld [tilespmem:s30+$0x48A0]  }
0x147: {  	v15 =	vld [tilespmem:s30+$0x48B0]  }
0x148: {  	v62 =	vld [tilespmem:s30+$0x48C0]  }
0x149: {  	v23 =	vld [tilespmem:s30+$0x48D0]  }
0x14a: {  	v24 =	vld [tilespmem:s30+$0x48E0]  }
0x14b: {  	v3 =	vshrl.u32 v0, $0x10;
	v5 =	vshrl.u32 v1, $0x10;
	v39 =	vshrl.u32 v6, $0x10  }
0x14c: {  	v41 =	vshrl.u32 v38, $0x10;
	v10 =	vshrl.u32 v7, $0x10;
	v47 =	vshrl.u32 v8, $0x10  }
0x14d: {  	v49 =	vshrl.u32 v43, $0x10;
	v55 =	vshrl.u32 v12, $0x10;
	v13 =	vshrl.u32 v48, $0x10  }
0x14e: {  	v60 =	vshrl.u32 v53, $0x10;
	v18 =	vshrl.u32 v59, $0x10;
	v20 =	vshrl.u32 v15, $0x10  }
0x14f: {  	v36 =	vld [tilespmem:s30+$0x4C80];
	v22 =	vshrl.u32 v62, $0x10;
	v32 =	vshrl.u32 v23, $0x10;
	v35 =	vshrl.u32 v24, $0x10  }
0x150: {  	v3 =	vand.u32 $0x1, v3;
	v5 =	vand.u32 $0x1, v5;
	v42 =	vand.u32 $0x1, v10  }
0x151: {  	v2 =	vld [tilespmem:$0x0];
	v52 =	vand.u32 $0x1, v49;
	v57 =	vand.u32 $0x1, v13;
	v61 =	vand.u32 $0x1, v60  }
0x152: {  	v4 =	vld [tilespmem:$0x10];
	v34 =	vand.u32 $0x1, v32;
	v37 =	vand.u32 $0x1, v35;
	v3 =	vadd.s32 v3, v0  }
0x153: {  	v27 =	vld [tilespmem:s30+$0x48F0];
	v1 =	vadd.s32 v5, v1;
	v45 =	vadd.s32 v42, v7;
	v7 =	vand.u32 $0x1, v47  }
0x154: {  	v54 =	vadd.s32 v52, v43;
	v43 =	vshrl.u32 v36, $0x10;
	v3 =	vadd.s32 $0x7FFF, v3  }
0x155: {  	v1 =	vadd.s32 $0x7FFF, v1;
	v7 =	vadd.s32 v7, v8;
	v8 =	vadd.s32 v61, v53  }
0x156: {  	v3 =	vand.u32 $0xFFFF0000, v3;
	v1 =	vand.u32 $0xFFFF0000, v1;
	v7 =	vadd.s32 $0x7FFF, v7  }
0x157: {  	v47 =	vld [tilespmem:s30+$0x4CB0];
	v2 =	vmul.f32 v3, v2;
	v1 =	vmul.f32 v1, v4;
	v3 =	vand.u32 $0x1, v39  }
0x158: {  	v40 =	vld [tilespmem:$0x20];
	v51 =	vand.u32 $0xFFFF0000, v7;
	v7 =	vand.u32 $0x1, v55;
	v39 =	vshrl.u32 v27, $0x10  }
0x159: {  	v9 =	vld [tilespmem:$0x30];
	v3 =	vadd.s32 v3, v6;
	v6 =	vand.u32 $0x1, v41;
	v7 =	vadd.s32 v7, v12  }
0x15a: {  	v50 =	vld [tilespmem:$0x60];
	v12 =	vand.u32 $0x1, v39;
	v2 =	vadd.f32 $0.0e+00, v2;
	v1 =	vadd.f32 $0.0e+00, v1  }
0x15b: {  	v56 =	vld [tilespmem:$0x70];
	v3 =	vadd.s32 $0x7FFF, v3;
	v5 =	vadd.s32 v6, v38;
	v6 =	vadd.s32 $0x7FFF, v54  }
0x15c: {  	v11 =	vld [tilespmem:$0x40];
	v7 =	vadd.s32 $0x7FFF, v7;
	v42 =	vadd.s32 v12, v27;
	v55 =	vshrl.u32 v47, $0x10  }
0x15d: {  	v46 =	vld [tilespmem:$0x50];
	v3 =	vand.u32 $0xFFFF0000, v3;
	v44 =	vadd.s32 $0x7FFF, v5;
	v5 =	vadd.s32 $0x7FFF, v45  }
0x15e: {  	v14 =	vld [tilespmem:$0x80];
	v6 =	vand.u32 $0xFFFF0000, v6;
	v7 =	vand.u32 $0xFFFF0000, v7;
	v13 =	vand.u32 $0x1, v55  }
0x15f: {  	v41 =	vld [tilespmem:s30+$0x4CA0];
	v3 =	vmul.f32 v3, v40;
	v4 =	vand.u32 $0xFFFF0000, v44;
	v6 =	vmul.f32 v6, v50  }
0x160: {  	v54 =	vld [tilespmem:s30+$0x4CC0];
	v5 =	vand.u32 $0xFFFF0000, v5;
	v7 =	vmul.f32 v7, v56;
	v4 =	vmul.f32 v4, v9  }
0x161: {  	v5 =	vmul.f32 v5, v11;
	v9 =	vadd.s32 v57, v48;
	v11 =	vand.u32 $0x1, v22  }
0x162: {  	v3 =	vadd.f32 $0.0e+00, v3;
	v9 =	vadd.s32 $0x7FFF, v9;
	v11 =	vadd.s32 v11, v62  }
0x163: {  	v27 =	vld [tilespmem:s30+$0x50A0];
	v4 =	vadd.f32 $0.0e+00, v4;
	v2 =	vadd.f32 v5, v2;
	v5 =	vmul.f32 v51, v46  }
0x164: {  	v55 =	vld [tilespmem:s30+$0x50F0];
	v9 =	vand.u32 $0xFFFF0000, v9;
	v26 =	vadd.s32 $0x7FFF, v11;
	v46 =	vand.u32 $0x1, v43  }
0x165: {  	v21 =	vld [tilespmem:$0xC0];
	v51 =	vshrl.u32 v41, $0x10;
	v61 =	vshrl.u32 v54, $0x10;
	v63 =	vmul.f32 v9, v14  }
0x166: {  	v40 =	vld [tilespmem:s30+$0x4C90];
	v3 =	vadd.f32 v6, v3;
	v14 =	vadd.s32 $0x7FFF, v8;
	v6 =	vand.u32 $0x1, v18  }
0x167: {  	v56 =	vld [tilespmem:s30+$0x4CD0];
	v9 =	vand.u32 $0x1, v20;
	v29 =	vand.u32 $0xFFFF0000, v26;
	v8 =	vadd.s32 $0x7FFF, v42  }
0x168: {  	v58 =	vld [tilespmem:$0x90];
	v48 =	vadd.s32 v46, v36;
	v10 =	vand.u32 $0x1, v51;
	v36 =	vshrl.u32 v27, $0x10  }
0x169: {  	v12 =	vshrl.u32 v55, $0x10;
	v1 =	vadd.f32 v5, v1;
	v4 =	vadd.f32 v7, v4  }
0x16a: {  	v17 =	vand.u32 $0xFFFF0000, v14;
	v6 =	vadd.s32 v6, v59;
	v9 =	vadd.s32 v9, v15  }
0x16b: {  	v16 =	vld [tilespmem:$0xA0];
	v31 =	vmul.f32 v29, v21;
	v45 =	vand.u32 $0xFFFF0000, v8;
	v50 =	vshrl.u32 v40, $0x10  }
0x16c: {  	v19 =	vld [tilespmem:$0xB0];
	v10 =	vadd.s32 v10, v41;
	v62 =	vshrl.u32 v56, $0x10;
	v39 =	vand.u32 $0x1, v36  }
0x16d: {  	v52 =	vld [tilespmem:$0x120];
	v2 =	vadd.f32 v63, v2;
	v5 =	vmul.f32 v17, v58;
	v6 =	vadd.s32 $0x7FFF, v6  }
0x16e: {  	v9 =	vadd.s32 $0x7FFF, v9;
	v8 =	vand.u32 $0x1, v50;
	v10 =	vadd.s32 $0x7FFF, v10  }
0x16f: {  	v20 =	vld [tilespmem:s30+$0x5080];
	v6 =	vand.u32 $0xFFFF0000, v6;
	v25 =	vand.u32 $0xFFFF0000, v9;
	v8 =	vadd.s32 v8, v40  }
0x170: {  	v49 =	vld [tilespmem:$0x110];
	v10 =	vand.u32 $0xFFFF0000, v10;
	v9 =	vadd.s32 v13, v47;
	v6 =	vmul.f32 v6, v16  }
0x171: {  	v18 =	vld [tilespmem:s30+$0x4CF0];
	v1 =	vadd.f32 v5, v1;
	v28 =	vmul.f32 v25, v19;
	v2 =	vadd.f32 v31, v2  }
0x172: {  	v21 =	vld [tilespmem:s30+$0x5090];
	v5 =	vadd.s32 v34, v23;
	v8 =	vadd.s32 $0x7FFF, v8;
	v57 =	vmul.f32 v10, v52  }
0x173: {  	v30 =	vld [tilespmem:$0xD0];
	v58 =	vadd.s32 $0x7FFF, v9;
	v9 =	vand.u32 $0x1, v62;
	v5 =	vadd.s32 $0x7FFF, v5  }
0x174: {  	v33 =	vld [tilespmem:$0xE0];
	v8 =	vand.u32 $0xFFFF0000, v8;
	v9 =	vadd.s32 v9, v56;
	v29 =	vshrl.u32 v20, $0x10  }
0x175: {  	v38 =	vld [tilespmem:$0xF0];
	v3 =	vadd.f32 v6, v3;
	v4 =	vadd.f32 v28, v4;
	v6 =	vadd.s32 v37, v24  }
0x176: {  	v40 =	vld [tilespmem:s30+$0x50D0];
	v5 =	vand.u32 $0xFFFF0000, v5;
	v7 =	vmul.f32 v8, v49;
	v8 =	vand.u32 $0x1, v61  }
0x177: {  	v16 =	vld [tilespmem:s30+$0x4CE0];
	v9 =	vadd.s32 $0x7FFF, v9;
	v24 =	vshrl.u32 v18, $0x10;
	v31 =	vshrl.u32 v21, $0x10  }
0x178: {  	v47 =	vld [tilespmem:s30+$0x50E0];
	v6 =	vadd.s32 $0x7FFF, v6;
	v5 =	vmul.f32 v5, v30;
	v8 =	vadd.s32 v8, v54  }
0x179: {  	v9 =	vand.u32 $0xFFFF0000, v9;
	v26 =	vand.u32 $0x1, v24;
	v10 =	vand.u32 $0x1, v31  }
0x17a: {  	v60 =	vld [tilespmem:$0x150];
	v6 =	vand.u32 $0xFFFF0000, v6;
	v8 =	vadd.s32 $0x7FFF, v8;
	v28 =	vadd.s32 v26, v18  }
0x17b: {  	v37 =	vld [tilespmem:s30+$0x50C0];
	v34 =	vadd.s32 v10, v21;
	v50 =	vshrl.u32 v40, $0x10;
	v6 =	vmul.f32 v6, v33  }
0x17c: {  	v53 =	vld [tilespmem:$0x130];
	v1 =	vadd.f32 v5, v1;
	v5 =	vmul.f32 v45, v38;
	v17 =	vshrl.u32 v16, $0x10  }
0x17d: {  	v44 =	vld [tilespmem:$0x100];
	v56 =	vshrl.u32 v47, $0x10;
	v8 =	vand.u32 $0xFFFF0000, v8;
	v19 =	vand.u32 $0x1, v17  }
0x17e: {  	v24 =	vld [tilespmem:s30+$0x54C0];
	v3 =	vadd.f32 v6, v3;
	v6 =	vadd.s32 $0x7FFF, v48;
	v4 =	vadd.f32 v5, v4  }
0x17f: {  	v32 =	vld [tilespmem:$0x190];
	v1 =	vadd.f32 v7, v1;
	v5 =	vand.u32 $0xFFFF0000, v58;
	v11 =	vadd.s32 v19, v16  }
0x180: {  	v63 =	vld [tilespmem:$0x160];
	v7 =	vmul.f32 v9, v60;
	v9 =	vadd.s32 $0x7FFF, v34;
	v48 =	vshrl.u32 v37, $0x10  }
0x181: {  	v21 =	vld [tilespmem:s30+$0x54B0];
	v58 =	vand.u32 $0x1, v56;
	v6 =	vand.u32 $0xFFFF0000, v6;
	v5 =	vmul.f32 v5, v53  }
0x182: {  	v33 =	vld [tilespmem:s30+$0x50B0];
	v11 =	vadd.s32 $0x7FFF, v11;
	v38 =	vand.u32 $0xFFFF0000, v9;
	v9 =	vand.u32 $0x1, v48  }
0x183: {  	v36 =	vshrl.u32 v24, $0x10;
	v6 =	vmul.f32 v6, v44;
	v3 =	vadd.f32 v57, v3  }
0x184: {  	v59 =	vld [tilespmem:$0x140];
	v22 =	vand.u32 $0xFFFF0000, v11;
	v1 =	vadd.f32 v7, v1;
	v41 =	vmul.f32 v38, v32  }
0x185: {  	v35 =	vld [tilespmem:$0x1A0];
	v7 =	vadd.s32 v39, v27;
	v9 =	vadd.s32 v9, v37;
	v11 =	vand.u32 $0x1, v50  }
0x186: {  	v51 =	vld [tilespmem:$0x1D0];
	v32 =	vshrl.u32 v21, $0x10;
	v4 =	vadd.f32 v5, v4;
	v23 =	vmul.f32 v22, v63  }
0x187: {  	v25 =	vld [tilespmem:$0x170];
	v5 =	vadd.s32 $0x7FFF, v28;
	v42 =	vadd.s32 $0x7FFF, v7;
	v43 =	vshrl.u32 v33, $0x10  }
0x188: {  	v49 =	vld [tilespmem:$0x1C0];
	v53 =	vadd.s32 $0x7FFF, v9;
	v54 =	vadd.s32 v11, v40;
	v7 =	vadd.s32 v58, v47  }
0x189: {  	v57 =	vld [tilespmem:s30+$0x5480];
	v34 =	vand.u32 $0x1, v32;
	v2 =	vadd.f32 v6, v2;
	v6 =	vmul.f32 v8, v59  }
0x18a: {  	v37 =	vld [tilespmem:s30+$0x54E0];
	v5 =	vand.u32 $0xFFFF0000, v5;
	v1 =	vadd.f32 v41, v1;
	v45 =	vand.u32 $0xFFFF0000, v42  }
0x18b: {  	v38 =	vld [tilespmem:s30+$0x54F0];
	v46 =	vand.u32 $0x1, v43;
	v8 =	vand.u32 $0xFFFF0000, v53;
	v9 =	vadd.s32 $0x7FFF, v54  }
0x18c: {  	v52 =	vld [tilespmem:$0x1E0];
	v61 =	vadd.s32 $0x7FFF, v7;
	v3 =	vadd.f32 v23, v3;
	v5 =	vmul.f32 v5, v25  }
0x18d: {  	v30 =	vld [tilespmem:$0x180];
	v8 =	vmul.f32 v8, v49;
	v9 =	vand.u32 $0xFFFF0000, v9;
	v63 =	vand.u32 $0xFFFF0000, v61  }
0x18e: {  	v59 =	vld [tilespmem:s30+$0x5490];
	v2 =	vadd.f32 v6, v2;
	v6 =	vand.u32 $0x1, v29;
	v60 =	vmul.f32 v9, v51  }
0x18f: {  	v53 =	vld [tilespmem:s30+$0x58A0];
	v6 =	vadd.s32 v6, v20;
	v4 =	vadd.f32 v5, v4;
	v5 =	vmul.f32 v45, v35  }
0x190: {  	v17 =	vshrl.u32 v57, $0x10;
	v47 =	vshrl.u32 v37, $0x10;
	v48 =	vshrl.u32 v38, $0x10  }
0x191: {  	v6 =	vadd.s32 $0x7FFF, v6;
	v1 =	vadd.f32 v60, v1;
	v9 =	vand.u32 $0x1, v17  }
0x192: {  	v51 =	vld [tilespmem:s30+$0x5890];
	v10 =	vand.u32 $0x1, v48;
	v6 =	vand.u32 $0xFFFF0000, v6;
	v3 =	vadd.f32 v5, v3  }
0x193: {  	v16 =	vld [tilespmem:$0x200];
	v5 =	vmul.f32 v63, v52;
	v19 =	vshrl.u32 v59, $0x10;
	v9 =	vadd.s32 v9, v57  }
0x194: {  	v20 =	vld [tilespmem:s30+$0x54A0];
	v10 =	vadd.s32 v10, v38;
	v60 =	vshrl.u32 v53, $0x10;
	v6 =	vmul.f32 v6, v30  }
0x195: {  	v18 =	vld [tilespmem:$0x210];
	v11 =	vand.u32 $0x1, v19;
	v9 =	vadd.s32 $0x7FFF, v9;
	v10 =	vadd.s32 $0x7FFF, v10  }
0x196: {  	v63 =	vld [tilespmem:s30+$0x58C0];
	v11 =	vadd.s32 v11, v59;
	v22 =	vand.u32 $0xFFFF0000, v9;
	v3 =	vadd.f32 v5, v3  }
0x197: {  	v44 =	vld [tilespmem:$0x1B0];
	v10 =	vand.u32 $0xFFFF0000, v10;
	v59 =	vshrl.u32 v51, $0x10;
	v2 =	vadd.f32 v6, v2  }
0x198: {  	v27 =	vld [tilespmem:$0x220];
	v6 =	vadd.s32 v46, v33;
	v23 =	vadd.s32 $0x7FFF, v11;
	v25 =	vmul.f32 v22, v16  }
0x199: {  	v29 =	vshrl.u32 v20, $0x10;
	v33 =	vld [tilespmem:s30+$0x54D0];
	v6 =	vadd.s32 $0x7FFF, v6;
	v26 =	vand.u32 $0xFFFF0000, v23  }
0x19a: {  	v16 =	vld [tilespmem:s30+$0x58D0];
	v31 =	vand.u32 $0x1, v29;
	v6 =	vand.u32 $0xFFFF0000, v6;
	v2 =	vadd.f32 v8, v2  }
0x19b: {  	v17 =	vld [tilespmem:s30+$0x58E0];
	v28 =	vmul.f32 v26, v18;
	v5 =	vadd.s32 v31, v20;
	v20 =	vshrl.u32 v63, $0x10  }
0x19c: {  	v49 =	vld [tilespmem:$0x270];
	v6 =	vmul.f32 v6, v44;
	v5 =	vadd.s32 $0x7FFF, v5;
	v22 =	vand.u32 $0x1, v20  }
0x19d: {  	v23 =	vld [tilespmem:s30+$0x58F0];
	v2 =	vadd.f32 v25, v2;
	v1 =	vadd.f32 v28, v1;
	v5 =	vand.u32 $0xFFFF0000, v5  }
0x19e: {  	v62 =	vld [tilespmem:$0x1F0];
	v4 =	vadd.f32 v6, v4;
	v6 =	vand.u32 $0x1, v12;
	v12 =	vand.u32 $0x1, v36  }
0x19f: {  	v29 =	vld [tilespmem:s30+$0x5C80];
	v5 =	vmul.f32 v5, v27;
	v40 =	vshrl.u32 v33, $0x10;
	v25 =	vshrl.u32 v16, $0x10  }
0x1a0: {  	v44 =	vld [tilespmem:s30+$0x5880];
	v27 =	vshrl.u32 v17, $0x10;
	v6 =	vadd.s32 v6, v55;
	v39 =	vadd.s32 v12, v24  }
0x1a1: {  	v35 =	vld [tilespmem:$0x240];
	v43 =	vand.u32 $0x1, v40;
	v55 =	vmul.f32 v10, v49;
	v24 =	vadd.s32 v22, v63  }
0x1a2: {  	v54 =	vld [tilespmem:s30+$0x58B0];
	v10 =	vand.u32 $0x1, v27;
	v32 =	vshrl.u32 v23, $0x10;
	v6 =	vadd.s32 $0x7FFF, v6  }
0x1a3: {  	v8 =	vadd.s32 $0x7FFF, v39;
	v3 =	vadd.f32 v5, v3;
	v45 =	vadd.s32 v43, v33  }
0x1a4: {  	v39 =	vshrl.u32 v29, $0x10;
	v6 =	vand.u32 $0xFFFF0000, v6;
	v42 =	vand.u32 $0xFFFF0000, v8  }
0x1a5: {  	v50 =	vld [tilespmem:$0x280];
	v8 =	vand.u32 $0x1, v47;
	v52 =	vshrl.u32 v44, $0x10;
	v6 =	vmul.f32 v6, v62  }
0x1a6: {  	v46 =	vld [tilespmem:$0x260];
	v5 =	vmul.f32 v42, v35;
	v8 =	vadd.s32 v8, v37;
	v13 =	vand.u32 $0x1, v52  }
0x1a7: {  	v36 =	vld [tilespmem:s30+$0x5CA0];
	v62 =	vshrl.u32 v54, $0x10;
	v35 =	vand.u32 $0x1, v32;
	v42 =	vand.u32 $0x1, v39  }
0x1a8: {  	v33 =	vld [tilespmem:s30+$0x5C90];
	v8 =	vadd.s32 $0x7FFF, v8;
	v9 =	vadd.s32 v13, v44;
	v15 =	vand.u32 $0x1, v62  }
0x1a9: {  	v43 =	vld [tilespmem:s30+$0x5CB0];
	v4 =	vadd.f32 v6, v4;
	v6 =	vadd.s32 v34, v21;
	v8 =	vand.u32 $0xFFFF0000, v8  }
0x1aa: {  	v2 =	vadd.f32 v5, v2;
	v56 =	vadd.s32 $0x7FFF, v9;
	v9 =	vand.u32 $0x1, v60  }
0x1ab: {  	v30 =	vld [tilespmem:$0x230];
	v11 =	vadd.s32 v15, v54;
	v6 =	vadd.s32 $0x7FFF, v6;
	v7 =	vmul.f32 v8, v46  }
0x1ac: {  	v5 =	vand.u32 $0xFFFF0000, v56;
	v8 =	vand.u32 $0x1, v59;
	v9 =	vadd.s32 v9, v53  }
0x1ad: {  	v61 =	vld [tilespmem:$0x2B0];
	v11 =	vadd.s32 $0x7FFF, v11;
	v44 =	vshrl.u32 v33, $0x10;
	v46 =	vshrl.u32 v36, $0x10  }
0x1ae: {  	v58 =	vld [tilespmem:$0x2A0];
	v52 =	vshrl.u32 v43, $0x10;
	v6 =	vand.u32 $0xFFFF0000, v6;
	v5 =	vmul.f32 v5, v50  }
0x1af: {  	v8 =	vadd.s32 v8, v51;
	v9 =	vadd.s32 $0x7FFF, v9;
	v18 =	vand.u32 $0xFFFF0000, v11  }
0x1b0: {  	v41 =	vld [tilespmem:$0x250];
	v11 =	vand.u32 $0x1, v46;
	v54 =	vand.u32 $0x1, v52;
	v6 =	vmul.f32 v6, v30  }
0x1b1: {  	v28 =	vld [tilespmem:$0x2E0];
	v3 =	vadd.f32 v7, v3;
	v8 =	vadd.s32 $0x7FFF, v8;
	v9 =	vand.u32 $0xFFFF0000, v9  }
0x1b2: {  	v21 =	vld [tilespmem:$0x2C0];
	v19 =	vmul.f32 v18, v61;
	v30 =	vadd.s32 v10, v17;
	v50 =	vadd.s32 v11, v36  }
0x1b3: {  	v53 =	vld [tilespmem:s30+$0x5CD0];
	v8 =	vand.u32 $0xFFFF0000, v8;
	v7 =	vmul.f32 v9, v58;
	v2 =	vadd.f32 v5, v2  }
0x1b4: {  	v48 =	vld [tilespmem:$0x330];
	v5 =	vadd.s32 $0x7FFF, v24;
	v9 =	vadd.s32 $0x7FFF, v30;
	v4 =	vadd.f32 v6, v4  }
0x1b5: {  	s31 =	sand.u32 $0x7, s25;
	v51 =	vld [tilespmem:s30+$0x5CC0];
	v6 =	vadd.s32 $0x7FFF, v45;
	v5 =	vand.u32 $0xFFFF0000, v5;
	v34 =	vand.u32 $0xFFFF0000, v9  }
0x1b6: {  	s0 =	sshll.u32 s31, $0x7;
	v57 =	vld [tilespmem:$0x290];
	v9 =	vand.u32 $0x1, v44;
	v6 =	vand.u32 $0xFFFF0000, v6;
	v3 =	vadd.f32 v7, v3  }
0x1b7: {  	s15 =	sadd.s32 s0, s28;
	v31 =	vld [tilespmem:$0x2F0];
	v5 =	vmul.f32 v5, v21;
	v37 =	vmul.f32 v34, v28;
	v7 =	vadd.s32 v35, v23  }
0x1b8: {  	s2 =	sor.u32 $0x1C20, s15;
	v47 =	vld [tilespmem:$0x320];
	v9 =	vadd.s32 v9, v33;
	v62 =	vshrl.u32 v53, $0x10;
	v6 =	vmul.f32 v6, v41  }
0x1b9: {  	v30 =	vld [tilespmem:s2+$0x4480];
	v4 =	vadd.f32 v55, v4;
	v38 =	vadd.s32 $0x7FFF, v7;
	v49 =	vadd.s32 $0x7FFF, v9  }
0x1ba: {  	s13 =	sor.u32 $0x1C50, s15;
	v45 =	vld [tilespmem:$0x310];
	v9 =	vadd.s32 $0x7FFF, v50;
	v7 =	vadd.s32 v54, v43;
	v60 =	vshrl.u32 v51, $0x10  }
0x1bb: {  	s0 =	sor.u32 $0x1C10, s15;
	v44 =	vld [tilespmem:s13+$0x4480];
	v2 =	vadd.f32 v5, v2;
	v3 =	vadd.f32 v37, v3;
	v41 =	vand.u32 $0xFFFF0000, v38  }
0x1bc: {  	s1 =	sor.u32 $0x1C30, s15;
	v21 =	vld [tilespmem:s0+$0x4480];
	v9 =	vand.u32 $0xFFFF0000, v9;
	v1 =	vadd.f32 v6, v1;
	v6 =	vmul.f32 v8, v57  }
0x1bd: {  	s3 =	sor.u32 $0x1C40, s15;
	v34 =	vld [tilespmem:s1+$0x4480];
	v4 =	vadd.f32 v19, v4;
	v5 =	vmul.f32 v41, v31;
	v8 =	vand.u32 $0xFFFF0000, v49  }
0x1be: {  	v35 =	vld [tilespmem:s3+$0x4480];
	v56 =	vmul.f32 v9, v47;
	v57 =	vadd.s32 $0x7FFF, v7;
	v9 =	vand.u32 $0x1, v62  }
0x1bf: {  	v55 =	vld [tilespmem:s30+$0x5CE0];
	v38 =	vshrl.u32 v30, $0x10;
	v8 =	vmul.f32 v8, v45;
	v59 =	vand.u32 $0xFFFF0000, v57  }
0x1c0: {  	v9 =	vadd.s32 v9, v53;
	v41 =	vand.u32 $0x1, v38;
	v53 =	vshrl.u32 v44, $0x10  }
0x1c1: {  	v1 =	vadd.f32 v6, v1;
	v6 =	vand.u32 $0x1, v25;
	v4 =	vadd.f32 v5, v4  }
0x1c2: {  	v61 =	vld [tilespmem:$0x350];
	v3 =	vadd.f32 v56, v3;
	v5 =	vmul.f32 v59, v48;
	v9 =	vadd.s32 $0x7FFF, v9  }
0x1c3: {  	v26 =	vld [tilespmem:$0x2D0];
	v33 =	vshrl.u32 v21, $0x10;
	v43 =	vadd.s32 v41, v30;
	v45 =	vshrl.u32 v34, $0x10  }
0x1c4: {  	s14 =	sor.u32 $0x1C60, s15;
	v40 =	vld [tilespmem:$0x300];
	v46 =	vshrl.u32 v35, $0x10;
	v6 =	vadd.s32 v6, v16;
	v16 =	vshrl.u32 v55, $0x10  }
0x1c5: {  	v47 =	vld [tilespmem:s14+$0x4480];
	v19 =	vand.u32 $0xFFFF0000, v9;
	v12 =	vand.u32 $0x1, v33;
	v10 =	vand.u32 $0x1, v46  }
0x1c6: {  	v63 =	vld [tilespmem:$0x360];
	v9 =	vand.u32 $0x1, v53;
	v6 =	vadd.s32 $0x7FFF, v6;
	v11 =	vand.u32 $0x1, v16  }
0x1c7: {  	v17 =	vld [tilespmem:s30+$0x5CF0];
	v4 =	vadd.f32 v5, v4;
	v22 =	vmul.f32 v19, v61;
	v6 =	vand.u32 $0xFFFF0000, v6  }
0x1c8: {  	s31 =	sor.u32 $0x1C00, s15;
	s15 =	sor.u32 $0x1C70, s15;
	v52 =	vld [tilespmem:$0x3D0];
	v36 =	vadd.s32 v12, v21;
	v10 =	vadd.s32 v10, v35;
	v6 =	vmul.f32 v6, v26  }
0x1c9: {  	v48 =	vld [tilespmem:s15+$0x4480];
	v7 =	vadd.s32 v9, v44;
	v11 =	vadd.s32 v11, v55;
	v50 =	vadd.s32 $0x7FFF, v10  }
0x1ca: {  	v18 =	vld [tilespmem:s31+$0x4480];
	v55 =	vshrl.u32 v47, $0x10;
	v1 =	vadd.f32 v6, v1;
	v6 =	vadd.s32 v42, v29  }
0x1cb: {  	v7 =	vadd.s32 $0x7FFF, v7;
	v20 =	vadd.s32 $0x7FFF, v11;
	v6 =	vadd.s32 $0x7FFF, v6  }
0x1cc: {  	v26 =	vshrl.u32 v17, $0x10;
	v7 =	vand.u32 $0xFFFF0000, v7;
	v6 =	vand.u32 $0xFFFF0000, v6  }
0x1cd: {  	v23 =	vand.u32 $0xFFFF0000, v20;
	v28 =	vand.u32 $0x1, v26;
	v6 =	vmul.f32 v6, v40  }
0x1ce: {  	v58 =	vld [tilespmem:$0x340];
	v56 =	vshrl.u32 v48, $0x10;
	v7 =	vmul.f32 v7, v52;
	v25 =	vmul.f32 v23, v63  }
0x1cf: {  	v24 =	vld [tilespmem:$0x370];
	v29 =	vshrl.u32 v18, $0x10;
	v2 =	vadd.f32 v6, v2;
	v6 =	vand.u32 $0x1, v60  }
0x1d0: {  	v5 =	vadd.s32 v28, v17;
	v59 =	vand.u32 $0x1, v56;
	v6 =	vadd.s32 v6, v51  }
0x1d1: {  	v31 =	vand.u32 $0x1, v29;
	v5 =	vadd.s32 $0x7FFF, v5;
	v6 =	vadd.s32 $0x7FFF, v6  }
0x1d2: {  	v32 =	vld [tilespmem:$0x390];
	v11 =	vadd.s32 v59, v48;
	v1 =	vadd.f32 v8, v1;
	v6 =	vand.u32 $0xFFFF0000, v6  }
0x1d3: {  	v27 =	vld [tilespmem:$0x380];
	v5 =	vand.u32 $0xFFFF0000, v5;
	v8 =	vadd.s32 $0x7FFF, v36;
	v6 =	vmul.f32 v6, v58  }
0x1d4: {  	v3 =	vadd.f32 v25, v3;
	v5 =	vmul.f32 v5, v24;
	v40 =	vand.u32 $0xFFFF0000, v8  }
0x1d5: {  	v39 =	vld [tilespmem:$0x3B0];
	v8 =	vand.u32 $0x1, v45;
	v2 =	vadd.f32 v6, v2;
	v6 =	vadd.s32 v31, v18  }
0x1d6: {  	v37 =	vld [tilespmem:$0x3A0];
	v1 =	vadd.f32 v22, v1;
	v8 =	vadd.s32 v8, v34;
	v6 =	vadd.s32 $0x7FFF, v6  }
0x1d7: {  	v57 =	vld [tilespmem:$0x3F0];
	v4 =	vadd.f32 v5, v4;
	v5 =	vmul.f32 v40, v32;
	v6 =	vand.u32 $0xFFFF0000, v6  }
0x1d8: {  	v54 =	vld [tilespmem:$0x3E0];
	v11 =	vadd.s32 $0x7FFF, v11;
	v49 =	vadd.s32 $0x7FFF, v8;
	v6 =	vmul.f32 v6, v27  }
0x1d9: {  	v42 =	vld [tilespmem:$0x3C0];
	v61 =	vand.u32 $0xFFFF0000, v11;
	v1 =	vadd.f32 v5, v1;
	v5 =	vand.u32 $0xFFFF0000, v49  }
0x1da: {  	v58 =	vand.u32 $0x1, v55;
	v2 =	vadd.f32 v6, v2;
	v6 =	vadd.s32 $0x7FFF, v43  }
0x1db: {  	v5 =	vmul.f32 v5, v39;
	v9 =	vadd.s32 v58, v47;
	v6 =	vand.u32 $0xFFFF0000, v6  }
0x1dc: {  	v63 =	vmul.f32 v61, v57;
	v9 =	vadd.s32 $0x7FFF, v9;
	v6 =	vmul.f32 v6, v37  }
0x1dd: {  	v51 =	vand.u32 $0xFFFF0000, v50;
	v4 =	vadd.f32 v5, v4;
	v60 =	vand.u32 $0xFFFF0000, v9  }
0x1de: {  	v62 =	vmul.f32 v60, v54;
	v3 =	vadd.f32 v6, v3;
	v6 =	vmul.f32 v51, v42  }
0x1df: {  	v1 =	vadd.f32 v7, v1;
	v4 =	vadd.f32 v63, v4  }
0x1e0: {  	v2 =	vadd.f32 v6, v2;
	v3 =	vadd.f32 v62, v3;
	_ =	sdelay $0x1  }
0x1e1: {  	v1 =	vadd.f32 v1, v2;
	v6 =	vadd.f32 v4, v3;
	_ =	sdelay $0x1  }
0x1e2: {  	v1 =	vadd.f32 v6, v1;
	_ =	sdelay $0x1  }
0x1e3: {  	(xrf2) =	vadd.scan.msk.f32 $0xffff, v1;
	_ =	sdelay $0x7  }
0x1e4: {  	v7 =	vld [tilespmem:$0x400];
	_ =	sdelay $0x1  }
0x1e5: {  	v8, _, _ =	vpop (xrf2)  }
0x1e6: {  	v2 =	vbroadcast v8, $0xF;
	_ =	sdelay $0x1  }
0x1e7: {  	v1 =	vadd.f32 v2, v7;
	_ =	sdelay $0x1  }
0x1e8: {  	v2 =	vsub.f32 $0.0e+00, v1;
	_ =	sdelay $0x1  }
0x1e9: {  	v2 =	vmul.f32 $1.442695020e+00, v2;
	_ =	sdelay $0x1  }
0x1ea: {  	(erf) = vpow2.f32 v2;
	_ =	sdelay $0x8  }
0x1eb: {  	v2 =	vpop (erf)  }
0x1ec: {  	v2 =	vadd.f32 $1.000000000e+00, v2;
	_ =	sdelay $0x1  }
0x1ed: {  	(erf) = vrcp.f32 v2;
	_ =	sdelay $0x6  }
0x1ee: {  	v9 =	vld [tilespmem:s30+$0x4490]  }
0x1ef: {  	v10 =	vld [tilespmem:s30+$0x44A0]  }
0x1f0: {  	v12 =	vld [tilespmem:s30+$0x44B0];
	vm0 =	vgt.f32 v1, $0.0e+00;
	v11 =	vpop (erf)  }
0x1f1: {  	v13 =	vld [tilespmem:s30+$0x44C0];
	v1 =	vnsel vm0, $0x0, v11  }
0x1f2: {  	v14 =	vld [tilespmem:s30+$0x44D0];
	v0 =	vmul.f32 v1, v0  }
0x1f3: {  	v15 =	vld [tilespmem:s30+$0x44E0];
	v2 =	vmul.f32 v1, v9  }
0x1f4: {  	v17 =	vld [tilespmem:s30+$0x44F0];
	v16 =	vmul.f32 v1, v10;
	[tilespmem:s30+$0xC480] =	vst v0  }
0x1f5: {  	v19 =	vld [tilespmem:s30+$0x4880];
	v18 =	vmul.f32 v1, v12;
	[tilespmem:s30+$0xC490] =	vst v2  }
0x1f6: {  	v21 =	vld [tilespmem:s30+$0x4890];
	v20 =	vmul.f32 v1, v13;
	[tilespmem:s30+$0xC4A0] =	vst v16  }
0x1f7: {  	v23 =	vld [tilespmem:s30+$0x48A0];
	v22 =	vmul.f32 v1, v14;
	[tilespmem:s30+$0xC4B0] =	vst v18  }
0x1f8: {  	v25 =	vld [tilespmem:s30+$0x48B0];
	v24 =	vmul.f32 v1, v15;
	[tilespmem:s30+$0xC4C0] =	vst v20  }
0x1f9: {  	v27 =	vld [tilespmem:s30+$0x48C0];
	v26 =	vmul.f32 v1, v17;
	[tilespmem:s30+$0xC4D0] =	vst v22  }
0x1fa: {  	v29 =	vld [tilespmem:s30+$0x48D0];
	v28 =	vmul.f32 v1, v19;
	[tilespmem:s30+$0xC4E0] =	vst v24  }
0x1fb: {  	v31 =	vld [tilespmem:s30+$0x48E0];
	v30 =	vmul.f32 v1, v21;
	[tilespmem:s30+$0xC4F0] =	vst v26  }
0x1fc: {  	v33 =	vld [tilespmem:s30+$0x48F0];
	v32 =	vmul.f32 v23, v1;
	[tilespmem:s30+$0xC880] =	vst v28  }
0x1fd: {  	v35 =	vld [tilespmem:s30+$0x4C80];
	v34 =	vmul.f32 v25, v1;
	[tilespmem:s30+$0xC890] =	vst v30  }
0x1fe: {  	v37 =	vld [tilespmem:s30+$0x4C90];
	v36 =	vmul.f32 v27, v1;
	[tilespmem:s30+$0xC8A0] =	vst v32  }
0x1ff: {  	v39 =	vld [tilespmem:s30+$0x4CA0];
	v38 =	vmul.f32 v29, v1;
	[tilespmem:s30+$0xC8B0] =	vst v34  }
0x200: {  	v41 =	vld [tilespmem:s30+$0x4CB0];
	v40 =	vmul.f32 v31, v1;
	[tilespmem:s30+$0xC8C0] =	vst v36  }
0x201: {  	v43 =	vld [tilespmem:s30+$0x4CC0];
	v42 =	vmul.f32 v33, v1;
	[tilespmem:s30+$0xC8D0] =	vst v38  }
0x202: {  	v45 =	vld [tilespmem:s30+$0x4CD0];
	v44 =	vmul.f32 v35, v1;
	[tilespmem:s30+$0xC8E0] =	vst v40  }
0x203: {  	v47 =	vld [tilespmem:s30+$0x4CE0];
	v46 =	vmul.f32 v37, v1;
	[tilespmem:s30+$0xC8F0] =	vst v42  }
0x204: {  	v49 =	vld [tilespmem:s30+$0x4CF0];
	v48 =	vmul.f32 v39, v1;
	[tilespmem:s30+$0xCC80] =	vst v44  }
0x205: {  	v51 =	vld [tilespmem:s30+$0x5080];
	v50 =	vmul.f32 v41, v1;
	[tilespmem:s30+$0xCC90] =	vst v46  }
0x206: {  	v53 =	vld [tilespmem:s30+$0x5090];
	v52 =	vmul.f32 v43, v1;
	[tilespmem:s30+$0xCCA0] =	vst v48  }
0x207: {  	v55 =	vld [tilespmem:s30+$0x50A0];
	v54 =	vmul.f32 v45, v1;
	[tilespmem:s30+$0xCCB0] =	vst v50  }
0x208: {  	v57 =	vld [tilespmem:s30+$0x50B0];
	v56 =	vmul.f32 v47, v1;
	[tilespmem:s30+$0xCCC0] =	vst v52  }
0x209: {  	v59 =	vld [tilespmem:s30+$0x50C0];
	v58 =	vmul.f32 v49, v1;
	[tilespmem:s30+$0xCCD0] =	vst v54  }
0x20a: {  	v61 =	vld [tilespmem:s30+$0x50D0];
	v60 =	vmul.f32 v51, v1;
	[tilespmem:s30+$0xCCE0] =	vst v56  }
0x20b: {  	v63 =	vld [tilespmem:s30+$0x50E0];
	v62 =	vmul.f32 v53, v1;
	[tilespmem:s30+$0xCCF0] =	vst v58  }
0x20c: {  	v9 =	vmul.f32 v55, v1;
	v10 =	vld [tilespmem:s30+$0x50F0];
	[tilespmem:s30+$0xD080] =	vst v60  }
0x20d: {  	v11 =	vmul.f32 v57, v1;
	v12 =	vld [tilespmem:s30+$0x5480];
	[tilespmem:s30+$0xD090] =	vst v62  }
0x20e: {  	v13 =	vmul.f32 v59, v1;
	v14 =	vld [tilespmem:s30+$0x5490];
	[tilespmem:s30+$0xD0A0] =	vst v9  }
0x20f: {  	v15 =	vmul.f32 v61, v1;
	[tilespmem:s30+$0xD0B0] =	vst v11;
	v16 =	vld [tilespmem:s30+$0x54A0]  }
0x210: {  	v17 =	vmul.f32 v63, v1;
	[tilespmem:s30+$0xD0C0] =	vst v13;
	v18 =	vld [tilespmem:s30+$0x54B0]  }
0x211: {  	[tilespmem:s30+$0xD0D0] =	vst v15;
	v20 =	vld [tilespmem:s30+$0x54C0];
	v19 =	vmul.f32 v10, v1  }
0x212: {  	[tilespmem:s30+$0xD0E0] =	vst v17;
	v22 =	vld [tilespmem:s30+$0x54D0];
	v21 =	vmul.f32 v12, v1  }
0x213: {  	v24 =	vld [tilespmem:s30+$0x54E0];
	v23 =	vmul.f32 v14, v1;
	[tilespmem:s30+$0xD0F0] =	vst v19  }
0x214: {  	v26 =	vld [tilespmem:s30+$0x54F0];
	[tilespmem:s30+$0xD480] =	vst v21;
	v25 =	vmul.f32 v16, v1  }
0x215: {  	v28 =	vld [tilespmem:s30+$0x5880];
	[tilespmem:s30+$0xD490] =	vst v23;
	v27 =	vmul.f32 v18, v1  }
0x216: {  	v30 =	vld [tilespmem:s30+$0x5890];
	v29 =	vmul.f32 v20, v1;
	[tilespmem:s30+$0xD4A0] =	vst v25  }
0x217: {  	v32 =	vld [tilespmem:s30+$0x58A0];
	v31 =	vmul.f32 v22, v1;
	[tilespmem:s30+$0xD4B0] =	vst v27  }
0x218: {  	v34 =	vld [tilespmem:s30+$0x58B0];
	v33 =	vmul.f32 v24, v1;
	[tilespmem:s30+$0xD4C0] =	vst v29  }
0x219: {  	v36 =	vld [tilespmem:s30+$0x58C0];
	v35 =	vmul.f32 v26, v1;
	[tilespmem:s30+$0xD4D0] =	vst v31  }
0x21a: {  	v38 =	vld [tilespmem:s30+$0x58D0];
	v37 =	vmul.f32 v28, v1;
	[tilespmem:s30+$0xD4E0] =	vst v33  }
0x21b: {  	v40 =	vld [tilespmem:s30+$0x58E0];
	v39 =	vmul.f32 v30, v1;
	[tilespmem:s30+$0xD4F0] =	vst v35  }
0x21c: {  	v42 =	vld [tilespmem:s30+$0x58F0];
	v41 =	vmul.f32 v32, v1;
	[tilespmem:s30+$0xD880] =	vst v37  }
0x21d: {  	v44 =	vld [tilespmem:s30+$0x5C80];
	v43 =	vmul.f32 v34, v1;
	[tilespmem:s30+$0xD890] =	vst v39  }
0x21e: {  	v46 =	vld [tilespmem:s30+$0x5C90];
	v45 =	vmul.f32 v36, v1;
	[tilespmem:s30+$0xD8A0] =	vst v41  }
0x21f: {  	v48 =	vld [tilespmem:s30+$0x5CA0];
	v47 =	vmul.f32 v38, v1;
	[tilespmem:s30+$0xD8B0] =	vst v43  }
0x220: {  	v50 =	vld [tilespmem:s30+$0x5CB0];
	v49 =	vmul.f32 v40, v1;
	[tilespmem:s30+$0xD8C0] =	vst v45  }
0x221: {  	v52 =	vld [tilespmem:s30+$0x5CC0];
	v51 =	vmul.f32 v42, v1;
	[tilespmem:s30+$0xD8D0] =	vst v47  }
0x222: {  	v54 =	vld [tilespmem:s30+$0x5CD0];
	v53 =	vmul.f32 v44, v1;
	[tilespmem:s30+$0xD8E0] =	vst v49  }
0x223: {  	v56 =	vld [tilespmem:s30+$0x5CE0];
	v55 =	vmul.f32 v46, v1;
	[tilespmem:s30+$0xD8F0] =	vst v51  }
0x224: {  	v58 =	vld [tilespmem:s30+$0x5CF0];
	v57 =	vmul.f32 v48, v1;
	[tilespmem:s30+$0xDC80] =	vst v53  }
0x225: {  	v59 =	vmul.f32 v50, v1;
	[tilespmem:s30+$0xDC90] =	vst v55  }
0x226: {  	v60 =	vmul.f32 v52, v1;
	[tilespmem:s30+$0xDCA0] =	vst v57  }
0x227: {  	v61 =	vmul.f32 v54, v1;
	[tilespmem:s30+$0xDCB0] =	vst v59  }
0x228: {  	v62 =	vmul.f32 v56, v1;
	[tilespmem:s30+$0xDCC0] =	vst v60  }
0x229: {  	v63 =	vmul.f32 v58, v1;
	[tilespmem:s30+$0xDCD0] =	vst v61  }
0x22a: {  	[tilespmem:s30+$0xDCE0] =	vst v62  }
0x22b: {  	[tilespmem:s30+$0xDCF0] =	vst v63  }
0x22c: {  	v0 =	vld [tilespmem:s31+$0x4480];
	_ =	sdelay $0x4  }
0x22d: {  	v0 =	vmul.f32 v0, v1;
	_ =	sdelay $0x1  }
0x22e: {  	[tilespmem:s31+$0xC480] =	vst v0  }
0x22f: {  	v0 =	vld [tilespmem:s0+$0x4480];
	_ =	sdelay $0x4  }
0x230: {  	v0 =	vmul.f32 v0, v1;
	_ =	sdelay $0x1  }
0x231: {  	[tilespmem:s0+$0xC480] =	vst v0  }
0x232: {  	v0 =	vld [tilespmem:s2+$0x4480];
	_ =	sdelay $0x4  }
0x233: {  	v0 =	vmul.f32 v0, v1;
	_ =	sdelay $0x1  }
0x234: {  	[tilespmem:s2+$0xC480] =	vst v0  }
0x235: {  	v0 =	vld [tilespmem:s1+$0x4480];
	_ =	sdelay $0x4  }
0x236: {  	v0 =	vmul.f32 v0, v1;
	_ =	sdelay $0x1  }
0x237: {  	[tilespmem:s1+$0xC480] =	vst v0  }
0x238: {  	v0 =	vld [tilespmem:s3+$0x4480];
	_ =	sdelay $0x4  }
0x239: {  	v0 =	vmul.f32 v0, v1;
	_ =	sdelay $0x1  }
0x23a: {  	[tilespmem:s3+$0xC480] =	vst v0  }
0x23b: {  	v0 =	vld [tilespmem:s13+$0x4480];
	_ =	sdelay $0x4  }
0x23c: {  	v0 =	vmul.f32 v0, v1;
	_ =	sdelay $0x1  }
0x23d: {  	[tilespmem:s13+$0xC480] =	vst v0  }
0x23e: {  	v0 =	vld [tilespmem:s14+$0x4480];
	_ =	sdelay $0x4  }
0x23f: {  	v0 =	vmul.f32 v0, v1;
	_ =	sdelay $0x1  }
0x240: {  	[tilespmem:s14+$0xC480] =	vst v0  }
0x241: {  	v0 =	vld [tilespmem:s15+$0x4480];
	_ =	sdelay $0x1  }
0x242: {  	p0 =	sne.s32 s29, $0x780  }
.Ltmp1:
0x243: {  	_ = 	snop;
	(pc) =	sbr.rel @p0 .LBB2_5-.Ltmp1, $4  }
0x244: {  	_ = 	snop  }
0x245: {  	v0 =	vmul.f32 v0, v1  }
0x246: {  	s25 =	sadd.s32 $0x1, s25  }
0x247: {  	s26 =	sadd.s32 $0x400, s26;
	s29 =	sadd.s32 $0x80, s29;
	s28 =	sadd.s32 $0x400, s28;
	[tilespmem:s15+$0xC480] =	vst v0  }
0x248: {  	s23 =	sadd.s32 $0x1, s23  }
0x249: {  	p0 =	sne.s32 s23, $0x20  }
.Ltmp2:
0x24a: {  	_ = 	snop;
	(pc) =	sbr.rel @p0 .LBB2_2-.Ltmp2, $4  }
0x24b: {  	s0 =	sadd.s32 @!p1 s24, s9;
	s1 =	simm.s32 @!p1 $0x0;
	s2 =	simm.s32 @!p1 $0x4480  }
0x24c: {  	[tilespmem:s2], [sflag:$0x2] =	stream.linear.gather @!p1 [hbm4b:s0+s1], $0x4000, $0x38;
	[tilespmem:$0x10480] =	vst v63  }
0x24d: {  	s31 =	sadd.s32 s11, s24  }
0x24e: {  	[hbm4b:s31+s4] =	stream.linear.scatter [tilespmem:s19], [sflag:$0x4], $0x4000, $0x38;
	[tilespmem:$0x10480] =	vst v63  }
0x24f: {  	s22 =	sadd.s32 $0x1, s22  }
0x250: {  	_ =	swait.ge [sflag:s20], $0x4000;
	p0 =	sne.s32 s22, s10  }
.Ltmp3:
0x251: {  	[sflag:s20] =	ssyncset.done $0x0;
	(pc) =	sbr.rel @p0 .LBB2_1-.Ltmp3, $4  }
0x252: {  	[sflag:s20] =	ssyncadd.s32 $0xFFFFC000  }
0x253: {  	_ =	swait.ge [sflag:s21], $0x4000  }
0x254: {  	[sflag:s21] =	ssyncset.done $0x0  }
0x255: {  	[sflag:s21] =	ssyncadd.s32 $0xFFFFC000  }
0x256: {  	_ =	sfence.sel $0x180000  }
0x257: {  	[bflag:$0x0] =	sbarrier.arrive $0xFFFF  }
0x258: {  	_ =	strace $0x90000047  }
0x259: {  	s0 =	stileid.u32;
	[bflag:$0x2] =	sbarrier.arrive $0xFFFF  }
0x25a: {  	p0 =	sne.s32 s0, $0x0;
	s0 =	rddreg [dreg:$0x4]  }
0x25b: {  	s0 =	sadd.s32 @!p0 $0x100000, s0  }
0x25c: {  	[sflag:s0] =	ssyncadd.tile.s32 @!p0 $0x1;
	_ =	shalt  }
.Lfunc_end2:
_tile_overlayer_lowered:
.L_overlay_start_2:
0x25d: {  	(tag) =	ssettag $0x2  }
0x25e: {  	s0 =	rddreg [dreg:$0x0];
	s2 =	stileid.u32  }
0x25f: {  	s1 =	rddreg [dreg:$0x1];
	p0 =	sne.s32 s2, $0x0  }
0x260: {  	s3 =	rddreg [dreg:$0x2];
	[bflag:$0x3] =	sbarrier.arrive $0xFFFF;
	s2 =	simm.s32 @!p0 $0x1C05  }
0x261: {  	[timem:s3], [sflag:s2] =	dma.local @!p0 [hbm:s0], s1  }
0x262: {  	s0 =	simm.s32 @!p0 $0x5  }
0x263: {  	_ =	swait.ge @!p0 [sflag:s0], s1  }
0x264: {  	s1 =	ssub.s32 @!p0 $0x0, s1;
	[sflag:s0] =	ssyncset.done @!p0 $0x0  }
0x265: {  	[sflag:s0] =	ssyncadd.s32 @!p0 s1  }
0x266: {  	[bflag:$0x3] =	sbarrier.arrive $0xFFFF  }
0x267: {  	_ =	shalt  }

</sc_bundles>
